<compile_context>
chip_gen: v7x
topology: tpu7x:2x2x1
jax: 0.10.2.dev20260603
libtpu: 0.0.44.dev20260713+nightly
codegen_flags: <defaults>
</compile_context>

<pallas_src>
import functools

import jax
import jax.numpy as jnp
from jax import lax
from jax.experimental import pallas as pl
from jax.experimental.pallas import tpu as pltpu
from jax.experimental.pallas import tpu_sc as plsc

_NC = 2
_NS = 16
_NW = _NC * _NS
_K = 128
_BLK = 2048


def _cdiv(a, b):
    return (a + b - 1) // b


def _sc_mesh():
    return plsc.VectorSubcoreMesh(core_axis_name="c", subcore_axis_name="s")


def _deg_call(dst3, n_pad):
    nb = dst3.shape[1]
    rows_pt = n_pad // _NS

    @functools.partial(
        pl.kernel,
        out_type=jax.ShapeDtypeStruct((_NC, n_pad), jnp.float32),
        mesh=_sc_mesh(),
        scratch_types=[
            pltpu.VMEM((nb, _K), jnp.int32),
            pltpu.VMEM((_K,), jnp.float32),
            pltpu.VMEM((rows_pt,), jnp.float32),
            pltpu.VMEM_SHARED((n_pad,), jnp.float32),
            pltpu.SemaphoreType.DMA,
        ],
    )
    def k(dst_hbm, out_hbm, didx, ones, stage, acc, ssem):
        c = lax.axis_index("c")
        s = lax.axis_index("s")
        w = c * _NS + s
        pltpu.sync_copy(dst_hbm.at[w], didx)
        one16 = jnp.ones((16,), jnp.float32)
        zero16 = jnp.zeros((16,), jnp.float32)
        for j in range(_K // 16):
            ones[pl.ds(j * 16, 16)] = one16

        def zb(t, carry):
            stage[pl.ds(t * 16, 16)] = zero16
            return carry

        lax.fori_loop(0, rows_pt // 16, zb, 0)
        pltpu.sync_copy(stage, acc.at[pl.ds(s * rows_pt, rows_pt)])
        plsc.subcore_barrier()

        def body(i, carry):
            descs = [pltpu.async_copy(ones, acc.at[didx.at[8 * i + j]],
                                      ssem, add=True) for j in range(8)]
            for dsc in descs:
                dsc.wait()
            return carry

        lax.fori_loop(0, nb // 8, body, 0)
        plsc.subcore_barrier()
        pltpu.sync_copy(acc.at[pl.ds(s * rows_pt, rows_pt)],
                        out_hbm.at[c, pl.ds(s * rows_pt, rows_pt)])

    return k(dst3)


_CB = 8


def _prop_call(table, src3, dst3, w_dim):
    n_pad = table.shape[0]
    kb = 80
    nb = src3.shape[1] * src3.shape[2] // kb
    nch = nb // _CB
    src3 = src3.reshape(_NW, nb, kb)
    dst3 = dst3.reshape(_NW, nb, kb)
    rows_pt = n_pad // _NS
    zr = 16
    chunks = w_dim // 16

    @functools.partial(
        pl.kernel,
        out_type=jax.ShapeDtypeStruct((_NC, n_pad, w_dim), jnp.float32),
        mesh=_sc_mesh(),
        scratch_types=[
            pltpu.VMEM((2 * _CB, kb), jnp.int32),
            pltpu.VMEM((2 * _CB, kb), jnp.int32),
            pltpu.VMEM((kb, w_dim), jnp.float32),
            pltpu.VMEM((kb, w_dim), jnp.float32),
            pltpu.VMEM((kb, w_dim), jnp.float32),
            pltpu.VMEM((kb, w_dim), jnp.float32),
            pltpu.VMEM((zr, w_dim), jnp.float32),
            pltpu.VMEM_SHARED((n_pad, w_dim), jnp.float32),
        ] + [pltpu.SemaphoreType.DMA] * 11,
    )
    def k(tab_hbm, src_hbm, dst_hbm, out_hbm, sidx, didx, r0, r1, r2, r3,
          zbuf, acc, g0, g1, g2, g3, s0, s1, s2, s3, si_sem, di_sem, zsem):
        rows = [r0, r1, r2, r3]
        gs = [g0, g1, g2, g3]
        ss = [s0, s1, s2, s3]
        c = lax.axis_index("c")
        s = lax.axis_index("s")
        w = c * _NS + s
        pltpu.sync_copy(src_hbm.at[w, pl.ds(0, _CB)], sidx.at[pl.ds(0, _CB)])
        pltpu.sync_copy(dst_hbm.at[w, pl.ds(0, _CB)], didx.at[pl.ds(0, _CB)])
        pltpu.async_copy(tab_hbm.at[sidx.at[0]], rows[0], gs[0])
        pltpu.async_copy(tab_hbm.at[sidx.at[1]], rows[1], gs[1])
        zero16 = jnp.zeros((16,), jnp.float32)

        def zb(t, carry):
            zbuf[t // chunks, pl.ds((t % chunks) * 16, 16)] = zero16
            return carry

        lax.fori_loop(0, zr * chunks, zb, 0)
        zdescs = [pltpu.async_copy(zbuf, acc.at[pl.ds(s * rows_pt + r * zr, zr)],
                                   zsem) for r in range(rows_pt // zr)]
        for dsc in zdescs:
            dsc.wait()
        plsc.subcore_barrier()

        def wait_gather(x):
            pltpu.make_async_copy(tab_hbm.at[pl.ds(0, kb)], rows[x], gs[x]).wait()

        def wait_scatter(x):
            pltpu.make_async_copy(rows[x], acc.at[didx.at[0]], ss[x]).wait()

        def chunk(i, p, q, first):
            cn = lax.rem(i + 1, nch)
            d_si = pltpu.async_copy(src_hbm.at[w, pl.ds(cn * _CB, _CB)],
                                    sidx.at[pl.ds(q * _CB, _CB)], si_sem)
            d_di = pltpu.async_copy(dst_hbm.at[w, pl.ds(cn * _CB, _CB)],
                                    didx.at[pl.ds(q * _CB, _CB)], di_sem)
            for j in range(_CB):
                x = j % 4
                y = (j + 2) % 4
                wait_gather(x)
                pltpu.async_copy(rows[x], acc.at[didx.at[p * _CB + j]],
                                 ss[x], add=True)
                if not (first and j < 2):
                    wait_scatter(y)
                if j == 6:
                    d_si.wait()
                    d_di.wait()
                nxt = p * _CB + j + 2 if j < _CB - 2 else q * _CB + (j - 6)
                pltpu.async_copy(tab_hbm.at[sidx.at[nxt]], rows[y], gs[y])
            return 0

        chunk(0, 0, 1, True)

        def body(i, carry):
            pp = lax.rem(i, 2)
            return chunk(i, pp, 1 - pp, False)

        lax.fori_loop(1, nch, body, 0)
        wait_scatter((_CB - 2) % 4)
        wait_scatter((_CB - 1) % 4)
        wait_gather(0)
        wait_gather(1)
        plsc.subcore_barrier()
        pltpu.sync_copy(acc.at[pl.ds(s * rows_pt, rows_pt)],
                        out_hbm.at[c, pl.ds(s * rows_pt, rows_pt)])

    return k(table, src3, dst3)


def _scale_call(d0, d1, x, n_pad):
    d = x.shape[1]
    grid = (n_pad // _BLK,)

    def body(d0_ref, d1_ref, x_ref, dinv_ref, xs_ref):
        deg = d0_ref[...] + d1_ref[...] + 1.0
        dinv = lax.rsqrt(deg)
        dinv_ref[...] = dinv
        xs_ref[...] = x_ref[...] * dinv

    return pl.pallas_call(
        body,
        grid=grid,
        in_specs=[
            pl.BlockSpec((_BLK, 1), lambda i: (i, 0)),
            pl.BlockSpec((_BLK, 1), lambda i: (i, 0)),
            pl.BlockSpec((_BLK, d), lambda i: (i, 0)),
        ],
        out_specs=[
            pl.BlockSpec((_BLK, 1), lambda i: (i, 0)),
            pl.BlockSpec((_BLK, d), lambda i: (i, 0)),
        ],
        out_shape=[
            jax.ShapeDtypeStruct((n_pad, 1), jnp.float32),
            jax.ShapeDtypeStruct((n_pad, d), jnp.float32),
        ],
    )(d0, d1, x)


def _mid_call(s2, xs, dinv, w1a, b1a, w1b, b1b, w2a, w2b):
    n_pad, d = xs.shape
    h = w1a.shape[1]
    co = w2a.shape[1]
    grid = (n_pad // _BLK,)

    def body(s2_ref, xs_ref, dv_ref, w1a_ref, b1a_ref, w1b_ref,
             b1b_ref, w2a_ref, w2b_ref, ms_ref):
        dv = dv_ref[...]
        p = (s2_ref[0] + s2_ref[1] + xs_ref[...]) * dv
        ha = jnp.maximum(
            jnp.dot(p, w1a_ref[...], preferred_element_type=jnp.float32)
            + b1a_ref[...], 0.0)
        hb = jnp.maximum(
            jnp.dot(p, w1b_ref[...], preferred_element_type=jnp.float32)
            + b1b_ref[...], 0.0)
        ma = jnp.dot(ha, w2a_ref[...], preferred_element_type=jnp.float32)
        mb = jnp.dot(hb, w2b_ref[...], preferred_element_type=jnp.float32)
        zpad = jnp.zeros((ma.shape[0], d - 2 * co), jnp.float32)
        ms_ref[...] = jnp.concatenate([ma, mb, zpad], axis=1) * dv

    full = lambda shape: pl.BlockSpec(shape, lambda i: tuple(0 for _ in shape))
    return pl.pallas_call(
        body,
        grid=grid,
        in_specs=[
            pl.BlockSpec((2, _BLK, d), lambda i: (0, i, 0)),
            pl.BlockSpec((_BLK, d), lambda i: (i, 0)),
            pl.BlockSpec((_BLK, 1), lambda i: (i, 0)),
            full((d, h)), full((1, h)), full((d, h)), full((1, h)),
            full((h, co)), full((h, co)),
        ],
        out_specs=pl.BlockSpec((_BLK, d), lambda i: (i, 0)),
        out_shape=jax.ShapeDtypeStruct((n_pad, d), jnp.float32),
    )(s2, xs, dinv, w1a, b1a, w1b, b1b, w2a, w2b)


def _final_call(t2, ms, dinv, b2a, b2b, n):
    n_pad, d = ms.shape
    co = b2a.shape[1]
    grid = (n_pad // _BLK,)

    def body(t2_ref, ms_ref, dv_ref, ba_ref, bb_ref, qa_ref, qb_ref):
        q = (t2_ref[0] + t2_ref[1] + ms_ref[...]) * dv_ref[...]
        qa_ref[...] = q[:, :co] + ba_ref[...]
        qb_ref[...] = q[:, co:2 * co] + bb_ref[...]

    return pl.pallas_call(
        body,
        grid=grid,
        in_specs=[
            pl.BlockSpec((2, _BLK, d), lambda i: (0, i, 0)),
            pl.BlockSpec((_BLK, d), lambda i: (i, 0)),
            pl.BlockSpec((_BLK, 1), lambda i: (i, 0)),
            pl.BlockSpec((1, co), lambda i: (0, 0)),
            pl.BlockSpec((1, co), lambda i: (0, 0)),
        ],
        out_specs=[
            pl.BlockSpec((_BLK, co), lambda i: (i, 0)),
            pl.BlockSpec((_BLK, co), lambda i: (i, 0)),
        ],
        out_shape=[
            jax.ShapeDtypeStruct((n, co), jnp.float32),
            jax.ShapeDtypeStruct((n, co), jnp.float32),
        ],
    )(t2, ms, dinv, b2a, b2b)


def kernel(node_features, edge_indices, W1a, b1a, W2a, b2a, W1b, b1b, W2b, b2b):
    n, d = node_features.shape
    e = edge_indices.shape[1]
    c_out = W2a.shape[1]

    n_pad = _cdiv(n, _BLK) * _BLK
    nb = _cdiv(_cdiv(e, _NW * _K), 8) * 8
    e_pad = _NW * nb * _K

    padv = n + (jnp.arange(e_pad - e, dtype=jnp.int32) % (n_pad - n))
    src3 = jnp.concatenate([edge_indices[0], padv]).reshape(_NW, nb, _K)
    dst3 = jnp.concatenate([edge_indices[1], padv]).reshape(_NW, nb, _K)

    deg = _deg_call(dst3, n_pad)
    dinv, xs = _scale_call(deg[0][:, None], deg[1][:, None], node_features,
                           n_pad)
    s2 = _prop_call(xs, src3, dst3, d)
    ms = _mid_call(s2, xs, dinv, W1a, b1a.reshape(1, -1),
                   W1b, b1b.reshape(1, -1), W2a, W2b)
    t2 = _prop_call(ms, src3, dst3, d)
    return _final_call(t2, ms, dinv, b2a.reshape(1, -1), b2b.reshape(1, -1), n)

# --- scband reference (transcript-rebuilt; emitter-appended) ---
"""Pipeline reference for scband-dual-branch-gnnmodel-85237920956478 (READ-ONLY COPY).

The authoritative reference and input builder live on the scoring server;
editing this copy changes nothing except your own understanding.
"""

import jax, jax.numpy as jnp
import numpy as np

N = 10000
E = 320000
D = 128
H = 128
C = 40


def _glorot(key, shape):
    fan_in, fan_out = shape[0], shape[1]
    scale = jnp.sqrt(2.0 / (fan_in + fan_out))
    return jax.random.normal(key, shape, jnp.float32) * scale


def setup_inputs(seed: int = 0) -> dict:
    key = jax.random.key(seed)
    ks = jax.random.split(key, 12)
    x = jax.random.normal(ks[0], (N, D), jnp.float32)
    edge_indices = jax.random.randint(ks[1], (2, E), 0, N, dtype=jnp.int32)
    # branch A (2-layer GCN)
    W1a = _glorot(ks[2], (D, H)); b1a = jnp.zeros((H,), jnp.float32)
    W2a = _glorot(ks[3], (H, C)); b2a = jnp.zeros((C,), jnp.float32)
    # branch B (2-layer GCN)
    W1b = _glorot(ks[4], (D, H)); b1b = jnp.zeros((H,), jnp.float32)
    W2b = _glorot(ks[5], (H, C)); b2b = jnp.zeros((C,), jnp.float32)
    return {"node_features": x, "edge_indices": edge_indices,
            "W1a": W1a, "b1a": b1a, "W2a": W2a, "b2a": b2a,
            "W1b": W1b, "b1b": b1b, "W2b": W2b, "b2b": b2b}


def _gcn_norm(edge_indices):
    loop = jnp.arange(N, dtype=edge_indices.dtype)
    src = jnp.concatenate([edge_indices[0], loop])
    dst = jnp.concatenate([edge_indices[1], loop])
    deg = jnp.zeros((N,), jnp.float32).at[dst].add(1.0)
    dinv = jax.lax.rsqrt(jnp.maximum(deg, 1e-12))
    norm = dinv[src] * dinv[dst]
    return src, dst, norm


def _gcn_conv(h, src, dst, norm, W, b):
    h = h @ W
    msg = h[src] * norm[:, None]
    out = jnp.zeros_like(h).at[dst].add(msg)
    return out + b


def _branch(x, src, dst, norm, W1, b1, W2, b2):
    h = _gcn_conv(x, src, dst, norm, W1, b1)
    h = jax.nn.relu(h)
    # dropout is identity in eval mode
    o = _gcn_conv(h, src, dst, norm, W2, b2)
    return o


def reference(node_features, edge_indices, W1a, b1a, W2a, b2a, W1b, b1b, W2b, b2b):
    src, dst, norm = _gcn_norm(edge_indices)
    out_a = _branch(node_features, src, dst, norm, W1a, b1a, W2a, b2a)
    out_b = _branch(node_features, src, dst, norm, W1b, b1b, W2b, b2b)
    return (out_a, out_b)

if __name__ == "__main__":
    import jax
    _d = setup_inputs()
    print(jax.jit(kernel)(*tuple(_d.values())))

</pallas_src>

<mosaic_0001>
#map = affine_map<(d0, d1) -> (0, 0, 0)>
#map1 = affine_map<(d0, d1) -> (0, 0)>
module attributes {stable_mosaic.version = 14 : i64} {
  func.func @k(%arg0: i32, %arg1: i32, %arg2: memref<32x80x128xi32, #tpu.memory_space<hbm>>, %arg3: memref<2x10240xf32, #tpu.memory_space<hbm>>, %arg4: memref<80x128xi32, #tpu.memory_space<vmem>>, %arg5: memref<128xf32, #tpu.memory_space<vmem>>, %arg6: memref<640xf32, #tpu.memory_space<vmem>>, %arg7: memref<10240xf32, #tpu.memory_space<vmem_shared>>, %arg8: memref<!tpu.dma_semaphore, #tpu.memory_space<semaphore_mem>>) attributes {dimension_semantics = [#tpu.dimension_semantics<core_parallel>, #tpu.dimension_semantics<subcore_parallel>], iteration_bounds = array<i64: 2, 16>, scalar_prefetch = 0 : i64, scratch_operands = 5 : i64, tpu.core_type = #tpu.core_type<sc_vector_subcore>, window_params = [{transform_indices = #map}, {transform_indices = #map1}]} {
    %mul3A = arith.constant 16 : i32
    %mul3A_0 = arith.muli %arg0, %mul3A : i32
    %add3A = arith.addi %mul3A_0, %arg1 : i32
    "tpu.region"() ({
      %run_scoped3A = tpu.sem_alloc : memref<!tpu.dma_semaphore, #tpu.memory_space<semaphore_mem>>
      %dma_start3A = arith.constant 0 : i32
      %dma_start3A_53 = arith.constant 0 : i32
      %dma_start3A_54 = tpu.memref_slice %arg2[%add3A, %dma_start3A, %dma_start3A_53] : memref<32x80x128xi32, #tpu.memory_space<hbm>> -> memref<1x80x128xi32, #tpu.memory_space<hbm>>
      %dma_start3A_55 = tpu.memref_squeeze %dma_start3A_54 : memref<1x80x128xi32, #tpu.memory_space<hbm>> -> memref<80x128xi32, #tpu.memory_space<hbm>>
      %dma_start3A_56 = arith.constant 0 : i32
      %dma_start3A_57 = arith.constant 0 : i32
      %dma_start3A_58 = tpu.memref_slice %arg2[%add3A, %dma_start3A_56, %dma_start3A_57] : memref<32x80x128xi32, #tpu.memory_space<hbm>> -> memref<1x80x128xi32, #tpu.memory_space<hbm>>
      %dma_start3A_59 = tpu.memref_squeeze %dma_start3A_58 : memref<1x80x128xi32, #tpu.memory_space<hbm>> -> memref<80x128xi32, #tpu.memory_space<hbm>>
      tpu.enqueue_dma source(%dma_start3A_59 : memref<80x128xi32, #tpu.memory_space<hbm>>) target(%arg4 : memref<80x128xi32, #tpu.memory_space<vmem>>) target_semaphore(%run_scoped3A : memref<!tpu.dma_semaphore, #tpu.memory_space<semaphore_mem>>)
      %dma_wait3A = arith.constant 0 : i32
      %dma_wait3A_60 = arith.constant 0 : i32
      %dma_wait3A_61 = tpu.memref_slice %arg2[%add3A, %dma_wait3A, %dma_wait3A_60] : memref<32x80x128xi32, #tpu.memory_space<hbm>> -> memref<1x80x128xi32, #tpu.memory_space<hbm>>
      %dma_wait3A_62 = tpu.memref_squeeze %dma_wait3A_61 : memref<1x80x128xi32, #tpu.memory_space<hbm>> -> memref<80x128xi32, #tpu.memory_space<hbm>>
      %dma_wait3A_63 = arith.constant 0 : i32
      %dma_wait3A_64 = arith.constant 0 : i32
      %dma_wait3A_65 = tpu.memref_slice %arg2[%add3A, %dma_wait3A_63, %dma_wait3A_64] : memref<32x80x128xi32, #tpu.memory_space<hbm>> -> memref<1x80x128xi32, #tpu.memory_space<hbm>>
      %dma_wait3A_66 = tpu.memref_squeeze %dma_wait3A_65 : memref<1x80x128xi32, #tpu.memory_space<hbm>> -> memref<80x128xi32, #tpu.memory_space<hbm>>
      tpu.wait_dma2 semaphore(%run_scoped3A : memref<!tpu.dma_semaphore, #tpu.memory_space<semaphore_mem>>) src(%dma_wait3A_66 : memref<80x128xi32, #tpu.memory_space<hbm>>) dst(%arg4 : memref<80x128xi32, #tpu.memory_space<vmem>>)
      tpu.yield
    }) : () -> ()
    %broadcast_in_dim3A = arith.constant 1.000000e+00 : f32
    %broadcast_in_dim3A_1 = vector.broadcast %broadcast_in_dim3A : f32 to vector<16xf32>
    %broadcast_in_dim3A_2 = arith.constant 0.000000e+00 : f32
    %broadcast_in_dim3A_3 = vector.broadcast %broadcast_in_dim3A_2 : f32 to vector<16xf32>
    %swap3A = arith.constant 0 : index
    %swap3A_4 = tpu.vector_load %arg5[%swap3A] {strides = array<i32>} : memref<128xf32, #tpu.memory_space<vmem>>, vector<16xf32>,
    %swap3A_5 = vector.shape_cast %swap3A_4 : vector<16xf32> to vector<16xf32>
    %swap3A_6 = vector.shape_cast %broadcast_in_dim3A_1 : vector<16xf32> to vector<16xf32>
    tpu.vector_store %arg5[%swap3A], %swap3A_6 {strides = array<i32>} : memref<128xf32, #tpu.memory_space<vmem>>, vector<16xf32>,
    %swap3A_7 = arith.constant 16 : index
    %swap3A_8 = tpu.vector_load %arg5[%swap3A_7] {strides = array<i32>} : memref<128xf32, #tpu.memory_space<vmem>>, vector<16xf32>,
    %swap3A_9 = vector.shape_cast %swap3A_8 : vector<16xf32> to vector<16xf32>
    %swap3A_10 = vector.shape_cast %broadcast_in_dim3A_1 : vector<16xf32> to vector<16xf32>
    tpu.vector_store %arg5[%swap3A_7], %swap3A_10 {strides = array<i32>} : memref<128xf32, #tpu.memory_space<vmem>>, vector<16xf32>,
    %swap3A_11 = arith.constant 32 : index
    %swap3A_12 = tpu.vector_load %arg5[%swap3A_11] {strides = array<i32>} : memref<128xf32, #tpu.memory_space<vmem>>, vector<16xf32>,
    %swap3A_13 = vector.shape_cast %swap3A_12 : vector<16xf32> to vector<16xf32>
    %swap3A_14 = vector.shape_cast %broadcast_in_dim3A_1 : vector<16xf32> to vector<16xf32>
    tpu.vector_store %arg5[%swap3A_11], %swap3A_14 {strides = array<i32>} : memref<128xf32, #tpu.memory_space<vmem>>, vector<16xf32>,
    %swap3A_15 = arith.constant 48 : index
    %swap3A_16 = tpu.vector_load %arg5[%swap3A_15] {strides = array<i32>} : memref<128xf32, #tpu.memory_space<vmem>>, vector<16xf32>,
    %swap3A_17 = vector.shape_cast %swap3A_16 : vector<16xf32> to vector<16xf32>
    %swap3A_18 = vector.shape_cast %broadcast_in_dim3A_1 : vector<16xf32> to vector<16xf32>
    tpu.vector_store %arg5[%swap3A_15], %swap3A_18 {strides = array<i32>} : memref<128xf32, #tpu.memory_space<vmem>>, vector<16xf32>,
    %swap3A_19 = arith.constant 64 : index
    %swap3A_20 = tpu.vector_load %arg5[%swap3A_19] {strides = array<i32>} : memref<128xf32, #tpu.memory_space<vmem>>, vector<16xf32>,
    %swap3A_21 = vector.shape_cast %swap3A_20 : vector<16xf32> to vector<16xf32>
    %swap3A_22 = vector.shape_cast %broadcast_in_dim3A_1 : vector<16xf32> to vector<16xf32>
    tpu.vector_store %arg5[%swap3A_19], %swap3A_22 {strides = array<i32>} : memref<128xf32, #tpu.memory_space<vmem>>, vector<16xf32>,
    %swap3A_23 = arith.constant 80 : index
    %swap3A_24 = tpu.vector_load %arg5[%swap3A_23] {strides = array<i32>} : memref<128xf32, #tpu.memory_space<vmem>>, vector<16xf32>,
    %swap3A_25 = vector.shape_cast %swap3A_24 : vector<16xf32> to vector<16xf32>
    %swap3A_26 = vector.shape_cast %broadcast_in_dim3A_1 : vector<16xf32> to vector<16xf32>
    tpu.vector_store %arg5[%swap3A_23], %swap3A_26 {strides = array<i32>} : memref<128xf32, #tpu.memory_space<vmem>>, vector<16xf32>,
    %swap3A_27 = arith.constant 96 : index
    %swap3A_28 = tpu.vector_load %arg5[%swap3A_27] {strides = array<i32>} : memref<128xf32, #tpu.memory_space<vmem>>, vector<16xf32>,
    %swap3A_29 = vector.shape_cast %swap3A_28 : vector<16xf32> to vector<16xf32>
    %swap3A_30 = vector.shape_cast %broadcast_in_dim3A_1 : vector<16xf32> to vector<16xf32>
    tpu.vector_store %arg5[%swap3A_27], %swap3A_30 {strides = array<i32>} : memref<128xf32, #tpu.memory_space<vmem>>, vector<16xf32>,
    %swap3A_31 = arith.constant 112 : index
    %swap3A_32 = tpu.vector_load %arg5[%swap3A_31] {strides = array<i32>} : memref<128xf32, #tpu.memory_space<vmem>>, vector<16xf32>,
    %swap3A_33 = vector.shape_cast %swap3A_32 : vector<16xf32> to vector<16xf32>
    %swap3A_34 = vector.shape_cast %broadcast_in_dim3A_1 : vector<16xf32> to vector<16xf32>
    tpu.vector_store %arg5[%swap3A_31], %swap3A_34 {strides = array<i32>} : memref<128xf32, #tpu.memory_space<vmem>>, vector<16xf32>,
    %scan3A = arith.constant 0 : i32
    %scan3A_35 = arith.constant 0 : i32
    %scan3A_36 = arith.constant 40 : i32
    %scan3A_37 = arith.addi %scan3A_35, %scan3A_36 : i32
    %scan3A_38 = arith.constant 1 : i32
    scf.for %scan3A_53 = %scan3A_35 to %scan3A_37 step %scan3A_38  : i32 {
      %mul3A_54 = arith.constant 16 : i32
      %mul3A_55 = arith.muli %scan3A_53, %mul3A_54 : i32
      %swap3A_56 = arith.index_cast %mul3A_55 : i32 to index
      %swap3A_57 = tpu.vector_load %arg6[%swap3A_56] {strides = array<i32>} : memref<640xf32, #tpu.memory_space<vmem>>, vector<16xf32>,
      %swap3A_58 = vector.shape_cast %swap3A_57 : vector<16xf32> to vector<16xf32>
      %swap3A_59 = vector.shape_cast %broadcast_in_dim3A_3 : vector<16xf32> to vector<16xf32>
      tpu.vector_store %arg6[%swap3A_56], %swap3A_59 {strides = array<i32>} : memref<640xf32, #tpu.memory_space<vmem>>, vector<16xf32>,
    }
    %scan3A_39 = arith.constant 40 : i32
    %mul3A_40 = arith.constant 640 : i32
    %mul3A_41 = arith.muli %arg1, %mul3A_40 : i32
    "tpu.region"() ({
      %run_scoped3A = tpu.sem_alloc : memref<!tpu.dma_semaphore, #tpu.memory_space<semaphore_mem>>
      %dma_start3A = tpu.memref_slice %arg7[%mul3A_41] : memref<10240xf32, #tpu.memory_space<vmem_shared>> -> memref<640xf32, #tpu.memory_space<vmem_shared>>
      %dma_start3A_53 = tpu.memref_slice %arg7[%mul3A_41] : memref<10240xf32, #tpu.memory_space<vmem_shared>> -> memref<640xf32, #tpu.memory_space<vmem_shared>>
      tpu.enqueue_dma source(%arg6 : memref<640xf32, #tpu.memory_space<vmem>>) target(%dma_start3A_53 : memref<640xf32, #tpu.memory_space<vmem_shared>>) target_semaphore(%run_scoped3A : memref<!tpu.dma_semaphore, #tpu.memory_space<semaphore_mem>>)
      %dma_wait3A = tpu.memref_slice %arg7[%mul3A_41] : memref<10240xf32, #tpu.memory_space<vmem_shared>> -> memref<640xf32, #tpu.memory_space<vmem_shared>>
      %dma_wait3A_54 = tpu.memref_slice %arg7[%mul3A_41] : memref<10240xf32, #tpu.memory_space<vmem_shared>> -> memref<640xf32, #tpu.memory_space<vmem_shared>>
      tpu.wait_dma2 semaphore(%run_scoped3A : memref<!tpu.dma_semaphore, #tpu.memory_space<semaphore_mem>>) src(%arg6 : memref<640xf32, #tpu.memory_space<vmem>>) dst(%dma_wait3A_54 : memref<640xf32, #tpu.memory_space<vmem_shared>>)
      tpu.yield
    }) : () -> ()
    %barrier3A = arith.constant 0 : index
    tpu.barrier barrier_id(%barrier3A)
    %scan3A_42 = arith.constant 0 : i32
    %scan3A_43 = arith.constant 0 : i32
    %scan3A_44 = arith.constant 10 : i32
    %scan3A_45 = arith.addi %scan3A_43, %scan3A_44 : i32
    %scan3A_46 = arith.constant 1 : i32
    scf.for %scan3A_53 = %scan3A_43 to %scan3A_45 step %scan3A_46  : i32 {
      %mul3A_54 = arith.constant 8 : i32
      %mul3A_55 = arith.muli %mul3A_54, %scan3A_53 : i32
      %add3A_56 = arith.constant 0 : i32
      %add3A_57 = arith.addi %mul3A_55, %add3A_56 : i32
      %dma_start3A = arith.constant 0 : i32
      %dma_start3A_58 = tpu.memref_slice %arg4[%add3A_57, %dma_start3A] : memref<80x128xi32, #tpu.memory_space<vmem>> -> memref<1x128xi32, #tpu.memory_space<vmem>>
      %dma_start3A_59 = tpu.memref_squeeze %dma_start3A_58 : memref<1x128xi32, #tpu.memory_space<vmem>> -> memref<128xi32, #tpu.memory_space<vmem>>
      %dma_start3A_60 = arith.constant 0 : i32
      %dma_start3A_61 = tpu.memref_slice %arg7[%dma_start3A_60] : memref<10240xf32, #tpu.memory_space<vmem_shared>> -> memref<10240xf32, #tpu.memory_space<vmem_shared>>
      tpu.enqueue_indirect_dma source(%arg5 : memref<128xf32, #tpu.memory_space<vmem>>) target(%dma_start3A_61 : memref<10240xf32, #tpu.memory_space<vmem_shared>>) offsets(%dma_start3A_59 : memref<128xi32, #tpu.memory_space<vmem>>) semaphore(%arg8 : memref<!tpu.dma_semaphore, #tpu.memory_space<semaphore_mem>>) {add = true}
      %mul3A_62 = arith.constant 8 : i32
      %mul3A_63 = arith.muli %mul3A_62, %scan3A_53 : i32
      %add3A_64 = arith.constant 1 : i32
      %add3A_65 = arith.addi %mul3A_63, %add3A_64 : i32
      %dma_start3A_66 = arith.constant 0 : i32
      %dma_start3A_67 = tpu.memref_slice %arg4[%add3A_65, %dma_start3A_66] : memref<80x128xi32, #tpu.memory_space<vmem>> -> memref<1x128xi32, #tpu.memory_space<vmem>>
      %dma_start3A_68 = tpu.memref_squeeze %dma_start3A_67 : memref<1x128xi32, #tpu.memory_space<vmem>> -> memref<128xi32, #tpu.memory_space<vmem>>
      %dma_start3A_69 = arith.constant 0 : i32
      %dma_start3A_70 = tpu.memref_slice %arg7[%dma_start3A_69] : memref<10240xf32, #tpu.memory_space<vmem_shared>> -> memref<10240xf32, #tpu.memory_space<vmem_shared>>
      tpu.enqueue_indirect_dma source(%arg5 : memref<128xf32, #tpu.memory_space<vmem>>) target(%dma_start3A_70 : memref<10240xf32, #tpu.memory_space<vmem_shared>>) offsets(%dma_start3A_68 : memref<128xi32, #tpu.memory_space<vmem>>) semaphore(%arg8 : memref<!tpu.dma_semaphore, #tpu.memory_space<semaphore_mem>>) {add = true}
      %mul3A_71 = arith.constant 8 : i32
      %mul3A_72 = arith.muli %mul3A_71, %scan3A_53 : i32
      %add3A_73 = arith.constant 2 : i32
      %add3A_74 = arith.addi %mul3A_72, %add3A_73 : i32
      %dma_start3A_75 = arith.constant 0 : i32
      %dma_start3A_76 = tpu.memref_slice %arg4[%add3A_74, %dma_start3A_75] : memref<80x128xi32, #tpu.memory_space<vmem>> -> memref<1x128xi32, #tpu.memory_space<vmem>>
      %dma_start3A_77 = tpu.memref_squeeze %dma_start3A_76 : memref<1x128xi32, #tpu.memory_space<vmem>> -> memref<128xi32, #tpu.memory_space<vmem>>
      %dma_start3A_78 = arith.constant 0 : i32
      %dma_start3A_79 = tpu.memref_slice %arg7[%dma_start3A_78] : memref<10240xf32, #tpu.memory_space<vmem_shared>> -> memref<10240xf32, #tpu.memory_space<vmem_shared>>
      tpu.enqueue_indirect_dma source(%arg5 : memref<128xf32, #tpu.memory_space<vmem>>) target(%dma_start3A_79 : memref<10240xf32, #tpu.memory_space<vmem_shared>>) offsets(%dma_start3A_77 : memref<128xi32, #tpu.memory_space<vmem>>) semaphore(%arg8 : memref<!tpu.dma_semaphore, #tpu.memory_space<semaphore_mem>>) {add = true}
      %mul3A_80 = arith.constant 8 : i32
      %mul3A_81 = arith.muli %mul3A_80, %scan3A_53 : i32
      %add3A_82 = arith.constant 3 : i32
      %add3A_83 = arith.addi %mul3A_81, %add3A_82 : i32
      %dma_start3A_84 = arith.constant 0 : i32
      %dma_start3A_85 = tpu.memref_slice %arg4[%add3A_83, %dma_start3A_84] : memref<80x128xi32, #tpu.memory_space<vmem>> -> memref<1x128xi32, #tpu.memory_space<vmem>>
      %dma_start3A_86 = tpu.memref_squeeze %dma_start3A_85 : memref<1x128xi32, #tpu.memory_space<vmem>> -> memref<128xi32, #tpu.memory_space<vmem>>
      %dma_start3A_87 = arith.constant 0 : i32
      %dma_start3A_88 = tpu.memref_slice %arg7[%dma_start3A_87] : memref<10240xf32, #tpu.memory_space<vmem_shared>> -> memref<10240xf32, #tpu.memory_space<vmem_shared>>
      tpu.enqueue_indirect_dma source(%arg5 : memref<128xf32, #tpu.memory_space<vmem>>) target(%dma_start3A_88 : memref<10240xf32, #tpu.memory_space<vmem_shared>>) offsets(%dma_start3A_86 : memref<128xi32, #tpu.memory_space<vmem>>) semaphore(%arg8 : memref<!tpu.dma_semaphore, #tpu.memory_space<semaphore_mem>>) {add = true}
      %mul3A_89 = arith.constant 8 : i32
      %mul3A_90 = arith.muli %mul3A_89, %scan3A_53 : i32
      %add3A_91 = arith.constant 4 : i32
      %add3A_92 = arith.addi %mul3A_90, %add3A_91 : i32
      %dma_start3A_93 = arith.constant 0 : i32
      %dma_start3A_94 = tpu.memref_slice %arg4[%add3A_92, %dma_start3A_93] : memref<80x128xi32, #tpu.memory_space<vmem>> -> memref<1x128xi32, #tpu.memory_space<vmem>>
      %dma_start3A_95 = tpu.memref_squeeze %dma_start3A_94 : memref<1x128xi32, #tpu.memory_space<vmem>> -> memref<128xi32, #tpu.memory_space<vmem>>
      %dma_start3A_96 = arith.constant 0 : i32
      %dma_start3A_97 = tpu.memref_slice %arg7[%dma_start3A_96] : memref<10240xf32, #tpu.memory_space<vmem_shared>> -> memref<10240xf32, #tpu.memory_space<vmem_shared>>
      tpu.enqueue_indirect_dma source(%arg5 : memref<128xf32, #tpu.memory_space<vmem>>) target(%dma_start3A_97 : memref<10240xf32, #tpu.memory_space<vmem_shared>>) offsets(%dma_start3A_95 : memref<128xi32, #tpu.memory_space<vmem>>) semaphore(%arg8 : memref<!tpu.dma_semaphore, #tpu.memory_space<semaphore_mem>>) {add = true}
      %mul3A_98 = arith.constant 8 : i32
      %mul3A_99 = arith.muli %mul3A_98, %scan3A_53 : i32
      %add3A_100 = arith.constant 5 : i32
      %add3A_101 = arith.addi %mul3A_99, %add3A_100 : i32
      %dma_start3A_102 = arith.constant 0 : i32
      %dma_start3A_103 = tpu.memref_slice %arg4[%add3A_101, %dma_start3A_102] : memref<80x128xi32, #tpu.memory_space<vmem>> -> memref<1x128xi32, #tpu.memory_space<vmem>>
      %dma_start3A_104 = tpu.memref_squeeze %dma_start3A_103 : memref<1x128xi32, #tpu.memory_space<vmem>> -> memref<128xi32, #tpu.memory_space<vmem>>
      %dma_start3A_105 = arith.constant 0 : i32
      %dma_start3A_106 = tpu.memref_slice %arg7[%dma_start3A_105] : memref<10240xf32, #tpu.memory_space<vmem_shared>> -> memref<10240xf32, #tpu.memory_space<vmem_shared>>
      tpu.enqueue_indirect_dma source(%arg5 : memref<128xf32, #tpu.memory_space<vmem>>) target(%dma_start3A_106 : memref<10240xf32, #tpu.memory_space<vmem_shared>>) offsets(%dma_start3A_104 : memref<128xi32, #tpu.memory_space<vmem>>) semaphore(%arg8 : memref<!tpu.dma_semaphore, #tpu.memory_space<semaphore_mem>>) {add = true}
      %mul3A_107 = arith.constant 8 : i32
      %mul3A_108 = arith.muli %mul3A_107, %scan3A_53 : i32
      %add3A_109 = arith.constant 6 : i32
      %add3A_110 = arith.addi %mul3A_108, %add3A_109 : i32
      %dma_start3A_111 = arith.constant 0 : i32
      %dma_start3A_112 = tpu.memref_slice %arg4[%add3A_110, %dma_start3A_111] : memref<80x128xi32, #tpu.memory_space<vmem>> -> memref<1x128xi32, #tpu.memory_space<vmem>>
      %dma_start3A_113 = tpu.memref_squeeze %dma_start3A_112 : memref<1x128xi32, #tpu.memory_space<vmem>> -> memref<128xi32, #tpu.memory_space<vmem>>
      %dma_start3A_114 = arith.constant 0 : i32
      %dma_start3A_115 = tpu.memref_slice %arg7[%dma_start3A_114] : memref<10240xf32, #tpu.memory_space<vmem_shared>> -> memref<10240xf32, #tpu.memory_space<vmem_shared>>
      tpu.enqueue_indirect_dma source(%arg5 : memref<128xf32, #tpu.memory_space<vmem>>) target(%dma_start3A_115 : memref<10240xf32, #tpu.memory_space<vmem_shared>>) offsets(%dma_start3A_113 : memref<128xi32, #tpu.memory_space<vmem>>) semaphore(%arg8 : memref<!tpu.dma_semaphore, #tpu.memory_space<semaphore_mem>>) {add = true}
      %mul3A_116 = arith.constant 8 : i32
      %mul3A_117 = arith.muli %mul3A_116, %scan3A_53 : i32
      %add3A_118 = arith.constant 7 : i32
      %add3A_119 = arith.addi %mul3A_117, %add3A_118 : i32
      %dma_start3A_120 = arith.constant 0 : i32
      %dma_start3A_121 = tpu.memref_slice %arg4[%add3A_119, %dma_start3A_120] : memref<80x128xi32, #tpu.memory_space<vmem>> -> memref<1x128xi32, #tpu.memory_space<vmem>>
      %dma_start3A_122 = tpu.memref_squeeze %dma_start3A_121 : memref<1x128xi32, #tpu.memory_space<vmem>> -> memref<128xi32, #tpu.memory_space<vmem>>
      %dma_start3A_123 = arith.constant 0 : i32
      %dma_start3A_124 = tpu.memref_slice %arg7[%dma_start3A_123] : memref<10240xf32, #tpu.memory_space<vmem_shared>> -> memref<10240xf32, #tpu.memory_space<vmem_shared>>
      tpu.enqueue_indirect_dma source(%arg5 : memref<128xf32, #tpu.memory_space<vmem>>) target(%dma_start3A_124 : memref<10240xf32, #tpu.memory_space<vmem_shared>>) offsets(%dma_start3A_122 : memref<128xi32, #tpu.memory_space<vmem>>) semaphore(%arg8 : memref<!tpu.dma_semaphore, #tpu.memory_space<semaphore_mem>>) {add = true}
      %dma_wait3A = arith.constant 0 : i32
      %dma_wait3A_125 = tpu.memref_slice %arg4[%add3A_57, %dma_wait3A] : memref<80x128xi32, #tpu.memory_space<vmem>> -> memref<1x128xi32, #tpu.memory_space<vmem>>
      %dma_wait3A_126 = tpu.memref_squeeze %dma_wait3A_125 : memref<1x128xi32, #tpu.memory_space<vmem>> -> memref<128xi32, #tpu.memory_space<vmem>>
      %dma_wait3A_127 = arith.constant 0 : i32
      %dma_wait3A_128 = tpu.memref_slice %arg7[%dma_wait3A_127] : memref<10240xf32, #tpu.memory_space<vmem_shared>> -> memref<10240xf32, #tpu.memory_space<vmem_shared>>
      tpu.wait_indirect_dma semaphore(%arg8 : memref<!tpu.dma_semaphore, #tpu.memory_space<semaphore_mem>>) src(%arg5 : memref<128xf32, #tpu.memory_space<vmem>>) dst(%dma_wait3A_128 : memref<10240xf32, #tpu.memory_space<vmem_shared>>)
      %dma_wait3A_129 = arith.constant 0 : i32
      %dma_wait3A_130 = tpu.memref_slice %arg4[%add3A_65, %dma_wait3A_129] : memref<80x128xi32, #tpu.memory_space<vmem>> -> memref<1x128xi32, #tpu.memory_space<vmem>>
      %dma_wait3A_131 = tpu.memref_squeeze %dma_wait3A_130 : memref<1x128xi32, #tpu.memory_space<vmem>> -> memref<128xi32, #tpu.memory_space<vmem>>
      %dma_wait3A_132 = arith.constant 0 : i32
      %dma_wait3A_133 = tpu.memref_slice %arg7[%dma_wait3A_132] : memref<10240xf32, #tpu.memory_space<vmem_shared>> -> memref<10240xf32, #tpu.memory_space<vmem_shared>>
      tpu.wait_indirect_dma semaphore(%arg8 : memref<!tpu.dma_semaphore, #tpu.memory_space<semaphore_mem>>) src(%arg5 : memref<128xf32, #tpu.memory_space<vmem>>) dst(%dma_wait3A_133 : memref<10240xf32, #tpu.memory_space<vmem_shared>>)
      %dma_wait3A_134 = arith.constant 0 : i32
      %dma_wait3A_135 = tpu.memref_slice %arg4[%add3A_74, %dma_wait3A_134] : memref<80x128xi32, #tpu.memory_space<vmem>> -> memref<1x128xi32, #tpu.memory_space<vmem>>
      %dma_wait3A_136 = tpu.memref_squeeze %dma_wait3A_135 : memref<1x128xi32, #tpu.memory_space<vmem>> -> memref<128xi32, #tpu.memory_space<vmem>>
      %dma_wait3A_137 = arith.constant 0 : i32
      %dma_wait3A_138 = tpu.memref_slice %arg7[%dma_wait3A_137] : memref<10240xf32, #tpu.memory_space<vmem_shared>> -> memref<10240xf32, #tpu.memory_space<vmem_shared>>
      tpu.wait_indirect_dma semaphore(%arg8 : memref<!tpu.dma_semaphore, #tpu.memory_space<semaphore_mem>>) src(%arg5 : memref<128xf32, #tpu.memory_space<vmem>>) dst(%dma_wait3A_138 : memref<10240xf32, #tpu.memory_space<vmem_shared>>)
      %dma_wait3A_139 = arith.constant 0 : i32
      %dma_wait3A_140 = tpu.memref_slice %arg4[%add3A_83, %dma_wait3A_139] : memref<80x128xi32, #tpu.memory_space<vmem>> -> memref<1x128xi32, #tpu.memory_space<vmem>>
      %dma_wait3A_141 = tpu.memref_squeeze %dma_wait3A_140 : memref<1x128xi32, #tpu.memory_space<vmem>> -> memref<128xi32, #tpu.memory_space<vmem>>
      %dma_wait3A_142 = arith.constant 0 : i32
      %dma_wait3A_143 = tpu.memref_slice %arg7[%dma_wait3A_142] : memref<10240xf32, #tpu.memory_space<vmem_shared>> -> memref<10240xf32, #tpu.memory_space<vmem_shared>>
      tpu.wait_indirect_dma semaphore(%arg8 : memref<!tpu.dma_semaphore, #tpu.memory_space<semaphore_mem>>) src(%arg5 : memref<128xf32, #tpu.memory_space<vmem>>) dst(%dma_wait3A_143 : memref<10240xf32, #tpu.memory_space<vmem_shared>>)
      %dma_wait3A_144 = arith.constant 0 : i32
      %dma_wait3A_145 = tpu.memref_slice %arg4[%add3A_92, %dma_wait3A_144] : memref<80x128xi32, #tpu.memory_space<vmem>> -> memref<1x128xi32, #tpu.memory_space<vmem>>
      %dma_wait3A_146 = tpu.memref_squeeze %dma_wait3A_145 : memref<1x128xi32, #tpu.memory_space<vmem>> -> memref<128xi32, #tpu.memory_space<vmem>>
      %dma_wait3A_147 = arith.constant 0 : i32
      %dma_wait3A_148 = tpu.memref_slice %arg7[%dma_wait3A_147] : memref<10240xf32, #tpu.memory_space<vmem_shared>> -> memref<10240xf32, #tpu.memory_space<vmem_shared>>
      tpu.wait_indirect_dma semaphore(%arg8 : memref<!tpu.dma_semaphore, #tpu.memory_space<semaphore_mem>>) src(%arg5 : memref<128xf32, #tpu.memory_space<vmem>>) dst(%dma_wait3A_148 : memref<10240xf32, #tpu.memory_space<vmem_shared>>)
      %dma_wait3A_149 = arith.constant 0 : i32
      %dma_wait3A_150 = tpu.memref_slice %arg4[%add3A_101, %dma_wait3A_149] : memref<80x128xi32, #tpu.memory_space<vmem>> -> memref<1x128xi32, #tpu.memory_space<vmem>>
      %dma_wait3A_151 = tpu.memref_squeeze %dma_wait3A_150 : memref<1x128xi32, #tpu.memory_space<vmem>> -> memref<128xi32, #tpu.memory_space<vmem>>
      %dma_wait3A_152 = arith.constant 0 : i32
      %dma_wait3A_153 = tpu.memref_slice %arg7[%dma_wait3A_152] : memref<10240xf32, #tpu.memory_space<vmem_shared>> -> memref<10240xf32, #tpu.memory_space<vmem_shared>>
      tpu.wait_indirect_dma semaphore(%arg8 : memref<!tpu.dma_semaphore, #tpu.memory_space<semaphore_mem>>) src(%arg5 : memref<128xf32, #tpu.memory_space<vmem>>) dst(%dma_wait3A_153 : memref<10240xf32, #tpu.memory_space<vmem_shared>>)
      %dma_wait3A_154 = arith.constant 0 : i32
      %dma_wait3A_155 = tpu.memref_slice %arg4[%add3A_110, %dma_wait3A_154] : memref<80x128xi32, #tpu.memory_space<vmem>> -> memref<1x128xi32, #tpu.memory_space<vmem>>
      %dma_wait3A_156 = tpu.memref_squeeze %dma_wait3A_155 : memref<1x128xi32, #tpu.memory_space<vmem>> -> memref<128xi32, #tpu.memory_space<vmem>>
      %dma_wait3A_157 = arith.constant 0 : i32
      %dma_wait3A_158 = tpu.memref_slice %arg7[%dma_wait3A_157] : memref<10240xf32, #tpu.memory_space<vmem_shared>> -> memref<10240xf32, #tpu.memory_space<vmem_shared>>
      tpu.wait_indirect_dma semaphore(%arg8 : memref<!tpu.dma_semaphore, #tpu.memory_space<semaphore_mem>>) src(%arg5 : memref<128xf32, #tpu.memory_space<vmem>>) dst(%dma_wait3A_158 : memref<10240xf32, #tpu.memory_space<vmem_shared>>)
      %dma_wait3A_159 = arith.constant 0 : i32
      %dma_wait3A_160 = tpu.memref_slice %arg4[%add3A_119, %dma_wait3A_159] : memref<80x128xi32, #tpu.memory_space<vmem>> -> memref<1x128xi32, #tpu.memory_space<vmem>>
      %dma_wait3A_161 = tpu.memref_squeeze %dma_wait3A_160 : memref<1x128xi32, #tpu.memory_space<vmem>> -> memref<128xi32, #tpu.memory_space<vmem>>
      %dma_wait3A_162 = arith.constant 0 : i32
      %dma_wait3A_163 = tpu.memref_slice %arg7[%dma_wait3A_162] : memref<10240xf32, #tpu.memory_space<vmem_shared>> -> memref<10240xf32, #tpu.memory_space<vmem_shared>>
      tpu.wait_indirect_dma semaphore(%arg8 : memref<!tpu.dma_semaphore, #tpu.memory_space<semaphore_mem>>) src(%arg5 : memref<128xf32, #tpu.memory_space<vmem>>) dst(%dma_wait3A_163 : memref<10240xf32, #tpu.memory_space<vmem_shared>>)
    }
    %scan3A_47 = arith.constant 10 : i32
    %barrier3A_48 = arith.constant 0 : index
    tpu.barrier barrier_id(%barrier3A_48)
    %mul3A_49 = arith.constant 640 : i32
    %mul3A_50 = arith.muli %arg1, %mul3A_49 : i32
    %mul3A_51 = arith.constant 640 : i32
    %mul3A_52 = arith.muli %arg1, %mul3A_51 : i32
    "tpu.region"() ({
      %run_scoped3A = tpu.sem_alloc : memref<!tpu.dma_semaphore, #tpu.memory_space<semaphore_mem>>
      %dma_start3A = tpu.memref_slice %arg3[%arg0, %mul3A_52] : memref<2x10240xf32, #tpu.memory_space<hbm>> -> memref<1x640xf32, #tpu.memory_space<hbm>>
      %dma_start3A_53 = tpu.memref_squeeze %dma_start3A : memref<1x640xf32, #tpu.memory_space<hbm>> -> memref<640xf32, #tpu.memory_space<hbm>>
      %dma_start3A_54 = tpu.memref_slice %arg7[%mul3A_50] : memref<10240xf32, #tpu.memory_space<vmem_shared>> -> memref<640xf32, #tpu.memory_space<vmem_shared>>
      tpu.enqueue_dma source(%dma_start3A_54 : memref<640xf32, #tpu.memory_space<vmem_shared>>) target(%dma_start3A_53 : memref<640xf32, #tpu.memory_space<hbm>>) target_semaphore(%run_scoped3A : memref<!tpu.dma_semaphore, #tpu.memory_space<semaphore_mem>>)
      %dma_wait3A = tpu.memref_slice %arg3[%arg0, %mul3A_52] : memref<2x10240xf32, #tpu.memory_space<hbm>> -> memref<1x640xf32, #tpu.memory_space<hbm>>
      %dma_wait3A_55 = tpu.memref_squeeze %dma_wait3A : memref<1x640xf32, #tpu.memory_space<hbm>> -> memref<640xf32, #tpu.memory_space<hbm>>
      %dma_wait3A_56 = tpu.memref_slice %arg7[%mul3A_50] : memref<10240xf32, #tpu.memory_space<vmem_shared>> -> memref<640xf32, #tpu.memory_space<vmem_shared>>
      tpu.wait_dma2 semaphore(%run_scoped3A : memref<!tpu.dma_semaphore, #tpu.memory_space<semaphore_mem>>) src(%dma_wait3A_56 : memref<640xf32, #tpu.memory_space<vmem_shared>>) dst(%dma_wait3A_55 : memref<640xf32, #tpu.memory_space<hbm>>)
      tpu.yield
    }) : () -> ()
    return
  }
}

#map = affine_map<(d0, d1) -> (0, 0)>
#map1 = affine_map<(d0, d1) -> (0, 0, 0)>
module attributes {stable_mosaic.version = 14 : i64} {
  func.func @k(%arg0: i32, %arg1: i32, %arg2: memref<10240x128xf32, #tpu.memory_space<hbm>>, %arg3: memref<32x128x80xi32, #tpu.memory_space<hbm>>, %arg4: memref<32x128x80xi32, #tpu.memory_space<hbm>>, %arg5: memref<2x10240x128xf32, #tpu.memory_space<hbm>>, %arg6: memref<16x80xi32, #tpu.memory_space<vmem>>, %arg7: memref<16x80xi32, #tpu.memory_space<vmem>>, %arg8: memref<80x128xf32, #tpu.memory_space<vmem>>, %arg9: memref<80x128xf32, #tpu.memory_space<vmem>>, %arg10: memref<80x128xf32, #tpu.memory_space<vmem>>, %arg11: memref<80x128xf32, #tpu.memory_space<vmem>>, %arg12: memref<16x128xf32, #tpu.memory_space<vmem>>, %arg13: memref<10240x128xf32, #tpu.memory_space<vmem_shared>>, %arg14: memref<!tpu.dma_semaphore, #tpu.memory_space<semaphore_mem>>, %arg15: memref<!tpu.dma_semaphore, #tpu.memory_space<semaphore_mem>>, %arg16: memref<!tpu.dma_semaphore, #tpu.memory_space<semaphore_mem>>, %arg17: memref<!tpu.dma_semaphore, #tpu.memory_space<semaphore_mem>>, %arg18: memref<!tpu.dma_semaphore, #tpu.memory_space<semaphore_mem>>, %arg19: memref<!tpu.dma_semaphore, #tpu.memory_space<semaphore_mem>>, %arg20: memref<!tpu.dma_semaphore, #tpu.memory_space<semaphore_mem>>, %arg21: memref<!tpu.dma_semaphore, #tpu.memory_space<semaphore_mem>>, %arg22: memref<!tpu.dma_semaphore, #tpu.memory_space<semaphore_mem>>, %arg23: memref<!tpu.dma_semaphore, #tpu.memory_space<semaphore_mem>>, %arg24: memref<!tpu.dma_semaphore, #tpu.memory_space<semaphore_mem>>) attributes {dimension_semantics = [#tpu.dimension_semantics<core_parallel>, #tpu.dimension_semantics<subcore_parallel>], iteration_bounds = array<i64: 2, 16>, scalar_prefetch = 0 : i64, scratch_operands = 19 : i64, tpu.core_type = #tpu.core_type<sc_vector_subcore>, window_params = [{transform_indices = #map}, {transform_indices = #map1}, {transform_indices = #map1}, {transform_indices = #map1}]} {
    %mul3A = arith.constant 16 : i32
    %mul3A_0 = arith.muli %arg0, %mul3A : i32
    %add3A = arith.addi %mul3A_0, %arg1 : i32
    "tpu.region"() ({
      %run_scoped3A = tpu.sem_alloc : memref<!tpu.dma_semaphore, #tpu.memory_space<semaphore_mem>>
      %dma_start3A_793 = arith.constant 0 : i32
      %dma_start3A_794 = arith.constant 0 : i32
      %dma_start3A_795 = tpu.memref_slice %arg6[%dma_start3A_793, %dma_start3A_794] : memref<16x80xi32, #tpu.memory_space<vmem>> -> memref<8x80xi32, #tpu.memory_space<vmem>>
      %dma_start3A_796 = arith.constant 0 : i32
      %dma_start3A_797 = arith.constant 0 : i32
      %dma_start3A_798 = tpu.memref_slice %arg3[%add3A, %dma_start3A_796, %dma_start3A_797] : memref<32x128x80xi32, #tpu.memory_space<hbm>> -> memref<1x8x80xi32, #tpu.memory_space<hbm>>
      %dma_start3A_799 = tpu.memref_squeeze %dma_start3A_798 : memref<1x8x80xi32, #tpu.memory_space<hbm>> -> memref<8x80xi32, #tpu.memory_space<hbm>>
      %dma_start3A_800 = arith.constant 0 : i32
      %dma_start3A_801 = arith.constant 0 : i32
      %dma_start3A_802 = tpu.memref_slice %arg6[%dma_start3A_800, %dma_start3A_801] : memref<16x80xi32, #tpu.memory_space<vmem>> -> memref<8x80xi32, #tpu.memory_space<vmem>>
      %dma_start3A_803 = arith.constant 0 : i32
      %dma_start3A_804 = arith.constant 0 : i32
      %dma_start3A_805 = tpu.memref_slice %arg3[%add3A, %dma_start3A_803, %dma_start3A_804] : memref<32x128x80xi32, #tpu.memory_space<hbm>> -> memref<1x8x80xi32, #tpu.memory_space<hbm>>
      %dma_start3A_806 = tpu.memref_squeeze %dma_start3A_805 : memref<1x8x80xi32, #tpu.memory_space<hbm>> -> memref<8x80xi32, #tpu.memory_space<hbm>>
      tpu.enqueue_dma source(%dma_start3A_806 : memref<8x80xi32, #tpu.memory_space<hbm>>) target(%dma_start3A_802 : memref<8x80xi32, #tpu.memory_space<vmem>>) target_semaphore(%run_scoped3A : memref<!tpu.dma_semaphore, #tpu.memory_space<semaphore_mem>>)
      %dma_wait3A_807 = arith.constant 0 : i32
      %dma_wait3A_808 = arith.constant 0 : i32
      %dma_wait3A_809 = tpu.memref_slice %arg6[%dma_wait3A_807, %dma_wait3A_808] : memref<16x80xi32, #tpu.memory_space<vmem>> -> memref<8x80xi32, #tpu.memory_space<vmem>>
      %dma_wait3A_810 = arith.constant 0 : i32
      %dma_wait3A_811 = arith.constant 0 : i32
      %dma_wait3A_812 = tpu.memref_slice %arg3[%add3A, %dma_wait3A_810, %dma_wait3A_811] : memref<32x128x80xi32, #tpu.memory_space<hbm>> -> memref<1x8x80xi32, #tpu.memory_space<hbm>>
      %dma_wait3A_813 = tpu.memref_squeeze %dma_wait3A_812 : memref<1x8x80xi32, #tpu.memory_space<hbm>> -> memref<8x80xi32, #tpu.memory_space<hbm>>
      %dma_wait3A_814 = arith.constant 0 : i32
      %dma_wait3A_815 = arith.constant 0 : i32
      %dma_wait3A_816 = tpu.memref_slice %arg6[%dma_wait3A_814, %dma_wait3A_815] : memref<16x80xi32, #tpu.memory_space<vmem>> -> memref<8x80xi32, #tpu.memory_space<vmem>>
      %dma_wait3A_817 = arith.constant 0 : i32
      %dma_wait3A_818 = arith.constant 0 : i32
      %dma_wait3A_819 = tpu.memref_slice %arg3[%add3A, %dma_wait3A_817, %dma_wait3A_818] : memref<32x128x80xi32, #tpu.memory_space<hbm>> -> memref<1x8x80xi32, #tpu.memory_space<hbm>>
      %dma_wait3A_820 = tpu.memref_squeeze %dma_wait3A_819 : memref<1x8x80xi32, #tpu.memory_space<hbm>> -> memref<8x80xi32, #tpu.memory_space<hbm>>
      tpu.wait_dma2 semaphore(%run_scoped3A : memref<!tpu.dma_semaphore, #tpu.memory_space<semaphore_mem>>) src(%dma_wait3A_820 : memref<8x80xi32, #tpu.memory_space<hbm>>) dst(%dma_wait3A_816 : memref<8x80xi32, #tpu.memory_space<vmem>>)
      tpu.yield
    }) : () -> ()
    "tpu.region"() ({
      %run_scoped3A = tpu.sem_alloc : memref<!tpu.dma_semaphore, #tpu.memory_space<semaphore_mem>>
      %dma_start3A_793 = arith.constant 0 : i32
      %dma_start3A_794 = arith.constant 0 : i32
      %dma_start3A_795 = tpu.memref_slice %arg7[%dma_start3A_793, %dma_start3A_794] : memref<16x80xi32, #tpu.memory_space<vmem>> -> memref<8x80xi32, #tpu.memory_space<vmem>>
      %dma_start3A_796 = arith.constant 0 : i32
      %dma_start3A_797 = arith.constant 0 : i32
      %dma_start3A_798 = tpu.memref_slice %arg4[%add3A, %dma_start3A_796, %dma_start3A_797] : memref<32x128x80xi32, #tpu.memory_space<hbm>> -> memref<1x8x80xi32, #tpu.memory_space<hbm>>
      %dma_start3A_799 = tpu.memref_squeeze %dma_start3A_798 : memref<1x8x80xi32, #tpu.memory_space<hbm>> -> memref<8x80xi32, #tpu.memory_space<hbm>>
      %dma_start3A_800 = arith.constant 0 : i32
      %dma_start3A_801 = arith.constant 0 : i32
      %dma_start3A_802 = tpu.memref_slice %arg7[%dma_start3A_800, %dma_start3A_801] : memref<16x80xi32, #tpu.memory_space<vmem>> -> memref<8x80xi32, #tpu.memory_space<vmem>>
      %dma_start3A_803 = arith.constant 0 : i32
      %dma_start3A_804 = arith.constant 0 : i32
      %dma_start3A_805 = tpu.memref_slice %arg4[%add3A, %dma_start3A_803, %dma_start3A_804] : memref<32x128x80xi32, #tpu.memory_space<hbm>> -> memref<1x8x80xi32, #tpu.memory_space<hbm>>
      %dma_start3A_806 = tpu.memref_squeeze %dma_start3A_805 : memref<1x8x80xi32, #tpu.memory_space<hbm>> -> memref<8x80xi32, #tpu.memory_space<hbm>>
      tpu.enqueue_dma source(%dma_start3A_806 : memref<8x80xi32, #tpu.memory_space<hbm>>) target(%dma_start3A_802 : memref<8x80xi32, #tpu.memory_space<vmem>>) target_semaphore(%run_scoped3A : memref<!tpu.dma_semaphore, #tpu.memory_space<semaphore_mem>>)
      %dma_wait3A_807 = arith.constant 0 : i32
      %dma_wait3A_808 = arith.constant 0 : i32
      %dma_wait3A_809 = tpu.memref_slice %arg7[%dma_wait3A_807, %dma_wait3A_808] : memref<16x80xi32, #tpu.memory_space<vmem>> -> memref<8x80xi32, #tpu.memory_space<vmem>>
      %dma_wait3A_810 = arith.constant 0 : i32
      %dma_wait3A_811 = arith.constant 0 : i32
      %dma_wait3A_812 = tpu.memref_slice %arg4[%add3A, %dma_wait3A_810, %dma_wait3A_811] : memref<32x128x80xi32, #tpu.memory_space<hbm>> -> memref<1x8x80xi32, #tpu.memory_space<hbm>>
      %dma_wait3A_813 = tpu.memref_squeeze %dma_wait3A_812 : memref<1x8x80xi32, #tpu.memory_space<hbm>> -> memref<8x80xi32, #tpu.memory_space<hbm>>
      %dma_wait3A_814 = arith.constant 0 : i32
      %dma_wait3A_815 = arith.constant 0 : i32
      %dma_wait3A_816 = tpu.memref_slice %arg7[%dma_wait3A_814, %dma_wait3A_815] : memref<16x80xi32, #tpu.memory_space<vmem>> -> memref<8x80xi32, #tpu.memory_space<vmem>>
      %dma_wait3A_817 = arith.constant 0 : i32
      %dma_wait3A_818 = arith.constant 0 : i32
      %dma_wait3A_819 = tpu.memref_slice %arg4[%add3A, %dma_wait3A_817, %dma_wait3A_818] : memref<32x128x80xi32, #tpu.memory_space<hbm>> -> memref<1x8x80xi32, #tpu.memory_space<hbm>>
      %dma_wait3A_820 = tpu.memref_squeeze %dma_wait3A_819 : memref<1x8x80xi32, #tpu.memory_space<hbm>> -> memref<8x80xi32, #tpu.memory_space<hbm>>
      tpu.wait_dma2 semaphore(%run_scoped3A : memref<!tpu.dma_semaphore, #tpu.memory_space<semaphore_mem>>) src(%dma_wait3A_820 : memref<8x80xi32, #tpu.memory_space<hbm>>) dst(%dma_wait3A_816 : memref<8x80xi32, #tpu.memory_space<vmem>>)
      tpu.yield
    }) : () -> ()
    %dma_start3A = arith.constant 0 : i32
    %dma_start3A_1 = arith.constant 0 : i32
    %dma_start3A_2 = tpu.memref_slice %arg6[%dma_start3A, %dma_start3A_1] : memref<16x80xi32, #tpu.memory_space<vmem>> -> memref<1x80xi32, #tpu.memory_space<vmem>>
    %dma_start3A_3 = tpu.memref_squeeze %dma_start3A_2 : memref<1x80xi32, #tpu.memory_space<vmem>> -> memref<80xi32, #tpu.memory_space<vmem>>
    %dma_start3A_4 = arith.constant 0 : i32
    %dma_start3A_5 = arith.constant 0 : i32
    %dma_start3A_6 = tpu.memref_slice %arg2[%dma_start3A_4, %dma_start3A_5] : memref<10240x128xf32, #tpu.memory_space<hbm>> -> memref<10240x128xf32, #tpu.memory_space<hbm>>
    tpu.enqueue_indirect_dma source(%dma_start3A_6 : memref<10240x128xf32, #tpu.memory_space<hbm>>) target(%arg8 : memref<80x128xf32, #tpu.memory_space<vmem>>) offsets(%dma_start3A_3 : memref<80xi32, #tpu.memory_space<vmem>>) semaphore(%arg14 : memref<!tpu.dma_semaphore, #tpu.memory_space<semaphore_mem>>)
    %dma_start3A_7 = arith.constant 1 : i32
    %dma_start3A_8 = arith.constant 0 : i32
    %dma_start3A_9 = tpu.memref_slice %arg6[%dma_start3A_7, %dma_start3A_8] : memref<16x80xi32, #tpu.memory_space<vmem>> -> memref<1x80xi32, #tpu.memory_space<vmem>>
    %dma_start3A_10 = tpu.memref_squeeze %dma_start3A_9 : memref<1x80xi32, #tpu.memory_space<vmem>> -> memref<80xi32, #tpu.memory_space<vmem>>
    %dma_start3A_11 = arith.constant 0 : i32
    %dma_start3A_12 = arith.constant 0 : i32
    %dma_start3A_13 = tpu.memref_slice %arg2[%dma_start3A_11, %dma_start3A_12] : memref<10240x128xf32, #tpu.memory_space<hbm>> -> memref<10240x128xf32, #tpu.memory_space<hbm>>
    tpu.enqueue_indirect_dma source(%dma_start3A_13 : memref<10240x128xf32, #tpu.memory_space<hbm>>) target(%arg9 : memref<80x128xf32, #tpu.memory_space<vmem>>) offsets(%dma_start3A_10 : memref<80xi32, #tpu.memory_space<vmem>>) semaphore(%arg15 : memref<!tpu.dma_semaphore, #tpu.memory_space<semaphore_mem>>)
    %broadcast_in_dim3A = arith.constant 0.000000e+00 : f32
    %broadcast_in_dim3A_14 = vector.broadcast %broadcast_in_dim3A : f32 to vector<16xf32>
    %scan3A = arith.constant 0 : i32
    %scan3A_15 = arith.constant 0 : i32
    %scan3A_16 = arith.constant 128 : i32
    %scan3A_17 = arith.addi %scan3A_15, %scan3A_16 : i32
    %scan3A_18 = arith.constant 1 : i32
    scf.for %scan3A_793 = %scan3A_15 to %scan3A_17 step %scan3A_18  : i32 {
      %jit3A = arith.constant 8 : i32
      %div3A = arith.divsi %scan3A_793, %jit3A : i32
      %sign3A = arith.constant 0 : i32
      %sign3A_794 = arith.cmpi sgt, %scan3A_793, %sign3A : i32
      %sign3A_795 = arith.extui %sign3A_794 : i1 to i32
      %sign3A_796 = arith.constant 0 : i32
      %sign3A_797 = arith.cmpi slt, %scan3A_793, %sign3A_796 : i32
      %sign3A_798 = arith.extui %sign3A_797 : i1 to i32
      %sign3A_799 = arith.subi %sign3A_795, %sign3A_798 : i32
      %sign3A_800 = arith.constant 0 : i32
      %sign3A_801 = arith.cmpi sgt, %jit3A, %sign3A_800 : i32
      %sign3A_802 = arith.extui %sign3A_801 : i1 to i32
      %sign3A_803 = arith.constant 0 : i32
      %sign3A_804 = arith.cmpi slt, %jit3A, %sign3A_803 : i32
      %sign3A_805 = arith.extui %sign3A_804 : i1 to i32
      %sign3A_806 = arith.subi %sign3A_802, %sign3A_805 : i32
      %ne3A = arith.cmpi ne, %sign3A_799, %sign3A_806 : i32
      %rem3A_807 = arith.remsi %scan3A_793, %jit3A : i32
      %ne3A_808 = arith.constant 0 : i32
      %ne3A_809 = arith.cmpi ne, %rem3A_807, %ne3A_808 : i32
      %and3A = arith.andi %ne3A, %ne3A_809 : i1
      %sub3A = arith.constant 1 : i32
      %sub3A_810 = arith.subi %div3A, %sub3A : i32
      %select_n3A = arith.select %and3A, %sub3A_810, %div3A : i32
      %jit3A_811 = arith.constant 8 : i32
      %eq3A = arith.constant 0 : i32
      %eq3A_812 = arith.cmpi eq, %jit3A_811, %eq3A : i32
      %jit3A_813 = arith.constant 1 : i32
      %select_n3A_814 = arith.select %eq3A_812, %jit3A_813, %jit3A_811 : i32
      %rem3A_815 = arith.remsi %scan3A_793, %select_n3A_814 : i32
      %ne3A_816 = arith.constant 0 : i32
      %ne3A_817 = arith.cmpi ne, %rem3A_815, %ne3A_816 : i32
      %lt3A = arith.constant 0 : i32
      %lt3A_818 = arith.cmpi slt, %rem3A_815, %lt3A : i32
      %lt3A_819 = arith.constant 0 : i32
      %lt3A_820 = arith.cmpi slt, %select_n3A_814, %lt3A_819 : i32
      %ne3A_821 = arith.xori %lt3A_818, %lt3A_820 : i1
      %and3A_822 = arith.andi %ne3A_821, %ne3A_817 : i1
      %add3A_823 = arith.addi %rem3A_815, %select_n3A_814 : i32
      %select_n3A_824 = arith.select %and3A_822, %add3A_823, %rem3A_815 : i32
      %mul3A_825 = arith.constant 16 : i32
      %mul3A_826 = arith.muli %select_n3A_824, %mul3A_825 : i32
      %swap3A = arith.index_cast %select_n3A : i32 to index
      %swap3A_827 = arith.index_cast %mul3A_826 : i32 to index
      %swap3A_828 = tpu.vector_load %arg12[%swap3A, %swap3A_827] {strides = array<i32>} : memref<16x128xf32, #tpu.memory_space<vmem>>, vector<1x16xf32>,
      %swap3A_829 = vector.shape_cast %swap3A_828 : vector<1x16xf32> to vector<16xf32>
      %swap3A_830 = vector.shape_cast %broadcast_in_dim3A_14 : vector<16xf32> to vector<1x16xf32>
      tpu.vector_store %arg12[%swap3A, %swap3A_827], %swap3A_830 {strides = array<i32>} : memref<16x128xf32, #tpu.memory_space<vmem>>, vector<1x16xf32>,
    }
    %scan3A_19 = arith.constant 128 : i32
    %mul3A_20 = arith.constant 640 : i32
    %mul3A_21 = arith.muli %arg1, %mul3A_20 : i32
    %add3A_22 = arith.constant 0 : i32
    %add3A_23 = arith.addi %mul3A_21, %add3A_22 : i32
    %dma_start3A_24 = arith.constant 0 : i32
    %dma_start3A_25 = tpu.memref_slice %arg13[%add3A_23, %dma_start3A_24] : memref<10240x128xf32, #tpu.memory_space<vmem_shared>> -> memref<16x128xf32, #tpu.memory_space<vmem_shared>>
    %dma_start3A_26 = arith.constant 0 : i32
    %dma_start3A_27 = tpu.memref_slice %arg13[%add3A_23, %dma_start3A_26] : memref<10240x128xf32, #tpu.memory_space<vmem_shared>> -> memref<16x128xf32, #tpu.memory_space<vmem_shared>>
    tpu.enqueue_dma source(%arg12 : memref<16x128xf32, #tpu.memory_space<vmem>>) target(%dma_start3A_27 : memref<16x128xf32, #tpu.memory_space<vmem_shared>>) target_semaphore(%arg24 : memref<!tpu.dma_semaphore, #tpu.memory_space<semaphore_mem>>)
    %mul3A_28 = arith.constant 640 : i32
    %mul3A_29 = arith.muli %arg1, %mul3A_28 : i32
    %add3A_30 = arith.constant 16 : i32
    %add3A_31 = arith.addi %mul3A_29, %add3A_30 : i32
    %dma_start3A_32 = arith.constant 0 : i32
    %dma_start3A_33 = tpu.memref_slice %arg13[%add3A_31, %dma_start3A_32] : memref<10240x128xf32, #tpu.memory_space<vmem_shared>> -> memref<16x128xf32, #tpu.memory_space<vmem_shared>>
    %dma_start3A_34 = arith.constant 0 : i32
    %dma_start3A_35 = tpu.memref_slice %arg13[%add3A_31, %dma_start3A_34] : memref<10240x128xf32, #tpu.memory_space<vmem_shared>> -> memref<16x128xf32, #tpu.memory_space<vmem_shared>>
    tpu.enqueue_dma source(%arg12 : memref<16x128xf32, #tpu.memory_space<vmem>>) target(%dma_start3A_35 : memref<16x128xf32, #tpu.memory_space<vmem_shared>>) target_semaphore(%arg24 : memref<!tpu.dma_semaphore, #tpu.memory_space<semaphore_mem>>)
    %mul3A_36 = arith.constant 640 : i32
    %mul3A_37 = arith.muli %arg1, %mul3A_36 : i32
    %add3A_38 = arith.constant 32 : i32
    %add3A_39 = arith.addi %mul3A_37, %add3A_38 : i32
    %dma_start3A_40 = arith.constant 0 : i32
    %dma_start3A_41 = tpu.memref_slice %arg13[%add3A_39, %dma_start3A_40] : memref<10240x128xf32, #tpu.memory_space<vmem_shared>> -> memref<16x128xf32, #tpu.memory_space<vmem_shared>>
    %dma_start3A_42 = arith.constant 0 : i32
    %dma_start3A_43 = tpu.memref_slice %arg13[%add3A_39, %dma_start3A_42] : memref<10240x128xf32, #tpu.memory_space<vmem_shared>> -> memref<16x128xf32, #tpu.memory_space<vmem_shared>>
    tpu.enqueue_dma source(%arg12 : memref<16x128xf32, #tpu.memory_space<vmem>>) target(%dma_start3A_43 : memref<16x128xf32, #tpu.memory_space<vmem_shared>>) target_semaphore(%arg24 : memref<!tpu.dma_semaphore, #tpu.memory_space<semaphore_mem>>)
    %mul3A_44 = arith.constant 640 : i32
    %mul3A_45 = arith.muli %arg1, %mul3A_44 : i32
    %add3A_46 = arith.constant 48 : i32
    %add3A_47 = arith.addi %mul3A_45, %add3A_46 : i32
    %dma_start3A_48 = arith.constant 0 : i32
    %dma_start3A_49 = tpu.memref_slice %arg13[%add3A_47, %dma_start3A_48] : memref<10240x128xf32, #tpu.memory_space<vmem_shared>> -> memref<16x128xf32, #tpu.memory_space<vmem_shared>>
    %dma_start3A_50 = arith.constant 0 : i32
    %dma_start3A_51 = tpu.memref_slice %arg13[%add3A_47, %dma_start3A_50] : memref<10240x128xf32, #tpu.memory_space<vmem_shared>> -> memref<16x128xf32, #tpu.memory_space<vmem_shared>>
    tpu.enqueue_dma source(%arg12 : memref<16x128xf32, #tpu.memory_space<vmem>>) target(%dma_start3A_51 : memref<16x128xf32, #tpu.memory_space<vmem_shared>>) target_semaphore(%arg24 : memref<!tpu.dma_semaphore, #tpu.memory_space<semaphore_mem>>)
    %mul3A_52 = arith.constant 640 : i32
    %mul3A_53 = arith.muli %arg1, %mul3A_52 : i32
    %add3A_54 = arith.constant 64 : i32
    %add3A_55 = arith.addi %mul3A_53, %add3A_54 : i32
    %dma_start3A_56 = arith.constant 0 : i32
    %dma_start3A_57 = tpu.memref_slice %arg13[%add3A_55, %dma_start3A_56] : memref<10240x128xf32, #tpu.memory_space<vmem_shared>> -> memref<16x128xf32, #tpu.memory_space<vmem_shared>>
    %dma_start3A_58 = arith.constant 0 : i32
    %dma_start3A_59 = tpu.memref_slice %arg13[%add3A_55, %dma_start3A_58] : memref<10240x128xf32, #tpu.memory_space<vmem_shared>> -> memref<16x128xf32, #tpu.memory_space<vmem_shared>>
    tpu.enqueue_dma source(%arg12 : memref<16x128xf32, #tpu.memory_space<vmem>>) target(%dma_start3A_59 : memref<16x128xf32, #tpu.memory_space<vmem_shared>>) target_semaphore(%arg24 : memref<!tpu.dma_semaphore, #tpu.memory_space<semaphore_mem>>)
    %mul3A_60 = arith.constant 640 : i32
    %mul3A_61 = arith.muli %arg1, %mul3A_60 : i32
    %add3A_62 = arith.constant 80 : i32
    %add3A_63 = arith.addi %mul3A_61, %add3A_62 : i32
    %dma_start3A_64 = arith.constant 0 : i32
    %dma_start3A_65 = tpu.memref_slice %arg13[%add3A_63, %dma_start3A_64] : memref<10240x128xf32, #tpu.memory_space<vmem_shared>> -> memref<16x128xf32, #tpu.memory_space<vmem_shared>>
    %dma_start3A_66 = arith.constant 0 : i32
    %dma_start3A_67 = tpu.memref_slice %arg13[%add3A_63, %dma_start3A_66] : memref<10240x128xf32, #tpu.memory_space<vmem_shared>> -> memref<16x128xf32, #tpu.memory_space<vmem_shared>>
    tpu.enqueue_dma source(%arg12 : memref<16x128xf32, #tpu.memory_space<vmem>>) target(%dma_start3A_67 : memref<16x128xf32, #tpu.memory_space<vmem_shared>>) target_semaphore(%arg24 : memref<!tpu.dma_semaphore, #tpu.memory_space<semaphore_mem>>)
    %mul3A_68 = arith.constant 640 : i32
    %mul3A_69 = arith.muli %arg1, %mul3A_68 : i32
    %add3A_70 = arith.constant 96 : i32
    %add3A_71 = arith.addi %mul3A_69, %add3A_70 : i32
    %dma_start3A_72 = arith.constant 0 : i32
    %dma_start3A_73 = tpu.memref_slice %arg13[%add3A_71, %dma_start3A_72] : memref<10240x128xf32, #tpu.memory_space<vmem_shared>> -> memref<16x128xf32, #tpu.memory_space<vmem_shared>>
    %dma_start3A_74 = arith.constant 0 : i32
    %dma_start3A_75 = tpu.memref_slice %arg13[%add3A_71, %dma_start3A_74] : memref<10240x128xf32, #tpu.memory_space<vmem_shared>> -> memref<16x128xf32, #tpu.memory_space<vmem_shared>>
    tpu.enqueue_dma source(%arg12 : memref<16x128xf32, #tpu.memory_space<vmem>>) target(%dma_start3A_75 : memref<16x128xf32, #tpu.memory_space<vmem_shared>>) target_semaphore(%arg24 : memref<!tpu.dma_semaphore, #tpu.memory_space<semaphore_mem>>)
    %mul3A_76 = arith.constant 640 : i32
    %mul3A_77 = arith.muli %arg1, %mul3A_76 : i32
    %add3A_78 = arith.constant 112 : i32
    %add3A_79 = arith.addi %mul3A_77, %add3A_78 : i32
    %dma_start3A_80 = arith.constant 0 : i32
    %dma_start3A_81 = tpu.memref_slice %arg13[%add3A_79, %dma_start3A_80] : memref<10240x128xf32, #tpu.memory_space<vmem_shared>> -> memref<16x128xf32, #tpu.memory_space<vmem_shared>>
    %dma_start3A_82 = arith.constant 0 : i32
    %dma_start3A_83 = tpu.memref_slice %arg13[%add3A_79, %dma_start3A_82] : memref<10240x128xf32, #tpu.memory_space<vmem_shared>> -> memref<16x128xf32, #tpu.memory_space<vmem_shared>>
    tpu.enqueue_dma source(%arg12 : memref<16x128xf32, #tpu.memory_space<vmem>>) target(%dma_start3A_83 : memref<16x128xf32, #tpu.memory_space<vmem_shared>>) target_semaphore(%arg24 : memref<!tpu.dma_semaphore, #tpu.memory_space<semaphore_mem>>)
    %mul3A_84 = arith.constant 640 : i32
    %mul3A_85 = arith.muli %arg1, %mul3A_84 : i32
    %add3A_86 = arith.constant 128 : i32
    %add3A_87 = arith.addi %mul3A_85, %add3A_86 : i32
    %dma_start3A_88 = arith.constant 0 : i32
    %dma_start3A_89 = tpu.memref_slice %arg13[%add3A_87, %dma_start3A_88] : memref<10240x128xf32, #tpu.memory_space<vmem_shared>> -> memref<16x128xf32, #tpu.memory_space<vmem_shared>>
    %dma_start3A_90 = arith.constant 0 : i32
    %dma_start3A_91 = tpu.memref_slice %arg13[%add3A_87, %dma_start3A_90] : memref<10240x128xf32, #tpu.memory_space<vmem_shared>> -> memref<16x128xf32, #tpu.memory_space<vmem_shared>>
    tpu.enqueue_dma source(%arg12 : memref<16x128xf32, #tpu.memory_space<vmem>>) target(%dma_start3A_91 : memref<16x128xf32, #tpu.memory_space<vmem_shared>>) target_semaphore(%arg24 : memref<!tpu.dma_semaphore, #tpu.memory_space<semaphore_mem>>)
    %mul3A_92 = arith.constant 640 : i32
    %mul3A_93 = arith.muli %arg1, %mul3A_92 : i32
    %add3A_94 = arith.constant 144 : i32
    %add3A_95 = arith.addi %mul3A_93, %add3A_94 : i32
    %dma_start3A_96 = arith.constant 0 : i32
    %dma_start3A_97 = tpu.memref_slice %arg13[%add3A_95, %dma_start3A_96] : memref<10240x128xf32, #tpu.memory_space<vmem_shared>> -> memref<16x128xf32, #tpu.memory_space<vmem_shared>>
    %dma_start3A_98 = arith.constant 0 : i32
    %dma_start3A_99 = tpu.memref_slice %arg13[%add3A_95, %dma_start3A_98] : memref<10240x128xf32, #tpu.memory_space<vmem_shared>> -> memref<16x128xf32, #tpu.memory_space<vmem_shared>>
    tpu.enqueue_dma source(%arg12 : memref<16x128xf32, #tpu.memory_space<vmem>>) target(%dma_start3A_99 : memref<16x128xf32, #tpu.memory_space<vmem_shared>>) target_semaphore(%arg24 : memref<!tpu.dma_semaphore, #tpu.memory_space<semaphore_mem>>)
    %mul3A_100 = arith.constant 640 : i32
    %mul3A_101 = arith.muli %arg1, %mul3A_100 : i32
    %add3A_102 = arith.constant 160 : i32
    %add3A_103 = arith.addi %mul3A_101, %add3A_102 : i32
    %dma_start3A_104 = arith.constant 0 : i32
    %dma_start3A_105 = tpu.memref_slice %arg13[%add3A_103, %dma_start3A_104] : memref<10240x128xf32, #tpu.memory_space<vmem_shared>> -> memref<16x128xf32, #tpu.memory_space<vmem_shared>>
    %dma_start3A_106 = arith.constant 0 : i32
    %dma_start3A_107 = tpu.memref_slice %arg13[%add3A_103, %dma_start3A_106] : memref<10240x128xf32, #tpu.memory_space<vmem_shared>> -> memref<16x128xf32, #tpu.memory_space<vmem_shared>>
    tpu.enqueue_dma source(%arg12 : memref<16x128xf32, #tpu.memory_space<vmem>>) target(%dma_start3A_107 : memref<16x128xf32, #tpu.memory_space<vmem_shared>>) target_semaphore(%arg24 : memref<!tpu.dma_semaphore, #tpu.memory_space<semaphore_mem>>)
    %mul3A_108 = arith.constant 640 : i32
    %mul3A_109 = arith.muli %arg1, %mul3A_108 : i32
    %add3A_110 = arith.constant 176 : i32
    %add3A_111 = arith.addi %mul3A_109, %add3A_110 : i32
    %dma_start3A_112 = arith.constant 0 : i32
    %dma_start3A_113 = tpu.memref_slice %arg13[%add3A_111, %dma_start3A_112] : memref<10240x128xf32, #tpu.memory_space<vmem_shared>> -> memref<16x128xf32, #tpu.memory_space<vmem_shared>>
    %dma_start3A_114 = arith.constant 0 : i32
    %dma_start3A_115 = tpu.memref_slice %arg13[%add3A_111, %dma_start3A_114] : memref<10240x128xf32, #tpu.memory_space<vmem_shared>> -> memref<16x128xf32, #tpu.memory_space<vmem_shared>>
    tpu.enqueue_dma source(%arg12 : memref<16x128xf32, #tpu.memory_space<vmem>>) target(%dma_start3A_115 : memref<16x128xf32, #tpu.memory_space<vmem_shared>>) target_semaphore(%arg24 : memref<!tpu.dma_semaphore, #tpu.memory_space<semaphore_mem>>)
    %mul3A_116 = arith.constant 640 : i32
    %mul3A_117 = arith.muli %arg1, %mul3A_116 : i32
    %add3A_118 = arith.constant 192 : i32
    %add3A_119 = arith.addi %mul3A_117, %add3A_118 : i32
    %dma_start3A_120 = arith.constant 0 : i32
    %dma_start3A_121 = tpu.memref_slice %arg13[%add3A_119, %dma_start3A_120] : memref<10240x128xf32, #tpu.memory_space<vmem_shared>> -> memref<16x128xf32, #tpu.memory_space<vmem_shared>>
    %dma_start3A_122 = arith.constant 0 : i32
    %dma_start3A_123 = tpu.memref_slice %arg13[%add3A_119, %dma_start3A_122] : memref<10240x128xf32, #tpu.memory_space<vmem_shared>> -> memref<16x128xf32, #tpu.memory_space<vmem_shared>>
    tpu.enqueue_dma source(%arg12 : memref<16x128xf32, #tpu.memory_space<vmem>>) target(%dma_start3A_123 : memref<16x128xf32, #tpu.memory_space<vmem_shared>>) target_semaphore(%arg24 : memref<!tpu.dma_semaphore, #tpu.memory_space<semaphore_mem>>)
    %mul3A_124 = arith.constant 640 : i32
    %mul3A_125 = arith.muli %arg1, %mul3A_124 : i32
    %add3A_126 = arith.constant 208 : i32
    %add3A_127 = arith.addi %mul3A_125, %add3A_126 : i32
    %dma_start3A_128 = arith.constant 0 : i32
    %dma_start3A_129 = tpu.memref_slice %arg13[%add3A_127, %dma_start3A_128] : memref<10240x128xf32, #tpu.memory_space<vmem_shared>> -> memref<16x128xf32, #tpu.memory_space<vmem_shared>>
    %dma_start3A_130 = arith.constant 0 : i32
    %dma_start3A_131 = tpu.memref_slice %arg13[%add3A_127, %dma_start3A_130] : memref<10240x128xf32, #tpu.memory_space<vmem_shared>> -> memref<16x128xf32, #tpu.memory_space<vmem_shared>>
    tpu.enqueue_dma source(%arg12 : memref<16x128xf32, #tpu.memory_space<vmem>>) target(%dma_start3A_131 : memref<16x128xf32, #tpu.memory_space<vmem_shared>>) target_semaphore(%arg24 : memref<!tpu.dma_semaphore, #tpu.memory_space<semaphore_mem>>)
    %mul3A_132 = arith.constant 640 : i32
    %mul3A_133 = arith.muli %arg1, %mul3A_132 : i32
    %add3A_134 = arith.constant 224 : i32
    %add3A_135 = arith.addi %mul3A_133, %add3A_134 : i32
    %dma_start3A_136 = arith.constant 0 : i32
    %dma_start3A_137 = tpu.memref_slice %arg13[%add3A_135, %dma_start3A_136] : memref<10240x128xf32, #tpu.memory_space<vmem_shared>> -> memref<16x128xf32, #tpu.memory_space<vmem_shared>>
    %dma_start3A_138 = arith.constant 0 : i32
    %dma_start3A_139 = tpu.memref_slice %arg13[%add3A_135, %dma_start3A_138] : memref<10240x128xf32, #tpu.memory_space<vmem_shared>> -> memref<16x128xf32, #tpu.memory_space<vmem_shared>>
    tpu.enqueue_dma source(%arg12 : memref<16x128xf32, #tpu.memory_space<vmem>>) target(%dma_start3A_139 : memref<16x128xf32, #tpu.memory_space<vmem_shared>>) target_semaphore(%arg24 : memref<!tpu.dma_semaphore, #tpu.memory_space<semaphore_mem>>)
    %mul3A_140 = arith.constant 640 : i32
    %mul3A_141 = arith.muli %arg1, %mul3A_140 : i32
    %add3A_142 = arith.constant 240 : i32
    %add3A_143 = arith.addi %mul3A_141, %add3A_142 : i32
    %dma_start3A_144 = arith.constant 0 : i32
    %dma_start3A_145 = tpu.memref_slice %arg13[%add3A_143, %dma_start3A_144] : memref<10240x128xf32, #tpu.memory_space<vmem_shared>> -> memref<16x128xf32, #tpu.memory_space<vmem_shared>>
    %dma_start3A_146 = arith.constant 0 : i32
    %dma_start3A_147 = tpu.memref_slice %arg13[%add3A_143, %dma_start3A_146] : memref<10240x128xf32, #tpu.memory_space<vmem_shared>> -> memref<16x128xf32, #tpu.memory_space<vmem_shared>>
    tpu.enqueue_dma source(%arg12 : memref<16x128xf32, #tpu.memory_space<vmem>>) target(%dma_start3A_147 : memref<16x128xf32, #tpu.memory_space<vmem_shared>>) target_semaphore(%arg24 : memref<!tpu.dma_semaphore, #tpu.memory_space<semaphore_mem>>)
    %mul3A_148 = arith.constant 640 : i32
    %mul3A_149 = arith.muli %arg1, %mul3A_148 : i32
    %add3A_150 = arith.constant 256 : i32
    %add3A_151 = arith.addi %mul3A_149, %add3A_150 : i32
    %dma_start3A_152 = arith.constant 0 : i32
    %dma_start3A_153 = tpu.memref_slice %arg13[%add3A_151, %dma_start3A_152] : memref<10240x128xf32, #tpu.memory_space<vmem_shared>> -> memref<16x128xf32, #tpu.memory_space<vmem_shared>>
    %dma_start3A_154 = arith.constant 0 : i32
    %dma_start3A_155 = tpu.memref_slice %arg13[%add3A_151, %dma_start3A_154] : memref<10240x128xf32, #tpu.memory_space<vmem_shared>> -> memref<16x128xf32, #tpu.memory_space<vmem_shared>>
    tpu.enqueue_dma source(%arg12 : memref<16x128xf32, #tpu.memory_space<vmem>>) target(%dma_start3A_155 : memref<16x128xf32, #tpu.memory_space<vmem_shared>>) target_semaphore(%arg24 : memref<!tpu.dma_semaphore, #tpu.memory_space<semaphore_mem>>)
    %mul3A_156 = arith.constant 640 : i32
    %mul3A_157 = arith.muli %arg1, %mul3A_156 : i32
    %add3A_158 = arith.constant 272 : i32
    %add3A_159 = arith.addi %mul3A_157, %add3A_158 : i32
    %dma_start3A_160 = arith.constant 0 : i32
    %dma_start3A_161 = tpu.memref_slice %arg13[%add3A_159, %dma_start3A_160] : memref<10240x128xf32, #tpu.memory_space<vmem_shared>> -> memref<16x128xf32, #tpu.memory_space<vmem_shared>>
    %dma_start3A_162 = arith.constant 0 : i32
    %dma_start3A_163 = tpu.memref_slice %arg13[%add3A_159, %dma_start3A_162] : memref<10240x128xf32, #tpu.memory_space<vmem_shared>> -> memref<16x128xf32, #tpu.memory_space<vmem_shared>>
    tpu.enqueue_dma source(%arg12 : memref<16x128xf32, #tpu.memory_space<vmem>>) target(%dma_start3A_163 : memref<16x128xf32, #tpu.memory_space<vmem_shared>>) target_semaphore(%arg24 : memref<!tpu.dma_semaphore, #tpu.memory_space<semaphore_mem>>)
    %mul3A_164 = arith.constant 640 : i32
    %mul3A_165 = arith.muli %arg1, %mul3A_164 : i32
    %add3A_166 = arith.constant 288 : i32
    %add3A_167 = arith.addi %mul3A_165, %add3A_166 : i32
    %dma_start3A_168 = arith.constant 0 : i32
    %dma_start3A_169 = tpu.memref_slice %arg13[%add3A_167, %dma_start3A_168] : memref<10240x128xf32, #tpu.memory_space<vmem_shared>> -> memref<16x128xf32, #tpu.memory_space<vmem_shared>>
    %dma_start3A_170 = arith.constant 0 : i32
    %dma_start3A_171 = tpu.memref_slice %arg13[%add3A_167, %dma_start3A_170] : memref<10240x128xf32, #tpu.memory_space<vmem_shared>> -> memref<16x128xf32, #tpu.memory_space<vmem_shared>>
    tpu.enqueue_dma source(%arg12 : memref<16x128xf32, #tpu.memory_space<vmem>>) target(%dma_start3A_171 : memref<16x128xf32, #tpu.memory_space<vmem_shared>>) target_semaphore(%arg24 : memref<!tpu.dma_semaphore, #tpu.memory_space<semaphore_mem>>)
    %mul3A_172 = arith.constant 640 : i32
    %mul3A_173 = arith.muli %arg1, %mul3A_172 : i32
    %add3A_174 = arith.constant 304 : i32
    %add3A_175 = arith.addi %mul3A_173, %add3A_174 : i32
    %dma_start3A_176 = arith.constant 0 : i32
    %dma_start3A_177 = tpu.memref_slice %arg13[%add3A_175, %dma_start3A_176] : memref<10240x128xf32, #tpu.memory_space<vmem_shared>> -> memref<16x128xf32, #tpu.memory_space<vmem_shared>>
    %dma_start3A_178 = arith.constant 0 : i32
    %dma_start3A_179 = tpu.memref_slice %arg13[%add3A_175, %dma_start3A_178] : memref<10240x128xf32, #tpu.memory_space<vmem_shared>> -> memref<16x128xf32, #tpu.memory_space<vmem_shared>>
    tpu.enqueue_dma source(%arg12 : memref<16x128xf32, #tpu.memory_space<vmem>>) target(%dma_start3A_179 : memref<16x128xf32, #tpu.memory_space<vmem_shared>>) target_semaphore(%arg24 : memref<!tpu.dma_semaphore, #tpu.memory_space<semaphore_mem>>)
    %mul3A_180 = arith.constant 640 : i32
    %mul3A_181 = arith.muli %arg1, %mul3A_180 : i32
    %add3A_182 = arith.constant 320 : i32
    %add3A_183 = arith.addi %mul3A_181, %add3A_182 : i32
    %dma_start3A_184 = arith.constant 0 : i32
    %dma_start3A_185 = tpu.memref_slice %arg13[%add3A_183, %dma_start3A_184] : memref<10240x128xf32, #tpu.memory_space<vmem_shared>> -> memref<16x128xf32, #tpu.memory_space<vmem_shared>>
    %dma_start3A_186 = arith.constant 0 : i32
    %dma_start3A_187 = tpu.memref_slice %arg13[%add3A_183, %dma_start3A_186] : memref<10240x128xf32, #tpu.memory_space<vmem_shared>> -> memref<16x128xf32, #tpu.memory_space<vmem_shared>>
    tpu.enqueue_dma source(%arg12 : memref<16x128xf32, #tpu.memory_space<vmem>>) target(%dma_start3A_187 : memref<16x128xf32, #tpu.memory_space<vmem_shared>>) target_semaphore(%arg24 : memref<!tpu.dma_semaphore, #tpu.memory_space<semaphore_mem>>)
    %mul3A_188 = arith.constant 640 : i32
    %mul3A_189 = arith.muli %arg1, %mul3A_188 : i32
    %add3A_190 = arith.constant 336 : i32
    %add3A_191 = arith.addi %mul3A_189, %add3A_190 : i32
    %dma_start3A_192 = arith.constant 0 : i32
    %dma_start3A_193 = tpu.memref_slice %arg13[%add3A_191, %dma_start3A_192] : memref<10240x128xf32, #tpu.memory_space<vmem_shared>> -> memref<16x128xf32, #tpu.memory_space<vmem_shared>>
    %dma_start3A_194 = arith.constant 0 : i32
    %dma_start3A_195 = tpu.memref_slice %arg13[%add3A_191, %dma_start3A_194] : memref<10240x128xf32, #tpu.memory_space<vmem_shared>> -> memref<16x128xf32, #tpu.memory_space<vmem_shared>>
    tpu.enqueue_dma source(%arg12 : memref<16x128xf32, #tpu.memory_space<vmem>>) target(%dma_start3A_195 : memref<16x128xf32, #tpu.memory_space<vmem_shared>>) target_semaphore(%arg24 : memref<!tpu.dma_semaphore, #tpu.memory_space<semaphore_mem>>)
    %mul3A_196 = arith.constant 640 : i32
    %mul3A_197 = arith.muli %arg1, %mul3A_196 : i32
    %add3A_198 = arith.constant 352 : i32
    %add3A_199 = arith.addi %mul3A_197, %add3A_198 : i32
    %dma_start3A_200 = arith.constant 0 : i32
    %dma_start3A_201 = tpu.memref_slice %arg13[%add3A_199, %dma_start3A_200] : memref<10240x128xf32, #tpu.memory_space<vmem_shared>> -> memref<16x128xf32, #tpu.memory_space<vmem_shared>>
    %dma_start3A_202 = arith.constant 0 : i32
    %dma_start3A_203 = tpu.memref_slice %arg13[%add3A_199, %dma_start3A_202] : memref<10240x128xf32, #tpu.memory_space<vmem_shared>> -> memref<16x128xf32, #tpu.memory_space<vmem_shared>>
    tpu.enqueue_dma source(%arg12 : memref<16x128xf32, #tpu.memory_space<vmem>>) target(%dma_start3A_203 : memref<16x128xf32, #tpu.memory_space<vmem_shared>>) target_semaphore(%arg24 : memref<!tpu.dma_semaphore, #tpu.memory_space<semaphore_mem>>)
    %mul3A_204 = arith.constant 640 : i32
    %mul3A_205 = arith.muli %arg1, %mul3A_204 : i32
    %add3A_206 = arith.constant 368 : i32
    %add3A_207 = arith.addi %mul3A_205, %add3A_206 : i32
    %dma_start3A_208 = arith.constant 0 : i32
    %dma_start3A_209 = tpu.memref_slice %arg13[%add3A_207, %dma_start3A_208] : memref<10240x128xf32, #tpu.memory_space<vmem_shared>> -> memref<16x128xf32, #tpu.memory_space<vmem_shared>>
    %dma_start3A_210 = arith.constant 0 : i32
    %dma_start3A_211 = tpu.memref_slice %arg13[%add3A_207, %dma_start3A_210] : memref<10240x128xf32, #tpu.memory_space<vmem_shared>> -> memref<16x128xf32, #tpu.memory_space<vmem_shared>>
    tpu.enqueue_dma source(%arg12 : memref<16x128xf32, #tpu.memory_space<vmem>>) target(%dma_start3A_211 : memref<16x128xf32, #tpu.memory_space<vmem_shared>>) target_semaphore(%arg24 : memref<!tpu.dma_semaphore, #tpu.memory_space<semaphore_mem>>)
    %mul3A_212 = arith.constant 640 : i32
    %mul3A_213 = arith.muli %arg1, %mul3A_212 : i32
    %add3A_214 = arith.constant 384 : i32
    %add3A_215 = arith.addi %mul3A_213, %add3A_214 : i32
    %dma_start3A_216 = arith.constant 0 : i32
    %dma_start3A_217 = tpu.memref_slice %arg13[%add3A_215, %dma_start3A_216] : memref<10240x128xf32, #tpu.memory_space<vmem_shared>> -> memref<16x128xf32, #tpu.memory_space<vmem_shared>>
    %dma_start3A_218 = arith.constant 0 : i32
    %dma_start3A_219 = tpu.memref_slice %arg13[%add3A_215, %dma_start3A_218] : memref<10240x128xf32, #tpu.memory_space<vmem_shared>> -> memref<16x128xf32, #tpu.memory_space<vmem_shared>>
    tpu.enqueue_dma source(%arg12 : memref<16x128xf32, #tpu.memory_space<vmem>>) target(%dma_start3A_219 : memref<16x128xf32, #tpu.memory_space<vmem_shared>>) target_semaphore(%arg24 : memref<!tpu.dma_semaphore, #tpu.memory_space<semaphore_mem>>)
    %mul3A_220 = arith.constant 640 : i32
    %mul3A_221 = arith.muli %arg1, %mul3A_220 : i32
    %add3A_222 = arith.constant 400 : i32
    %add3A_223 = arith.addi %mul3A_221, %add3A_222 : i32
    %dma_start3A_224 = arith.constant 0 : i32
    %dma_start3A_225 = tpu.memref_slice %arg13[%add3A_223, %dma_start3A_224] : memref<10240x128xf32, #tpu.memory_space<vmem_shared>> -> memref<16x128xf32, #tpu.memory_space<vmem_shared>>
    %dma_start3A_226 = arith.constant 0 : i32
    %dma_start3A_227 = tpu.memref_slice %arg13[%add3A_223, %dma_start3A_226] : memref<10240x128xf32, #tpu.memory_space<vmem_shared>> -> memref<16x128xf32, #tpu.memory_space<vmem_shared>>
    tpu.enqueue_dma source(%arg12 : memref<16x128xf32, #tpu.memory_space<vmem>>) target(%dma_start3A_227 : memref<16x128xf32, #tpu.memory_space<vmem_shared>>) target_semaphore(%arg24 : memref<!tpu.dma_semaphore, #tpu.memory_space<semaphore_mem>>)
    %mul3A_228 = arith.constant 640 : i32
    %mul3A_229 = arith.muli %arg1, %mul3A_228 : i32
    %add3A_230 = arith.constant 416 : i32
    %add3A_231 = arith.addi %mul3A_229, %add3A_230 : i32
    %dma_start3A_232 = arith.constant 0 : i32
    %dma_start3A_233 = tpu.memref_slice %arg13[%add3A_231, %dma_start3A_232] : memref<10240x128xf32, #tpu.memory_space<vmem_shared>> -> memref<16x128xf32, #tpu.memory_space<vmem_shared>>
    %dma_start3A_234 = arith.constant 0 : i32
    %dma_start3A_235 = tpu.memref_slice %arg13[%add3A_231, %dma_start3A_234] : memref<10240x128xf32, #tpu.memory_space<vmem_shared>> -> memref<16x128xf32, #tpu.memory_space<vmem_shared>>
    tpu.enqueue_dma source(%arg12 : memref<16x128xf32, #tpu.memory_space<vmem>>) target(%dma_start3A_235 : memref<16x128xf32, #tpu.memory_space<vmem_shared>>) target_semaphore(%arg24 : memref<!tpu.dma_semaphore, #tpu.memory_space<semaphore_mem>>)
    %mul3A_236 = arith.constant 640 : i32
    %mul3A_237 = arith.muli %arg1, %mul3A_236 : i32
    %add3A_238 = arith.constant 432 : i32
    %add3A_239 = arith.addi %mul3A_237, %add3A_238 : i32
    %dma_start3A_240 = arith.constant 0 : i32
    %dma_start3A_241 = tpu.memref_slice %arg13[%add3A_239, %dma_start3A_240] : memref<10240x128xf32, #tpu.memory_space<vmem_shared>> -> memref<16x128xf32, #tpu.memory_space<vmem_shared>>
    %dma_start3A_242 = arith.constant 0 : i32
    %dma_start3A_243 = tpu.memref_slice %arg13[%add3A_239, %dma_start3A_242] : memref<10240x128xf32, #tpu.memory_space<vmem_shared>> -> memref<16x128xf32, #tpu.memory_space<vmem_shared>>
    tpu.enqueue_dma source(%arg12 : memref<16x128xf32, #tpu.memory_space<vmem>>) target(%dma_start3A_243 : memref<16x128xf32, #tpu.memory_space<vmem_shared>>) target_semaphore(%arg24 : memref<!tpu.dma_semaphore, #tpu.memory_space<semaphore_mem>>)
    %mul3A_244 = arith.constant 640 : i32
    %mul3A_245 = arith.muli %arg1, %mul3A_244 : i32
    %add3A_246 = arith.constant 448 : i32
    %add3A_247 = arith.addi %mul3A_245, %add3A_246 : i32
    %dma_start3A_248 = arith.constant 0 : i32
    %dma_start3A_249 = tpu.memref_slice %arg13[%add3A_247, %dma_start3A_248] : memref<10240x128xf32, #tpu.memory_space<vmem_shared>> -> memref<16x128xf32, #tpu.memory_space<vmem_shared>>
    %dma_start3A_250 = arith.constant 0 : i32
    %dma_start3A_251 = tpu.memref_slice %arg13[%add3A_247, %dma_start3A_250] : memref<10240x128xf32, #tpu.memory_space<vmem_shared>> -> memref<16x128xf32, #tpu.memory_space<vmem_shared>>
    tpu.enqueue_dma source(%arg12 : memref<16x128xf32, #tpu.memory_space<vmem>>) target(%dma_start3A_251 : memref<16x128xf32, #tpu.memory_space<vmem_shared>>) target_semaphore(%arg24 : memref<!tpu.dma_semaphore, #tpu.memory_space<semaphore_mem>>)
    %mul3A_252 = arith.constant 640 : i32
    %mul3A_253 = arith.muli %arg1, %mul3A_252 : i32
    %add3A_254 = arith.constant 464 : i32
    %add3A_255 = arith.addi %mul3A_253, %add3A_254 : i32
    %dma_start3A_256 = arith.constant 0 : i32
    %dma_start3A_257 = tpu.memref_slice %arg13[%add3A_255, %dma_start3A_256] : memref<10240x128xf32, #tpu.memory_space<vmem_shared>> -> memref<16x128xf32, #tpu.memory_space<vmem_shared>>
    %dma_start3A_258 = arith.constant 0 : i32
    %dma_start3A_259 = tpu.memref_slice %arg13[%add3A_255, %dma_start3A_258] : memref<10240x128xf32, #tpu.memory_space<vmem_shared>> -> memref<16x128xf32, #tpu.memory_space<vmem_shared>>
    tpu.enqueue_dma source(%arg12 : memref<16x128xf32, #tpu.memory_space<vmem>>) target(%dma_start3A_259 : memref<16x128xf32, #tpu.memory_space<vmem_shared>>) target_semaphore(%arg24 : memref<!tpu.dma_semaphore, #tpu.memory_space<semaphore_mem>>)
    %mul3A_260 = arith.constant 640 : i32
    %mul3A_261 = arith.muli %arg1, %mul3A_260 : i32
    %add3A_262 = arith.constant 480 : i32
    %add3A_263 = arith.addi %mul3A_261, %add3A_262 : i32
    %dma_start3A_264 = arith.constant 0 : i32
    %dma_start3A_265 = tpu.memref_slice %arg13[%add3A_263, %dma_start3A_264] : memref<10240x128xf32, #tpu.memory_space<vmem_shared>> -> memref<16x128xf32, #tpu.memory_space<vmem_shared>>
    %dma_start3A_266 = arith.constant 0 : i32
    %dma_start3A_267 = tpu.memref_slice %arg13[%add3A_263, %dma_start3A_266] : memref<10240x128xf32, #tpu.memory_space<vmem_shared>> -> memref<16x128xf32, #tpu.memory_space<vmem_shared>>
    tpu.enqueue_dma source(%arg12 : memref<16x128xf32, #tpu.memory_space<vmem>>) target(%dma_start3A_267 : memref<16x128xf32, #tpu.memory_space<vmem_shared>>) target_semaphore(%arg24 : memref<!tpu.dma_semaphore, #tpu.memory_space<semaphore_mem>>)
    %mul3A_268 = arith.constant 640 : i32
    %mul3A_269 = arith.muli %arg1, %mul3A_268 : i32
    %add3A_270 = arith.constant 496 : i32
    %add3A_271 = arith.addi %mul3A_269, %add3A_270 : i32
    %dma_start3A_272 = arith.constant 0 : i32
    %dma_start3A_273 = tpu.memref_slice %arg13[%add3A_271, %dma_start3A_272] : memref<10240x128xf32, #tpu.memory_space<vmem_shared>> -> memref<16x128xf32, #tpu.memory_space<vmem_shared>>
    %dma_start3A_274 = arith.constant 0 : i32
    %dma_start3A_275 = tpu.memref_slice %arg13[%add3A_271, %dma_start3A_274] : memref<10240x128xf32, #tpu.memory_space<vmem_shared>> -> memref<16x128xf32, #tpu.memory_space<vmem_shared>>
    tpu.enqueue_dma source(%arg12 : memref<16x128xf32, #tpu.memory_space<vmem>>) target(%dma_start3A_275 : memref<16x128xf32, #tpu.memory_space<vmem_shared>>) target_semaphore(%arg24 : memref<!tpu.dma_semaphore, #tpu.memory_space<semaphore_mem>>)
    %mul3A_276 = arith.constant 640 : i32
    %mul3A_277 = arith.muli %arg1, %mul3A_276 : i32
    %add3A_278 = arith.constant 512 : i32
    %add3A_279 = arith.addi %mul3A_277, %add3A_278 : i32
    %dma_start3A_280 = arith.constant 0 : i32
    %dma_start3A_281 = tpu.memref_slice %arg13[%add3A_279, %dma_start3A_280] : memref<10240x128xf32, #tpu.memory_space<vmem_shared>> -> memref<16x128xf32, #tpu.memory_space<vmem_shared>>
    %dma_start3A_282 = arith.constant 0 : i32
    %dma_start3A_283 = tpu.memref_slice %arg13[%add3A_279, %dma_start3A_282] : memref<10240x128xf32, #tpu.memory_space<vmem_shared>> -> memref<16x128xf32, #tpu.memory_space<vmem_shared>>
    tpu.enqueue_dma source(%arg12 : memref<16x128xf32, #tpu.memory_space<vmem>>) target(%dma_start3A_283 : memref<16x128xf32, #tpu.memory_space<vmem_shared>>) target_semaphore(%arg24 : memref<!tpu.dma_semaphore, #tpu.memory_space<semaphore_mem>>)
    %mul3A_284 = arith.constant 640 : i32
    %mul3A_285 = arith.muli %arg1, %mul3A_284 : i32
    %add3A_286 = arith.constant 528 : i32
    %add3A_287 = arith.addi %mul3A_285, %add3A_286 : i32
    %dma_start3A_288 = arith.constant 0 : i32
    %dma_start3A_289 = tpu.memref_slice %arg13[%add3A_287, %dma_start3A_288] : memref<10240x128xf32, #tpu.memory_space<vmem_shared>> -> memref<16x128xf32, #tpu.memory_space<vmem_shared>>
    %dma_start3A_290 = arith.constant 0 : i32
    %dma_start3A_291 = tpu.memref_slice %arg13[%add3A_287, %dma_start3A_290] : memref<10240x128xf32, #tpu.memory_space<vmem_shared>> -> memref<16x128xf32, #tpu.memory_space<vmem_shared>>
    tpu.enqueue_dma source(%arg12 : memref<16x128xf32, #tpu.memory_space<vmem>>) target(%dma_start3A_291 : memref<16x128xf32, #tpu.memory_space<vmem_shared>>) target_semaphore(%arg24 : memref<!tpu.dma_semaphore, #tpu.memory_space<semaphore_mem>>)
    %mul3A_292 = arith.constant 640 : i32
    %mul3A_293 = arith.muli %arg1, %mul3A_292 : i32
    %add3A_294 = arith.constant 544 : i32
    %add3A_295 = arith.addi %mul3A_293, %add3A_294 : i32
    %dma_start3A_296 = arith.constant 0 : i32
    %dma_start3A_297 = tpu.memref_slice %arg13[%add3A_295, %dma_start3A_296] : memref<10240x128xf32, #tpu.memory_space<vmem_shared>> -> memref<16x128xf32, #tpu.memory_space<vmem_shared>>
    %dma_start3A_298 = arith.constant 0 : i32
    %dma_start3A_299 = tpu.memref_slice %arg13[%add3A_295, %dma_start3A_298] : memref<10240x128xf32, #tpu.memory_space<vmem_shared>> -> memref<16x128xf32, #tpu.memory_space<vmem_shared>>
    tpu.enqueue_dma source(%arg12 : memref<16x128xf32, #tpu.memory_space<vmem>>) target(%dma_start3A_299 : memref<16x128xf32, #tpu.memory_space<vmem_shared>>) target_semaphore(%arg24 : memref<!tpu.dma_semaphore, #tpu.memory_space<semaphore_mem>>)
    %mul3A_300 = arith.constant 640 : i32
    %mul3A_301 = arith.muli %arg1, %mul3A_300 : i32
    %add3A_302 = arith.constant 560 : i32
    %add3A_303 = arith.addi %mul3A_301, %add3A_302 : i32
    %dma_start3A_304 = arith.constant 0 : i32
    %dma_start3A_305 = tpu.memref_slice %arg13[%add3A_303, %dma_start3A_304] : memref<10240x128xf32, #tpu.memory_space<vmem_shared>> -> memref<16x128xf32, #tpu.memory_space<vmem_shared>>
    %dma_start3A_306 = arith.constant 0 : i32
    %dma_start3A_307 = tpu.memref_slice %arg13[%add3A_303, %dma_start3A_306] : memref<10240x128xf32, #tpu.memory_space<vmem_shared>> -> memref<16x128xf32, #tpu.memory_space<vmem_shared>>
    tpu.enqueue_dma source(%arg12 : memref<16x128xf32, #tpu.memory_space<vmem>>) target(%dma_start3A_307 : memref<16x128xf32, #tpu.memory_space<vmem_shared>>) target_semaphore(%arg24 : memref<!tpu.dma_semaphore, #tpu.memory_space<semaphore_mem>>)
    %mul3A_308 = arith.constant 640 : i32
    %mul3A_309 = arith.muli %arg1, %mul3A_308 : i32
    %add3A_310 = arith.constant 576 : i32
    %add3A_311 = arith.addi %mul3A_309, %add3A_310 : i32
    %dma_start3A_312 = arith.constant 0 : i32
    %dma_start3A_313 = tpu.memref_slice %arg13[%add3A_311, %dma_start3A_312] : memref<10240x128xf32, #tpu.memory_space<vmem_shared>> -> memref<16x128xf32, #tpu.memory_space<vmem_shared>>
    %dma_start3A_314 = arith.constant 0 : i32
    %dma_start3A_315 = tpu.memref_slice %arg13[%add3A_311, %dma_start3A_314] : memref<10240x128xf32, #tpu.memory_space<vmem_shared>> -> memref<16x128xf32, #tpu.memory_space<vmem_shared>>
    tpu.enqueue_dma source(%arg12 : memref<16x128xf32, #tpu.memory_space<vmem>>) target(%dma_start3A_315 : memref<16x128xf32, #tpu.memory_space<vmem_shared>>) target_semaphore(%arg24 : memref<!tpu.dma_semaphore, #tpu.memory_space<semaphore_mem>>)
    %mul3A_316 = arith.constant 640 : i32
    %mul3A_317 = arith.muli %arg1, %mul3A_316 : i32
    %add3A_318 = arith.constant 592 : i32
    %add3A_319 = arith.addi %mul3A_317, %add3A_318 : i32
    %dma_start3A_320 = arith.constant 0 : i32
    %dma_start3A_321 = tpu.memref_slice %arg13[%add3A_319, %dma_start3A_320] : memref<10240x128xf32, #tpu.memory_space<vmem_shared>> -> memref<16x128xf32, #tpu.memory_space<vmem_shared>>
    %dma_start3A_322 = arith.constant 0 : i32
    %dma_start3A_323 = tpu.memref_slice %arg13[%add3A_319, %dma_start3A_322] : memref<10240x128xf32, #tpu.memory_space<vmem_shared>> -> memref<16x128xf32, #tpu.memory_space<vmem_shared>>
    tpu.enqueue_dma source(%arg12 : memref<16x128xf32, #tpu.memory_space<vmem>>) target(%dma_start3A_323 : memref<16x128xf32, #tpu.memory_space<vmem_shared>>) target_semaphore(%arg24 : memref<!tpu.dma_semaphore, #tpu.memory_space<semaphore_mem>>)
    %mul3A_324 = arith.constant 640 : i32
    %mul3A_325 = arith.muli %arg1, %mul3A_324 : i32
    %add3A_326 = arith.constant 608 : i32
    %add3A_327 = arith.addi %mul3A_325, %add3A_326 : i32
    %dma_start3A_328 = arith.constant 0 : i32
    %dma_start3A_329 = tpu.memref_slice %arg13[%add3A_327, %dma_start3A_328] : memref<10240x128xf32, #tpu.memory_space<vmem_shared>> -> memref<16x128xf32, #tpu.memory_space<vmem_shared>>
    %dma_start3A_330 = arith.constant 0 : i32
    %dma_start3A_331 = tpu.memref_slice %arg13[%add3A_327, %dma_start3A_330] : memref<10240x128xf32, #tpu.memory_space<vmem_shared>> -> memref<16x128xf32, #tpu.memory_space<vmem_shared>>
    tpu.enqueue_dma source(%arg12 : memref<16x128xf32, #tpu.memory_space<vmem>>) target(%dma_start3A_331 : memref<16x128xf32, #tpu.memory_space<vmem_shared>>) target_semaphore(%arg24 : memref<!tpu.dma_semaphore, #tpu.memory_space<semaphore_mem>>)
    %mul3A_332 = arith.constant 640 : i32
    %mul3A_333 = arith.muli %arg1, %mul3A_332 : i32
    %add3A_334 = arith.constant 624 : i32
    %add3A_335 = arith.addi %mul3A_333, %add3A_334 : i32
    %dma_start3A_336 = arith.constant 0 : i32
    %dma_start3A_337 = tpu.memref_slice %arg13[%add3A_335, %dma_start3A_336] : memref<10240x128xf32, #tpu.memory_space<vmem_shared>> -> memref<16x128xf32, #tpu.memory_space<vmem_shared>>
    %dma_start3A_338 = arith.constant 0 : i32
    %dma_start3A_339 = tpu.memref_slice %arg13[%add3A_335, %dma_start3A_338] : memref<10240x128xf32, #tpu.memory_space<vmem_shared>> -> memref<16x128xf32, #tpu.memory_space<vmem_shared>>
    tpu.enqueue_dma source(%arg12 : memref<16x128xf32, #tpu.memory_space<vmem>>) target(%dma_start3A_339 : memref<16x128xf32, #tpu.memory_space<vmem_shared>>) target_semaphore(%arg24 : memref<!tpu.dma_semaphore, #tpu.memory_space<semaphore_mem>>)
    %dma_wait3A = arith.constant 0 : i32
    %dma_wait3A_340 = tpu.memref_slice %arg13[%add3A_23, %dma_wait3A] : memref<10240x128xf32, #tpu.memory_space<vmem_shared>> -> memref<16x128xf32, #tpu.memory_space<vmem_shared>>
    %dma_wait3A_341 = arith.constant 0 : i32
    %dma_wait3A_342 = tpu.memref_slice %arg13[%add3A_23, %dma_wait3A_341] : memref<10240x128xf32, #tpu.memory_space<vmem_shared>> -> memref<16x128xf32, #tpu.memory_space<vmem_shared>>
    tpu.wait_dma2 semaphore(%arg24 : memref<!tpu.dma_semaphore, #tpu.memory_space<semaphore_mem>>) src(%arg12 : memref<16x128xf32, #tpu.memory_space<vmem>>) dst(%dma_wait3A_342 : memref<16x128xf32, #tpu.memory_space<vmem_shared>>)
    %dma_wait3A_343 = arith.constant 0 : i32
    %dma_wait3A_344 = tpu.memref_slice %arg13[%add3A_31, %dma_wait3A_343] : memref<10240x128xf32, #tpu.memory_space<vmem_shared>> -> memref<16x128xf32, #tpu.memory_space<vmem_shared>>
    %dma_wait3A_345 = arith.constant 0 : i32
    %dma_wait3A_346 = tpu.memref_slice %arg13[%add3A_31, %dma_wait3A_345] : memref<10240x128xf32, #tpu.memory_space<vmem_shared>> -> memref<16x128xf32, #tpu.memory_space<vmem_shared>>
    tpu.wait_dma2 semaphore(%arg24 : memref<!tpu.dma_semaphore, #tpu.memory_space<semaphore_mem>>) src(%arg12 : memref<16x128xf32, #tpu.memory_space<vmem>>) dst(%dma_wait3A_346 : memref<16x128xf32, #tpu.memory_space<vmem_shared>>)
    %dma_wait3A_347 = arith.constant 0 : i32
    %dma_wait3A_348 = tpu.memref_slice %arg13[%add3A_39, %dma_wait3A_347] : memref<10240x128xf32, #tpu.memory_space<vmem_shared>> -> memref<16x128xf32, #tpu.memory_space<vmem_shared>>
    %dma_wait3A_349 = arith.constant 0 : i32
    %dma_wait3A_350 = tpu.memref_slice %arg13[%add3A_39, %dma_wait3A_349] : memref<10240x128xf32, #tpu.memory_space<vmem_shared>> -> memref<16x128xf32, #tpu.memory_space<vmem_shared>>
    tpu.wait_dma2 semaphore(%arg24 : memref<!tpu.dma_semaphore, #tpu.memory_space<semaphore_mem>>) src(%arg12 : memref<16x128xf32, #tpu.memory_space<vmem>>) dst(%dma_wait3A_350 : memref<16x128xf32, #tpu.memory_space<vmem_shared>>)
    %dma_wait3A_351 = arith.constant 0 : i32
    %dma_wait3A_352 = tpu.memref_slice %arg13[%add3A_47, %dma_wait3A_351] : memref<10240x128xf32, #tpu.memory_space<vmem_shared>> -> memref<16x128xf32, #tpu.memory_space<vmem_shared>>
    %dma_wait3A_353 = arith.constant 0 : i32
    %dma_wait3A_354 = tpu.memref_slice %arg13[%add3A_47, %dma_wait3A_353] : memref<10240x128xf32, #tpu.memory_space<vmem_shared>> -> memref<16x128xf32, #tpu.memory_space<vmem_shared>>
    tpu.wait_dma2 semaphore(%arg24 : memref<!tpu.dma_semaphore, #tpu.memory_space<semaphore_mem>>) src(%arg12 : memref<16x128xf32, #tpu.memory_space<vmem>>) dst(%dma_wait3A_354 : memref<16x128xf32, #tpu.memory_space<vmem_shared>>)
    %dma_wait3A_355 = arith.constant 0 : i32
    %dma_wait3A_356 = tpu.memref_slice %arg13[%add3A_55, %dma_wait3A_355] : memref<10240x128xf32, #tpu.memory_space<vmem_shared>> -> memref<16x128xf32, #tpu.memory_space<vmem_shared>>
    %dma_wait3A_357 = arith.constant 0 : i32
    %dma_wait3A_358 = tpu.memref_slice %arg13[%add3A_55, %dma_wait3A_357] : memref<10240x128xf32, #tpu.memory_space<vmem_shared>> -> memref<16x128xf32, #tpu.memory_space<vmem_shared>>
    tpu.wait_dma2 semaphore(%arg24 : memref<!tpu.dma_semaphore, #tpu.memory_space<semaphore_mem>>) src(%arg12 : memref<16x128xf32, #tpu.memory_space<vmem>>) dst(%dma_wait3A_358 : memref<16x128xf32, #tpu.memory_space<vmem_shared>>)
    %dma_wait3A_359 = arith.constant 0 : i32
    %dma_wait3A_360 = tpu.memref_slice %arg13[%add3A_63, %dma_wait3A_359] : memref<10240x128xf32, #tpu.memory_space<vmem_shared>> -> memref<16x128xf32, #tpu.memory_space<vmem_shared>>
    %dma_wait3A_361 = arith.constant 0 : i32
    %dma_wait3A_362 = tpu.memref_slice %arg13[%add3A_63, %dma_wait3A_361] : memref<10240x128xf32, #tpu.memory_space<vmem_shared>> -> memref<16x128xf32, #tpu.memory_space<vmem_shared>>
    tpu.wait_dma2 semaphore(%arg24 : memref<!tpu.dma_semaphore, #tpu.memory_space<semaphore_mem>>) src(%arg12 : memref<16x128xf32, #tpu.memory_space<vmem>>) dst(%dma_wait3A_362 : memref<16x128xf32, #tpu.memory_space<vmem_shared>>)
    %dma_wait3A_363 = arith.constant 0 : i32
    %dma_wait3A_364 = tpu.memref_slice %arg13[%add3A_71, %dma_wait3A_363] : memref<10240x128xf32, #tpu.memory_space<vmem_shared>> -> memref<16x128xf32, #tpu.memory_space<vmem_shared>>
    %dma_wait3A_365 = arith.constant 0 : i32
    %dma_wait3A_366 = tpu.memref_slice %arg13[%add3A_71, %dma_wait3A_365] : memref<10240x128xf32, #tpu.memory_space<vmem_shared>> -> memref<16x128xf32, #tpu.memory_space<vmem_shared>>
    tpu.wait_dma2 semaphore(%arg24 : memref<!tpu.dma_semaphore, #tpu.memory_space<semaphore_mem>>) src(%arg12 : memref<16x128xf32, #tpu.memory_space<vmem>>) dst(%dma_wait3A_366 : memref<16x128xf32, #tpu.memory_space<vmem_shared>>)
    %dma_wait3A_367 = arith.constant 0 : i32
    %dma_wait3A_368 = tpu.memref_slice %arg13[%add3A_79, %dma_wait3A_367] : memref<10240x128xf32, #tpu.memory_space<vmem_shared>> -> memref<16x128xf32, #tpu.memory_space<vmem_shared>>
    %dma_wait3A_369 = arith.constant 0 : i32
    %dma_wait3A_370 = tpu.memref_slice %arg13[%add3A_79, %dma_wait3A_369] : memref<10240x128xf32, #tpu.memory_space<vmem_shared>> -> memref<16x128xf32, #tpu.memory_space<vmem_shared>>
    tpu.wait_dma2 semaphore(%arg24 : memref<!tpu.dma_semaphore, #tpu.memory_space<semaphore_mem>>) src(%arg12 : memref<16x128xf32, #tpu.memory_space<vmem>>) dst(%dma_wait3A_370 : memref<16x128xf32, #tpu.memory_space<vmem_shared>>)
    %dma_wait3A_371 = arith.constant 0 : i32
    %dma_wait3A_372 = tpu.memref_slice %arg13[%add3A_87, %dma_wait3A_371] : memref<10240x128xf32, #tpu.memory_space<vmem_shared>> -> memref<16x128xf32, #tpu.memory_space<vmem_shared>>
    %dma_wait3A_373 = arith.constant 0 : i32
    %dma_wait3A_374 = tpu.memref_slice %arg13[%add3A_87, %dma_wait3A_373] : memref<10240x128xf32, #tpu.memory_space<vmem_shared>> -> memref<16x128xf32, #tpu.memory_space<vmem_shared>>
    tpu.wait_dma2 semaphore(%arg24 : memref<!tpu.dma_semaphore, #tpu.memory_space<semaphore_mem>>) src(%arg12 : memref<16x128xf32, #tpu.memory_space<vmem>>) dst(%dma_wait3A_374 : memref<16x128xf32, #tpu.memory_space<vmem_shared>>)
    %dma_wait3A_375 = arith.constant 0 : i32
    %dma_wait3A_376 = tpu.memref_slice %arg13[%add3A_95, %dma_wait3A_375] : memref<10240x128xf32, #tpu.memory_space<vmem_shared>> -> memref<16x128xf32, #tpu.memory_space<vmem_shared>>
    %dma_wait3A_377 = arith.constant 0 : i32
    %dma_wait3A_378 = tpu.memref_slice %arg13[%add3A_95, %dma_wait3A_377] : memref<10240x128xf32, #tpu.memory_space<vmem_shared>> -> memref<16x128xf32, #tpu.memory_space<vmem_shared>>
    tpu.wait_dma2 semaphore(%arg24 : memref<!tpu.dma_semaphore, #tpu.memory_space<semaphore_mem>>) src(%arg12 : memref<16x128xf32, #tpu.memory_space<vmem>>) dst(%dma_wait3A_378 : memref<16x128xf32, #tpu.memory_space<vmem_shared>>)
    %dma_wait3A_379 = arith.constant 0 : i32
    %dma_wait3A_380 = tpu.memref_slice %arg13[%add3A_103, %dma_wait3A_379] : memref<10240x128xf32, #tpu.memory_space<vmem_shared>> -> memref<16x128xf32, #tpu.memory_space<vmem_shared>>
    %dma_wait3A_381 = arith.constant 0 : i32
    %dma_wait3A_382 = tpu.memref_slice %arg13[%add3A_103, %dma_wait3A_381] : memref<10240x128xf32, #tpu.memory_space<vmem_shared>> -> memref<16x128xf32, #tpu.memory_space<vmem_shared>>
    tpu.wait_dma2 semaphore(%arg24 : memref<!tpu.dma_semaphore, #tpu.memory_space<semaphore_mem>>) src(%arg12 : memref<16x128xf32, #tpu.memory_space<vmem>>) dst(%dma_wait3A_382 : memref<16x128xf32, #tpu.memory_space<vmem_shared>>)
    %dma_wait3A_383 = arith.constant 0 : i32
    %dma_wait3A_384 = tpu.memref_slice %arg13[%add3A_111, %dma_wait3A_383] : memref<10240x128xf32, #tpu.memory_space<vmem_shared>> -> memref<16x128xf32, #tpu.memory_space<vmem_shared>>
    %dma_wait3A_385 = arith.constant 0 : i32
    %dma_wait3A_386 = tpu.memref_slice %arg13[%add3A_111, %dma_wait3A_385] : memref<10240x128xf32, #tpu.memory_space<vmem_shared>> -> memref<16x128xf32, #tpu.memory_space<vmem_shared>>
    tpu.wait_dma2 semaphore(%arg24 : memref<!tpu.dma_semaphore, #tpu.memory_space<semaphore_mem>>) src(%arg12 : memref<16x128xf32, #tpu.memory_space<vmem>>) dst(%dma_wait3A_386 : memref<16x128xf32, #tpu.memory_space<vmem_shared>>)
    %dma_wait3A_387 = arith.constant 0 : i32
    %dma_wait3A_388 = tpu.memref_slice %arg13[%add3A_119, %dma_wait3A_387] : memref<10240x128xf32, #tpu.memory_space<vmem_shared>> -> memref<16x128xf32, #tpu.memory_space<vmem_shared>>
    %dma_wait3A_389 = arith.constant 0 : i32
    %dma_wait3A_390 = tpu.memref_slice %arg13[%add3A_119, %dma_wait3A_389] : memref<10240x128xf32, #tpu.memory_space<vmem_shared>> -> memref<16x128xf32, #tpu.memory_space<vmem_shared>>
    tpu.wait_dma2 semaphore(%arg24 : memref<!tpu.dma_semaphore, #tpu.memory_space<semaphore_mem>>) src(%arg12 : memref<16x128xf32, #tpu.memory_space<vmem>>) dst(%dma_wait3A_390 : memref<16x128xf32, #tpu.memory_space<vmem_shared>>)
    %dma_wait3A_391 = arith.constant 0 : i32
    %dma_wait3A_392 = tpu.memref_slice %arg13[%add3A_127, %dma_wait3A_391] : memref<10240x128xf32, #tpu.memory_space<vmem_shared>> -> memref<16x128xf32, #tpu.memory_space<vmem_shared>>
    %dma_wait3A_393 = arith.constant 0 : i32
    %dma_wait3A_394 = tpu.memref_slice %arg13[%add3A_127, %dma_wait3A_393] : memref<10240x128xf32, #tpu.memory_space<vmem_shared>> -> memref<16x128xf32, #tpu.memory_space<vmem_shared>>
    tpu.wait_dma2 semaphore(%arg24 : memref<!tpu.dma_semaphore, #tpu.memory_space<semaphore_mem>>) src(%arg12 : memref<16x128xf32, #tpu.memory_space<vmem>>) dst(%dma_wait3A_394 : memref<16x128xf32, #tpu.memory_space<vmem_shared>>)
    %dma_wait3A_395 = arith.constant 0 : i32
    %dma_wait3A_396 = tpu.memref_slice %arg13[%add3A_135, %dma_wait3A_395] : memref<10240x128xf32, #tpu.memory_space<vmem_shared>> -> memref<16x128xf32, #tpu.memory_space<vmem_shared>>
    %dma_wait3A_397 = arith.constant 0 : i32
    %dma_wait3A_398 = tpu.memref_slice %arg13[%add3A_135, %dma_wait3A_397] : memref<10240x128xf32, #tpu.memory_space<vmem_shared>> -> memref<16x128xf32, #tpu.memory_space<vmem_shared>>
    tpu.wait_dma2 semaphore(%arg24 : memref<!tpu.dma_semaphore, #tpu.memory_space<semaphore_mem>>) src(%arg12 : memref<16x128xf32, #tpu.memory_space<vmem>>) dst(%dma_wait3A_398 : memref<16x128xf32, #tpu.memory_space<vmem_shared>>)
    %dma_wait3A_399 = arith.constant 0 : i32
    %dma_wait3A_400 = tpu.memref_slice %arg13[%add3A_143, %dma_wait3A_399] : memref<10240x128xf32, #tpu.memory_space<vmem_shared>> -> memref<16x128xf32, #tpu.memory_space<vmem_shared>>
    %dma_wait3A_401 = arith.constant 0 : i32
    %dma_wait3A_402 = tpu.memref_slice %arg13[%add3A_143, %dma_wait3A_401] : memref<10240x128xf32, #tpu.memory_space<vmem_shared>> -> memref<16x128xf32, #tpu.memory_space<vmem_shared>>
    tpu.wait_dma2 semaphore(%arg24 : memref<!tpu.dma_semaphore, #tpu.memory_space<semaphore_mem>>) src(%arg12 : memref<16x128xf32, #tpu.memory_space<vmem>>) dst(%dma_wait3A_402 : memref<16x128xf32, #tpu.memory_space<vmem_shared>>)
    %dma_wait3A_403 = arith.constant 0 : i32
    %dma_wait3A_404 = tpu.memref_slice %arg13[%add3A_151, %dma_wait3A_403] : memref<10240x128xf32, #tpu.memory_space<vmem_shared>> -> memref<16x128xf32, #tpu.memory_space<vmem_shared>>
    %dma_wait3A_405 = arith.constant 0 : i32
    %dma_wait3A_406 = tpu.memref_slice %arg13[%add3A_151, %dma_wait3A_405] : memref<10240x128xf32, #tpu.memory_space<vmem_shared>> -> memref<16x128xf32, #tpu.memory_space<vmem_shared>>
    tpu.wait_dma2 semaphore(%arg24 : memref<!tpu.dma_semaphore, #tpu.memory_space<semaphore_mem>>) src(%arg12 : memref<16x128xf32, #tpu.memory_space<vmem>>) dst(%dma_wait3A_406 : memref<16x128xf32, #tpu.memory_space<vmem_shared>>)
    %dma_wait3A_407 = arith.constant 0 : i32
    %dma_wait3A_408 = tpu.memref_slice %arg13[%add3A_159, %dma_wait3A_407] : memref<10240x128xf32, #tpu.memory_space<vmem_shared>> -> memref<16x128xf32, #tpu.memory_space<vmem_shared>>
    %dma_wait3A_409 = arith.constant 0 : i32
    %dma_wait3A_410 = tpu.memref_slice %arg13[%add3A_159, %dma_wait3A_409] : memref<10240x128xf32, #tpu.memory_space<vmem_shared>> -> memref<16x128xf32, #tpu.memory_space<vmem_shared>>
    tpu.wait_dma2 semaphore(%arg24 : memref<!tpu.dma_semaphore, #tpu.memory_space<semaphore_mem>>) src(%arg12 : memref<16x128xf32, #tpu.memory_space<vmem>>) dst(%dma_wait3A_410 : memref<16x128xf32, #tpu.memory_space<vmem_shared>>)
    %dma_wait3A_411 = arith.constant 0 : i32
    %dma_wait3A_412 = tpu.memref_slice %arg13[%add3A_167, %dma_wait3A_411] : memref<10240x128xf32, #tpu.memory_space<vmem_shared>> -> memref<16x128xf32, #tpu.memory_space<vmem_shared>>
    %dma_wait3A_413 = arith.constant 0 : i32
    %dma_wait3A_414 = tpu.memref_slice %arg13[%add3A_167, %dma_wait3A_413] : memref<10240x128xf32, #tpu.memory_space<vmem_shared>> -> memref<16x128xf32, #tpu.memory_space<vmem_shared>>
    tpu.wait_dma2 semaphore(%arg24 : memref<!tpu.dma_semaphore, #tpu.memory_space<semaphore_mem>>) src(%arg12 : memref<16x128xf32, #tpu.memory_space<vmem>>) dst(%dma_wait3A_414 : memref<16x128xf32, #tpu.memory_space<vmem_shared>>)
    %dma_wait3A_415 = arith.constant 0 : i32
    %dma_wait3A_416 = tpu.memref_slice %arg13[%add3A_175, %dma_wait3A_415] : memref<10240x128xf32, #tpu.memory_space<vmem_shared>> -> memref<16x128xf32, #tpu.memory_space<vmem_shared>>
    %dma_wait3A_417 = arith.constant 0 : i32
    %dma_wait3A_418 = tpu.memref_slice %arg13[%add3A_175, %dma_wait3A_417] : memref<10240x128xf32, #tpu.memory_space<vmem_shared>> -> memref<16x128xf32, #tpu.memory_space<vmem_shared>>
    tpu.wait_dma2 semaphore(%arg24 : memref<!tpu.dma_semaphore, #tpu.memory_space<semaphore_mem>>) src(%arg12 : memref<16x128xf32, #tpu.memory_space<vmem>>) dst(%dma_wait3A_418 : memref<16x128xf32, #tpu.memory_space<vmem_shared>>)
    %dma_wait3A_419 = arith.constant 0 : i32
    %dma_wait3A_420 = tpu.memref_slice %arg13[%add3A_183, %dma_wait3A_419] : memref<10240x128xf32, #tpu.memory_space<vmem_shared>> -> memref<16x128xf32, #tpu.memory_space<vmem_shared>>
    %dma_wait3A_421 = arith.constant 0 : i32
    %dma_wait3A_422 = tpu.memref_slice %arg13[%add3A_183, %dma_wait3A_421] : memref<10240x128xf32, #tpu.memory_space<vmem_shared>> -> memref<16x128xf32, #tpu.memory_space<vmem_shared>>
    tpu.wait_dma2 semaphore(%arg24 : memref<!tpu.dma_semaphore, #tpu.memory_space<semaphore_mem>>) src(%arg12 : memref<16x128xf32, #tpu.memory_space<vmem>>) dst(%dma_wait3A_422 : memref<16x128xf32, #tpu.memory_space<vmem_shared>>)
    %dma_wait3A_423 = arith.constant 0 : i32
    %dma_wait3A_424 = tpu.memref_slice %arg13[%add3A_191, %dma_wait3A_423] : memref<10240x128xf32, #tpu.memory_space<vmem_shared>> -> memref<16x128xf32, #tpu.memory_space<vmem_shared>>
    %dma_wait3A_425 = arith.constant 0 : i32
    %dma_wait3A_426 = tpu.memref_slice %arg13[%add3A_191, %dma_wait3A_425] : memref<10240x128xf32, #tpu.memory_space<vmem_shared>> -> memref<16x128xf32, #tpu.memory_space<vmem_shared>>
    tpu.wait_dma2 semaphore(%arg24 : memref<!tpu.dma_semaphore, #tpu.memory_space<semaphore_mem>>) src(%arg12 : memref<16x128xf32, #tpu.memory_space<vmem>>) dst(%dma_wait3A_426 : memref<16x128xf32, #tpu.memory_space<vmem_shared>>)
    %dma_wait3A_427 = arith.constant 0 : i32
    %dma_wait3A_428 = tpu.memref_slice %arg13[%add3A_199, %dma_wait3A_427] : memref<10240x128xf32, #tpu.memory_space<vmem_shared>> -> memref<16x128xf32, #tpu.memory_space<vmem_shared>>
    %dma_wait3A_429 = arith.constant 0 : i32
    %dma_wait3A_430 = tpu.memref_slice %arg13[%add3A_199, %dma_wait3A_429] : memref<10240x128xf32, #tpu.memory_space<vmem_shared>> -> memref<16x128xf32, #tpu.memory_space<vmem_shared>>
    tpu.wait_dma2 semaphore(%arg24 : memref<!tpu.dma_semaphore, #tpu.memory_space<semaphore_mem>>) src(%arg12 : memref<16x128xf32, #tpu.memory_space<vmem>>) dst(%dma_wait3A_430 : memref<16x128xf32, #tpu.memory_space<vmem_shared>>)
    %dma_wait3A_431 = arith.constant 0 : i32
    %dma_wait3A_432 = tpu.memref_slice %arg13[%add3A_207, %dma_wait3A_431] : memref<10240x128xf32, #tpu.memory_space<vmem_shared>> -> memref<16x128xf32, #tpu.memory_space<vmem_shared>>
    %dma_wait3A_433 = arith.constant 0 : i32
    %dma_wait3A_434 = tpu.memref_slice %arg13[%add3A_207, %dma_wait3A_433] : memref<10240x128xf32, #tpu.memory_space<vmem_shared>> -> memref<16x128xf32, #tpu.memory_space<vmem_shared>>
    tpu.wait_dma2 semaphore(%arg24 : memref<!tpu.dma_semaphore, #tpu.memory_space<semaphore_mem>>) src(%arg12 : memref<16x128xf32, #tpu.memory_space<vmem>>) dst(%dma_wait3A_434 : memref<16x128xf32, #tpu.memory_space<vmem_shared>>)
    %dma_wait3A_435 = arith.constant 0 : i32
    %dma_wait3A_436 = tpu.memref_slice %arg13[%add3A_215, %dma_wait3A_435] : memref<10240x128xf32, #tpu.memory_space<vmem_shared>> -> memref<16x128xf32, #tpu.memory_space<vmem_shared>>
    %dma_wait3A_437 = arith.constant 0 : i32
    %dma_wait3A_438 = tpu.memref_slice %arg13[%add3A_215, %dma_wait3A_437] : memref<10240x128xf32, #tpu.memory_space<vmem_shared>> -> memref<16x128xf32, #tpu.memory_space<vmem_shared>>
    tpu.wait_dma2 semaphore(%arg24 : memref<!tpu.dma_semaphore, #tpu.memory_space<semaphore_mem>>) src(%arg12 : memref<16x128xf32, #tpu.memory_space<vmem>>) dst(%dma_wait3A_438 : memref<16x128xf32, #tpu.memory_space<vmem_shared>>)
    %dma_wait3A_439 = arith.constant 0 : i32
    %dma_wait3A_440 = tpu.memref_slice %arg13[%add3A_223, %dma_wait3A_439] : memref<10240x128xf32, #tpu.memory_space<vmem_shared>> -> memref<16x128xf32, #tpu.memory_space<vmem_shared>>
    %dma_wait3A_441 = arith.constant 0 : i32
    %dma_wait3A_442 = tpu.memref_slice %arg13[%add3A_223, %dma_wait3A_441] : memref<10240x128xf32, #tpu.memory_space<vmem_shared>> -> memref<16x128xf32, #tpu.memory_space<vmem_shared>>
    tpu.wait_dma2 semaphore(%arg24 : memref<!tpu.dma_semaphore, #tpu.memory_space<semaphore_mem>>) src(%arg12 : memref<16x128xf32, #tpu.memory_space<vmem>>) dst(%dma_wait3A_442 : memref<16x128xf32, #tpu.memory_space<vmem_shared>>)
    %dma_wait3A_443 = arith.constant 0 : i32
    %dma_wait3A_444 = tpu.memref_slice %arg13[%add3A_231, %dma_wait3A_443] : memref<10240x128xf32, #tpu.memory_space<vmem_shared>> -> memref<16x128xf32, #tpu.memory_space<vmem_shared>>
    %dma_wait3A_445 = arith.constant 0 : i32
    %dma_wait3A_446 = tpu.memref_slice %arg13[%add3A_231, %dma_wait3A_445] : memref<10240x128xf32, #tpu.memory_space<vmem_shared>> -> memref<16x128xf32, #tpu.memory_space<vmem_shared>>
    tpu.wait_dma2 semaphore(%arg24 : memref<!tpu.dma_semaphore, #tpu.memory_space<semaphore_mem>>) src(%arg12 : memref<16x128xf32, #tpu.memory_space<vmem>>) dst(%dma_wait3A_446 : memref<16x128xf32, #tpu.memory_space<vmem_shared>>)
    %dma_wait3A_447 = arith.constant 0 : i32
    %dma_wait3A_448 = tpu.memref_slice %arg13[%add3A_239, %dma_wait3A_447] : memref<10240x128xf32, #tpu.memory_space<vmem_shared>> -> memref<16x128xf32, #tpu.memory_space<vmem_shared>>
    %dma_wait3A_449 = arith.constant 0 : i32
    %dma_wait3A_450 = tpu.memref_slice %arg13[%add3A_239, %dma_wait3A_449] : memref<10240x128xf32, #tpu.memory_space<vmem_shared>> -> memref<16x128xf32, #tpu.memory_space<vmem_shared>>
    tpu.wait_dma2 semaphore(%arg24 : memref<!tpu.dma_semaphore, #tpu.memory_space<semaphore_mem>>) src(%arg12 : memref<16x128xf32, #tpu.memory_space<vmem>>) dst(%dma_wait3A_450 : memref<16x128xf32, #tpu.memory_space<vmem_shared>>)
    %dma_wait3A_451 = arith.constant 0 : i32
    %dma_wait3A_452 = tpu.memref_slice %arg13[%add3A_247, %dma_wait3A_451] : memref<10240x128xf32, #tpu.memory_space<vmem_shared>> -> memref<16x128xf32, #tpu.memory_space<vmem_shared>>
    %dma_wait3A_453 = arith.constant 0 : i32
    %dma_wait3A_454 = tpu.memref_slice %arg13[%add3A_247, %dma_wait3A_453] : memref<10240x128xf32, #tpu.memory_space<vmem_shared>> -> memref<16x128xf32, #tpu.memory_space<vmem_shared>>
    tpu.wait_dma2 semaphore(%arg24 : memref<!tpu.dma_semaphore, #tpu.memory_space<semaphore_mem>>) src(%arg12 : memref<16x128xf32, #tpu.memory_space<vmem>>) dst(%dma_wait3A_454 : memref<16x128xf32, #tpu.memory_space<vmem_shared>>)
    %dma_wait3A_455 = arith.constant 0 : i32
    %dma_wait3A_456 = tpu.memref_slice %arg13[%add3A_255, %dma_wait3A_455] : memref<10240x128xf32, #tpu.memory_space<vmem_shared>> -> memref<16x128xf32, #tpu.memory_space<vmem_shared>>
    %dma_wait3A_457 = arith.constant 0 : i32
    %dma_wait3A_458 = tpu.memref_slice %arg13[%add3A_255, %dma_wait3A_457] : memref<10240x128xf32, #tpu.memory_space<vmem_shared>> -> memref<16x128xf32, #tpu.memory_space<vmem_shared>>
    tpu.wait_dma2 semaphore(%arg24 : memref<!tpu.dma_semaphore, #tpu.memory_space<semaphore_mem>>) src(%arg12 : memref<16x128xf32, #tpu.memory_space<vmem>>) dst(%dma_wait3A_458 : memref<16x128xf32, #tpu.memory_space<vmem_shared>>)
    %dma_wait3A_459 = arith.constant 0 : i32
    %dma_wait3A_460 = tpu.memref_slice %arg13[%add3A_263, %dma_wait3A_459] : memref<10240x128xf32, #tpu.memory_space<vmem_shared>> -> memref<16x128xf32, #tpu.memory_space<vmem_shared>>
    %dma_wait3A_461 = arith.constant 0 : i32
    %dma_wait3A_462 = tpu.memref_slice %arg13[%add3A_263, %dma_wait3A_461] : memref<10240x128xf32, #tpu.memory_space<vmem_shared>> -> memref<16x128xf32, #tpu.memory_space<vmem_shared>>
    tpu.wait_dma2 semaphore(%arg24 : memref<!tpu.dma_semaphore, #tpu.memory_space<semaphore_mem>>) src(%arg12 : memref<16x128xf32, #tpu.memory_space<vmem>>) dst(%dma_wait3A_462 : memref<16x128xf32, #tpu.memory_space<vmem_shared>>)
    %dma_wait3A_463 = arith.constant 0 : i32
    %dma_wait3A_464 = tpu.memref_slice %arg13[%add3A_271, %dma_wait3A_463] : memref<10240x128xf32, #tpu.memory_space<vmem_shared>> -> memref<16x128xf32, #tpu.memory_space<vmem_shared>>
    %dma_wait3A_465 = arith.constant 0 : i32
    %dma_wait3A_466 = tpu.memref_slice %arg13[%add3A_271, %dma_wait3A_465] : memref<10240x128xf32, #tpu.memory_space<vmem_shared>> -> memref<16x128xf32, #tpu.memory_space<vmem_shared>>
    tpu.wait_dma2 semaphore(%arg24 : memref<!tpu.dma_semaphore, #tpu.memory_space<semaphore_mem>>) src(%arg12 : memref<16x128xf32, #tpu.memory_space<vmem>>) dst(%dma_wait3A_466 : memref<16x128xf32, #tpu.memory_space<vmem_shared>>)
    %dma_wait3A_467 = arith.constant 0 : i32
    %dma_wait3A_468 = tpu.memref_slice %arg13[%add3A_279, %dma_wait3A_467] : memref<10240x128xf32, #tpu.memory_space<vmem_shared>> -> memref<16x128xf32, #tpu.memory_space<vmem_shared>>
    %dma_wait3A_469 = arith.constant 0 : i32
    %dma_wait3A_470 = tpu.memref_slice %arg13[%add3A_279, %dma_wait3A_469] : memref<10240x128xf32, #tpu.memory_space<vmem_shared>> -> memref<16x128xf32, #tpu.memory_space<vmem_shared>>
    tpu.wait_dma2 semaphore(%arg24 : memref<!tpu.dma_semaphore, #tpu.memory_space<semaphore_mem>>) src(%arg12 : memref<16x128xf32, #tpu.memory_space<vmem>>) dst(%dma_wait3A_470 : memref<16x128xf32, #tpu.memory_space<vmem_shared>>)
    %dma_wait3A_471 = arith.constant 0 : i32
    %dma_wait3A_472 = tpu.memref_slice %arg13[%add3A_287, %dma_wait3A_471] : memref<10240x128xf32, #tpu.memory_space<vmem_shared>> -> memref<16x128xf32, #tpu.memory_space<vmem_shared>>
    %dma_wait3A_473 = arith.constant 0 : i32
    %dma_wait3A_474 = tpu.memref_slice %arg13[%add3A_287, %dma_wait3A_473] : memref<10240x128xf32, #tpu.memory_space<vmem_shared>> -> memref<16x128xf32, #tpu.memory_space<vmem_shared>>
    tpu.wait_dma2 semaphore(%arg24 : memref<!tpu.dma_semaphore, #tpu.memory_space<semaphore_mem>>) src(%arg12 : memref<16x128xf32, #tpu.memory_space<vmem>>) dst(%dma_wait3A_474 : memref<16x128xf32, #tpu.memory_space<vmem_shared>>)
    %dma_wait3A_475 = arith.constant 0 : i32
    %dma_wait3A_476 = tpu.memref_slice %arg13[%add3A_295, %dma_wait3A_475] : memref<10240x128xf32, #tpu.memory_space<vmem_shared>> -> memref<16x128xf32, #tpu.memory_space<vmem_shared>>
    %dma_wait3A_477 = arith.constant 0 : i32
    %dma_wait3A_478 = tpu.memref_slice %arg13[%add3A_295, %dma_wait3A_477] : memref<10240x128xf32, #tpu.memory_space<vmem_shared>> -> memref<16x128xf32, #tpu.memory_space<vmem_shared>>
    tpu.wait_dma2 semaphore(%arg24 : memref<!tpu.dma_semaphore, #tpu.memory_space<semaphore_mem>>) src(%arg12 : memref<16x128xf32, #tpu.memory_space<vmem>>) dst(%dma_wait3A_478 : memref<16x128xf32, #tpu.memory_space<vmem_shared>>)
    %dma_wait3A_479 = arith.constant 0 : i32
    %dma_wait3A_480 = tpu.memref_slice %arg13[%add3A_303, %dma_wait3A_479] : memref<10240x128xf32, #tpu.memory_space<vmem_shared>> -> memref<16x128xf32, #tpu.memory_space<vmem_shared>>
    %dma_wait3A_481 = arith.constant 0 : i32
    %dma_wait3A_482 = tpu.memref_slice %arg13[%add3A_303, %dma_wait3A_481] : memref<10240x128xf32, #tpu.memory_space<vmem_shared>> -> memref<16x128xf32, #tpu.memory_space<vmem_shared>>
    tpu.wait_dma2 semaphore(%arg24 : memref<!tpu.dma_semaphore, #tpu.memory_space<semaphore_mem>>) src(%arg12 : memref<16x128xf32, #tpu.memory_space<vmem>>) dst(%dma_wait3A_482 : memref<16x128xf32, #tpu.memory_space<vmem_shared>>)
    %dma_wait3A_483 = arith.constant 0 : i32
    %dma_wait3A_484 = tpu.memref_slice %arg13[%add3A_311, %dma_wait3A_483] : memref<10240x128xf32, #tpu.memory_space<vmem_shared>> -> memref<16x128xf32, #tpu.memory_space<vmem_shared>>
    %dma_wait3A_485 = arith.constant 0 : i32
    %dma_wait3A_486 = tpu.memref_slice %arg13[%add3A_311, %dma_wait3A_485] : memref<10240x128xf32, #tpu.memory_space<vmem_shared>> -> memref<16x128xf32, #tpu.memory_space<vmem_shared>>
    tpu.wait_dma2 semaphore(%arg24 : memref<!tpu.dma_semaphore, #tpu.memory_space<semaphore_mem>>) src(%arg12 : memref<16x128xf32, #tpu.memory_space<vmem>>) dst(%dma_wait3A_486 : memref<16x128xf32, #tpu.memory_space<vmem_shared>>)
    %dma_wait3A_487 = arith.constant 0 : i32
    %dma_wait3A_488 = tpu.memref_slice %arg13[%add3A_319, %dma_wait3A_487] : memref<10240x128xf32, #tpu.memory_space<vmem_shared>> -> memref<16x128xf32, #tpu.memory_space<vmem_shared>>
    %dma_wait3A_489 = arith.constant 0 : i32
    %dma_wait3A_490 = tpu.memref_slice %arg13[%add3A_319, %dma_wait3A_489] : memref<10240x128xf32, #tpu.memory_space<vmem_shared>> -> memref<16x128xf32, #tpu.memory_space<vmem_shared>>
    tpu.wait_dma2 semaphore(%arg24 : memref<!tpu.dma_semaphore, #tpu.memory_space<semaphore_mem>>) src(%arg12 : memref<16x128xf32, #tpu.memory_space<vmem>>) dst(%dma_wait3A_490 : memref<16x128xf32, #tpu.memory_space<vmem_shared>>)
    %dma_wait3A_491 = arith.constant 0 : i32
    %dma_wait3A_492 = tpu.memref_slice %arg13[%add3A_327, %dma_wait3A_491] : memref<10240x128xf32, #tpu.memory_space<vmem_shared>> -> memref<16x128xf32, #tpu.memory_space<vmem_shared>>
    %dma_wait3A_493 = arith.constant 0 : i32
    %dma_wait3A_494 = tpu.memref_slice %arg13[%add3A_327, %dma_wait3A_493] : memref<10240x128xf32, #tpu.memory_space<vmem_shared>> -> memref<16x128xf32, #tpu.memory_space<vmem_shared>>
    tpu.wait_dma2 semaphore(%arg24 : memref<!tpu.dma_semaphore, #tpu.memory_space<semaphore_mem>>) src(%arg12 : memref<16x128xf32, #tpu.memory_space<vmem>>) dst(%dma_wait3A_494 : memref<16x128xf32, #tpu.memory_space<vmem_shared>>)
    %dma_wait3A_495 = arith.constant 0 : i32
    %dma_wait3A_496 = tpu.memref_slice %arg13[%add3A_335, %dma_wait3A_495] : memref<10240x128xf32, #tpu.memory_space<vmem_shared>> -> memref<16x128xf32, #tpu.memory_space<vmem_shared>>
    %dma_wait3A_497 = arith.constant 0 : i32
    %dma_wait3A_498 = tpu.memref_slice %arg13[%add3A_335, %dma_wait3A_497] : memref<10240x128xf32, #tpu.memory_space<vmem_shared>> -> memref<16x128xf32, #tpu.memory_space<vmem_shared>>
    tpu.wait_dma2 semaphore(%arg24 : memref<!tpu.dma_semaphore, #tpu.memory_space<semaphore_mem>>) src(%arg12 : memref<16x128xf32, #tpu.memory_space<vmem>>) dst(%dma_wait3A_498 : memref<16x128xf32, #tpu.memory_space<vmem_shared>>)
    %barrier3A = arith.constant 0 : index
    tpu.barrier barrier_id(%barrier3A)
    %rem3A = arith.constant 1 : i32
    %rem3A_499 = arith.constant 16 : i32
    %rem3A_500 = arith.remsi %rem3A, %rem3A_499 : i32
    %mul3A_501 = arith.constant 8 : i32
    %mul3A_502 = arith.muli %rem3A_500, %mul3A_501 : i32
    %dma_start3A_503 = arith.constant 8 : i32
    %dma_start3A_504 = arith.constant 0 : i32
    %dma_start3A_505 = tpu.memref_slice %arg6[%dma_start3A_503, %dma_start3A_504] : memref<16x80xi32, #tpu.memory_space<vmem>> -> memref<8x80xi32, #tpu.memory_space<vmem>>
    %dma_start3A_506 = arith.constant 0 : i32
    %dma_start3A_507 = tpu.memref_slice %arg3[%add3A, %mul3A_502, %dma_start3A_506] : memref<32x128x80xi32, #tpu.memory_space<hbm>> -> memref<1x8x80xi32, #tpu.memory_space<hbm>>
    %dma_start3A_508 = tpu.memref_squeeze %dma_start3A_507 : memref<1x8x80xi32, #tpu.memory_space<hbm>> -> memref<8x80xi32, #tpu.memory_space<hbm>>
    %dma_start3A_509 = arith.constant 8 : i32
    %dma_start3A_510 = arith.constant 0 : i32
    %dma_start3A_511 = tpu.memref_slice %arg6[%dma_start3A_509, %dma_start3A_510] : memref<16x80xi32, #tpu.memory_space<vmem>> -> memref<8x80xi32, #tpu.memory_space<vmem>>
    %dma_start3A_512 = arith.constant 0 : i32
    %dma_start3A_513 = tpu.memref_slice %arg3[%add3A, %mul3A_502, %dma_start3A_512] : memref<32x128x80xi32, #tpu.memory_space<hbm>> -> memref<1x8x80xi32, #tpu.memory_space<hbm>>
    %dma_start3A_514 = tpu.memref_squeeze %dma_start3A_513 : memref<1x8x80xi32, #tpu.memory_space<hbm>> -> memref<8x80xi32, #tpu.memory_space<hbm>>
    tpu.enqueue_dma source(%dma_start3A_514 : memref<8x80xi32, #tpu.memory_space<hbm>>) target(%dma_start3A_511 : memref<8x80xi32, #tpu.memory_space<vmem>>) target_semaphore(%arg22 : memref<!tpu.dma_semaphore, #tpu.memory_space<semaphore_mem>>)
    %mul3A_515 = arith.constant 8 : i32
    %mul3A_516 = arith.muli %rem3A_500, %mul3A_515 : i32
    %dma_start3A_517 = arith.constant 8 : i32
    %dma_start3A_518 = arith.constant 0 : i32
    %dma_start3A_519 = tpu.memref_slice %arg7[%dma_start3A_517, %dma_start3A_518] : memref<16x80xi32, #tpu.memory_space<vmem>> -> memref<8x80xi32, #tpu.memory_space<vmem>>
    %dma_start3A_520 = arith.constant 0 : i32
    %dma_start3A_521 = tpu.memref_slice %arg4[%add3A, %mul3A_516, %dma_start3A_520] : memref<32x128x80xi32, #tpu.memory_space<hbm>> -> memref<1x8x80xi32, #tpu.memory_space<hbm>>
    %dma_start3A_522 = tpu.memref_squeeze %dma_start3A_521 : memref<1x8x80xi32, #tpu.memory_space<hbm>> -> memref<8x80xi32, #tpu.memory_space<hbm>>
    %dma_start3A_523 = arith.constant 8 : i32
    %dma_start3A_524 = arith.constant 0 : i32
    %dma_start3A_525 = tpu.memref_slice %arg7[%dma_start3A_523, %dma_start3A_524] : memref<16x80xi32, #tpu.memory_space<vmem>> -> memref<8x80xi32, #tpu.memory_space<vmem>>
    %dma_start3A_526 = arith.constant 0 : i32
    %dma_start3A_527 = tpu.memref_slice %arg4[%add3A, %mul3A_516, %dma_start3A_526] : memref<32x128x80xi32, #tpu.memory_space<hbm>> -> memref<1x8x80xi32, #tpu.memory_space<hbm>>
    %dma_start3A_528 = tpu.memref_squeeze %dma_start3A_527 : memref<1x8x80xi32, #tpu.memory_space<hbm>> -> memref<8x80xi32, #tpu.memory_space<hbm>>
    tpu.enqueue_dma source(%dma_start3A_528 : memref<8x80xi32, #tpu.memory_space<hbm>>) target(%dma_start3A_525 : memref<8x80xi32, #tpu.memory_space<vmem>>) target_semaphore(%arg23 : memref<!tpu.dma_semaphore, #tpu.memory_space<semaphore_mem>>)
    %dma_wait3A_529 = arith.constant 0 : i32
    %dma_wait3A_530 = arith.constant 0 : i32
    %dma_wait3A_531 = tpu.memref_slice %arg2[%dma_wait3A_529, %dma_wait3A_530] : memref<10240x128xf32, #tpu.memory_space<hbm>> -> memref<80x128xf32, #tpu.memory_space<hbm>>
    %dma_wait3A_532 = arith.constant 0 : i32
    %dma_wait3A_533 = arith.constant 0 : i32
    %dma_wait3A_534 = tpu.memref_slice %arg2[%dma_wait3A_532, %dma_wait3A_533] : memref<10240x128xf32, #tpu.memory_space<hbm>> -> memref<80x128xf32, #tpu.memory_space<hbm>>
    tpu.wait_dma2 semaphore(%arg14 : memref<!tpu.dma_semaphore, #tpu.memory_space<semaphore_mem>>) src(%dma_wait3A_534 : memref<80x128xf32, #tpu.memory_space<hbm>>) dst(%arg8 : memref<80x128xf32, #tpu.memory_space<vmem>>)
    %dma_start3A_535 = arith.constant 0 : i32
    %dma_start3A_536 = arith.constant 0 : i32
    %dma_start3A_537 = tpu.memref_slice %arg7[%dma_start3A_535, %dma_start3A_536] : memref<16x80xi32, #tpu.memory_space<vmem>> -> memref<1x80xi32, #tpu.memory_space<vmem>>
    %dma_start3A_538 = tpu.memref_squeeze %dma_start3A_537 : memref<1x80xi32, #tpu.memory_space<vmem>> -> memref<80xi32, #tpu.memory_space<vmem>>
    %dma_start3A_539 = arith.constant 0 : i32
    %dma_start3A_540 = arith.constant 0 : i32
    %dma_start3A_541 = tpu.memref_slice %arg13[%dma_start3A_539, %dma_start3A_540] : memref<10240x128xf32, #tpu.memory_space<vmem_shared>> -> memref<10240x128xf32, #tpu.memory_space<vmem_shared>>
    tpu.enqueue_indirect_dma source(%arg8 : memref<80x128xf32, #tpu.memory_space<vmem>>) target(%dma_start3A_541 : memref<10240x128xf32, #tpu.memory_space<vmem_shared>>) offsets(%dma_start3A_538 : memref<80xi32, #tpu.memory_space<vmem>>) semaphore(%arg18 : memref<!tpu.dma_semaphore, #tpu.memory_space<semaphore_mem>>) {add = true}
    %dma_start3A_542 = arith.constant 2 : i32
    %dma_start3A_543 = arith.constant 0 : i32
    %dma_start3A_544 = tpu.memref_slice %arg6[%dma_start3A_542, %dma_start3A_543] : memref<16x80xi32, #tpu.memory_space<vmem>> -> memref<1x80xi32, #tpu.memory_space<vmem>>
    %dma_start3A_545 = tpu.memref_squeeze %dma_start3A_544 : memref<1x80xi32, #tpu.memory_space<vmem>> -> memref<80xi32, #tpu.memory_space<vmem>>
    %dma_start3A_546 = arith.constant 0 : i32
    %dma_start3A_547 = arith.constant 0 : i32
    %dma_start3A_548 = tpu.memref_slice %arg2[%dma_start3A_546, %dma_start3A_547] : memref<10240x128xf32, #tpu.memory_space<hbm>> -> memref<10240x128xf32, #tpu.memory_space<hbm>>
    tpu.enqueue_indirect_dma source(%dma_start3A_548 : memref<10240x128xf32, #tpu.memory_space<hbm>>) target(%arg10 : memref<80x128xf32, #tpu.memory_space<vmem>>) offsets(%dma_start3A_545 : memref<80xi32, #tpu.memory_space<vmem>>) semaphore(%arg16 : memref<!tpu.dma_semaphore, #tpu.memory_space<semaphore_mem>>)
    %dma_wait3A_549 = arith.constant 0 : i32
    %dma_wait3A_550 = arith.constant 0 : i32
    %dma_wait3A_551 = tpu.memref_slice %arg2[%dma_wait3A_549, %dma_wait3A_550] : memref<10240x128xf32, #tpu.memory_space<hbm>> -> memref<80x128xf32, #tpu.memory_space<hbm>>
    %dma_wait3A_552 = arith.constant 0 : i32
    %dma_wait3A_553 = arith.constant 0 : i32
    %dma_wait3A_554 = tpu.memref_slice %arg2[%dma_wait3A_552, %dma_wait3A_553] : memref<10240x128xf32, #tpu.memory_space<hbm>> -> memref<80x128xf32, #tpu.memory_space<hbm>>
    tpu.wait_dma2 semaphore(%arg15 : memref<!tpu.dma_semaphore, #tpu.memory_space<semaphore_mem>>) src(%dma_wait3A_554 : memref<80x128xf32, #tpu.memory_space<hbm>>) dst(%arg9 : memref<80x128xf32, #tpu.memory_space<vmem>>)
    %dma_start3A_555 = arith.constant 1 : i32
    %dma_start3A_556 = arith.constant 0 : i32
    %dma_start3A_557 = tpu.memref_slice %arg7[%dma_start3A_555, %dma_start3A_556] : memref<16x80xi32, #tpu.memory_space<vmem>> -> memref<1x80xi32, #tpu.memory_space<vmem>>
    %dma_start3A_558 = tpu.memref_squeeze %dma_start3A_557 : memref<1x80xi32, #tpu.memory_space<vmem>> -> memref<80xi32, #tpu.memory_space<vmem>>
    %dma_start3A_559 = arith.constant 0 : i32
    %dma_start3A_560 = arith.constant 0 : i32
    %dma_start3A_561 = tpu.memref_slice %arg13[%dma_start3A_559, %dma_start3A_560] : memref<10240x128xf32, #tpu.memory_space<vmem_shared>> -> memref<10240x128xf32, #tpu.memory_space<vmem_shared>>
    tpu.enqueue_indirect_dma source(%arg9 : memref<80x128xf32, #tpu.memory_space<vmem>>) target(%dma_start3A_561 : memref<10240x128xf32, #tpu.memory_space<vmem_shared>>) offsets(%dma_start3A_558 : memref<80xi32, #tpu.memory_space<vmem>>) semaphore(%arg19 : memref<!tpu.dma_semaphore, #tpu.memory_space<semaphore_mem>>) {add = true}
    %dma_start3A_562 = arith.constant 3 : i32
    %dma_start3A_563 = arith.constant 0 : i32
    %dma_start3A_564 = tpu.memref_slice %arg6[%dma_start3A_562, %dma_start3A_563] : memref<16x80xi32, #tpu.memory_space<vmem>> -> memref<1x80xi32, #tpu.memory_space<vmem>>
    %dma_start3A_565 = tpu.memref_squeeze %dma_start3A_564 : memref<1x80xi32, #tpu.memory_space<vmem>> -> memref<80xi32, #tpu.memory_space<vmem>>
    %dma_start3A_566 = arith.constant 0 : i32
    %dma_start3A_567 = arith.constant 0 : i32
    %dma_start3A_568 = tpu.memref_slice %arg2[%dma_start3A_566, %dma_start3A_567] : memref<10240x128xf32, #tpu.memory_space<hbm>> -> memref<10240x128xf32, #tpu.memory_space<hbm>>
    tpu.enqueue_indirect_dma source(%dma_start3A_568 : memref<10240x128xf32, #tpu.memory_space<hbm>>) target(%arg11 : memref<80x128xf32, #tpu.memory_space<vmem>>) offsets(%dma_start3A_565 : memref<80xi32, #tpu.memory_space<vmem>>) semaphore(%arg17 : memref<!tpu.dma_semaphore, #tpu.memory_space<semaphore_mem>>)
    %dma_wait3A_569 = arith.constant 0 : i32
    %dma_wait3A_570 = arith.constant 0 : i32
    %dma_wait3A_571 = tpu.memref_slice %arg2[%dma_wait3A_569, %dma_wait3A_570] : memref<10240x128xf32, #tpu.memory_space<hbm>> -> memref<80x128xf32, #tpu.memory_space<hbm>>
    %dma_wait3A_572 = arith.constant 0 : i32
    %dma_wait3A_573 = arith.constant 0 : i32
    %dma_wait3A_574 = tpu.memref_slice %arg2[%dma_wait3A_572, %dma_wait3A_573] : memref<10240x128xf32, #tpu.memory_space<hbm>> -> memref<80x128xf32, #tpu.memory_space<hbm>>
    tpu.wait_dma2 semaphore(%arg16 : memref<!tpu.dma_semaphore, #tpu.memory_space<semaphore_mem>>) src(%dma_wait3A_574 : memref<80x128xf32, #tpu.memory_space<hbm>>) dst(%arg10 : memref<80x128xf32, #tpu.memory_space<vmem>>)
    %dma_start3A_575 = arith.constant 2 : i32
    %dma_start3A_576 = arith.constant 0 : i32
    %dma_start3A_577 = tpu.memref_slice %arg7[%dma_start3A_575, %dma_start3A_576] : memref<16x80xi32, #tpu.memory_space<vmem>> -> memref<1x80xi32, #tpu.memory_space<vmem>>
    %dma_start3A_578 = tpu.memref_squeeze %dma_start3A_577 : memref<1x80xi32, #tpu.memory_space<vmem>> -> memref<80xi32, #tpu.memory_space<vmem>>
    %dma_start3A_579 = arith.constant 0 : i32
    %dma_start3A_580 = arith.constant 0 : i32
    %dma_start3A_581 = tpu.memref_slice %arg13[%dma_start3A_579, %dma_start3A_580] : memref<10240x128xf32, #tpu.memory_space<vmem_shared>> -> memref<10240x128xf32, #tpu.memory_space<vmem_shared>>
    tpu.enqueue_indirect_dma source(%arg10 : memref<80x128xf32, #tpu.memory_space<vmem>>) target(%dma_start3A_581 : memref<10240x128xf32, #tpu.memory_space<vmem_shared>>) offsets(%dma_start3A_578 : memref<80xi32, #tpu.memory_space<vmem>>) semaphore(%arg20 : memref<!tpu.dma_semaphore, #tpu.memory_space<semaphore_mem>>) {add = true}
    %dma_wait3A_582 = arith.constant 0 : i32
    %dma_wait3A_583 = arith.constant 0 : i32
    %dma_wait3A_584 = tpu.memref_slice %arg7[%dma_wait3A_582, %dma_wait3A_583] : memref<16x80xi32, #tpu.memory_space<vmem>> -> memref<1x80xi32, #tpu.memory_space<vmem>>
    %dma_wait3A_585 = tpu.memref_squeeze %dma_wait3A_584 : memref<1x80xi32, #tpu.memory_space<vmem>> -> memref<80xi32, #tpu.memory_space<vmem>>
    %dma_wait3A_586 = arith.constant 0 : i32
    %dma_wait3A_587 = arith.constant 0 : i32
    %dma_wait3A_588 = tpu.memref_slice %arg13[%dma_wait3A_586, %dma_wait3A_587] : memref<10240x128xf32, #tpu.memory_space<vmem_shared>> -> memref<10240x128xf32, #tpu.memory_space<vmem_shared>>
    tpu.wait_indirect_dma semaphore(%arg18 : memref<!tpu.dma_semaphore, #tpu.memory_space<semaphore_mem>>) src(%arg8 : memref<80x128xf32, #tpu.memory_space<vmem>>) dst(%dma_wait3A_588 : memref<10240x128xf32, #tpu.memory_space<vmem_shared>>)
    %dma_start3A_589 = arith.constant 4 : i32
    %dma_start3A_590 = arith.constant 0 : i32
    %dma_start3A_591 = tpu.memref_slice %arg6[%dma_start3A_589, %dma_start3A_590] : memref<16x80xi32, #tpu.memory_space<vmem>> -> memref<1x80xi32, #tpu.memory_space<vmem>>
    %dma_start3A_592 = tpu.memref_squeeze %dma_start3A_591 : memref<1x80xi32, #tpu.memory_space<vmem>> -> memref<80xi32, #tpu.memory_space<vmem>>
    %dma_start3A_593 = arith.constant 0 : i32
    %dma_start3A_594 = arith.constant 0 : i32
    %dma_start3A_595 = tpu.memref_slice %arg2[%dma_start3A_593, %dma_start3A_594] : memref<10240x128xf32, #tpu.memory_space<hbm>> -> memref<10240x128xf32, #tpu.memory_space<hbm>>
    tpu.enqueue_indirect_dma source(%dma_start3A_595 : memref<10240x128xf32, #tpu.memory_space<hbm>>) target(%arg8 : memref<80x128xf32, #tpu.memory_space<vmem>>) offsets(%dma_start3A_592 : memref<80xi32, #tpu.memory_space<vmem>>) semaphore(%arg14 : memref<!tpu.dma_semaphore, #tpu.memory_space<semaphore_mem>>)
    %dma_wait3A_596 = arith.constant 0 : i32
    %dma_wait3A_597 = arith.constant 0 : i32
    %dma_wait3A_598 = tpu.memref_slice %arg2[%dma_wait3A_596, %dma_wait3A_597] : memref<10240x128xf32, #tpu.memory_space<hbm>> -> memref<80x128xf32, #tpu.memory_space<hbm>>
    %dma_wait3A_599 = arith.constant 0 : i32
    %dma_wait3A_600 = arith.constant 0 : i32
    %dma_wait3A_601 = tpu.memref_slice %arg2[%dma_wait3A_599, %dma_wait3A_600] : memref<10240x128xf32, #tpu.memory_space<hbm>> -> memref<80x128xf32, #tpu.memory_space<hbm>>
    tpu.wait_dma2 semaphore(%arg17 : memref<!tpu.dma_semaphore, #tpu.memory_space<semaphore_mem>>) src(%dma_wait3A_601 : memref<80x128xf32, #tpu.memory_space<hbm>>) dst(%arg11 : memref<80x128xf32, #tpu.memory_space<vmem>>)
    %dma_start3A_602 = arith.constant 3 : i32
    %dma_start3A_603 = arith.constant 0 : i32
    %dma_start3A_604 = tpu.memref_slice %arg7[%dma_start3A_602, %dma_start3A_603] : memref<16x80xi32, #tpu.memory_space<vmem>> -> memref<1x80xi32, #tpu.memory_space<vmem>>
    %dma_start3A_605 = tpu.memref_squeeze %dma_start3A_604 : memref<1x80xi32, #tpu.memory_space<vmem>> -> memref<80xi32, #tpu.memory_space<vmem>>
    %dma_start3A_606 = arith.constant 0 : i32
    %dma_start3A_607 = arith.constant 0 : i32
    %dma_start3A_608 = tpu.memref_slice %arg13[%dma_start3A_606, %dma_start3A_607] : memref<10240x128xf32, #tpu.memory_space<vmem_shared>> -> memref<10240x128xf32, #tpu.memory_space<vmem_shared>>
    tpu.enqueue_indirect_dma source(%arg11 : memref<80x128xf32, #tpu.memory_space<vmem>>) target(%dma_start3A_608 : memref<10240x128xf32, #tpu.memory_space<vmem_shared>>) offsets(%dma_start3A_605 : memref<80xi32, #tpu.memory_space<vmem>>) semaphore(%arg21 : memref<!tpu.dma_semaphore, #tpu.memory_space<semaphore_mem>>) {add = true}
    %dma_wait3A_609 = arith.constant 0 : i32
    %dma_wait3A_610 = arith.constant 0 : i32
    %dma_wait3A_611 = tpu.memref_slice %arg7[%dma_wait3A_609, %dma_wait3A_610] : memref<16x80xi32, #tpu.memory_space<vmem>> -> memref<1x80xi32, #tpu.memory_space<vmem>>
    %dma_wait3A_612 = tpu.memref_squeeze %dma_wait3A_611 : memref<1x80xi32, #tpu.memory_space<vmem>> -> memref<80xi32, #tpu.memory_space<vmem>>
    %dma_wait3A_613 = arith.constant 0 : i32
    %dma_wait3A_614 = arith.constant 0 : i32
    %dma_wait3A_615 = tpu.memref_slice %arg13[%dma_wait3A_613, %dma_wait3A_614] : memref<10240x128xf32, #tpu.memory_space<vmem_shared>> -> memref<10240x128xf32, #tpu.memory_space<vmem_shared>>
    tpu.wait_indirect_dma semaphore(%arg19 : memref<!tpu.dma_semaphore, #tpu.memory_space<semaphore_mem>>) src(%arg9 : memref<80x128xf32, #tpu.memory_space<vmem>>) dst(%dma_wait3A_615 : memref<10240x128xf32, #tpu.memory_space<vmem_shared>>)
    %dma_start3A_616 = arith.constant 5 : i32
    %dma_start3A_617 = arith.constant 0 : i32
    %dma_start3A_618 = tpu.memref_slice %arg6[%dma_start3A_616, %dma_start3A_617] : memref<16x80xi32, #tpu.memory_space<vmem>> -> memref<1x80xi32, #tpu.memory_space<vmem>>
    %dma_start3A_619 = tpu.memref_squeeze %dma_start3A_618 : memref<1x80xi32, #tpu.memory_space<vmem>> -> memref<80xi32, #tpu.memory_space<vmem>>
    %dma_start3A_620 = arith.constant 0 : i32
    %dma_start3A_621 = arith.constant 0 : i32
    %dma_start3A_622 = tpu.memref_slice %arg2[%dma_start3A_620, %dma_start3A_621] : memref<10240x128xf32, #tpu.memory_space<hbm>> -> memref<10240x128xf32, #tpu.memory_space<hbm>>
    tpu.enqueue_indirect_dma source(%dma_start3A_622 : memref<10240x128xf32, #tpu.memory_space<hbm>>) target(%arg9 : memref<80x128xf32, #tpu.memory_space<vmem>>) offsets(%dma_start3A_619 : memref<80xi32, #tpu.memory_space<vmem>>) semaphore(%arg15 : memref<!tpu.dma_semaphore, #tpu.memory_space<semaphore_mem>>)
    %dma_wait3A_623 = arith.constant 0 : i32
    %dma_wait3A_624 = arith.constant 0 : i32
    %dma_wait3A_625 = tpu.memref_slice %arg2[%dma_wait3A_623, %dma_wait3A_624] : memref<10240x128xf32, #tpu.memory_space<hbm>> -> memref<80x128xf32, #tpu.memory_space<hbm>>
    %dma_wait3A_626 = arith.constant 0 : i32
    %dma_wait3A_627 = arith.constant 0 : i32
    %dma_wait3A_628 = tpu.memref_slice %arg2[%dma_wait3A_626, %dma_wait3A_627] : memref<10240x128xf32, #tpu.memory_space<hbm>> -> memref<80x128xf32, #tpu.memory_space<hbm>>
    tpu.wait_dma2 semaphore(%arg14 : memref<!tpu.dma_semaphore, #tpu.memory_space<semaphore_mem>>) src(%dma_wait3A_628 : memref<80x128xf32, #tpu.memory_space<hbm>>) dst(%arg8 : memref<80x128xf32, #tpu.memory_space<vmem>>)
    %dma_start3A_629 = arith.constant 4 : i32
    %dma_start3A_630 = arith.constant 0 : i32
    %dma_start3A_631 = tpu.memref_slice %arg7[%dma_start3A_629, %dma_start3A_630] : memref<16x80xi32, #tpu.memory_space<vmem>> -> memref<1x80xi32, #tpu.memory_space<vmem>>
    %dma_start3A_632 = tpu.memref_squeeze %dma_start3A_631 : memref<1x80xi32, #tpu.memory_space<vmem>> -> memref<80xi32, #tpu.memory_space<vmem>>
    %dma_start3A_633 = arith.constant 0 : i32
    %dma_start3A_634 = arith.constant 0 : i32
    %dma_start3A_635 = tpu.memref_slice %arg13[%dma_start3A_633, %dma_start3A_634] : memref<10240x128xf32, #tpu.memory_space<vmem_shared>> -> memref<10240x128xf32, #tpu.memory_space<vmem_shared>>
    tpu.enqueue_indirect_dma source(%arg8 : memref<80x128xf32, #tpu.memory_space<vmem>>) target(%dma_start3A_635 : memref<10240x128xf32, #tpu.memory_space<vmem_shared>>) offsets(%dma_start3A_632 : memref<80xi32, #tpu.memory_space<vmem>>) semaphore(%arg18 : memref<!tpu.dma_semaphore, #tpu.memory_space<semaphore_mem>>) {add = true}
    %dma_wait3A_636 = arith.constant 0 : i32
    %dma_wait3A_637 = arith.constant 0 : i32
    %dma_wait3A_638 = tpu.memref_slice %arg7[%dma_wait3A_636, %dma_wait3A_637] : memref<16x80xi32, #tpu.memory_space<vmem>> -> memref<1x80xi32, #tpu.memory_space<vmem>>
    %dma_wait3A_639 = tpu.memref_squeeze %dma_wait3A_638 : memref<1x80xi32, #tpu.memory_space<vmem>> -> memref<80xi32, #tpu.memory_space<vmem>>
    %dma_wait3A_640 = arith.constant 0 : i32
    %dma_wait3A_641 = arith.constant 0 : i32
    %dma_wait3A_642 = tpu.memref_slice %arg13[%dma_wait3A_640, %dma_wait3A_641] : memref<10240x128xf32, #tpu.memory_space<vmem_shared>> -> memref<10240x128xf32, #tpu.memory_space<vmem_shared>>
    tpu.wait_indirect_dma semaphore(%arg20 : memref<!tpu.dma_semaphore, #tpu.memory_space<semaphore_mem>>) src(%arg10 : memref<80x128xf32, #tpu.memory_space<vmem>>) dst(%dma_wait3A_642 : memref<10240x128xf32, #tpu.memory_space<vmem_shared>>)
    %dma_start3A_643 = arith.constant 6 : i32
    %dma_start3A_644 = arith.constant 0 : i32
    %dma_start3A_645 = tpu.memref_slice %arg6[%dma_start3A_643, %dma_start3A_644] : memref<16x80xi32, #tpu.memory_space<vmem>> -> memref<1x80xi32, #tpu.memory_space<vmem>>
    %dma_start3A_646 = tpu.memref_squeeze %dma_start3A_645 : memref<1x80xi32, #tpu.memory_space<vmem>> -> memref<80xi32, #tpu.memory_space<vmem>>
    %dma_start3A_647 = arith.constant 0 : i32
    %dma_start3A_648 = arith.constant 0 : i32
    %dma_start3A_649 = tpu.memref_slice %arg2[%dma_start3A_647, %dma_start3A_648] : memref<10240x128xf32, #tpu.memory_space<hbm>> -> memref<10240x128xf32, #tpu.memory_space<hbm>>
    tpu.enqueue_indirect_dma source(%dma_start3A_649 : memref<10240x128xf32, #tpu.memory_space<hbm>>) target(%arg10 : memref<80x128xf32, #tpu.memory_space<vmem>>) offsets(%dma_start3A_646 : memref<80xi32, #tpu.memory_space<vmem>>) semaphore(%arg16 : memref<!tpu.dma_semaphore, #tpu.memory_space<semaphore_mem>>)
    %dma_wait3A_650 = arith.constant 0 : i32
    %dma_wait3A_651 = arith.constant 0 : i32
    %dma_wait3A_652 = tpu.memref_slice %arg2[%dma_wait3A_650, %dma_wait3A_651] : memref<10240x128xf32, #tpu.memory_space<hbm>> -> memref<80x128xf32, #tpu.memory_space<hbm>>
    %dma_wait3A_653 = arith.constant 0 : i32
    %dma_wait3A_654 = arith.constant 0 : i32
    %dma_wait3A_655 = tpu.memref_slice %arg2[%dma_wait3A_653, %dma_wait3A_654] : memref<10240x128xf32, #tpu.memory_space<hbm>> -> memref<80x128xf32, #tpu.memory_space<hbm>>
    tpu.wait_dma2 semaphore(%arg15 : memref<!tpu.dma_semaphore, #tpu.memory_space<semaphore_mem>>) src(%dma_wait3A_655 : memref<80x128xf32, #tpu.memory_space<hbm>>) dst(%arg9 : memref<80x128xf32, #tpu.memory_space<vmem>>)
    %dma_start3A_656 = arith.constant 5 : i32
    %dma_start3A_657 = arith.constant 0 : i32
    %dma_start3A_658 = tpu.memref_slice %arg7[%dma_start3A_656, %dma_start3A_657] : memref<16x80xi32, #tpu.memory_space<vmem>> -> memref<1x80xi32, #tpu.memory_space<vmem>>
    %dma_start3A_659 = tpu.memref_squeeze %dma_start3A_658 : memref<1x80xi32, #tpu.memory_space<vmem>> -> memref<80xi32, #tpu.memory_space<vmem>>
    %dma_start3A_660 = arith.constant 0 : i32
    %dma_start3A_661 = arith.constant 0 : i32
    %dma_start3A_662 = tpu.memref_slice %arg13[%dma_start3A_660, %dma_start3A_661] : memref<10240x128xf32, #tpu.memory_space<vmem_shared>> -> memref<10240x128xf32, #tpu.memory_space<vmem_shared>>
    tpu.enqueue_indirect_dma source(%arg9 : memref<80x128xf32, #tpu.memory_space<vmem>>) target(%dma_start3A_662 : memref<10240x128xf32, #tpu.memory_space<vmem_shared>>) offsets(%dma_start3A_659 : memref<80xi32, #tpu.memory_space<vmem>>) semaphore(%arg19 : memref<!tpu.dma_semaphore, #tpu.memory_space<semaphore_mem>>) {add = true}
    %dma_wait3A_663 = arith.constant 0 : i32
    %dma_wait3A_664 = arith.constant 0 : i32
    %dma_wait3A_665 = tpu.memref_slice %arg7[%dma_wait3A_663, %dma_wait3A_664] : memref<16x80xi32, #tpu.memory_space<vmem>> -> memref<1x80xi32, #tpu.memory_space<vmem>>
    %dma_wait3A_666 = tpu.memref_squeeze %dma_wait3A_665 : memref<1x80xi32, #tpu.memory_space<vmem>> -> memref<80xi32, #tpu.memory_space<vmem>>
    %dma_wait3A_667 = arith.constant 0 : i32
    %dma_wait3A_668 = arith.constant 0 : i32
    %dma_wait3A_669 = tpu.memref_slice %arg13[%dma_wait3A_667, %dma_wait3A_668] : memref<10240x128xf32, #tpu.memory_space<vmem_shared>> -> memref<10240x128xf32, #tpu.memory_space<vmem_shared>>
    tpu.wait_indirect_dma semaphore(%arg21 : memref<!tpu.dma_semaphore, #tpu.memory_space<semaphore_mem>>) src(%arg11 : memref<80x128xf32, #tpu.memory_space<vmem>>) dst(%dma_wait3A_669 : memref<10240x128xf32, #tpu.memory_space<vmem_shared>>)
    %dma_start3A_670 = arith.constant 7 : i32
    %dma_start3A_671 = arith.constant 0 : i32
    %dma_start3A_672 = tpu.memref_slice %arg6[%dma_start3A_670, %dma_start3A_671] : memref<16x80xi32, #tpu.memory_space<vmem>> -> memref<1x80xi32, #tpu.memory_space<vmem>>
    %dma_start3A_673 = tpu.memref_squeeze %dma_start3A_672 : memref<1x80xi32, #tpu.memory_space<vmem>> -> memref<80xi32, #tpu.memory_space<vmem>>
    %dma_start3A_674 = arith.constant 0 : i32
    %dma_start3A_675 = arith.constant 0 : i32
    %dma_start3A_676 = tpu.memref_slice %arg2[%dma_start3A_674, %dma_start3A_675] : memref<10240x128xf32, #tpu.memory_space<hbm>> -> memref<10240x128xf32, #tpu.memory_space<hbm>>
    tpu.enqueue_indirect_dma source(%dma_start3A_676 : memref<10240x128xf32, #tpu.memory_space<hbm>>) target(%arg11 : memref<80x128xf32, #tpu.memory_space<vmem>>) offsets(%dma_start3A_673 : memref<80xi32, #tpu.memory_space<vmem>>) semaphore(%arg17 : memref<!tpu.dma_semaphore, #tpu.memory_space<semaphore_mem>>)
    %dma_wait3A_677 = arith.constant 0 : i32
    %dma_wait3A_678 = arith.constant 0 : i32
    %dma_wait3A_679 = tpu.memref_slice %arg2[%dma_wait3A_677, %dma_wait3A_678] : memref<10240x128xf32, #tpu.memory_space<hbm>> -> memref<80x128xf32, #tpu.memory_space<hbm>>
    %dma_wait3A_680 = arith.constant 0 : i32
    %dma_wait3A_681 = arith.constant 0 : i32
    %dma_wait3A_682 = tpu.memref_slice %arg2[%dma_wait3A_680, %dma_wait3A_681] : memref<10240x128xf32, #tpu.memory_space<hbm>> -> memref<80x128xf32, #tpu.memory_space<hbm>>
    tpu.wait_dma2 semaphore(%arg16 : memref<!tpu.dma_semaphore, #tpu.memory_space<semaphore_mem>>) src(%dma_wait3A_682 : memref<80x128xf32, #tpu.memory_space<hbm>>) dst(%arg10 : memref<80x128xf32, #tpu.memory_space<vmem>>)
    %dma_start3A_683 = arith.constant 6 : i32
    %dma_start3A_684 = arith.constant 0 : i32
    %dma_start3A_685 = tpu.memref_slice %arg7[%dma_start3A_683, %dma_start3A_684] : memref<16x80xi32, #tpu.memory_space<vmem>> -> memref<1x80xi32, #tpu.memory_space<vmem>>
    %dma_start3A_686 = tpu.memref_squeeze %dma_start3A_685 : memref<1x80xi32, #tpu.memory_space<vmem>> -> memref<80xi32, #tpu.memory_space<vmem>>
    %dma_start3A_687 = arith.constant 0 : i32
    %dma_start3A_688 = arith.constant 0 : i32
    %dma_start3A_689 = tpu.memref_slice %arg13[%dma_start3A_687, %dma_start3A_688] : memref<10240x128xf32, #tpu.memory_space<vmem_shared>> -> memref<10240x128xf32, #tpu.memory_space<vmem_shared>>
    tpu.enqueue_indirect_dma source(%arg10 : memref<80x128xf32, #tpu.memory_space<vmem>>) target(%dma_start3A_689 : memref<10240x128xf32, #tpu.memory_space<vmem_shared>>) offsets(%dma_start3A_686 : memref<80xi32, #tpu.memory_space<vmem>>) semaphore(%arg20 : memref<!tpu.dma_semaphore, #tpu.memory_space<semaphore_mem>>) {add = true}
    %dma_wait3A_690 = arith.constant 0 : i32
    %dma_wait3A_691 = arith.constant 0 : i32
    %dma_wait3A_692 = tpu.memref_slice %arg7[%dma_wait3A_690, %dma_wait3A_691] : memref<16x80xi32, #tpu.memory_space<vmem>> -> memref<1x80xi32, #tpu.memory_space<vmem>>
    %dma_wait3A_693 = tpu.memref_squeeze %dma_wait3A_692 : memref<1x80xi32, #tpu.memory_space<vmem>> -> memref<80xi32, #tpu.memory_space<vmem>>
    %dma_wait3A_694 = arith.constant 0 : i32
    %dma_wait3A_695 = arith.constant 0 : i32
    %dma_wait3A_696 = tpu.memref_slice %arg13[%dma_wait3A_694, %dma_wait3A_695] : memref<10240x128xf32, #tpu.memory_space<vmem_shared>> -> memref<10240x128xf32, #tpu.memory_space<vmem_shared>>
    tpu.wait_indirect_dma semaphore(%arg18 : memref<!tpu.dma_semaphore, #tpu.memory_space<semaphore_mem>>) src(%arg8 : memref<80x128xf32, #tpu.memory_space<vmem>>) dst(%dma_wait3A_696 : memref<10240x128xf32, #tpu.memory_space<vmem_shared>>)
    %dma_wait3A_697 = arith.constant 8 : i32
    %dma_wait3A_698 = arith.constant 0 : i32
    %dma_wait3A_699 = tpu.memref_slice %arg6[%dma_wait3A_697, %dma_wait3A_698] : memref<16x80xi32, #tpu.memory_space<vmem>> -> memref<8x80xi32, #tpu.memory_space<vmem>>
    %dma_wait3A_700 = arith.constant 0 : i32
    %dma_wait3A_701 = tpu.memref_slice %arg3[%add3A, %mul3A_502, %dma_wait3A_700] : memref<32x128x80xi32, #tpu.memory_space<hbm>> -> memref<1x8x80xi32, #tpu.memory_space<hbm>>
    %dma_wait3A_702 = tpu.memref_squeeze %dma_wait3A_701 : memref<1x8x80xi32, #tpu.memory_space<hbm>> -> memref<8x80xi32, #tpu.memory_space<hbm>>
    %dma_wait3A_703 = arith.constant 8 : i32
    %dma_wait3A_704 = arith.constant 0 : i32
    %dma_wait3A_705 = tpu.memref_slice %arg6[%dma_wait3A_703, %dma_wait3A_704] : memref<16x80xi32, #tpu.memory_space<vmem>> -> memref<8x80xi32, #tpu.memory_space<vmem>>
    %dma_wait3A_706 = arith.constant 0 : i32
    %dma_wait3A_707 = tpu.memref_slice %arg3[%add3A, %mul3A_502, %dma_wait3A_706] : memref<32x128x80xi32, #tpu.memory_space<hbm>> -> memref<1x8x80xi32, #tpu.memory_space<hbm>>
    %dma_wait3A_708 = tpu.memref_squeeze %dma_wait3A_707 : memref<1x8x80xi32, #tpu.memory_space<hbm>> -> memref<8x80xi32, #tpu.memory_space<hbm>>
    tpu.wait_dma2 semaphore(%arg22 : memref<!tpu.dma_semaphore, #tpu.memory_space<semaphore_mem>>) src(%dma_wait3A_708 : memref<8x80xi32, #tpu.memory_space<hbm>>) dst(%dma_wait3A_705 : memref<8x80xi32, #tpu.memory_space<vmem>>)
    %dma_wait3A_709 = arith.constant 8 : i32
    %dma_wait3A_710 = arith.constant 0 : i32
    %dma_wait3A_711 = tpu.memref_slice %arg7[%dma_wait3A_709, %dma_wait3A_710] : memref<16x80xi32, #tpu.memory_space<vmem>> -> memref<8x80xi32, #tpu.memory_space<vmem>>
    %dma_wait3A_712 = arith.constant 0 : i32
    %dma_wait3A_713 = tpu.memref_slice %arg4[%add3A, %mul3A_516, %dma_wait3A_712] : memref<32x128x80xi32, #tpu.memory_space<hbm>> -> memref<1x8x80xi32, #tpu.memory_space<hbm>>
    %dma_wait3A_714 = tpu.memref_squeeze %dma_wait3A_713 : memref<1x8x80xi32, #tpu.memory_space<hbm>> -> memref<8x80xi32, #tpu.memory_space<hbm>>
    %dma_wait3A_715 = arith.constant 8 : i32
    %dma_wait3A_716 = arith.constant 0 : i32
    %dma_wait3A_717 = tpu.memref_slice %arg7[%dma_wait3A_715, %dma_wait3A_716] : memref<16x80xi32, #tpu.memory_space<vmem>> -> memref<8x80xi32, #tpu.memory_space<vmem>>
    %dma_wait3A_718 = arith.constant 0 : i32
    %dma_wait3A_719 = tpu.memref_slice %arg4[%add3A, %mul3A_516, %dma_wait3A_718] : memref<32x128x80xi32, #tpu.memory_space<hbm>> -> memref<1x8x80xi32, #tpu.memory_space<hbm>>
    %dma_wait3A_720 = tpu.memref_squeeze %dma_wait3A_719 : memref<1x8x80xi32, #tpu.memory_space<hbm>> -> memref<8x80xi32, #tpu.memory_space<hbm>>
    tpu.wait_dma2 semaphore(%arg23 : memref<!tpu.dma_semaphore, #tpu.memory_space<semaphore_mem>>) src(%dma_wait3A_720 : memref<8x80xi32, #tpu.memory_space<hbm>>) dst(%dma_wait3A_717 : memref<8x80xi32, #tpu.memory_space<vmem>>)
    %dma_start3A_721 = arith.constant 8 : i32
    %dma_start3A_722 = arith.constant 0 : i32
    %dma_start3A_723 = tpu.memref_slice %arg6[%dma_start3A_721, %dma_start3A_722] : memref<16x80xi32, #tpu.memory_space<vmem>> -> memref<1x80xi32, #tpu.memory_space<vmem>>
    %dma_start3A_724 = tpu.memref_squeeze %dma_start3A_723 : memref<1x80xi32, #tpu.memory_space<vmem>> -> memref<80xi32, #tpu.memory_space<vmem>>
    %dma_start3A_725 = arith.constant 0 : i32
    %dma_start3A_726 = arith.constant 0 : i32
    %dma_start3A_727 = tpu.memref_slice %arg2[%dma_start3A_725, %dma_start3A_726] : memref<10240x128xf32, #tpu.memory_space<hbm>> -> memref<10240x128xf32, #tpu.memory_space<hbm>>
    tpu.enqueue_indirect_dma source(%dma_start3A_727 : memref<10240x128xf32, #tpu.memory_space<hbm>>) target(%arg8 : memref<80x128xf32, #tpu.memory_space<vmem>>) offsets(%dma_start3A_724 : memref<80xi32, #tpu.memory_space<vmem>>) semaphore(%arg14 : memref<!tpu.dma_semaphore, #tpu.memory_space<semaphore_mem>>)
    %dma_wait3A_728 = arith.constant 0 : i32
    %dma_wait3A_729 = arith.constant 0 : i32
    %dma_wait3A_730 = tpu.memref_slice %arg2[%dma_wait3A_728, %dma_wait3A_729] : memref<10240x128xf32, #tpu.memory_space<hbm>> -> memref<80x128xf32, #tpu.memory_space<hbm>>
    %dma_wait3A_731 = arith.constant 0 : i32
    %dma_wait3A_732 = arith.constant 0 : i32
    %dma_wait3A_733 = tpu.memref_slice %arg2[%dma_wait3A_731, %dma_wait3A_732] : memref<10240x128xf32, #tpu.memory_space<hbm>> -> memref<80x128xf32, #tpu.memory_space<hbm>>
    tpu.wait_dma2 semaphore(%arg17 : memref<!tpu.dma_semaphore, #tpu.memory_space<semaphore_mem>>) src(%dma_wait3A_733 : memref<80x128xf32, #tpu.memory_space<hbm>>) dst(%arg11 : memref<80x128xf32, #tpu.memory_space<vmem>>)
    %dma_start3A_734 = arith.constant 7 : i32
    %dma_start3A_735 = arith.constant 0 : i32
    %dma_start3A_736 = tpu.memref_slice %arg7[%dma_start3A_734, %dma_start3A_735] : memref<16x80xi32, #tpu.memory_space<vmem>> -> memref<1x80xi32, #tpu.memory_space<vmem>>
    %dma_start3A_737 = tpu.memref_squeeze %dma_start3A_736 : memref<1x80xi32, #tpu.memory_space<vmem>> -> memref<80xi32, #tpu.memory_space<vmem>>
    %dma_start3A_738 = arith.constant 0 : i32
    %dma_start3A_739 = arith.constant 0 : i32
    %dma_start3A_740 = tpu.memref_slice %arg13[%dma_start3A_738, %dma_start3A_739] : memref<10240x128xf32, #tpu.memory_space<vmem_shared>> -> memref<10240x128xf32, #tpu.memory_space<vmem_shared>>
    tpu.enqueue_indirect_dma source(%arg11 : memref<80x128xf32, #tpu.memory_space<vmem>>) target(%dma_start3A_740 : memref<10240x128xf32, #tpu.memory_space<vmem_shared>>) offsets(%dma_start3A_737 : memref<80xi32, #tpu.memory_space<vmem>>) semaphore(%arg21 : memref<!tpu.dma_semaphore, #tpu.memory_space<semaphore_mem>>) {add = true}
    %dma_wait3A_741 = arith.constant 0 : i32
    %dma_wait3A_742 = arith.constant 0 : i32
    %dma_wait3A_743 = tpu.memref_slice %arg7[%dma_wait3A_741, %dma_wait3A_742] : memref<16x80xi32, #tpu.memory_space<vmem>> -> memref<1x80xi32, #tpu.memory_space<vmem>>
    %dma_wait3A_744 = tpu.memref_squeeze %dma_wait3A_743 : memref<1x80xi32, #tpu.memory_space<vmem>> -> memref<80xi32, #tpu.memory_space<vmem>>
    %dma_wait3A_745 = arith.constant 0 : i32
    %dma_wait3A_746 = arith.constant 0 : i32
    %dma_wait3A_747 = tpu.memref_slice %arg13[%dma_wait3A_745, %dma_wait3A_746] : memref<10240x128xf32, #tpu.memory_space<vmem_shared>> -> memref<10240x128xf32, #tpu.memory_space<vmem_shared>>
    tpu.wait_indirect_dma semaphore(%arg19 : memref<!tpu.dma_semaphore, #tpu.memory_space<semaphore_mem>>) src(%arg9 : memref<80x128xf32, #tpu.memory_space<vmem>>) dst(%dma_wait3A_747 : memref<10240x128xf32, #tpu.memory_space<vmem_shared>>)
    %dma_start3A_748 = arith.constant 9 : i32
    %dma_start3A_749 = arith.constant 0 : i32
    %dma_start3A_750 = tpu.memref_slice %arg6[%dma_start3A_748, %dma_start3A_749] : memref<16x80xi32, #tpu.memory_space<vmem>> -> memref<1x80xi32, #tpu.memory_space<vmem>>
    %dma_start3A_751 = tpu.memref_squeeze %dma_start3A_750 : memref<1x80xi32, #tpu.memory_space<vmem>> -> memref<80xi32, #tpu.memory_space<vmem>>
    %dma_start3A_752 = arith.constant 0 : i32
    %dma_start3A_753 = arith.constant 0 : i32
    %dma_start3A_754 = tpu.memref_slice %arg2[%dma_start3A_752, %dma_start3A_753] : memref<10240x128xf32, #tpu.memory_space<hbm>> -> memref<10240x128xf32, #tpu.memory_space<hbm>>
    tpu.enqueue_indirect_dma source(%dma_start3A_754 : memref<10240x128xf32, #tpu.memory_space<hbm>>) target(%arg9 : memref<80x128xf32, #tpu.memory_space<vmem>>) offsets(%dma_start3A_751 : memref<80xi32, #tpu.memory_space<vmem>>) semaphore(%arg15 : memref<!tpu.dma_semaphore, #tpu.memory_space<semaphore_mem>>)
    %scan3A_755 = arith.constant 0 : i32
    %scan3A_756 = arith.constant 1 : i32
    %scan3A_757 = arith.constant 15 : i32
    %scan3A_758 = arith.addi %scan3A_756, %scan3A_757 : i32
    %scan3A_759 = arith.constant 1 : i32
    %scan3A_760 = scf.for %scan3A_793 = %scan3A_756 to %scan3A_758 step %scan3A_759 iter_args(%scan3A_794 = %scan3A_755) -> (i32)  : i32 {
      %rem3A_795 = arith.constant 2 : i32
      %rem3A_796 = arith.remsi %scan3A_793, %rem3A_795 : i32
      %sub3A = arith.constant 1 : i32
      %sub3A_797 = arith.subi %sub3A, %rem3A_796 : i32
      %add3A_798 = arith.constant 1 : i32
      %add3A_799 = arith.addi %scan3A_793, %add3A_798 : i32
      %rem3A_800 = arith.constant 16 : i32
      %rem3A_801 = arith.remsi %add3A_799, %rem3A_800 : i32
      %mul3A_802 = arith.constant 8 : i32
      %mul3A_803 = arith.muli %rem3A_801, %mul3A_802 : i32
      %mul3A_804 = arith.constant 8 : i32
      %mul3A_805 = arith.muli %sub3A_797, %mul3A_804 : i32
      %dma_start3A_806 = arith.constant 0 : i32
      %dma_start3A_807 = tpu.memref_slice %arg6[%mul3A_805, %dma_start3A_806] : memref<16x80xi32, #tpu.memory_space<vmem>> -> memref<8x80xi32, #tpu.memory_space<vmem>>
      %dma_start3A_808 = arith.constant 0 : i32
      %dma_start3A_809 = tpu.memref_slice %arg3[%add3A, %mul3A_803, %dma_start3A_808] : memref<32x128x80xi32, #tpu.memory_space<hbm>> -> memref<1x8x80xi32, #tpu.memory_space<hbm>>
      %dma_start3A_810 = tpu.memref_squeeze %dma_start3A_809 : memref<1x8x80xi32, #tpu.memory_space<hbm>> -> memref<8x80xi32, #tpu.memory_space<hbm>>
      %dma_start3A_811 = arith.constant 0 : i32
      %dma_start3A_812 = tpu.memref_slice %arg6[%mul3A_805, %dma_start3A_811] : memref<16x80xi32, #tpu.memory_space<vmem>> -> memref<8x80xi32, #tpu.memory_space<vmem>>
      %dma_start3A_813 = arith.constant 0 : i32
      %dma_start3A_814 = tpu.memref_slice %arg3[%add3A, %mul3A_803, %dma_start3A_813] : memref<32x128x80xi32, #tpu.memory_space<hbm>> -> memref<1x8x80xi32, #tpu.memory_space<hbm>>
      %dma_start3A_815 = tpu.memref_squeeze %dma_start3A_814 : memref<1x8x80xi32, #tpu.memory_space<hbm>> -> memref<8x80xi32, #tpu.memory_space<hbm>>
      tpu.enqueue_dma source(%dma_start3A_815 : memref<8x80xi32, #tpu.memory_space<hbm>>) target(%dma_start3A_812 : memref<8x80xi32, #tpu.memory_space<vmem>>) target_semaphore(%arg22 : memref<!tpu.dma_semaphore, #tpu.memory_space<semaphore_mem>>)
      %mul3A_816 = arith.constant 8 : i32
      %mul3A_817 = arith.muli %rem3A_801, %mul3A_816 : i32
      %mul3A_818 = arith.constant 8 : i32
      %mul3A_819 = arith.muli %sub3A_797, %mul3A_818 : i32
      %dma_start3A_820 = arith.constant 0 : i32
      %dma_start3A_821 = tpu.memref_slice %arg7[%mul3A_819, %dma_start3A_820] : memref<16x80xi32, #tpu.memory_space<vmem>> -> memref<8x80xi32, #tpu.memory_space<vmem>>
      %dma_start3A_822 = arith.constant 0 : i32
      %dma_start3A_823 = tpu.memref_slice %arg4[%add3A, %mul3A_817, %dma_start3A_822] : memref<32x128x80xi32, #tpu.memory_space<hbm>> -> memref<1x8x80xi32, #tpu.memory_space<hbm>>
      %dma_start3A_824 = tpu.memref_squeeze %dma_start3A_823 : memref<1x8x80xi32, #tpu.memory_space<hbm>> -> memref<8x80xi32, #tpu.memory_space<hbm>>
      %dma_start3A_825 = arith.constant 0 : i32
      %dma_start3A_826 = tpu.memref_slice %arg7[%mul3A_819, %dma_start3A_825] : memref<16x80xi32, #tpu.memory_space<vmem>> -> memref<8x80xi32, #tpu.memory_space<vmem>>
      %dma_start3A_827 = arith.constant 0 : i32
      %dma_start3A_828 = tpu.memref_slice %arg4[%add3A, %mul3A_817, %dma_start3A_827] : memref<32x128x80xi32, #tpu.memory_space<hbm>> -> memref<1x8x80xi32, #tpu.memory_space<hbm>>
      %dma_start3A_829 = tpu.memref_squeeze %dma_start3A_828 : memref<1x8x80xi32, #tpu.memory_space<hbm>> -> memref<8x80xi32, #tpu.memory_space<hbm>>
      tpu.enqueue_dma source(%dma_start3A_829 : memref<8x80xi32, #tpu.memory_space<hbm>>) target(%dma_start3A_826 : memref<8x80xi32, #tpu.memory_space<vmem>>) target_semaphore(%arg23 : memref<!tpu.dma_semaphore, #tpu.memory_space<semaphore_mem>>)
      %dma_wait3A_830 = arith.constant 0 : i32
      %dma_wait3A_831 = arith.constant 0 : i32
      %dma_wait3A_832 = tpu.memref_slice %arg2[%dma_wait3A_830, %dma_wait3A_831] : memref<10240x128xf32, #tpu.memory_space<hbm>> -> memref<80x128xf32, #tpu.memory_space<hbm>>
      %dma_wait3A_833 = arith.constant 0 : i32
      %dma_wait3A_834 = arith.constant 0 : i32
      %dma_wait3A_835 = tpu.memref_slice %arg2[%dma_wait3A_833, %dma_wait3A_834] : memref<10240x128xf32, #tpu.memory_space<hbm>> -> memref<80x128xf32, #tpu.memory_space<hbm>>
      tpu.wait_dma2 semaphore(%arg14 : memref<!tpu.dma_semaphore, #tpu.memory_space<semaphore_mem>>) src(%dma_wait3A_835 : memref<80x128xf32, #tpu.memory_space<hbm>>) dst(%arg8 : memref<80x128xf32, #tpu.memory_space<vmem>>)
      %mul3A_836 = arith.constant 8 : i32
      %mul3A_837 = arith.muli %rem3A_796, %mul3A_836 : i32
      %add3A_838 = arith.constant 0 : i32
      %add3A_839 = arith.addi %mul3A_837, %add3A_838 : i32
      %dma_start3A_840 = arith.constant 0 : i32
      %dma_start3A_841 = tpu.memref_slice %arg7[%add3A_839, %dma_start3A_840] : memref<16x80xi32, #tpu.memory_space<vmem>> -> memref<1x80xi32, #tpu.memory_space<vmem>>
      %dma_start3A_842 = tpu.memref_squeeze %dma_start3A_841 : memref<1x80xi32, #tpu.memory_space<vmem>> -> memref<80xi32, #tpu.memory_space<vmem>>
      %dma_start3A_843 = arith.constant 0 : i32
      %dma_start3A_844 = arith.constant 0 : i32
      %dma_start3A_845 = tpu.memref_slice %arg13[%dma_start3A_843, %dma_start3A_844] : memref<10240x128xf32, #tpu.memory_space<vmem_shared>> -> memref<10240x128xf32, #tpu.memory_space<vmem_shared>>
      tpu.enqueue_indirect_dma source(%arg8 : memref<80x128xf32, #tpu.memory_space<vmem>>) target(%dma_start3A_845 : memref<10240x128xf32, #tpu.memory_space<vmem_shared>>) offsets(%dma_start3A_842 : memref<80xi32, #tpu.memory_space<vmem>>) semaphore(%arg18 : memref<!tpu.dma_semaphore, #tpu.memory_space<semaphore_mem>>) {add = true}
      %dma_wait3A_846 = arith.constant 0 : i32
      %dma_wait3A_847 = arith.constant 0 : i32
      %dma_wait3A_848 = tpu.memref_slice %arg7[%dma_wait3A_846, %dma_wait3A_847] : memref<16x80xi32, #tpu.memory_space<vmem>> -> memref<1x80xi32, #tpu.memory_space<vmem>>
      %dma_wait3A_849 = tpu.memref_squeeze %dma_wait3A_848 : memref<1x80xi32, #tpu.memory_space<vmem>> -> memref<80xi32, #tpu.memory_space<vmem>>
      %dma_wait3A_850 = arith.constant 0 : i32
      %dma_wait3A_851 = arith.constant 0 : i32
      %dma_wait3A_852 = tpu.memref_slice %arg13[%dma_wait3A_850, %dma_wait3A_851] : memref<10240x128xf32, #tpu.memory_space<vmem_shared>> -> memref<10240x128xf32, #tpu.memory_space<vmem_shared>>
      tpu.wait_indirect_dma semaphore(%arg20 : memref<!tpu.dma_semaphore, #tpu.memory_space<semaphore_mem>>) src(%arg10 : memref<80x128xf32, #tpu.memory_space<vmem>>) dst(%dma_wait3A_852 : memref<10240x128xf32, #tpu.memory_space<vmem_shared>>)
      %mul3A_853 = arith.constant 8 : i32
      %mul3A_854 = arith.muli %rem3A_796, %mul3A_853 : i32
      %add3A_855 = arith.constant 0 : i32
      %add3A_856 = arith.addi %mul3A_854, %add3A_855 : i32
      %add3A_857 = arith.constant 2 : i32
      %add3A_858 = arith.addi %add3A_856, %add3A_857 : i32
      %dma_start3A_859 = arith.constant 0 : i32
      %dma_start3A_860 = tpu.memref_slice %arg6[%add3A_858, %dma_start3A_859] : memref<16x80xi32, #tpu.memory_space<vmem>> -> memref<1x80xi32, #tpu.memory_space<vmem>>
      %dma_start3A_861 = tpu.memref_squeeze %dma_start3A_860 : memref<1x80xi32, #tpu.memory_space<vmem>> -> memref<80xi32, #tpu.memory_space<vmem>>
      %dma_start3A_862 = arith.constant 0 : i32
      %dma_start3A_863 = arith.constant 0 : i32
      %dma_start3A_864 = tpu.memref_slice %arg2[%dma_start3A_862, %dma_start3A_863] : memref<10240x128xf32, #tpu.memory_space<hbm>> -> memref<10240x128xf32, #tpu.memory_space<hbm>>
      tpu.enqueue_indirect_dma source(%dma_start3A_864 : memref<10240x128xf32, #tpu.memory_space<hbm>>) target(%arg10 : memref<80x128xf32, #tpu.memory_space<vmem>>) offsets(%dma_start3A_861 : memref<80xi32, #tpu.memory_space<vmem>>) semaphore(%arg16 : memref<!tpu.dma_semaphore, #tpu.memory_space<semaphore_mem>>)
      %dma_wait3A_865 = arith.constant 0 : i32
      %dma_wait3A_866 = arith.constant 0 : i32
      %dma_wait3A_867 = tpu.memref_slice %arg2[%dma_wait3A_865, %dma_wait3A_866] : memref<10240x128xf32, #tpu.memory_space<hbm>> -> memref<80x128xf32, #tpu.memory_space<hbm>>
      %dma_wait3A_868 = arith.constant 0 : i32
      %dma_wait3A_869 = arith.constant 0 : i32
      %dma_wait3A_870 = tpu.memref_slice %arg2[%dma_wait3A_868, %dma_wait3A_869] : memref<10240x128xf32, #tpu.memory_space<hbm>> -> memref<80x128xf32, #tpu.memory_space<hbm>>
      tpu.wait_dma2 semaphore(%arg15 : memref<!tpu.dma_semaphore, #tpu.memory_space<semaphore_mem>>) src(%dma_wait3A_870 : memref<80x128xf32, #tpu.memory_space<hbm>>) dst(%arg9 : memref<80x128xf32, #tpu.memory_space<vmem>>)
      %mul3A_871 = arith.constant 8 : i32
      %mul3A_872 = arith.muli %rem3A_796, %mul3A_871 : i32
      %add3A_873 = arith.constant 1 : i32
      %add3A_874 = arith.addi %mul3A_872, %add3A_873 : i32
      %dma_start3A_875 = arith.constant 0 : i32
      %dma_start3A_876 = tpu.memref_slice %arg7[%add3A_874, %dma_start3A_875] : memref<16x80xi32, #tpu.memory_space<vmem>> -> memref<1x80xi32, #tpu.memory_space<vmem>>
      %dma_start3A_877 = tpu.memref_squeeze %dma_start3A_876 : memref<1x80xi32, #tpu.memory_space<vmem>> -> memref<80xi32, #tpu.memory_space<vmem>>
      %dma_start3A_878 = arith.constant 0 : i32
      %dma_start3A_879 = arith.constant 0 : i32
      %dma_start3A_880 = tpu.memref_slice %arg13[%dma_start3A_878, %dma_start3A_879] : memref<10240x128xf32, #tpu.memory_space<vmem_shared>> -> memref<10240x128xf32, #tpu.memory_space<vmem_shared>>
      tpu.enqueue_indirect_dma source(%arg9 : memref<80x128xf32, #tpu.memory_space<vmem>>) target(%dma_start3A_880 : memref<10240x128xf32, #tpu.memory_space<vmem_shared>>) offsets(%dma_start3A_877 : memref<80xi32, #tpu.memory_space<vmem>>) semaphore(%arg19 : memref<!tpu.dma_semaphore, #tpu.memory_space<semaphore_mem>>) {add = true}
      %dma_wait3A_881 = arith.constant 0 : i32
      %dma_wait3A_882 = arith.constant 0 : i32
      %dma_wait3A_883 = tpu.memref_slice %arg7[%dma_wait3A_881, %dma_wait3A_882] : memref<16x80xi32, #tpu.memory_space<vmem>> -> memref<1x80xi32, #tpu.memory_space<vmem>>
      %dma_wait3A_884 = tpu.memref_squeeze %dma_wait3A_883 : memref<1x80xi32, #tpu.memory_space<vmem>> -> memref<80xi32, #tpu.memory_space<vmem>>
      %dma_wait3A_885 = arith.constant 0 : i32
      %dma_wait3A_886 = arith.constant 0 : i32
      %dma_wait3A_887 = tpu.memref_slice %arg13[%dma_wait3A_885, %dma_wait3A_886] : memref<10240x128xf32, #tpu.memory_space<vmem_shared>> -> memref<10240x128xf32, #tpu.memory_space<vmem_shared>>
      tpu.wait_indirect_dma semaphore(%arg21 : memref<!tpu.dma_semaphore, #tpu.memory_space<semaphore_mem>>) src(%arg11 : memref<80x128xf32, #tpu.memory_space<vmem>>) dst(%dma_wait3A_887 : memref<10240x128xf32, #tpu.memory_space<vmem_shared>>)
      %mul3A_888 = arith.constant 8 : i32
      %mul3A_889 = arith.muli %rem3A_796, %mul3A_888 : i32
      %add3A_890 = arith.constant 1 : i32
      %add3A_891 = arith.addi %mul3A_889, %add3A_890 : i32
      %add3A_892 = arith.constant 2 : i32
      %add3A_893 = arith.addi %add3A_891, %add3A_892 : i32
      %dma_start3A_894 = arith.constant 0 : i32
      %dma_start3A_895 = tpu.memref_slice %arg6[%add3A_893, %dma_start3A_894] : memref<16x80xi32, #tpu.memory_space<vmem>> -> memref<1x80xi32, #tpu.memory_space<vmem>>
      %dma_start3A_896 = tpu.memref_squeeze %dma_start3A_895 : memref<1x80xi32, #tpu.memory_space<vmem>> -> memref<80xi32, #tpu.memory_space<vmem>>
      %dma_start3A_897 = arith.constant 0 : i32
      %dma_start3A_898 = arith.constant 0 : i32
      %dma_start3A_899 = tpu.memref_slice %arg2[%dma_start3A_897, %dma_start3A_898] : memref<10240x128xf32, #tpu.memory_space<hbm>> -> memref<10240x128xf32, #tpu.memory_space<hbm>>
      tpu.enqueue_indirect_dma source(%dma_start3A_899 : memref<10240x128xf32, #tpu.memory_space<hbm>>) target(%arg11 : memref<80x128xf32, #tpu.memory_space<vmem>>) offsets(%dma_start3A_896 : memref<80xi32, #tpu.memory_space<vmem>>) semaphore(%arg17 : memref<!tpu.dma_semaphore, #tpu.memory_space<semaphore_mem>>)
      %dma_wait3A_900 = arith.constant 0 : i32
      %dma_wait3A_901 = arith.constant 0 : i32
      %dma_wait3A_902 = tpu.memref_slice %arg2[%dma_wait3A_900, %dma_wait3A_901] : memref<10240x128xf32, #tpu.memory_space<hbm>> -> memref<80x128xf32, #tpu.memory_space<hbm>>
      %dma_wait3A_903 = arith.constant 0 : i32
      %dma_wait3A_904 = arith.constant 0 : i32
      %dma_wait3A_905 = tpu.memref_slice %arg2[%dma_wait3A_903, %dma_wait3A_904] : memref<10240x128xf32, #tpu.memory_space<hbm>> -> memref<80x128xf32, #tpu.memory_space<hbm>>
      tpu.wait_dma2 semaphore(%arg16 : memref<!tpu.dma_semaphore, #tpu.memory_space<semaphore_mem>>) src(%dma_wait3A_905 : memref<80x128xf32, #tpu.memory_space<hbm>>) dst(%arg10 : memref<80x128xf32, #tpu.memory_space<vmem>>)
      %mul3A_906 = arith.constant 8 : i32
      %mul3A_907 = arith.muli %rem3A_796, %mul3A_906 : i32
      %add3A_908 = arith.constant 2 : i32
      %add3A_909 = arith.addi %mul3A_907, %add3A_908 : i32
      %dma_start3A_910 = arith.constant 0 : i32
      %dma_start3A_911 = tpu.memref_slice %arg7[%add3A_909, %dma_start3A_910] : memref<16x80xi32, #tpu.memory_space<vmem>> -> memref<1x80xi32, #tpu.memory_space<vmem>>
      %dma_start3A_912 = tpu.memref_squeeze %dma_start3A_911 : memref<1x80xi32, #tpu.memory_space<vmem>> -> memref<80xi32, #tpu.memory_space<vmem>>
      %dma_start3A_913 = arith.constant 0 : i32
      %dma_start3A_914 = arith.constant 0 : i32
      %dma_start3A_915 = tpu.memref_slice %arg13[%dma_start3A_913, %dma_start3A_914] : memref<10240x128xf32, #tpu.memory_space<vmem_shared>> -> memref<10240x128xf32, #tpu.memory_space<vmem_shared>>
      tpu.enqueue_indirect_dma source(%arg10 : memref<80x128xf32, #tpu.memory_space<vmem>>) target(%dma_start3A_915 : memref<10240x128xf32, #tpu.memory_space<vmem_shared>>) offsets(%dma_start3A_912 : memref<80xi32, #tpu.memory_space<vmem>>) semaphore(%arg20 : memref<!tpu.dma_semaphore, #tpu.memory_space<semaphore_mem>>) {add = true}
      %dma_wait3A_916 = arith.constant 0 : i32
      %dma_wait3A_917 = arith.constant 0 : i32
      %dma_wait3A_918 = tpu.memref_slice %arg7[%dma_wait3A_916, %dma_wait3A_917] : memref<16x80xi32, #tpu.memory_space<vmem>> -> memref<1x80xi32, #tpu.memory_space<vmem>>
      %dma_wait3A_919 = tpu.memref_squeeze %dma_wait3A_918 : memref<1x80xi32, #tpu.memory_space<vmem>> -> memref<80xi32, #tpu.memory_space<vmem>>
      %dma_wait3A_920 = arith.constant 0 : i32
      %dma_wait3A_921 = arith.constant 0 : i32
      %dma_wait3A_922 = tpu.memref_slice %arg13[%dma_wait3A_920, %dma_wait3A_921] : memref<10240x128xf32, #tpu.memory_space<vmem_shared>> -> memref<10240x128xf32, #tpu.memory_space<vmem_shared>>
      tpu.wait_indirect_dma semaphore(%arg18 : memref<!tpu.dma_semaphore, #tpu.memory_space<semaphore_mem>>) src(%arg8 : memref<80x128xf32, #tpu.memory_space<vmem>>) dst(%dma_wait3A_922 : memref<10240x128xf32, #tpu.memory_space<vmem_shared>>)
      %mul3A_923 = arith.constant 8 : i32
      %mul3A_924 = arith.muli %rem3A_796, %mul3A_923 : i32
      %add3A_925 = arith.constant 2 : i32
      %add3A_926 = arith.addi %mul3A_924, %add3A_925 : i32
      %add3A_927 = arith.constant 2 : i32
      %add3A_928 = arith.addi %add3A_926, %add3A_927 : i32
      %dma_start3A_929 = arith.constant 0 : i32
      %dma_start3A_930 = tpu.memref_slice %arg6[%add3A_928, %dma_start3A_929] : memref<16x80xi32, #tpu.memory_space<vmem>> -> memref<1x80xi32, #tpu.memory_space<vmem>>
      %dma_start3A_931 = tpu.memref_squeeze %dma_start3A_930 : memref<1x80xi32, #tpu.memory_space<vmem>> -> memref<80xi32, #tpu.memory_space<vmem>>
      %dma_start3A_932 = arith.constant 0 : i32
      %dma_start3A_933 = arith.constant 0 : i32
      %dma_start3A_934 = tpu.memref_slice %arg2[%dma_start3A_932, %dma_start3A_933] : memref<10240x128xf32, #tpu.memory_space<hbm>> -> memref<10240x128xf32, #tpu.memory_space<hbm>>
      tpu.enqueue_indirect_dma source(%dma_start3A_934 : memref<10240x128xf32, #tpu.memory_space<hbm>>) target(%arg8 : memref<80x128xf32, #tpu.memory_space<vmem>>) offsets(%dma_start3A_931 : memref<80xi32, #tpu.memory_space<vmem>>) semaphore(%arg14 : memref<!tpu.dma_semaphore, #tpu.memory_space<semaphore_mem>>)
      %dma_wait3A_935 = arith.constant 0 : i32
      %dma_wait3A_936 = arith.constant 0 : i32
      %dma_wait3A_937 = tpu.memref_slice %arg2[%dma_wait3A_935, %dma_wait3A_936] : memref<10240x128xf32, #tpu.memory_space<hbm>> -> memref<80x128xf32, #tpu.memory_space<hbm>>
      %dma_wait3A_938 = arith.constant 0 : i32
      %dma_wait3A_939 = arith.constant 0 : i32
      %dma_wait3A_940 = tpu.memref_slice %arg2[%dma_wait3A_938, %dma_wait3A_939] : memref<10240x128xf32, #tpu.memory_space<hbm>> -> memref<80x128xf32, #tpu.memory_space<hbm>>
      tpu.wait_dma2 semaphore(%arg17 : memref<!tpu.dma_semaphore, #tpu.memory_space<semaphore_mem>>) src(%dma_wait3A_940 : memref<80x128xf32, #tpu.memory_space<hbm>>) dst(%arg11 : memref<80x128xf32, #tpu.memory_space<vmem>>)
      %mul3A_941 = arith.constant 8 : i32
      %mul3A_942 = arith.muli %rem3A_796, %mul3A_941 : i32
      %add3A_943 = arith.constant 3 : i32
      %add3A_944 = arith.addi %mul3A_942, %add3A_943 : i32
      %dma_start3A_945 = arith.constant 0 : i32
      %dma_start3A_946 = tpu.memref_slice %arg7[%add3A_944, %dma_start3A_945] : memref<16x80xi32, #tpu.memory_space<vmem>> -> memref<1x80xi32, #tpu.memory_space<vmem>>
      %dma_start3A_947 = tpu.memref_squeeze %dma_start3A_946 : memref<1x80xi32, #tpu.memory_space<vmem>> -> memref<80xi32, #tpu.memory_space<vmem>>
      %dma_start3A_948 = arith.constant 0 : i32
      %dma_start3A_949 = arith.constant 0 : i32
      %dma_start3A_950 = tpu.memref_slice %arg13[%dma_start3A_948, %dma_start3A_949] : memref<10240x128xf32, #tpu.memory_space<vmem_shared>> -> memref<10240x128xf32, #tpu.memory_space<vmem_shared>>
      tpu.enqueue_indirect_dma source(%arg11 : memref<80x128xf32, #tpu.memory_space<vmem>>) target(%dma_start3A_950 : memref<10240x128xf32, #tpu.memory_space<vmem_shared>>) offsets(%dma_start3A_947 : memref<80xi32, #tpu.memory_space<vmem>>) semaphore(%arg21 : memref<!tpu.dma_semaphore, #tpu.memory_space<semaphore_mem>>) {add = true}
      %dma_wait3A_951 = arith.constant 0 : i32
      %dma_wait3A_952 = arith.constant 0 : i32
      %dma_wait3A_953 = tpu.memref_slice %arg7[%dma_wait3A_951, %dma_wait3A_952] : memref<16x80xi32, #tpu.memory_space<vmem>> -> memref<1x80xi32, #tpu.memory_space<vmem>>
      %dma_wait3A_954 = tpu.memref_squeeze %dma_wait3A_953 : memref<1x80xi32, #tpu.memory_space<vmem>> -> memref<80xi32, #tpu.memory_space<vmem>>
      %dma_wait3A_955 = arith.constant 0 : i32
      %dma_wait3A_956 = arith.constant 0 : i32
      %dma_wait3A_957 = tpu.memref_slice %arg13[%dma_wait3A_955, %dma_wait3A_956] : memref<10240x128xf32, #tpu.memory_space<vmem_shared>> -> memref<10240x128xf32, #tpu.memory_space<vmem_shared>>
      tpu.wait_indirect_dma semaphore(%arg19 : memref<!tpu.dma_semaphore, #tpu.memory_space<semaphore_mem>>) src(%arg9 : memref<80x128xf32, #tpu.memory_space<vmem>>) dst(%dma_wait3A_957 : memref<10240x128xf32, #tpu.memory_space<vmem_shared>>)
      %mul3A_958 = arith.constant 8 : i32
      %mul3A_959 = arith.muli %rem3A_796, %mul3A_958 : i32
      %add3A_960 = arith.constant 3 : i32
      %add3A_961 = arith.addi %mul3A_959, %add3A_960 : i32
      %add3A_962 = arith.constant 2 : i32
      %add3A_963 = arith.addi %add3A_961, %add3A_962 : i32
      %dma_start3A_964 = arith.constant 0 : i32
      %dma_start3A_965 = tpu.memref_slice %arg6[%add3A_963, %dma_start3A_964] : memref<16x80xi32, #tpu.memory_space<vmem>> -> memref<1x80xi32, #tpu.memory_space<vmem>>
      %dma_start3A_966 = tpu.memref_squeeze %dma_start3A_965 : memref<1x80xi32, #tpu.memory_space<vmem>> -> memref<80xi32, #tpu.memory_space<vmem>>
      %dma_start3A_967 = arith.constant 0 : i32
      %dma_start3A_968 = arith.constant 0 : i32
      %dma_start3A_969 = tpu.memref_slice %arg2[%dma_start3A_967, %dma_start3A_968] : memref<10240x128xf32, #tpu.memory_space<hbm>> -> memref<10240x128xf32, #tpu.memory_space<hbm>>
      tpu.enqueue_indirect_dma source(%dma_start3A_969 : memref<10240x128xf32, #tpu.memory_space<hbm>>) target(%arg9 : memref<80x128xf32, #tpu.memory_space<vmem>>) offsets(%dma_start3A_966 : memref<80xi32, #tpu.memory_space<vmem>>) semaphore(%arg15 : memref<!tpu.dma_semaphore, #tpu.memory_space<semaphore_mem>>)
      %dma_wait3A_970 = arith.constant 0 : i32
      %dma_wait3A_971 = arith.constant 0 : i32
      %dma_wait3A_972 = tpu.memref_slice %arg2[%dma_wait3A_970, %dma_wait3A_971] : memref<10240x128xf32, #tpu.memory_space<hbm>> -> memref<80x128xf32, #tpu.memory_space<hbm>>
      %dma_wait3A_973 = arith.constant 0 : i32
      %dma_wait3A_974 = arith.constant 0 : i32
      %dma_wait3A_975 = tpu.memref_slice %arg2[%dma_wait3A_973, %dma_wait3A_974] : memref<10240x128xf32, #tpu.memory_space<hbm>> -> memref<80x128xf32, #tpu.memory_space<hbm>>
      tpu.wait_dma2 semaphore(%arg14 : memref<!tpu.dma_semaphore, #tpu.memory_space<semaphore_mem>>) src(%dma_wait3A_975 : memref<80x128xf32, #tpu.memory_space<hbm>>) dst(%arg8 : memref<80x128xf32, #tpu.memory_space<vmem>>)
      %mul3A_976 = arith.constant 8 : i32
      %mul3A_977 = arith.muli %rem3A_796, %mul3A_976 : i32
      %add3A_978 = arith.constant 4 : i32
      %add3A_979 = arith.addi %mul3A_977, %add3A_978 : i32
      %dma_start3A_980 = arith.constant 0 : i32
      %dma_start3A_981 = tpu.memref_slice %arg7[%add3A_979, %dma_start3A_980] : memref<16x80xi32, #tpu.memory_space<vmem>> -> memref<1x80xi32, #tpu.memory_space<vmem>>
      %dma_start3A_982 = tpu.memref_squeeze %dma_start3A_981 : memref<1x80xi32, #tpu.memory_space<vmem>> -> memref<80xi32, #tpu.memory_space<vmem>>
      %dma_start3A_983 = arith.constant 0 : i32
      %dma_start3A_984 = arith.constant 0 : i32
      %dma_start3A_985 = tpu.memref_slice %arg13[%dma_start3A_983, %dma_start3A_984] : memref<10240x128xf32, #tpu.memory_space<vmem_shared>> -> memref<10240x128xf32, #tpu.memory_space<vmem_shared>>
      tpu.enqueue_indirect_dma source(%arg8 : memref<80x128xf32, #tpu.memory_space<vmem>>) target(%dma_start3A_985 : memref<10240x128xf32, #tpu.memory_space<vmem_shared>>) offsets(%dma_start3A_982 : memref<80xi32, #tpu.memory_space<vmem>>) semaphore(%arg18 : memref<!tpu.dma_semaphore, #tpu.memory_space<semaphore_mem>>) {add = true}
      %dma_wait3A_986 = arith.constant 0 : i32
      %dma_wait3A_987 = arith.constant 0 : i32
      %dma_wait3A_988 = tpu.memref_slice %arg7[%dma_wait3A_986, %dma_wait3A_987] : memref<16x80xi32, #tpu.memory_space<vmem>> -> memref<1x80xi32, #tpu.memory_space<vmem>>
      %dma_wait3A_989 = tpu.memref_squeeze %dma_wait3A_988 : memref<1x80xi32, #tpu.memory_space<vmem>> -> memref<80xi32, #tpu.memory_space<vmem>>
      %dma_wait3A_990 = arith.constant 0 : i32
      %dma_wait3A_991 = arith.constant 0 : i32
      %dma_wait3A_992 = tpu.memref_slice %arg13[%dma_wait3A_990, %dma_wait3A_991] : memref<10240x128xf32, #tpu.memory_space<vmem_shared>> -> memref<10240x128xf32, #tpu.memory_space<vmem_shared>>
      tpu.wait_indirect_dma semaphore(%arg20 : memref<!tpu.dma_semaphore, #tpu.memory_space<semaphore_mem>>) src(%arg10 : memref<80x128xf32, #tpu.memory_space<vmem>>) dst(%dma_wait3A_992 : memref<10240x128xf32, #tpu.memory_space<vmem_shared>>)
      %mul3A_993 = arith.constant 8 : i32
      %mul3A_994 = arith.muli %rem3A_796, %mul3A_993 : i32
      %add3A_995 = arith.constant 4 : i32
      %add3A_996 = arith.addi %mul3A_994, %add3A_995 : i32
      %add3A_997 = arith.constant 2 : i32
      %add3A_998 = arith.addi %add3A_996, %add3A_997 : i32
      %dma_start3A_999 = arith.constant 0 : i32
      %dma_start3A_1000 = tpu.memref_slice %arg6[%add3A_998, %dma_start3A_999] : memref<16x80xi32, #tpu.memory_space<vmem>> -> memref<1x80xi32, #tpu.memory_space<vmem>>
      %dma_start3A_1001 = tpu.memref_squeeze %dma_start3A_1000 : memref<1x80xi32, #tpu.memory_space<vmem>> -> memref<80xi32, #tpu.memory_space<vmem>>
      %dma_start3A_1002 = arith.constant 0 : i32
      %dma_start3A_1003 = arith.constant 0 : i32
      %dma_start3A_1004 = tpu.memref_slice %arg2[%dma_start3A_1002, %dma_start3A_1003] : memref<10240x128xf32, #tpu.memory_space<hbm>> -> memref<10240x128xf32, #tpu.memory_space<hbm>>
      tpu.enqueue_indirect_dma source(%dma_start3A_1004 : memref<10240x128xf32, #tpu.memory_space<hbm>>) target(%arg10 : memref<80x128xf32, #tpu.memory_space<vmem>>) offsets(%dma_start3A_1001 : memref<80xi32, #tpu.memory_space<vmem>>) semaphore(%arg16 : memref<!tpu.dma_semaphore, #tpu.memory_space<semaphore_mem>>)
      %dma_wait3A_1005 = arith.constant 0 : i32
      %dma_wait3A_1006 = arith.constant 0 : i32
      %dma_wait3A_1007 = tpu.memref_slice %arg2[%dma_wait3A_1005, %dma_wait3A_1006] : memref<10240x128xf32, #tpu.memory_space<hbm>> -> memref<80x128xf32, #tpu.memory_space<hbm>>
      %dma_wait3A_1008 = arith.constant 0 : i32
      %dma_wait3A_1009 = arith.constant 0 : i32
      %dma_wait3A_1010 = tpu.memref_slice %arg2[%dma_wait3A_1008, %dma_wait3A_1009] : memref<10240x128xf32, #tpu.memory_space<hbm>> -> memref<80x128xf32, #tpu.memory_space<hbm>>
      tpu.wait_dma2 semaphore(%arg15 : memref<!tpu.dma_semaphore, #tpu.memory_space<semaphore_mem>>) src(%dma_wait3A_1010 : memref<80x128xf32, #tpu.memory_space<hbm>>) dst(%arg9 : memref<80x128xf32, #tpu.memory_space<vmem>>)
      %mul3A_1011 = arith.constant 8 : i32
      %mul3A_1012 = arith.muli %rem3A_796, %mul3A_1011 : i32
      %add3A_1013 = arith.constant 5 : i32
      %add3A_1014 = arith.addi %mul3A_1012, %add3A_1013 : i32
      %dma_start3A_1015 = arith.constant 0 : i32
      %dma_start3A_1016 = tpu.memref_slice %arg7[%add3A_1014, %dma_start3A_1015] : memref<16x80xi32, #tpu.memory_space<vmem>> -> memref<1x80xi32, #tpu.memory_space<vmem>>
      %dma_start3A_1017 = tpu.memref_squeeze %dma_start3A_1016 : memref<1x80xi32, #tpu.memory_space<vmem>> -> memref<80xi32, #tpu.memory_space<vmem>>
      %dma_start3A_1018 = arith.constant 0 : i32
      %dma_start3A_1019 = arith.constant 0 : i32
      %dma_start3A_1020 = tpu.memref_slice %arg13[%dma_start3A_1018, %dma_start3A_1019] : memref<10240x128xf32, #tpu.memory_space<vmem_shared>> -> memref<10240x128xf32, #tpu.memory_space<vmem_shared>>
      tpu.enqueue_indirect_dma source(%arg9 : memref<80x128xf32, #tpu.memory_space<vmem>>) target(%dma_start3A_1020 : memref<10240x128xf32, #tpu.memory_space<vmem_shared>>) offsets(%dma_start3A_1017 : memref<80xi32, #tpu.memory_space<vmem>>) semaphore(%arg19 : memref<!tpu.dma_semaphore, #tpu.memory_space<semaphore_mem>>) {add = true}
      %dma_wait3A_1021 = arith.constant 0 : i32
      %dma_wait3A_1022 = arith.constant 0 : i32
      %dma_wait3A_1023 = tpu.memref_slice %arg7[%dma_wait3A_1021, %dma_wait3A_1022] : memref<16x80xi32, #tpu.memory_space<vmem>> -> memref<1x80xi32, #tpu.memory_space<vmem>>
      %dma_wait3A_1024 = tpu.memref_squeeze %dma_wait3A_1023 : memref<1x80xi32, #tpu.memory_space<vmem>> -> memref<80xi32, #tpu.memory_space<vmem>>
      %dma_wait3A_1025 = arith.constant 0 : i32
      %dma_wait3A_1026 = arith.constant 0 : i32
      %dma_wait3A_1027 = tpu.memref_slice %arg13[%dma_wait3A_1025, %dma_wait3A_1026] : memref<10240x128xf32, #tpu.memory_space<vmem_shared>> -> memref<10240x128xf32, #tpu.memory_space<vmem_shared>>
      tpu.wait_indirect_dma semaphore(%arg21 : memref<!tpu.dma_semaphore, #tpu.memory_space<semaphore_mem>>) src(%arg11 : memref<80x128xf32, #tpu.memory_space<vmem>>) dst(%dma_wait3A_1027 : memref<10240x128xf32, #tpu.memory_space<vmem_shared>>)
      %mul3A_1028 = arith.constant 8 : i32
      %mul3A_1029 = arith.muli %rem3A_796, %mul3A_1028 : i32
      %add3A_1030 = arith.constant 5 : i32
      %add3A_1031 = arith.addi %mul3A_1029, %add3A_1030 : i32
      %add3A_1032 = arith.constant 2 : i32
      %add3A_1033 = arith.addi %add3A_1031, %add3A_1032 : i32
      %dma_start3A_1034 = arith.constant 0 : i32
      %dma_start3A_1035 = tpu.memref_slice %arg6[%add3A_1033, %dma_start3A_1034] : memref<16x80xi32, #tpu.memory_space<vmem>> -> memref<1x80xi32, #tpu.memory_space<vmem>>
      %dma_start3A_1036 = tpu.memref_squeeze %dma_start3A_1035 : memref<1x80xi32, #tpu.memory_space<vmem>> -> memref<80xi32, #tpu.memory_space<vmem>>
      %dma_start3A_1037 = arith.constant 0 : i32
      %dma_start3A_1038 = arith.constant 0 : i32
      %dma_start3A_1039 = tpu.memref_slice %arg2[%dma_start3A_1037, %dma_start3A_1038] : memref<10240x128xf32, #tpu.memory_space<hbm>> -> memref<10240x128xf32, #tpu.memory_space<hbm>>
      tpu.enqueue_indirect_dma source(%dma_start3A_1039 : memref<10240x128xf32, #tpu.memory_space<hbm>>) target(%arg11 : memref<80x128xf32, #tpu.memory_space<vmem>>) offsets(%dma_start3A_1036 : memref<80xi32, #tpu.memory_space<vmem>>) semaphore(%arg17 : memref<!tpu.dma_semaphore, #tpu.memory_space<semaphore_mem>>)
      %dma_wait3A_1040 = arith.constant 0 : i32
      %dma_wait3A_1041 = arith.constant 0 : i32
      %dma_wait3A_1042 = tpu.memref_slice %arg2[%dma_wait3A_1040, %dma_wait3A_1041] : memref<10240x128xf32, #tpu.memory_space<hbm>> -> memref<80x128xf32, #tpu.memory_space<hbm>>
      %dma_wait3A_1043 = arith.constant 0 : i32
      %dma_wait3A_1044 = arith.constant 0 : i32
      %dma_wait3A_1045 = tpu.memref_slice %arg2[%dma_wait3A_1043, %dma_wait3A_1044] : memref<10240x128xf32, #tpu.memory_space<hbm>> -> memref<80x128xf32, #tpu.memory_space<hbm>>
      tpu.wait_dma2 semaphore(%arg16 : memref<!tpu.dma_semaphore, #tpu.memory_space<semaphore_mem>>) src(%dma_wait3A_1045 : memref<80x128xf32, #tpu.memory_space<hbm>>) dst(%arg10 : memref<80x128xf32, #tpu.memory_space<vmem>>)
      %mul3A_1046 = arith.constant 8 : i32
      %mul3A_1047 = arith.muli %rem3A_796, %mul3A_1046 : i32
      %add3A_1048 = arith.constant 6 : i32
      %add3A_1049 = arith.addi %mul3A_1047, %add3A_1048 : i32
      %dma_start3A_1050 = arith.constant 0 : i32
      %dma_start3A_1051 = tpu.memref_slice %arg7[%add3A_1049, %dma_start3A_1050] : memref<16x80xi32, #tpu.memory_space<vmem>> -> memref<1x80xi32, #tpu.memory_space<vmem>>
      %dma_start3A_1052 = tpu.memref_squeeze %dma_start3A_1051 : memref<1x80xi32, #tpu.memory_space<vmem>> -> memref<80xi32, #tpu.memory_space<vmem>>
      %dma_start3A_1053 = arith.constant 0 : i32
      %dma_start3A_1054 = arith.constant 0 : i32
      %dma_start3A_1055 = tpu.memref_slice %arg13[%dma_start3A_1053, %dma_start3A_1054] : memref<10240x128xf32, #tpu.memory_space<vmem_shared>> -> memref<10240x128xf32, #tpu.memory_space<vmem_shared>>
      tpu.enqueue_indirect_dma source(%arg10 : memref<80x128xf32, #tpu.memory_space<vmem>>) target(%dma_start3A_1055 : memref<10240x128xf32, #tpu.memory_space<vmem_shared>>) offsets(%dma_start3A_1052 : memref<80xi32, #tpu.memory_space<vmem>>) semaphore(%arg20 : memref<!tpu.dma_semaphore, #tpu.memory_space<semaphore_mem>>) {add = true}
      %dma_wait3A_1056 = arith.constant 0 : i32
      %dma_wait3A_1057 = arith.constant 0 : i32
      %dma_wait3A_1058 = tpu.memref_slice %arg7[%dma_wait3A_1056, %dma_wait3A_1057] : memref<16x80xi32, #tpu.memory_space<vmem>> -> memref<1x80xi32, #tpu.memory_space<vmem>>
      %dma_wait3A_1059 = tpu.memref_squeeze %dma_wait3A_1058 : memref<1x80xi32, #tpu.memory_space<vmem>> -> memref<80xi32, #tpu.memory_space<vmem>>
      %dma_wait3A_1060 = arith.constant 0 : i32
      %dma_wait3A_1061 = arith.constant 0 : i32
      %dma_wait3A_1062 = tpu.memref_slice %arg13[%dma_wait3A_1060, %dma_wait3A_1061] : memref<10240x128xf32, #tpu.memory_space<vmem_shared>> -> memref<10240x128xf32, #tpu.memory_space<vmem_shared>>
      tpu.wait_indirect_dma semaphore(%arg18 : memref<!tpu.dma_semaphore, #tpu.memory_space<semaphore_mem>>) src(%arg8 : memref<80x128xf32, #tpu.memory_space<vmem>>) dst(%dma_wait3A_1062 : memref<10240x128xf32, #tpu.memory_space<vmem_shared>>)
      %dma_wait3A_1063 = arith.constant 0 : i32
      %dma_wait3A_1064 = tpu.memref_slice %arg6[%mul3A_805, %dma_wait3A_1063] : memref<16x80xi32, #tpu.memory_space<vmem>> -> memref<8x80xi32, #tpu.memory_space<vmem>>
      %dma_wait3A_1065 = arith.constant 0 : i32
      %dma_wait3A_1066 = tpu.memref_slice %arg3[%add3A, %mul3A_803, %dma_wait3A_1065] : memref<32x128x80xi32, #tpu.memory_space<hbm>> -> memref<1x8x80xi32, #tpu.memory_space<hbm>>
      %dma_wait3A_1067 = tpu.memref_squeeze %dma_wait3A_1066 : memref<1x8x80xi32, #tpu.memory_space<hbm>> -> memref<8x80xi32, #tpu.memory_space<hbm>>
      %dma_wait3A_1068 = arith.constant 0 : i32
      %dma_wait3A_1069 = tpu.memref_slice %arg6[%mul3A_805, %dma_wait3A_1068] : memref<16x80xi32, #tpu.memory_space<vmem>> -> memref<8x80xi32, #tpu.memory_space<vmem>>
      %dma_wait3A_1070 = arith.constant 0 : i32
      %dma_wait3A_1071 = tpu.memref_slice %arg3[%add3A, %mul3A_803, %dma_wait3A_1070] : memref<32x128x80xi32, #tpu.memory_space<hbm>> -> memref<1x8x80xi32, #tpu.memory_space<hbm>>
      %dma_wait3A_1072 = tpu.memref_squeeze %dma_wait3A_1071 : memref<1x8x80xi32, #tpu.memory_space<hbm>> -> memref<8x80xi32, #tpu.memory_space<hbm>>
      tpu.wait_dma2 semaphore(%arg22 : memref<!tpu.dma_semaphore, #tpu.memory_space<semaphore_mem>>) src(%dma_wait3A_1072 : memref<8x80xi32, #tpu.memory_space<hbm>>) dst(%dma_wait3A_1069 : memref<8x80xi32, #tpu.memory_space<vmem>>)
      %dma_wait3A_1073 = arith.constant 0 : i32
      %dma_wait3A_1074 = tpu.memref_slice %arg7[%mul3A_819, %dma_wait3A_1073] : memref<16x80xi32, #tpu.memory_space<vmem>> -> memref<8x80xi32, #tpu.memory_space<vmem>>
      %dma_wait3A_1075 = arith.constant 0 : i32
      %dma_wait3A_1076 = tpu.memref_slice %arg4[%add3A, %mul3A_817, %dma_wait3A_1075] : memref<32x128x80xi32, #tpu.memory_space<hbm>> -> memref<1x8x80xi32, #tpu.memory_space<hbm>>
      %dma_wait3A_1077 = tpu.memref_squeeze %dma_wait3A_1076 : memref<1x8x80xi32, #tpu.memory_space<hbm>> -> memref<8x80xi32, #tpu.memory_space<hbm>>
      %dma_wait3A_1078 = arith.constant 0 : i32
      %dma_wait3A_1079 = tpu.memref_slice %arg7[%mul3A_819, %dma_wait3A_1078] : memref<16x80xi32, #tpu.memory_space<vmem>> -> memref<8x80xi32, #tpu.memory_space<vmem>>
      %dma_wait3A_1080 = arith.constant 0 : i32
      %dma_wait3A_1081 = tpu.memref_slice %arg4[%add3A, %mul3A_817, %dma_wait3A_1080] : memref<32x128x80xi32, #tpu.memory_space<hbm>> -> memref<1x8x80xi32, #tpu.memory_space<hbm>>
      %dma_wait3A_1082 = tpu.memref_squeeze %dma_wait3A_1081 : memref<1x8x80xi32, #tpu.memory_space<hbm>> -> memref<8x80xi32, #tpu.memory_space<hbm>>
      tpu.wait_dma2 semaphore(%arg23 : memref<!tpu.dma_semaphore, #tpu.memory_space<semaphore_mem>>) src(%dma_wait3A_1082 : memref<8x80xi32, #tpu.memory_space<hbm>>) dst(%dma_wait3A_1079 : memref<8x80xi32, #tpu.memory_space<vmem>>)
      %mul3A_1083 = arith.constant 8 : i32
      %mul3A_1084 = arith.muli %sub3A_797, %mul3A_1083 : i32
      %add3A_1085 = arith.constant 0 : i32
      %add3A_1086 = arith.addi %mul3A_1084, %add3A_1085 : i32
      %dma_start3A_1087 = arith.constant 0 : i32
      %dma_start3A_1088 = tpu.memref_slice %arg6[%add3A_1086, %dma_start3A_1087] : memref<16x80xi32, #tpu.memory_space<vmem>> -> memref<1x80xi32, #tpu.memory_space<vmem>>
      %dma_start3A_1089 = tpu.memref_squeeze %dma_start3A_1088 : memref<1x80xi32, #tpu.memory_space<vmem>> -> memref<80xi32, #tpu.memory_space<vmem>>
      %dma_start3A_1090 = arith.constant 0 : i32
      %dma_start3A_1091 = arith.constant 0 : i32
      %dma_start3A_1092 = tpu.memref_slice %arg2[%dma_start3A_1090, %dma_start3A_1091] : memref<10240x128xf32, #tpu.memory_space<hbm>> -> memref<10240x128xf32, #tpu.memory_space<hbm>>
      tpu.enqueue_indirect_dma source(%dma_start3A_1092 : memref<10240x128xf32, #tpu.memory_space<hbm>>) target(%arg8 : memref<80x128xf32, #tpu.memory_space<vmem>>) offsets(%dma_start3A_1089 : memref<80xi32, #tpu.memory_space<vmem>>) semaphore(%arg14 : memref<!tpu.dma_semaphore, #tpu.memory_space<semaphore_mem>>)
      %dma_wait3A_1093 = arith.constant 0 : i32
      %dma_wait3A_1094 = arith.constant 0 : i32
      %dma_wait3A_1095 = tpu.memref_slice %arg2[%dma_wait3A_1093, %dma_wait3A_1094] : memref<10240x128xf32, #tpu.memory_space<hbm>> -> memref<80x128xf32, #tpu.memory_space<hbm>>
      %dma_wait3A_1096 = arith.constant 0 : i32
      %dma_wait3A_1097 = arith.constant 0 : i32
      %dma_wait3A_1098 = tpu.memref_slice %arg2[%dma_wait3A_1096, %dma_wait3A_1097] : memref<10240x128xf32, #tpu.memory_space<hbm>> -> memref<80x128xf32, #tpu.memory_space<hbm>>
      tpu.wait_dma2 semaphore(%arg17 : memref<!tpu.dma_semaphore, #tpu.memory_space<semaphore_mem>>) src(%dma_wait3A_1098 : memref<80x128xf32, #tpu.memory_space<hbm>>) dst(%arg11 : memref<80x128xf32, #tpu.memory_space<vmem>>)
      %mul3A_1099 = arith.constant 8 : i32
      %mul3A_1100 = arith.muli %rem3A_796, %mul3A_1099 : i32
      %add3A_1101 = arith.constant 7 : i32
      %add3A_1102 = arith.addi %mul3A_1100, %add3A_1101 : i32
      %dma_start3A_1103 = arith.constant 0 : i32
      %dma_start3A_1104 = tpu.memref_slice %arg7[%add3A_1102, %dma_start3A_1103] : memref<16x80xi32, #tpu.memory_space<vmem>> -> memref<1x80xi32, #tpu.memory_space<vmem>>
      %dma_start3A_1105 = tpu.memref_squeeze %dma_start3A_1104 : memref<1x80xi32, #tpu.memory_space<vmem>> -> memref<80xi32, #tpu.memory_space<vmem>>
      %dma_start3A_1106 = arith.constant 0 : i32
      %dma_start3A_1107 = arith.constant 0 : i32
      %dma_start3A_1108 = tpu.memref_slice %arg13[%dma_start3A_1106, %dma_start3A_1107] : memref<10240x128xf32, #tpu.memory_space<vmem_shared>> -> memref<10240x128xf32, #tpu.memory_space<vmem_shared>>
      tpu.enqueue_indirect_dma source(%arg11 : memref<80x128xf32, #tpu.memory_space<vmem>>) target(%dma_start3A_1108 : memref<10240x128xf32, #tpu.memory_space<vmem_shared>>) offsets(%dma_start3A_1105 : memref<80xi32, #tpu.memory_space<vmem>>) semaphore(%arg21 : memref<!tpu.dma_semaphore, #tpu.memory_space<semaphore_mem>>) {add = true}
      %dma_wait3A_1109 = arith.constant 0 : i32
      %dma_wait3A_1110 = arith.constant 0 : i32
      %dma_wait3A_1111 = tpu.memref_slice %arg7[%dma_wait3A_1109, %dma_wait3A_1110] : memref<16x80xi32, #tpu.memory_space<vmem>> -> memref<1x80xi32, #tpu.memory_space<vmem>>
      %dma_wait3A_1112 = tpu.memref_squeeze %dma_wait3A_1111 : memref<1x80xi32, #tpu.memory_space<vmem>> -> memref<80xi32, #tpu.memory_space<vmem>>
      %dma_wait3A_1113 = arith.constant 0 : i32
      %dma_wait3A_1114 = arith.constant 0 : i32
      %dma_wait3A_1115 = tpu.memref_slice %arg13[%dma_wait3A_1113, %dma_wait3A_1114] : memref<10240x128xf32, #tpu.memory_space<vmem_shared>> -> memref<10240x128xf32, #tpu.memory_space<vmem_shared>>
      tpu.wait_indirect_dma semaphore(%arg19 : memref<!tpu.dma_semaphore, #tpu.memory_space<semaphore_mem>>) src(%arg9 : memref<80x128xf32, #tpu.memory_space<vmem>>) dst(%dma_wait3A_1115 : memref<10240x128xf32, #tpu.memory_space<vmem_shared>>)
      %mul3A_1116 = arith.constant 8 : i32
      %mul3A_1117 = arith.muli %sub3A_797, %mul3A_1116 : i32
      %add3A_1118 = arith.constant 1 : i32
      %add3A_1119 = arith.addi %mul3A_1117, %add3A_1118 : i32
      %dma_start3A_1120 = arith.constant 0 : i32
      %dma_start3A_1121 = tpu.memref_slice %arg6[%add3A_1119, %dma_start3A_1120] : memref<16x80xi32, #tpu.memory_space<vmem>> -> memref<1x80xi32, #tpu.memory_space<vmem>>
      %dma_start3A_1122 = tpu.memref_squeeze %dma_start3A_1121 : memref<1x80xi32, #tpu.memory_space<vmem>> -> memref<80xi32, #tpu.memory_space<vmem>>
      %dma_start3A_1123 = arith.constant 0 : i32
      %dma_start3A_1124 = arith.constant 0 : i32
      %dma_start3A_1125 = tpu.memref_slice %arg2[%dma_start3A_1123, %dma_start3A_1124] : memref<10240x128xf32, #tpu.memory_space<hbm>> -> memref<10240x128xf32, #tpu.memory_space<hbm>>
      tpu.enqueue_indirect_dma source(%dma_start3A_1125 : memref<10240x128xf32, #tpu.memory_space<hbm>>) target(%arg9 : memref<80x128xf32, #tpu.memory_space<vmem>>) offsets(%dma_start3A_1122 : memref<80xi32, #tpu.memory_space<vmem>>) semaphore(%arg15 : memref<!tpu.dma_semaphore, #tpu.memory_space<semaphore_mem>>)
      %scan3A_1126 = arith.constant 0 : i32
      scf.yield %scan3A_1126 : i32
    }
    %scan3A_761 = arith.constant 15 : i32
    %dma_wait3A_762 = arith.constant 0 : i32
    %dma_wait3A_763 = arith.constant 0 : i32
    %dma_wait3A_764 = tpu.memref_slice %arg7[%dma_wait3A_762, %dma_wait3A_763] : memref<16x80xi32, #tpu.memory_space<vmem>> -> memref<1x80xi32, #tpu.memory_space<vmem>>
    %dma_wait3A_765 = tpu.memref_squeeze %dma_wait3A_764 : memref<1x80xi32, #tpu.memory_space<vmem>> -> memref<80xi32, #tpu.memory_space<vmem>>
    %dma_wait3A_766 = arith.constant 0 : i32
    %dma_wait3A_767 = arith.constant 0 : i32
    %dma_wait3A_768 = tpu.memref_slice %arg13[%dma_wait3A_766, %dma_wait3A_767] : memref<10240x128xf32, #tpu.memory_space<vmem_shared>> -> memref<10240x128xf32, #tpu.memory_space<vmem_shared>>
    tpu.wait_indirect_dma semaphore(%arg20 : memref<!tpu.dma_semaphore, #tpu.memory_space<semaphore_mem>>) src(%arg10 : memref<80x128xf32, #tpu.memory_space<vmem>>) dst(%dma_wait3A_768 : memref<10240x128xf32, #tpu.memory_space<vmem_shared>>)
    %dma_wait3A_769 = arith.constant 0 : i32
    %dma_wait3A_770 = arith.constant 0 : i32
    %dma_wait3A_771 = tpu.memref_slice %arg7[%dma_wait3A_769, %dma_wait3A_770] : memref<16x80xi32, #tpu.memory_space<vmem>> -> memref<1x80xi32, #tpu.memory_space<vmem>>
    %dma_wait3A_772 = tpu.memref_squeeze %dma_wait3A_771 : memref<1x80xi32, #tpu.memory_space<vmem>> -> memref<80xi32, #tpu.memory_space<vmem>>
    %dma_wait3A_773 = arith.constant 0 : i32
    %dma_wait3A_774 = arith.constant 0 : i32
    %dma_wait3A_775 = tpu.memref_slice %arg13[%dma_wait3A_773, %dma_wait3A_774] : memref<10240x128xf32, #tpu.memory_space<vmem_shared>> -> memref<10240x128xf32, #tpu.memory_space<vmem_shared>>
    tpu.wait_indirect_dma semaphore(%arg21 : memref<!tpu.dma_semaphore, #tpu.memory_space<semaphore_mem>>) src(%arg11 : memref<80x128xf32, #tpu.memory_space<vmem>>) dst(%dma_wait3A_775 : memref<10240x128xf32, #tpu.memory_space<vmem_shared>>)
    %dma_wait3A_776 = arith.constant 0 : i32
    %dma_wait3A_777 = arith.constant 0 : i32
    %dma_wait3A_778 = tpu.memref_slice %arg2[%dma_wait3A_776, %dma_wait3A_777] : memref<10240x128xf32, #tpu.memory_space<hbm>> -> memref<80x128xf32, #tpu.memory_space<hbm>>
    %dma_wait3A_779 = arith.constant 0 : i32
    %dma_wait3A_780 = arith.constant 0 : i32
    %dma_wait3A_781 = tpu.memref_slice %arg2[%dma_wait3A_779, %dma_wait3A_780] : memref<10240x128xf32, #tpu.memory_space<hbm>> -> memref<80x128xf32, #tpu.memory_space<hbm>>
    tpu.wait_dma2 semaphore(%arg14 : memref<!tpu.dma_semaphore, #tpu.memory_space<semaphore_mem>>) src(%dma_wait3A_781 : memref<80x128xf32, #tpu.memory_space<hbm>>) dst(%arg8 : memref<80x128xf32, #tpu.memory_space<vmem>>)
    %dma_wait3A_782 = arith.constant 0 : i32
    %dma_wait3A_783 = arith.constant 0 : i32
    %dma_wait3A_784 = tpu.memref_slice %arg2[%dma_wait3A_782, %dma_wait3A_783] : memref<10240x128xf32, #tpu.memory_space<hbm>> -> memref<80x128xf32, #tpu.memory_space<hbm>>
    %dma_wait3A_785 = arith.constant 0 : i32
    %dma_wait3A_786 = arith.constant 0 : i32
    %dma_wait3A_787 = tpu.memref_slice %arg2[%dma_wait3A_785, %dma_wait3A_786] : memref<10240x128xf32, #tpu.memory_space<hbm>> -> memref<80x128xf32, #tpu.memory_space<hbm>>
    tpu.wait_dma2 semaphore(%arg15 : memref<!tpu.dma_semaphore, #tpu.memory_space<semaphore_mem>>) src(%dma_wait3A_787 : memref<80x128xf32, #tpu.memory_space<hbm>>) dst(%arg9 : memref<80x128xf32, #tpu.memory_space<vmem>>)
    %barrier3A_788 = arith.constant 0 : index
    tpu.barrier barrier_id(%barrier3A_788)
    %mul3A_789 = arith.constant 640 : i32
    %mul3A_790 = arith.muli %arg1, %mul3A_789 : i32
    %mul3A_791 = arith.constant 640 : i32
    %mul3A_792 = arith.muli %arg1, %mul3A_791 : i32
    "tpu.region"() ({
      %run_scoped3A = tpu.sem_alloc : memref<!tpu.dma_semaphore, #tpu.memory_space<semaphore_mem>>
      %dma_start3A_793 = arith.constant 0 : i32
      %dma_start3A_794 = tpu.memref_slice %arg5[%arg0, %mul3A_792, %dma_start3A_793] : memref<2x10240x128xf32, #tpu.memory_space<hbm>> -> memref<1x640x128xf32, #tpu.memory_space<hbm>>
      %dma_start3A_795 = tpu.memref_squeeze %dma_start3A_794 : memref<1x640x128xf32, #tpu.memory_space<hbm>> -> memref<640x128xf32, #tpu.memory_space<hbm>>
      %dma_start3A_796 = arith.constant 0 : i32
      %dma_start3A_797 = tpu.memref_slice %arg13[%mul3A_790, %dma_start3A_796] : memref<10240x128xf32, #tpu.memory_space<vmem_shared>> -> memref<640x128xf32, #tpu.memory_space<vmem_shared>>
      tpu.enqueue_dma source(%dma_start3A_797 : memref<640x128xf32, #tpu.memory_space<vmem_shared>>) target(%dma_start3A_795 : memref<640x128xf32, #tpu.memory_space<hbm>>) target_semaphore(%run_scoped3A : memref<!tpu.dma_semaphore, #tpu.memory_space<semaphore_mem>>)
      %dma_wait3A_798 = arith.constant 0 : i32
      %dma_wait3A_799 = tpu.memref_slice %arg5[%arg0, %mul3A_792, %dma_wait3A_798] : memref<2x10240x128xf32, #tpu.memory_space<hbm>> -> memref<1x640x128xf32, #tpu.memory_space<hbm>>
      %dma_wait3A_800 = tpu.memref_squeeze %dma_wait3A_799 : memref<1x640x128xf32, #tpu.memory_space<hbm>> -> memref<640x128xf32, #tpu.memory_space<hbm>>
      %dma_wait3A_801 = arith.constant 0 : i32
      %dma_wait3A_802 = tpu.memref_slice %arg13[%mul3A_790, %dma_wait3A_801] : memref<10240x128xf32, #tpu.memory_space<vmem_shared>> -> memref<640x128xf32, #tpu.memory_space<vmem_shared>>
      tpu.wait_dma2 semaphore(%run_scoped3A : memref<!tpu.dma_semaphore, #tpu.memory_space<semaphore_mem>>) src(%dma_wait3A_802 : memref<640x128xf32, #tpu.memory_space<vmem_shared>>) dst(%dma_wait3A_800 : memref<640x128xf32, #tpu.memory_space<hbm>>)
      tpu.yield
    }) : () -> ()
    return
  }
}

#map = affine_map<(d0, d1) -> (0, 0)>
#map1 = affine_map<(d0, d1) -> (0, 0, 0)>
module attributes {stable_mosaic.version = 14 : i64} {
  func.func @k(%arg0: i32, %arg1: i32, %arg2: memref<10240x128xf32, #tpu.memory_space<hbm>>, %arg3: memref<32x128x80xi32, #tpu.memory_space<hbm>>, %arg4: memref<32x128x80xi32, #tpu.memory_space<hbm>>, %arg5: memref<2x10240x128xf32, #tpu.memory_space<hbm>>, %arg6: memref<16x80xi32, #tpu.memory_space<vmem>>, %arg7: memref<16x80xi32, #tpu.memory_space<vmem>>, %arg8: memref<80x128xf32, #tpu.memory_space<vmem>>, %arg9: memref<80x128xf32, #tpu.memory_space<vmem>>, %arg10: memref<80x128xf32, #tpu.memory_space<vmem>>, %arg11: memref<80x128xf32, #tpu.memory_space<vmem>>, %arg12: memref<16x128xf32, #tpu.memory_space<vmem>>, %arg13: memref<10240x128xf32, #tpu.memory_space<vmem_shared>>, %arg14: memref<!tpu.dma_semaphore, #tpu.memory_space<semaphore_mem>>, %arg15: memref<!tpu.dma_semaphore, #tpu.memory_space<semaphore_mem>>, %arg16: memref<!tpu.dma_semaphore, #tpu.memory_space<semaphore_mem>>, %arg17: memref<!tpu.dma_semaphore, #tpu.memory_space<semaphore_mem>>, %arg18: memref<!tpu.dma_semaphore, #tpu.memory_space<semaphore_mem>>, %arg19: memref<!tpu.dma_semaphore, #tpu.memory_space<semaphore_mem>>, %arg20: memref<!tpu.dma_semaphore, #tpu.memory_space<semaphore_mem>>, %arg21: memref<!tpu.dma_semaphore, #tpu.memory_space<semaphore_mem>>, %arg22: memref<!tpu.dma_semaphore, #tpu.memory_space<semaphore_mem>>, %arg23: memref<!tpu.dma_semaphore, #tpu.memory_space<semaphore_mem>>, %arg24: memref<!tpu.dma_semaphore, #tpu.memory_space<semaphore_mem>>) attributes {dimension_semantics = [#tpu.dimension_semantics<core_parallel>, #tpu.dimension_semantics<subcore_parallel>], iteration_bounds = array<i64: 2, 16>, scalar_prefetch = 0 : i64, scratch_operands = 19 : i64, tpu.core_type = #tpu.core_type<sc_vector_subcore>, window_params = [{transform_indices = #map}, {transform_indices = #map1}, {transform_indices = #map1}, {transform_indices = #map1}]} {
    %mul3A = arith.constant 16 : i32
    %mul3A_0 = arith.muli %arg0, %mul3A : i32
    %add3A = arith.addi %mul3A_0, %arg1 : i32
    "tpu.region"() ({
      %run_scoped3A = tpu.sem_alloc : memref<!tpu.dma_semaphore, #tpu.memory_space<semaphore_mem>>
      %dma_start3A_793 = arith.constant 0 : i32
      %dma_start3A_794 = arith.constant 0 : i32
      %dma_start3A_795 = tpu.memref_slice %arg6[%dma_start3A_793, %dma_start3A_794] : memref<16x80xi32, #tpu.memory_space<vmem>> -> memref<8x80xi32, #tpu.memory_space<vmem>>
      %dma_start3A_796 = arith.constant 0 : i32
      %dma_start3A_797 = arith.constant 0 : i32
      %dma_start3A_798 = tpu.memref_slice %arg3[%add3A, %dma_start3A_796, %dma_start3A_797] : memref<32x128x80xi32, #tpu.memory_space<hbm>> -> memref<1x8x80xi32, #tpu.memory_space<hbm>>
      %dma_start3A_799 = tpu.memref_squeeze %dma_start3A_798 : memref<1x8x80xi32, #tpu.memory_space<hbm>> -> memref<8x80xi32, #tpu.memory_space<hbm>>
      %dma_start3A_800 = arith.constant 0 : i32
      %dma_start3A_801 = arith.constant 0 : i32
      %dma_start3A_802 = tpu.memref_slice %arg6[%dma_start3A_800, %dma_start3A_801] : memref<16x80xi32, #tpu.memory_space<vmem>> -> memref<8x80xi32, #tpu.memory_space<vmem>>
      %dma_start3A_803 = arith.constant 0 : i32
      %dma_start3A_804 = arith.constant 0 : i32
      %dma_start3A_805 = tpu.memref_slice %arg3[%add3A, %dma_start3A_803, %dma_start3A_804] : memref<32x128x80xi32, #tpu.memory_space<hbm>> -> memref<1x8x80xi32, #tpu.memory_space<hbm>>
      %dma_start3A_806 = tpu.memref_squeeze %dma_start3A_805 : memref<1x8x80xi32, #tpu.memory_space<hbm>> -> memref<8x80xi32, #tpu.memory_space<hbm>>
      tpu.enqueue_dma source(%dma_start3A_806 : memref<8x80xi32, #tpu.memory_space<hbm>>) target(%dma_start3A_802 : memref<8x80xi32, #tpu.memory_space<vmem>>) target_semaphore(%run_scoped3A : memref<!tpu.dma_semaphore, #tpu.memory_space<semaphore_mem>>)
      %dma_wait3A_807 = arith.constant 0 : i32
      %dma_wait3A_808 = arith.constant 0 : i32
      %dma_wait3A_809 = tpu.memref_slice %arg6[%dma_wait3A_807, %dma_wait3A_808] : memref<16x80xi32, #tpu.memory_space<vmem>> -> memref<8x80xi32, #tpu.memory_space<vmem>>
      %dma_wait3A_810 = arith.constant 0 : i32
      %dma_wait3A_811 = arith.constant 0 : i32
      %dma_wait3A_812 = tpu.memref_slice %arg3[%add3A, %dma_wait3A_810, %dma_wait3A_811] : memref<32x128x80xi32, #tpu.memory_space<hbm>> -> memref<1x8x80xi32, #tpu.memory_space<hbm>>
      %dma_wait3A_813 = tpu.memref_squeeze %dma_wait3A_812 : memref<1x8x80xi32, #tpu.memory_space<hbm>> -> memref<8x80xi32, #tpu.memory_space<hbm>>
      %dma_wait3A_814 = arith.constant 0 : i32
      %dma_wait3A_815 = arith.constant 0 : i32
      %dma_wait3A_816 = tpu.memref_slice %arg6[%dma_wait3A_814, %dma_wait3A_815] : memref<16x80xi32, #tpu.memory_space<vmem>> -> memref<8x80xi32, #tpu.memory_space<vmem>>
      %dma_wait3A_817 = arith.constant 0 : i32
      %dma_wait3A_818 = arith.constant 0 : i32
      %dma_wait3A_819 = tpu.memref_slice %arg3[%add3A, %dma_wait3A_817, %dma_wait3A_818] : memref<32x128x80xi32, #tpu.memory_space<hbm>> -> memref<1x8x80xi32, #tpu.memory_space<hbm>>
      %dma_wait3A_820 = tpu.memref_squeeze %dma_wait3A_819 : memref<1x8x80xi32, #tpu.memory_space<hbm>> -> memref<8x80xi32, #tpu.memory_space<hbm>>
      tpu.wait_dma2 semaphore(%run_scoped3A : memref<!tpu.dma_semaphore, #tpu.memory_space<semaphore_mem>>) src(%dma_wait3A_820 : memref<8x80xi32, #tpu.memory_space<hbm>>) dst(%dma_wait3A_816 : memref<8x80xi32, #tpu.memory_space<vmem>>)
      tpu.yield
    }) : () -> ()
    "tpu.region"() ({
      %run_scoped3A = tpu.sem_alloc : memref<!tpu.dma_semaphore, #tpu.memory_space<semaphore_mem>>
      %dma_start3A_793 = arith.constant 0 : i32
      %dma_start3A_794 = arith.constant 0 : i32
      %dma_start3A_795 = tpu.memref_slice %arg7[%dma_start3A_793, %dma_start3A_794] : memref<16x80xi32, #tpu.memory_space<vmem>> -> memref<8x80xi32, #tpu.memory_space<vmem>>
      %dma_start3A_796 = arith.constant 0 : i32
      %dma_start3A_797 = arith.constant 0 : i32
      %dma_start3A_798 = tpu.memref_slice %arg4[%add3A, %dma_start3A_796, %dma_start3A_797] : memref<32x128x80xi32, #tpu.memory_space<hbm>> -> memref<1x8x80xi32, #tpu.memory_space<hbm>>
      %dma_start3A_799 = tpu.memref_squeeze %dma_start3A_798 : memref<1x8x80xi32, #tpu.memory_space<hbm>> -> memref<8x80xi32, #tpu.memory_space<hbm>>
      %dma_start3A_800 = arith.constant 0 : i32
      %dma_start3A_801 = arith.constant 0 : i32
      %dma_start3A_802 = tpu.memref_slice %arg7[%dma_start3A_800, %dma_start3A_801] : memref<16x80xi32, #tpu.memory_space<vmem>> -> memref<8x80xi32, #tpu.memory_space<vmem>>
      %dma_start3A_803 = arith.constant 0 : i32
      %dma_start3A_804 = arith.constant 0 : i32
      %dma_start3A_805 = tpu.memref_slice %arg4[%add3A, %dma_start3A_803, %dma_start3A_804] : memref<32x128x80xi32, #tpu.memory_space<hbm>> -> memref<1x8x80xi32, #tpu.memory_space<hbm>>
      %dma_start3A_806 = tpu.memref_squeeze %dma_start3A_805 : memref<1x8x80xi32, #tpu.memory_space<hbm>> -> memref<8x80xi32, #tpu.memory_space<hbm>>
      tpu.enqueue_dma source(%dma_start3A_806 : memref<8x80xi32, #tpu.memory_space<hbm>>) target(%dma_start3A_802 : memref<8x80xi32, #tpu.memory_space<vmem>>) target_semaphore(%run_scoped3A : memref<!tpu.dma_semaphore, #tpu.memory_space<semaphore_mem>>)
      %dma_wait3A_807 = arith.constant 0 : i32
      %dma_wait3A_808 = arith.constant 0 : i32
      %dma_wait3A_809 = tpu.memref_slice %arg7[%dma_wait3A_807, %dma_wait3A_808] : memref<16x80xi32, #tpu.memory_space<vmem>> -> memref<8x80xi32, #tpu.memory_space<vmem>>
      %dma_wait3A_810 = arith.constant 0 : i32
      %dma_wait3A_811 = arith.constant 0 : i32
      %dma_wait3A_812 = tpu.memref_slice %arg4[%add3A, %dma_wait3A_810, %dma_wait3A_811] : memref<32x128x80xi32, #tpu.memory_space<hbm>> -> memref<1x8x80xi32, #tpu.memory_space<hbm>>
      %dma_wait3A_813 = tpu.memref_squeeze %dma_wait3A_812 : memref<1x8x80xi32, #tpu.memory_space<hbm>> -> memref<8x80xi32, #tpu.memory_space<hbm>>
      %dma_wait3A_814 = arith.constant 0 : i32
      %dma_wait3A_815 = arith.constant 0 : i32
      %dma_wait3A_816 = tpu.memref_slice %arg7[%dma_wait3A_814, %dma_wait3A_815] : memref<16x80xi32, #tpu.memory_space<vmem>> -> memref<8x80xi32, #tpu.memory_space<vmem>>
      %dma_wait3A_817 = arith.constant 0 : i32
      %dma_wait3A_818 = arith.constant 0 : i32
      %dma_wait3A_819 = tpu.memref_slice %arg4[%add3A, %dma_wait3A_817, %dma_wait3A_818] : memref<32x128x80xi32, #tpu.memory_space<hbm>> -> memref<1x8x80xi32, #tpu.memory_space<hbm>>
      %dma_wait3A_820 = tpu.memref_squeeze %dma_wait3A_819 : memref<1x8x80xi32, #tpu.memory_space<hbm>> -> memref<8x80xi32, #tpu.memory_space<hbm>>
      tpu.wait_dma2 semaphore(%run_scoped3A : memref<!tpu.dma_semaphore, #tpu.memory_space<semaphore_mem>>) src(%dma_wait3A_820 : memref<8x80xi32, #tpu.memory_space<hbm>>) dst(%dma_wait3A_816 : memref<8x80xi32, #tpu.memory_space<vmem>>)
      tpu.yield
    }) : () -> ()
    %dma_start3A = arith.constant 0 : i32
    %dma_start3A_1 = arith.constant 0 : i32
    %dma_start3A_2 = tpu.memref_slice %arg6[%dma_start3A, %dma_start3A_1] : memref<16x80xi32, #tpu.memory_space<vmem>> -> memref<1x80xi32, #tpu.memory_space<vmem>>
    %dma_start3A_3 = tpu.memref_squeeze %dma_start3A_2 : memref<1x80xi32, #tpu.memory_space<vmem>> -> memref<80xi32, #tpu.memory_space<vmem>>
    %dma_start3A_4 = arith.constant 0 : i32
    %dma_start3A_5 = arith.constant 0 : i32
    %dma_start3A_6 = tpu.memref_slice %arg2[%dma_start3A_4, %dma_start3A_5] : memref<10240x128xf32, #tpu.memory_space<hbm>> -> memref<10240x128xf32, #tpu.memory_space<hbm>>
    tpu.enqueue_indirect_dma source(%dma_start3A_6 : memref<10240x128xf32, #tpu.memory_space<hbm>>) target(%arg8 : memref<80x128xf32, #tpu.memory_space<vmem>>) offsets(%dma_start3A_3 : memref<80xi32, #tpu.memory_space<vmem>>) semaphore(%arg14 : memref<!tpu.dma_semaphore, #tpu.memory_space<semaphore_mem>>)
    %dma_start3A_7 = arith.constant 1 : i32
    %dma_start3A_8 = arith.constant 0 : i32
    %dma_start3A_9 = tpu.memref_slice %arg6[%dma_start3A_7, %dma_start3A_8] : memref<16x80xi32, #tpu.memory_space<vmem>> -> memref<1x80xi32, #tpu.memory_space<vmem>>
    %dma_start3A_10 = tpu.memref_squeeze %dma_start3A_9 : memref<1x80xi32, #tpu.memory_space<vmem>> -> memref<80xi32, #tpu.memory_space<vmem>>
    %dma_start3A_11 = arith.constant 0 : i32
    %dma_start3A_12 = arith.constant 0 : i32
    %dma_start3A_13 = tpu.memref_slice %arg2[%dma_start3A_11, %dma_start3A_12] : memref<10240x128xf32, #tpu.memory_space<hbm>> -> memref<10240x128xf32, #tpu.memory_space<hbm>>
    tpu.enqueue_indirect_dma source(%dma_start3A_13 : memref<10240x128xf32, #tpu.memory_space<hbm>>) target(%arg9 : memref<80x128xf32, #tpu.memory_space<vmem>>) offsets(%dma_start3A_10 : memref<80xi32, #tpu.memory_space<vmem>>) semaphore(%arg15 : memref<!tpu.dma_semaphore, #tpu.memory_space<semaphore_mem>>)
    %broadcast_in_dim3A = arith.constant 0.000000e+00 : f32
    %broadcast_in_dim3A_14 = vector.broadcast %broadcast_in_dim3A : f32 to vector<16xf32>
    %scan3A = arith.constant 0 : i32
    %scan3A_15 = arith.constant 0 : i32
    %scan3A_16 = arith.constant 128 : i32
    %scan3A_17 = arith.addi %scan3A_15, %scan3A_16 : i32
    %scan3A_18 = arith.constant 1 : i32
    scf.for %scan3A_793 = %scan3A_15 to %scan3A_17 step %scan3A_18  : i32 {
      %jit3A = arith.constant 8 : i32
      %div3A = arith.divsi %scan3A_793, %jit3A : i32
      %sign3A = arith.constant 0 : i32
      %sign3A_794 = arith.cmpi sgt, %scan3A_793, %sign3A : i32
      %sign3A_795 = arith.extui %sign3A_794 : i1 to i32
      %sign3A_796 = arith.constant 0 : i32
      %sign3A_797 = arith.cmpi slt, %scan3A_793, %sign3A_796 : i32
      %sign3A_798 = arith.extui %sign3A_797 : i1 to i32
      %sign3A_799 = arith.subi %sign3A_795, %sign3A_798 : i32
      %sign3A_800 = arith.constant 0 : i32
      %sign3A_801 = arith.cmpi sgt, %jit3A, %sign3A_800 : i32
      %sign3A_802 = arith.extui %sign3A_801 : i1 to i32
      %sign3A_803 = arith.constant 0 : i32
      %sign3A_804 = arith.cmpi slt, %jit3A, %sign3A_803 : i32
      %sign3A_805 = arith.extui %sign3A_804 : i1 to i32
      %sign3A_806 = arith.subi %sign3A_802, %sign3A_805 : i32
      %ne3A = arith.cmpi ne, %sign3A_799, %sign3A_806 : i32
      %rem3A_807 = arith.remsi %scan3A_793, %jit3A : i32
      %ne3A_808 = arith.constant 0 : i32
      %ne3A_809 = arith.cmpi ne, %rem3A_807, %ne3A_808 : i32
      %and3A = arith.andi %ne3A, %ne3A_809 : i1
      %sub3A = arith.constant 1 : i32
      %sub3A_810 = arith.subi %div3A, %sub3A : i32
      %select_n3A = arith.select %and3A, %sub3A_810, %div3A : i32
      %jit3A_811 = arith.constant 8 : i32
      %eq3A = arith.constant 0 : i32
      %eq3A_812 = arith.cmpi eq, %jit3A_811, %eq3A : i32
      %jit3A_813 = arith.constant 1 : i32
      %select_n3A_814 = arith.select %eq3A_812, %jit3A_813, %jit3A_811 : i32
      %rem3A_815 = arith.remsi %scan3A_793, %select_n3A_814 : i32
      %ne3A_816 = arith.constant 0 : i32
      %ne3A_817 = arith.cmpi ne, %rem3A_815, %ne3A_816 : i32
      %lt3A = arith.constant 0 : i32
      %lt3A_818 = arith.cmpi slt, %rem3A_815, %lt3A : i32
      %lt3A_819 = arith.constant 0 : i32
      %lt3A_820 = arith.cmpi slt, %select_n3A_814, %lt3A_819 : i32
      %ne3A_821 = arith.xori %lt3A_818, %lt3A_820 : i1
      %and3A_822 = arith.andi %ne3A_821, %ne3A_817 : i1
      %add3A_823 = arith.addi %rem3A_815, %select_n3A_814 : i32
      %select_n3A_824 = arith.select %and3A_822, %add3A_823, %rem3A_815 : i32
      %mul3A_825 = arith.constant 16 : i32
      %mul3A_826 = arith.muli %select_n3A_824, %mul3A_825 : i32
      %swap3A = arith.index_cast %select_n3A : i32 to index
      %swap3A_827 = arith.index_cast %mul3A_826 : i32 to index
      %swap3A_828 = tpu.vector_load %arg12[%swap3A, %swap3A_827] {strides = array<i32>} : memref<16x128xf32, #tpu.memory_space<vmem>>, vector<1x16xf32>,
      %swap3A_829 = vector.shape_cast %swap3A_828 : vector<1x16xf32> to vector<16xf32>
      %swap3A_830 = vector.shape_cast %broadcast_in_dim3A_14 : vector<16xf32> to vector<1x16xf32>
      tpu.vector_store %arg12[%swap3A, %swap3A_827], %swap3A_830 {strides = array<i32>} : memref<16x128xf32, #tpu.memory_space<vmem>>, vector<1x16xf32>,
    }
    %scan3A_19 = arith.constant 128 : i32
    %mul3A_20 = arith.constant 640 : i32
    %mul3A_21 = arith.muli %arg1, %mul3A_20 : i32
    %add3A_22 = arith.constant 0 : i32
    %add3A_23 = arith.addi %mul3A_21, %add3A_22 : i32
    %dma_start3A_24 = arith.constant 0 : i32
    %dma_start3A_25 = tpu.memref_slice %arg13[%add3A_23, %dma_start3A_24] : memref<10240x128xf32, #tpu.memory_space<vmem_shared>> -> memref<16x128xf32, #tpu.memory_space<vmem_shared>>
    %dma_start3A_26 = arith.constant 0 : i32
    %dma_start3A_27 = tpu.memref_slice %arg13[%add3A_23, %dma_start3A_26] : memref<10240x128xf32, #tpu.memory_space<vmem_shared>> -> memref<16x128xf32, #tpu.memory_space<vmem_shared>>
    tpu.enqueue_dma source(%arg12 : memref<16x128xf32, #tpu.memory_space<vmem>>) target(%dma_start3A_27 : memref<16x128xf32, #tpu.memory_space<vmem_shared>>) target_semaphore(%arg24 : memref<!tpu.dma_semaphore, #tpu.memory_space<semaphore_mem>>)
    %mul3A_28 = arith.constant 640 : i32
    %mul3A_29 = arith.muli %arg1, %mul3A_28 : i32
    %add3A_30 = arith.constant 16 : i32
    %add3A_31 = arith.addi %mul3A_29, %add3A_30 : i32
    %dma_start3A_32 = arith.constant 0 : i32
    %dma_start3A_33 = tpu.memref_slice %arg13[%add3A_31, %dma_start3A_32] : memref<10240x128xf32, #tpu.memory_space<vmem_shared>> -> memref<16x128xf32, #tpu.memory_space<vmem_shared>>
    %dma_start3A_34 = arith.constant 0 : i32
    %dma_start3A_35 = tpu.memref_slice %arg13[%add3A_31, %dma_start3A_34] : memref<10240x128xf32, #tpu.memory_space<vmem_shared>> -> memref<16x128xf32, #tpu.memory_space<vmem_shared>>
    tpu.enqueue_dma source(%arg12 : memref<16x128xf32, #tpu.memory_space<vmem>>) target(%dma_start3A_35 : memref<16x128xf32, #tpu.memory_space<vmem_shared>>) target_semaphore(%arg24 : memref<!tpu.dma_semaphore, #tpu.memory_space<semaphore_mem>>)
    %mul3A_36 = arith.constant 640 : i32
    %mul3A_37 = arith.muli %arg1, %mul3A_36 : i32
    %add3A_38 = arith.constant 32 : i32
    %add3A_39 = arith.addi %mul3A_37, %add3A_38 : i32
    %dma_start3A_40 = arith.constant 0 : i32
    %dma_start3A_41 = tpu.memref_slice %arg13[%add3A_39, %dma_start3A_40] : memref<10240x128xf32, #tpu.memory_space<vmem_shared>> -> memref<16x128xf32, #tpu.memory_space<vmem_shared>>
    %dma_start3A_42 = arith.constant 0 : i32
    %dma_start3A_43 = tpu.memref_slice %arg13[%add3A_39, %dma_start3A_42] : memref<10240x128xf32, #tpu.memory_space<vmem_shared>> -> memref<16x128xf32, #tpu.memory_space<vmem_shared>>
    tpu.enqueue_dma source(%arg12 : memref<16x128xf32, #tpu.memory_space<vmem>>) target(%dma_start3A_43 : memref<16x128xf32, #tpu.memory_space<vmem_shared>>) target_semaphore(%arg24 : memref<!tpu.dma_semaphore, #tpu.memory_space<semaphore_mem>>)
    %mul3A_44 = arith.constant 640 : i32
    %mul3A_45 = arith.muli %arg1, %mul3A_44 : i32
    %add3A_46 = arith.constant 48 : i32
    %add3A_47 = arith.addi %mul3A_45, %add3A_46 : i32
    %dma_start3A_48 = arith.constant 0 : i32
    %dma_start3A_49 = tpu.memref_slice %arg13[%add3A_47, %dma_start3A_48] : memref<10240x128xf32, #tpu.memory_space<vmem_shared>> -> memref<16x128xf32, #tpu.memory_space<vmem_shared>>
    %dma_start3A_50 = arith.constant 0 : i32
    %dma_start3A_51 = tpu.memref_slice %arg13[%add3A_47, %dma_start3A_50] : memref<10240x128xf32, #tpu.memory_space<vmem_shared>> -> memref<16x128xf32, #tpu.memory_space<vmem_shared>>
    tpu.enqueue_dma source(%arg12 : memref<16x128xf32, #tpu.memory_space<vmem>>) target(%dma_start3A_51 : memref<16x128xf32, #tpu.memory_space<vmem_shared>>) target_semaphore(%arg24 : memref<!tpu.dma_semaphore, #tpu.memory_space<semaphore_mem>>)
    %mul3A_52 = arith.constant 640 : i32
    %mul3A_53 = arith.muli %arg1, %mul3A_52 : i32
    %add3A_54 = arith.constant 64 : i32
    %add3A_55 = arith.addi %mul3A_53, %add3A_54 : i32
    %dma_start3A_56 = arith.constant 0 : i32
    %dma_start3A_57 = tpu.memref_slice %arg13[%add3A_55, %dma_start3A_56] : memref<10240x128xf32, #tpu.memory_space<vmem_shared>> -> memref<16x128xf32, #tpu.memory_space<vmem_shared>>
    %dma_start3A_58 = arith.constant 0 : i32
    %dma_start3A_59 = tpu.memref_slice %arg13[%add3A_55, %dma_start3A_58] : memref<10240x128xf32, #tpu.memory_space<vmem_shared>> -> memref<16x128xf32, #tpu.memory_space<vmem_shared>>
    tpu.enqueue_dma source(%arg12 : memref<16x128xf32, #tpu.memory_space<vmem>>) target(%dma_start3A_59 : memref<16x128xf32, #tpu.memory_space<vmem_shared>>) target_semaphore(%arg24 : memref<!tpu.dma_semaphore, #tpu.memory_space<semaphore_mem>>)
    %mul3A_60 = arith.constant 640 : i32
    %mul3A_61 = arith.muli %arg1, %mul3A_60 : i32
    %add3A_62 = arith.constant 80 : i32
    %add3A_63 = arith.addi %mul3A_61, %add3A_62 : i32
    %dma_start3A_64 = arith.constant 0 : i32
    %dma_start3A_65 = tpu.memref_slice %arg13[%add3A_63, %dma_start3A_64] : memref<10240x128xf32, #tpu.memory_space<vmem_shared>> -> memref<16x128xf32, #tpu.memory_space<vmem_shared>>
    %dma_start3A_66 = arith.constant 0 : i32
    %dma_start3A_67 = tpu.memref_slice %arg13[%add3A_63, %dma_start3A_66] : memref<10240x128xf32, #tpu.memory_space<vmem_shared>> -> memref<16x128xf32, #tpu.memory_space<vmem_shared>>
    tpu.enqueue_dma source(%arg12 : memref<16x128xf32, #tpu.memory_space<vmem>>) target(%dma_start3A_67 : memref<16x128xf32, #tpu.memory_space<vmem_shared>>) target_semaphore(%arg24 : memref<!tpu.dma_semaphore, #tpu.memory_space<semaphore_mem>>)
    %mul3A_68 = arith.constant 640 : i32
    %mul3A_69 = arith.muli %arg1, %mul3A_68 : i32
    %add3A_70 = arith.constant 96 : i32
    %add3A_71 = arith.addi %mul3A_69, %add3A_70 : i32
    %dma_start3A_72 = arith.constant 0 : i32
    %dma_start3A_73 = tpu.memref_slice %arg13[%add3A_71, %dma_start3A_72] : memref<10240x128xf32, #tpu.memory_space<vmem_shared>> -> memref<16x128xf32, #tpu.memory_space<vmem_shared>>
    %dma_start3A_74 = arith.constant 0 : i32
    %dma_start3A_75 = tpu.memref_slice %arg13[%add3A_71, %dma_start3A_74] : memref<10240x128xf32, #tpu.memory_space<vmem_shared>> -> memref<16x128xf32, #tpu.memory_space<vmem_shared>>
    tpu.enqueue_dma source(%arg12 : memref<16x128xf32, #tpu.memory_space<vmem>>) target(%dma_start3A_75 : memref<16x128xf32, #tpu.memory_space<vmem_shared>>) target_semaphore(%arg24 : memref<!tpu.dma_semaphore, #tpu.memory_space<semaphore_mem>>)
    %mul3A_76 = arith.constant 640 : i32
    %mul3A_77 = arith.muli %arg1, %mul3A_76 : i32
    %add3A_78 = arith.constant 112 : i32
    %add3A_79 = arith.addi %mul3A_77, %add3A_78 : i32
    %dma_start3A_80 = arith.constant 0 : i32
    %dma_start3A_81 = tpu.memref_slice %arg13[%add3A_79, %dma_start3A_80] : memref<10240x128xf32, #tpu.memory_space<vmem_shared>> -> memref<16x128xf32, #tpu.memory_space<vmem_shared>>
    %dma_start3A_82 = arith.constant 0 : i32
    %dma_start3A_83 = tpu.memref_slice %arg13[%add3A_79, %dma_start3A_82] : memref<10240x128xf32, #tpu.memory_space<vmem_shared>> -> memref<16x128xf32, #tpu.memory_space<vmem_shared>>
    tpu.enqueue_dma source(%arg12 : memref<16x128xf32, #tpu.memory_space<vmem>>) target(%dma_start3A_83 : memref<16x128xf32, #tpu.memory_space<vmem_shared>>) target_semaphore(%arg24 : memref<!tpu.dma_semaphore, #tpu.memory_space<semaphore_mem>>)
    %mul3A_84 = arith.constant 640 : i32
    %mul3A_85 = arith.muli %arg1, %mul3A_84 : i32
    %add3A_86 = arith.constant 128 : i32
    %add3A_87 = arith.addi %mul3A_85, %add3A_86 : i32
    %dma_start3A_88 = arith.constant 0 : i32
    %dma_start3A_89 = tpu.memref_slice %arg13[%add3A_87, %dma_start3A_88] : memref<10240x128xf32, #tpu.memory_space<vmem_shared>> -> memref<16x128xf32, #tpu.memory_space<vmem_shared>>
    %dma_start3A_90 = arith.constant 0 : i32
    %dma_start3A_91 = tpu.memref_slice %arg13[%add3A_87, %dma_start3A_90] : memref<10240x128xf32, #tpu.memory_space<vmem_shared>> -> memref<16x128xf32, #tpu.memory_space<vmem_shared>>
    tpu.enqueue_dma source(%arg12 : memref<16x128xf32, #tpu.memory_space<vmem>>) target(%dma_start3A_91 : memref<16x128xf32, #tpu.memory_space<vmem_shared>>) target_semaphore(%arg24 : memref<!tpu.dma_semaphore, #tpu.memory_space<semaphore_mem>>)
    %mul3A_92 = arith.constant 640 : i32
    %mul3A_93 = arith.muli %arg1, %mul3A_92 : i32
    %add3A_94 = arith.constant 144 : i32
    %add3A_95 = arith.addi %mul3A_93, %add3A_94 : i32
    %dma_start3A_96 = arith.constant 0 : i32
    %dma_start3A_97 = tpu.memref_slice %arg13[%add3A_95, %dma_start3A_96] : memref<10240x128xf32, #tpu.memory_space<vmem_shared>> -> memref<16x128xf32, #tpu.memory_space<vmem_shared>>
    %dma_start3A_98 = arith.constant 0 : i32
    %dma_start3A_99 = tpu.memref_slice %arg13[%add3A_95, %dma_start3A_98] : memref<10240x128xf32, #tpu.memory_space<vmem_shared>> -> memref<16x128xf32, #tpu.memory_space<vmem_shared>>
    tpu.enqueue_dma source(%arg12 : memref<16x128xf32, #tpu.memory_space<vmem>>) target(%dma_start3A_99 : memref<16x128xf32, #tpu.memory_space<vmem_shared>>) target_semaphore(%arg24 : memref<!tpu.dma_semaphore, #tpu.memory_space<semaphore_mem>>)
    %mul3A_100 = arith.constant 640 : i32
    %mul3A_101 = arith.muli %arg1, %mul3A_100 : i32
    %add3A_102 = arith.constant 160 : i32
    %add3A_103 = arith.addi %mul3A_101, %add3A_102 : i32
    %dma_start3A_104 = arith.constant 0 : i32
    %dma_start3A_105 = tpu.memref_slice %arg13[%add3A_103, %dma_start3A_104] : memref<10240x128xf32, #tpu.memory_space<vmem_shared>> -> memref<16x128xf32, #tpu.memory_space<vmem_shared>>
    %dma_start3A_106 = arith.constant 0 : i32
    %dma_start3A_107 = tpu.memref_slice %arg13[%add3A_103, %dma_start3A_106] : memref<10240x128xf32, #tpu.memory_space<vmem_shared>> -> memref<16x128xf32, #tpu.memory_space<vmem_shared>>
    tpu.enqueue_dma source(%arg12 : memref<16x128xf32, #tpu.memory_space<vmem>>) target(%dma_start3A_107 : memref<16x128xf32, #tpu.memory_space<vmem_shared>>) target_semaphore(%arg24 : memref<!tpu.dma_semaphore, #tpu.memory_space<semaphore_mem>>)
    %mul3A_108 = arith.constant 640 : i32
    %mul3A_109 = arith.muli %arg1, %mul3A_108 : i32
    %add3A_110 = arith.constant 176 : i32
    %add3A_111 = arith.addi %mul3A_109, %add3A_110 : i32
    %dma_start3A_112 = arith.constant 0 : i32
    %dma_start3A_113 = tpu.memref_slice %arg13[%add3A_111, %dma_start3A_112] : memref<10240x128xf32, #tpu.memory_space<vmem_shared>> -> memref<16x128xf32, #tpu.memory_space<vmem_shared>>
    %dma_start3A_114 = arith.constant 0 : i32
    %dma_start3A_115 = tpu.memref_slice %arg13[%add3A_111, %dma_start3A_114] : memref<10240x128xf32, #tpu.memory_space<vmem_shared>> -> memref<16x128xf32, #tpu.memory_space<vmem_shared>>
    tpu.enqueue_dma source(%arg12 : memref<16x128xf32, #tpu.memory_space<vmem>>) target(%dma_start3A_115 : memref<16x128xf32, #tpu.memory_space<vmem_shared>>) target_semaphore(%arg24 : memref<!tpu.dma_semaphore, #tpu.memory_space<semaphore_mem>>)
    %mul3A_116 = arith.constant 640 : i32
    %mul3A_117 = arith.muli %arg1, %mul3A_116 : i32
    %add3A_118 = arith.constant 192 : i32
    %add3A_119 = arith.addi %mul3A_117, %add3A_118 : i32
    %dma_start3A_120 = arith.constant 0 : i32
    %dma_start3A_121 = tpu.memref_slice %arg13[%add3A_119, %dma_start3A_120] : memref<10240x128xf32, #tpu.memory_space<vmem_shared>> -> memref<16x128xf32, #tpu.memory_space<vmem_shared>>
    %dma_start3A_122 = arith.constant 0 : i32
    %dma_start3A_123 = tpu.memref_slice %arg13[%add3A_119, %dma_start3A_122] : memref<10240x128xf32, #tpu.memory_space<vmem_shared>> -> memref<16x128xf32, #tpu.memory_space<vmem_shared>>
    tpu.enqueue_dma source(%arg12 : memref<16x128xf32, #tpu.memory_space<vmem>>) target(%dma_start3A_123 : memref<16x128xf32, #tpu.memory_space<vmem_shared>>) target_semaphore(%arg24 : memref<!tpu.dma_semaphore, #tpu.memory_space<semaphore_mem>>)
    %mul3A_124 = arith.constant 640 : i32
    %mul3A_125 = arith.muli %arg1, %mul3A_124 : i32
    %add3A_126 = arith.constant 208 : i32
    %add3A_127 = arith.addi %mul3A_125, %add3A_126 : i32
    %dma_start3A_128 = arith.constant 0 : i32
    %dma_start3A_129 = tpu.memref_slice %arg13[%add3A_127, %dma_start3A_128] : memref<10240x128xf32, #tpu.memory_space<vmem_shared>> -> memref<16x128xf32, #tpu.memory_space<vmem_shared>>
    %dma_start3A_130 = arith.constant 0 : i32
    %dma_start3A_131 = tpu.memref_slice %arg13[%add3A_127, %dma_start3A_130] : memref<10240x128xf32, #tpu.memory_space<vmem_shared>> -> memref<16x128xf32, #tpu.memory_space<vmem_shared>>
    tpu.enqueue_dma source(%arg12 : memref<16x128xf32, #tpu.memory_space<vmem>>) target(%dma_start3A_131 : memref<16x128xf32, #tpu.memory_space<vmem_shared>>) target_semaphore(%arg24 : memref<!tpu.dma_semaphore, #tpu.memory_space<semaphore_mem>>)
    %mul3A_132 = arith.constant 640 : i32
    %mul3A_133 = arith.muli %arg1, %mul3A_132 : i32
    %add3A_134 = arith.constant 224 : i32
    %add3A_135 = arith.addi %mul3A_133, %add3A_134 : i32
    %dma_start3A_136 = arith.constant 0 : i32
    %dma_start3A_137 = tpu.memref_slice %arg13[%add3A_135, %dma_start3A_136] : memref<10240x128xf32, #tpu.memory_space<vmem_shared>> -> memref<16x128xf32, #tpu.memory_space<vmem_shared>>
    %dma_start3A_138 = arith.constant 0 : i32
    %dma_start3A_139 = tpu.memref_slice %arg13[%add3A_135, %dma_start3A_138] : memref<10240x128xf32, #tpu.memory_space<vmem_shared>> -> memref<16x128xf32, #tpu.memory_space<vmem_shared>>
    tpu.enqueue_dma source(%arg12 : memref<16x128xf32, #tpu.memory_space<vmem>>) target(%dma_start3A_139 : memref<16x128xf32, #tpu.memory_space<vmem_shared>>) target_semaphore(%arg24 : memref<!tpu.dma_semaphore, #tpu.memory_space<semaphore_mem>>)
    %mul3A_140 = arith.constant 640 : i32
    %mul3A_141 = arith.muli %arg1, %mul3A_140 : i32
    %add3A_142 = arith.constant 240 : i32
    %add3A_143 = arith.addi %mul3A_141, %add3A_142 : i32
    %dma_start3A_144 = arith.constant 0 : i32
    %dma_start3A_145 = tpu.memref_slice %arg13[%add3A_143, %dma_start3A_144] : memref<10240x128xf32, #tpu.memory_space<vmem_shared>> -> memref<16x128xf32, #tpu.memory_space<vmem_shared>>
    %dma_start3A_146 = arith.constant 0 : i32
    %dma_start3A_147 = tpu.memref_slice %arg13[%add3A_143, %dma_start3A_146] : memref<10240x128xf32, #tpu.memory_space<vmem_shared>> -> memref<16x128xf32, #tpu.memory_space<vmem_shared>>
    tpu.enqueue_dma source(%arg12 : memref<16x128xf32, #tpu.memory_space<vmem>>) target(%dma_start3A_147 : memref<16x128xf32, #tpu.memory_space<vmem_shared>>) target_semaphore(%arg24 : memref<!tpu.dma_semaphore, #tpu.memory_space<semaphore_mem>>)
    %mul3A_148 = arith.constant 640 : i32
    %mul3A_149 = arith.muli %arg1, %mul3A_148 : i32
    %add3A_150 = arith.constant 256 : i32
    %add3A_151 = arith.addi %mul3A_149, %add3A_150 : i32
    %dma_start3A_152 = arith.constant 0 : i32
    %dma_start3A_153 = tpu.memref_slice %arg13[%add3A_151, %dma_start3A_152] : memref<10240x128xf32, #tpu.memory_space<vmem_shared>> -> memref<16x128xf32, #tpu.memory_space<vmem_shared>>
    %dma_start3A_154 = arith.constant 0 : i32
    %dma_start3A_155 = tpu.memref_slice %arg13[%add3A_151, %dma_start3A_154] : memref<10240x128xf32, #tpu.memory_space<vmem_shared>> -> memref<16x128xf32, #tpu.memory_space<vmem_shared>>
    tpu.enqueue_dma source(%arg12 : memref<16x128xf32, #tpu.memory_space<vmem>>) target(%dma_start3A_155 : memref<16x128xf32, #tpu.memory_space<vmem_shared>>) target_semaphore(%arg24 : memref<!tpu.dma_semaphore, #tpu.memory_space<semaphore_mem>>)
    %mul3A_156 = arith.constant 640 : i32
    %mul3A_157 = arith.muli %arg1, %mul3A_156 : i32
    %add3A_158 = arith.constant 272 : i32
    %add3A_159 = arith.addi %mul3A_157, %add3A_158 : i32
    %dma_start3A_160 = arith.constant 0 : i32
    %dma_start3A_161 = tpu.memref_slice %arg13[%add3A_159, %dma_start3A_160] : memref<10240x128xf32, #tpu.memory_space<vmem_shared>> -> memref<16x128xf32, #tpu.memory_space<vmem_shared>>
    %dma_start3A_162 = arith.constant 0 : i32
    %dma_start3A_163 = tpu.memref_slice %arg13[%add3A_159, %dma_start3A_162] : memref<10240x128xf32, #tpu.memory_space<vmem_shared>> -> memref<16x128xf32, #tpu.memory_space<vmem_shared>>
    tpu.enqueue_dma source(%arg12 : memref<16x128xf32, #tpu.memory_space<vmem>>) target(%dma_start3A_163 : memref<16x128xf32, #tpu.memory_space<vmem_shared>>) target_semaphore(%arg24 : memref<!tpu.dma_semaphore, #tpu.memory_space<semaphore_mem>>)
    %mul3A_164 = arith.constant 640 : i32
    %mul3A_165 = arith.muli %arg1, %mul3A_164 : i32
    %add3A_166 = arith.constant 288 : i32
    %add3A_167 = arith.addi %mul3A_165, %add3A_166 : i32
    %dma_start3A_168 = arith.constant 0 : i32
    %dma_start3A_169 = tpu.memref_slice %arg13[%add3A_167, %dma_start3A_168] : memref<10240x128xf32, #tpu.memory_space<vmem_shared>> -> memref<16x128xf32, #tpu.memory_space<vmem_shared>>
    %dma_start3A_170 = arith.constant 0 : i32
    %dma_start3A_171 = tpu.memref_slice %arg13[%add3A_167, %dma_start3A_170] : memref<10240x128xf32, #tpu.memory_space<vmem_shared>> -> memref<16x128xf32, #tpu.memory_space<vmem_shared>>
    tpu.enqueue_dma source(%arg12 : memref<16x128xf32, #tpu.memory_space<vmem>>) target(%dma_start3A_171 : memref<16x128xf32, #tpu.memory_space<vmem_shared>>) target_semaphore(%arg24 : memref<!tpu.dma_semaphore, #tpu.memory_space<semaphore_mem>>)
    %mul3A_172 = arith.constant 640 : i32
    %mul3A_173 = arith.muli %arg1, %mul3A_172 : i32
    %add3A_174 = arith.constant 304 : i32
    %add3A_175 = arith.addi %mul3A_173, %add3A_174 : i32
    %dma_start3A_176 = arith.constant 0 : i32
    %dma_start3A_177 = tpu.memref_slice %arg13[%add3A_175, %dma_start3A_176] : memref<10240x128xf32, #tpu.memory_space<vmem_shared>> -> memref<16x128xf32, #tpu.memory_space<vmem_shared>>
    %dma_start3A_178 = arith.constant 0 : i32
    %dma_start3A_179 = tpu.memref_slice %arg13[%add3A_175, %dma_start3A_178] : memref<10240x128xf32, #tpu.memory_space<vmem_shared>> -> memref<16x128xf32, #tpu.memory_space<vmem_shared>>
    tpu.enqueue_dma source(%arg12 : memref<16x128xf32, #tpu.memory_space<vmem>>) target(%dma_start3A_179 : memref<16x128xf32, #tpu.memory_space<vmem_shared>>) target_semaphore(%arg24 : memref<!tpu.dma_semaphore, #tpu.memory_space<semaphore_mem>>)
    %mul3A_180 = arith.constant 640 : i32
    %mul3A_181 = arith.muli %arg1, %mul3A_180 : i32
    %add3A_182 = arith.constant 320 : i32
    %add3A_183 = arith.addi %mul3A_181, %add3A_182 : i32
    %dma_start3A_184 = arith.constant 0 : i32
    %dma_start3A_185 = tpu.memref_slice %arg13[%add3A_183, %dma_start3A_184] : memref<10240x128xf32, #tpu.memory_space<vmem_shared>> -> memref<16x128xf32, #tpu.memory_space<vmem_shared>>
    %dma_start3A_186 = arith.constant 0 : i32
    %dma_start3A_187 = tpu.memref_slice %arg13[%add3A_183, %dma_start3A_186] : memref<10240x128xf32, #tpu.memory_space<vmem_shared>> -> memref<16x128xf32, #tpu.memory_space<vmem_shared>>
    tpu.enqueue_dma source(%arg12 : memref<16x128xf32, #tpu.memory_space<vmem>>) target(%dma_start3A_187 : memref<16x128xf32, #tpu.memory_space<vmem_shared>>) target_semaphore(%arg24 : memref<!tpu.dma_semaphore, #tpu.memory_space<semaphore_mem>>)
    %mul3A_188 = arith.constant 640 : i32
    %mul3A_189 = arith.muli %arg1, %mul3A_188 : i32
    %add3A_190 = arith.constant 336 : i32
    %add3A_191 = arith.addi %mul3A_189, %add3A_190 : i32
    %dma_start3A_192 = arith.constant 0 : i32
    %dma_start3A_193 = tpu.memref_slice %arg13[%add3A_191, %dma_start3A_192] : memref<10240x128xf32, #tpu.memory_space<vmem_shared>> -> memref<16x128xf32, #tpu.memory_space<vmem_shared>>
    %dma_start3A_194 = arith.constant 0 : i32
    %dma_start3A_195 = tpu.memref_slice %arg13[%add3A_191, %dma_start3A_194] : memref<10240x128xf32, #tpu.memory_space<vmem_shared>> -> memref<16x128xf32, #tpu.memory_space<vmem_shared>>
    tpu.enqueue_dma source(%arg12 : memref<16x128xf32, #tpu.memory_space<vmem>>) target(%dma_start3A_195 : memref<16x128xf32, #tpu.memory_space<vmem_shared>>) target_semaphore(%arg24 : memref<!tpu.dma_semaphore, #tpu.memory_space<semaphore_mem>>)
    %mul3A_196 = arith.constant 640 : i32
    %mul3A_197 = arith.muli %arg1, %mul3A_196 : i32
    %add3A_198 = arith.constant 352 : i32
    %add3A_199 = arith.addi %mul3A_197, %add3A_198 : i32
    %dma_start3A_200 = arith.constant 0 : i32
    %dma_start3A_201 = tpu.memref_slice %arg13[%add3A_199, %dma_start3A_200] : memref<10240x128xf32, #tpu.memory_space<vmem_shared>> -> memref<16x128xf32, #tpu.memory_space<vmem_shared>>
    %dma_start3A_202 = arith.constant 0 : i32
    %dma_start3A_203 = tpu.memref_slice %arg13[%add3A_199, %dma_start3A_202] : memref<10240x128xf32, #tpu.memory_space<vmem_shared>> -> memref<16x128xf32, #tpu.memory_space<vmem_shared>>
    tpu.enqueue_dma source(%arg12 : memref<16x128xf32, #tpu.memory_space<vmem>>) target(%dma_start3A_203 : memref<16x128xf32, #tpu.memory_space<vmem_shared>>) target_semaphore(%arg24 : memref<!tpu.dma_semaphore, #tpu.memory_space<semaphore_mem>>)
    %mul3A_204 = arith.constant 640 : i32
    %mul3A_205 = arith.muli %arg1, %mul3A_204 : i32
    %add3A_206 = arith.constant 368 : i32
    %add3A_207 = arith.addi %mul3A_205, %add3A_206 : i32
    %dma_start3A_208 = arith.constant 0 : i32
    %dma_start3A_209 = tpu.memref_slice %arg13[%add3A_207, %dma_start3A_208] : memref<10240x128xf32, #tpu.memory_space<vmem_shared>> -> memref<16x128xf32, #tpu.memory_space<vmem_shared>>
    %dma_start3A_210 = arith.constant 0 : i32
    %dma_start3A_211 = tpu.memref_slice %arg13[%add3A_207, %dma_start3A_210] : memref<10240x128xf32, #tpu.memory_space<vmem_shared>> -> memref<16x128xf32, #tpu.memory_space<vmem_shared>>
    tpu.enqueue_dma source(%arg12 : memref<16x128xf32, #tpu.memory_space<vmem>>) target(%dma_start3A_211 : memref<16x128xf32, #tpu.memory_space<vmem_shared>>) target_semaphore(%arg24 : memref<!tpu.dma_semaphore, #tpu.memory_space<semaphore_mem>>)
    %mul3A_212 = arith.constant 640 : i32
    %mul3A_213 = arith.muli %arg1, %mul3A_212 : i32
    %add3A_214 = arith.constant 384 : i32
    %add3A_215 = arith.addi %mul3A_213, %add3A_214 : i32
    %dma_start3A_216 = arith.constant 0 : i32
    %dma_start3A_217 = tpu.memref_slice %arg13[%add3A_215, %dma_start3A_216] : memref<10240x128xf32, #tpu.memory_space<vmem_shared>> -> memref<16x128xf32, #tpu.memory_space<vmem_shared>>
    %dma_start3A_218 = arith.constant 0 : i32
    %dma_start3A_219 = tpu.memref_slice %arg13[%add3A_215, %dma_start3A_218] : memref<10240x128xf32, #tpu.memory_space<vmem_shared>> -> memref<16x128xf32, #tpu.memory_space<vmem_shared>>
    tpu.enqueue_dma source(%arg12 : memref<16x128xf32, #tpu.memory_space<vmem>>) target(%dma_start3A_219 : memref<16x128xf32, #tpu.memory_space<vmem_shared>>) target_semaphore(%arg24 : memref<!tpu.dma_semaphore, #tpu.memory_space<semaphore_mem>>)
    %mul3A_220 = arith.constant 640 : i32
    %mul3A_221 = arith.muli %arg1, %mul3A_220 : i32
    %add3A_222 = arith.constant 400 : i32
    %add3A_223 = arith.addi %mul3A_221, %add3A_222 : i32
    %dma_start3A_224 = arith.constant 0 : i32
    %dma_start3A_225 = tpu.memref_slice %arg13[%add3A_223, %dma_start3A_224] : memref<10240x128xf32, #tpu.memory_space<vmem_shared>> -> memref<16x128xf32, #tpu.memory_space<vmem_shared>>
    %dma_start3A_226 = arith.constant 0 : i32
    %dma_start3A_227 = tpu.memref_slice %arg13[%add3A_223, %dma_start3A_226] : memref<10240x128xf32, #tpu.memory_space<vmem_shared>> -> memref<16x128xf32, #tpu.memory_space<vmem_shared>>
    tpu.enqueue_dma source(%arg12 : memref<16x128xf32, #tpu.memory_space<vmem>>) target(%dma_start3A_227 : memref<16x128xf32, #tpu.memory_space<vmem_shared>>) target_semaphore(%arg24 : memref<!tpu.dma_semaphore, #tpu.memory_space<semaphore_mem>>)
    %mul3A_228 = arith.constant 640 : i32
    %mul3A_229 = arith.muli %arg1, %mul3A_228 : i32
    %add3A_230 = arith.constant 416 : i32
    %add3A_231 = arith.addi %mul3A_229, %add3A_230 : i32
    %dma_start3A_232 = arith.constant 0 : i32
    %dma_start3A_233 = tpu.memref_slice %arg13[%add3A_231, %dma_start3A_232] : memref<10240x128xf32, #tpu.memory_space<vmem_shared>> -> memref<16x128xf32, #tpu.memory_space<vmem_shared>>
    %dma_start3A_234 = arith.constant 0 : i32
    %dma_start3A_235 = tpu.memref_slice %arg13[%add3A_231, %dma_start3A_234] : memref<10240x128xf32, #tpu.memory_space<vmem_shared>> -> memref<16x128xf32, #tpu.memory_space<vmem_shared>>
    tpu.enqueue_dma source(%arg12 : memref<16x128xf32, #tpu.memory_space<vmem>>) target(%dma_start3A_235 : memref<16x128xf32, #tpu.memory_space<vmem_shared>>) target_semaphore(%arg24 : memref<!tpu.dma_semaphore, #tpu.memory_space<semaphore_mem>>)
    %mul3A_236 = arith.constant 640 : i32
    %mul3A_237 = arith.muli %arg1, %mul3A_236 : i32
    %add3A_238 = arith.constant 432 : i32
    %add3A_239 = arith.addi %mul3A_237, %add3A_238 : i32
    %dma_start3A_240 = arith.constant 0 : i32
    %dma_start3A_241 = tpu.memref_slice %arg13[%add3A_239, %dma_start3A_240] : memref<10240x128xf32, #tpu.memory_space<vmem_shared>> -> memref<16x128xf32, #tpu.memory_space<vmem_shared>>
    %dma_start3A_242 = arith.constant 0 : i32
    %dma_start3A_243 = tpu.memref_slice %arg13[%add3A_239, %dma_start3A_242] : memref<10240x128xf32, #tpu.memory_space<vmem_shared>> -> memref<16x128xf32, #tpu.memory_space<vmem_shared>>
    tpu.enqueue_dma source(%arg12 : memref<16x128xf32, #tpu.memory_space<vmem>>) target(%dma_start3A_243 : memref<16x128xf32, #tpu.memory_space<vmem_shared>>) target_semaphore(%arg24 : memref<!tpu.dma_semaphore, #tpu.memory_space<semaphore_mem>>)
    %mul3A_244 = arith.constant 640 : i32
    %mul3A_245 = arith.muli %arg1, %mul3A_244 : i32
    %add3A_246 = arith.constant 448 : i32
    %add3A_247 = arith.addi %mul3A_245, %add3A_246 : i32
    %dma_start3A_248 = arith.constant 0 : i32
    %dma_start3A_249 = tpu.memref_slice %arg13[%add3A_247, %dma_start3A_248] : memref<10240x128xf32, #tpu.memory_space<vmem_shared>> -> memref<16x128xf32, #tpu.memory_space<vmem_shared>>
    %dma_start3A_250 = arith.constant 0 : i32
    %dma_start3A_251 = tpu.memref_slice %arg13[%add3A_247, %dma_start3A_250] : memref<10240x128xf32, #tpu.memory_space<vmem_shared>> -> memref<16x128xf32, #tpu.memory_space<vmem_shared>>
    tpu.enqueue_dma source(%arg12 : memref<16x128xf32, #tpu.memory_space<vmem>>) target(%dma_start3A_251 : memref<16x128xf32, #tpu.memory_space<vmem_shared>>) target_semaphore(%arg24 : memref<!tpu.dma_semaphore, #tpu.memory_space<semaphore_mem>>)
    %mul3A_252 = arith.constant 640 : i32
    %mul3A_253 = arith.muli %arg1, %mul3A_252 : i32
    %add3A_254 = arith.constant 464 : i32
    %add3A_255 = arith.addi %mul3A_253, %add3A_254 : i32
    %dma_start3A_256 = arith.constant 0 : i32
    %dma_start3A_257 = tpu.memref_slice %arg13[%add3A_255, %dma_start3A_256] : memref<10240x128xf32, #tpu.memory_space<vmem_shared>> -> memref<16x128xf32, #tpu.memory_space<vmem_shared>>
    %dma_start3A_258 = arith.constant 0 : i32
    %dma_start3A_259 = tpu.memref_slice %arg13[%add3A_255, %dma_start3A_258] : memref<10240x128xf32, #tpu.memory_space<vmem_shared>> -> memref<16x128xf32, #tpu.memory_space<vmem_shared>>
    tpu.enqueue_dma source(%arg12 : memref<16x128xf32, #tpu.memory_space<vmem>>) target(%dma_start3A_259 : memref<16x128xf32, #tpu.memory_space<vmem_shared>>) target_semaphore(%arg24 : memref<!tpu.dma_semaphore, #tpu.memory_space<semaphore_mem>>)
    %mul3A_260 = arith.constant 640 : i32
    %mul3A_261 = arith.muli %arg1, %mul3A_260 : i32
    %add3A_262 = arith.constant 480 : i32
    %add3A_263 = arith.addi %mul3A_261, %add3A_262 : i32
    %dma_start3A_264 = arith.constant 0 : i32
    %dma_start3A_265 = tpu.memref_slice %arg13[%add3A_263, %dma_start3A_264] : memref<10240x128xf32, #tpu.memory_space<vmem_shared>> -> memref<16x128xf32, #tpu.memory_space<vmem_shared>>
    %dma_start3A_266 = arith.constant 0 : i32
    %dma_start3A_267 = tpu.memref_slice %arg13[%add3A_263, %dma_start3A_266] : memref<10240x128xf32, #tpu.memory_space<vmem_shared>> -> memref<16x128xf32, #tpu.memory_space<vmem_shared>>
    tpu.enqueue_dma source(%arg12 : memref<16x128xf32, #tpu.memory_space<vmem>>) target(%dma_start3A_267 : memref<16x128xf32, #tpu.memory_space<vmem_shared>>) target_semaphore(%arg24 : memref<!tpu.dma_semaphore, #tpu.memory_space<semaphore_mem>>)
    %mul3A_268 = arith.constant 640 : i32
    %mul3A_269 = arith.muli %arg1, %mul3A_268 : i32
    %add3A_270 = arith.constant 496 : i32
    %add3A_271 = arith.addi %mul3A_269, %add3A_270 : i32
    %dma_start3A_272 = arith.constant 0 : i32
    %dma_start3A_273 = tpu.memref_slice %arg13[%add3A_271, %dma_start3A_272] : memref<10240x128xf32, #tpu.memory_space<vmem_shared>> -> memref<16x128xf32, #tpu.memory_space<vmem_shared>>
    %dma_start3A_274 = arith.constant 0 : i32
    %dma_start3A_275 = tpu.memref_slice %arg13[%add3A_271, %dma_start3A_274] : memref<10240x128xf32, #tpu.memory_space<vmem_shared>> -> memref<16x128xf32, #tpu.memory_space<vmem_shared>>
    tpu.enqueue_dma source(%arg12 : memref<16x128xf32, #tpu.memory_space<vmem>>) target(%dma_start3A_275 : memref<16x128xf32, #tpu.memory_space<vmem_shared>>) target_semaphore(%arg24 : memref<!tpu.dma_semaphore, #tpu.memory_space<semaphore_mem>>)
    %mul3A_276 = arith.constant 640 : i32
    %mul3A_277 = arith.muli %arg1, %mul3A_276 : i32
    %add3A_278 = arith.constant 512 : i32
    %add3A_279 = arith.addi %mul3A_277, %add3A_278 : i32
    %dma_start3A_280 = arith.constant 0 : i32
    %dma_start3A_281 = tpu.memref_slice %arg13[%add3A_279, %dma_start3A_280] : memref<10240x128xf32, #tpu.memory_space<vmem_shared>> -> memref<16x128xf32, #tpu.memory_space<vmem_shared>>
    %dma_start3A_282 = arith.constant 0 : i32
    %dma_start3A_283 = tpu.memref_slice %arg13[%add3A_279, %dma_start3A_282] : memref<10240x128xf32, #tpu.memory_space<vmem_shared>> -> memref<16x128xf32, #tpu.memory_space<vmem_shared>>
    tpu.enqueue_dma source(%arg12 : memref<16x128xf32, #tpu.memory_space<vmem>>) target(%dma_start3A_283 : memref<16x128xf32, #tpu.memory_space<vmem_shared>>) target_semaphore(%arg24 : memref<!tpu.dma_semaphore, #tpu.memory_space<semaphore_mem>>)
    %mul3A_284 = arith.constant 640 : i32
    %mul3A_285 = arith.muli %arg1, %mul3A_284 : i32
    %add3A_286 = arith.constant 528 : i32
    %add3A_287 = arith.addi %mul3A_285, %add3A_286 : i32
    %dma_start3A_288 = arith.constant 0 : i32
    %dma_start3A_289 = tpu.memref_slice %arg13[%add3A_287, %dma_start3A_288] : memref<10240x128xf32, #tpu.memory_space<vmem_shared>> -> memref<16x128xf32, #tpu.memory_space<vmem_shared>>
    %dma_start3A_290 = arith.constant 0 : i32
    %dma_start3A_291 = tpu.memref_slice %arg13[%add3A_287, %dma_start3A_290] : memref<10240x128xf32, #tpu.memory_space<vmem_shared>> -> memref<16x128xf32, #tpu.memory_space<vmem_shared>>
    tpu.enqueue_dma source(%arg12 : memref<16x128xf32, #tpu.memory_space<vmem>>) target(%dma_start3A_291 : memref<16x128xf32, #tpu.memory_space<vmem_shared>>) target_semaphore(%arg24 : memref<!tpu.dma_semaphore, #tpu.memory_space<semaphore_mem>>)
    %mul3A_292 = arith.constant 640 : i32
    %mul3A_293 = arith.muli %arg1, %mul3A_292 : i32
    %add3A_294 = arith.constant 544 : i32
    %add3A_295 = arith.addi %mul3A_293, %add3A_294 : i32
    %dma_start3A_296 = arith.constant 0 : i32
    %dma_start3A_297 = tpu.memref_slice %arg13[%add3A_295, %dma_start3A_296] : memref<10240x128xf32, #tpu.memory_space<vmem_shared>> -> memref<16x128xf32, #tpu.memory_space<vmem_shared>>
    %dma_start3A_298 = arith.constant 0 : i32
    %dma_start3A_299 = tpu.memref_slice %arg13[%add3A_295, %dma_start3A_298] : memref<10240x128xf32, #tpu.memory_space<vmem_shared>> -> memref<16x128xf32, #tpu.memory_space<vmem_shared>>
    tpu.enqueue_dma source(%arg12 : memref<16x128xf32, #tpu.memory_space<vmem>>) target(%dma_start3A_299 : memref<16x128xf32, #tpu.memory_space<vmem_shared>>) target_semaphore(%arg24 : memref<!tpu.dma_semaphore, #tpu.memory_space<semaphore_mem>>)
    %mul3A_300 = arith.constant 640 : i32
    %mul3A_301 = arith.muli %arg1, %mul3A_300 : i32
    %add3A_302 = arith.constant 560 : i32
    %add3A_303 = arith.addi %mul3A_301, %add3A_302 : i32
    %dma_start3A_304 = arith.constant 0 : i32
    %dma_start3A_305 = tpu.memref_slice %arg13[%add3A_303, %dma_start3A_304] : memref<10240x128xf32, #tpu.memory_space<vmem_shared>> -> memref<16x128xf32, #tpu.memory_space<vmem_shared>>
    %dma_start3A_306 = arith.constant 0 : i32
    %dma_start3A_307 = tpu.memref_slice %arg13[%add3A_303, %dma_start3A_306] : memref<10240x128xf32, #tpu.memory_space<vmem_shared>> -> memref<16x128xf32, #tpu.memory_space<vmem_shared>>
    tpu.enqueue_dma source(%arg12 : memref<16x128xf32, #tpu.memory_space<vmem>>) target(%dma_start3A_307 : memref<16x128xf32, #tpu.memory_space<vmem_shared>>) target_semaphore(%arg24 : memref<!tpu.dma_semaphore, #tpu.memory_space<semaphore_mem>>)
    %mul3A_308 = arith.constant 640 : i32
    %mul3A_309 = arith.muli %arg1, %mul3A_308 : i32
    %add3A_310 = arith.constant 576 : i32
    %add3A_311 = arith.addi %mul3A_309, %add3A_310 : i32
    %dma_start3A_312 = arith.constant 0 : i32
    %dma_start3A_313 = tpu.memref_slice %arg13[%add3A_311, %dma_start3A_312] : memref<10240x128xf32, #tpu.memory_space<vmem_shared>> -> memref<16x128xf32, #tpu.memory_space<vmem_shared>>
    %dma_start3A_314 = arith.constant 0 : i32
    %dma_start3A_315 = tpu.memref_slice %arg13[%add3A_311, %dma_start3A_314] : memref<10240x128xf32, #tpu.memory_space<vmem_shared>> -> memref<16x128xf32, #tpu.memory_space<vmem_shared>>
    tpu.enqueue_dma source(%arg12 : memref<16x128xf32, #tpu.memory_space<vmem>>) target(%dma_start3A_315 : memref<16x128xf32, #tpu.memory_space<vmem_shared>>) target_semaphore(%arg24 : memref<!tpu.dma_semaphore, #tpu.memory_space<semaphore_mem>>)
    %mul3A_316 = arith.constant 640 : i32
    %mul3A_317 = arith.muli %arg1, %mul3A_316 : i32
    %add3A_318 = arith.constant 592 : i32
    %add3A_319 = arith.addi %mul3A_317, %add3A_318 : i32
    %dma_start3A_320 = arith.constant 0 : i32
    %dma_start3A_321 = tpu.memref_slice %arg13[%add3A_319, %dma_start3A_320] : memref<10240x128xf32, #tpu.memory_space<vmem_shared>> -> memref<16x128xf32, #tpu.memory_space<vmem_shared>>
    %dma_start3A_322 = arith.constant 0 : i32
    %dma_start3A_323 = tpu.memref_slice %arg13[%add3A_319, %dma_start3A_322] : memref<10240x128xf32, #tpu.memory_space<vmem_shared>> -> memref<16x128xf32, #tpu.memory_space<vmem_shared>>
    tpu.enqueue_dma source(%arg12 : memref<16x128xf32, #tpu.memory_space<vmem>>) target(%dma_start3A_323 : memref<16x128xf32, #tpu.memory_space<vmem_shared>>) target_semaphore(%arg24 : memref<!tpu.dma_semaphore, #tpu.memory_space<semaphore_mem>>)
    %mul3A_324 = arith.constant 640 : i32
    %mul3A_325 = arith.muli %arg1, %mul3A_324 : i32
    %add3A_326 = arith.constant 608 : i32
    %add3A_327 = arith.addi %mul3A_325, %add3A_326 : i32
    %dma_start3A_328 = arith.constant 0 : i32
    %dma_start3A_329 = tpu.memref_slice %arg13[%add3A_327, %dma_start3A_328] : memref<10240x128xf32, #tpu.memory_space<vmem_shared>> -> memref<16x128xf32, #tpu.memory_space<vmem_shared>>
    %dma_start3A_330 = arith.constant 0 : i32
    %dma_start3A_331 = tpu.memref_slice %arg13[%add3A_327, %dma_start3A_330] : memref<10240x128xf32, #tpu.memory_space<vmem_shared>> -> memref<16x128xf32, #tpu.memory_space<vmem_shared>>
    tpu.enqueue_dma source(%arg12 : memref<16x128xf32, #tpu.memory_space<vmem>>) target(%dma_start3A_331 : memref<16x128xf32, #tpu.memory_space<vmem_shared>>) target_semaphore(%arg24 : memref<!tpu.dma_semaphore, #tpu.memory_space<semaphore_mem>>)
    %mul3A_332 = arith.constant 640 : i32
    %mul3A_333 = arith.muli %arg1, %mul3A_332 : i32
    %add3A_334 = arith.constant 624 : i32
    %add3A_335 = arith.addi %mul3A_333, %add3A_334 : i32
    %dma_start3A_336 = arith.constant 0 : i32
    %dma_start3A_337 = tpu.memref_slice %arg13[%add3A_335, %dma_start3A_336] : memref<10240x128xf32, #tpu.memory_space<vmem_shared>> -> memref<16x128xf32, #tpu.memory_space<vmem_shared>>
    %dma_start3A_338 = arith.constant 0 : i32
    %dma_start3A_339 = tpu.memref_slice %arg13[%add3A_335, %dma_start3A_338] : memref<10240x128xf32, #tpu.memory_space<vmem_shared>> -> memref<16x128xf32, #tpu.memory_space<vmem_shared>>
    tpu.enqueue_dma source(%arg12 : memref<16x128xf32, #tpu.memory_space<vmem>>) target(%dma_start3A_339 : memref<16x128xf32, #tpu.memory_space<vmem_shared>>) target_semaphore(%arg24 : memref<!tpu.dma_semaphore, #tpu.memory_space<semaphore_mem>>)
    %dma_wait3A = arith.constant 0 : i32
    %dma_wait3A_340 = tpu.memref_slice %arg13[%add3A_23, %dma_wait3A] : memref<10240x128xf32, #tpu.memory_space<vmem_shared>> -> memref<16x128xf32, #tpu.memory_space<vmem_shared>>
    %dma_wait3A_341 = arith.constant 0 : i32
    %dma_wait3A_342 = tpu.memref_slice %arg13[%add3A_23, %dma_wait3A_341] : memref<10240x128xf32, #tpu.memory_space<vmem_shared>> -> memref<16x128xf32, #tpu.memory_space<vmem_shared>>
    tpu.wait_dma2 semaphore(%arg24 : memref<!tpu.dma_semaphore, #tpu.memory_space<semaphore_mem>>) src(%arg12 : memref<16x128xf32, #tpu.memory_space<vmem>>) dst(%dma_wait3A_342 : memref<16x128xf32, #tpu.memory_space<vmem_shared>>)
    %dma_wait3A_343 = arith.constant 0 : i32
    %dma_wait3A_344 = tpu.memref_slice %arg13[%add3A_31, %dma_wait3A_343] : memref<10240x128xf32, #tpu.memory_space<vmem_shared>> -> memref<16x128xf32, #tpu.memory_space<vmem_shared>>
    %dma_wait3A_345 = arith.constant 0 : i32
    %dma_wait3A_346 = tpu.memref_slice %arg13[%add3A_31, %dma_wait3A_345] : memref<10240x128xf32, #tpu.memory_space<vmem_shared>> -> memref<16x128xf32, #tpu.memory_space<vmem_shared>>
    tpu.wait_dma2 semaphore(%arg24 : memref<!tpu.dma_semaphore, #tpu.memory_space<semaphore_mem>>) src(%arg12 : memref<16x128xf32, #tpu.memory_space<vmem>>) dst(%dma_wait3A_346 : memref<16x128xf32, #tpu.memory_space<vmem_shared>>)
    %dma_wait3A_347 = arith.constant 0 : i32
    %dma_wait3A_348 = tpu.memref_slice %arg13[%add3A_39, %dma_wait3A_347] : memref<10240x128xf32, #tpu.memory_space<vmem_shared>> -> memref<16x128xf32, #tpu.memory_space<vmem_shared>>
    %dma_wait3A_349 = arith.constant 0 : i32
    %dma_wait3A_350 = tpu.memref_slice %arg13[%add3A_39, %dma_wait3A_349] : memref<10240x128xf32, #tpu.memory_space<vmem_shared>> -> memref<16x128xf32, #tpu.memory_space<vmem_shared>>
    tpu.wait_dma2 semaphore(%arg24 : memref<!tpu.dma_semaphore, #tpu.memory_space<semaphore_mem>>) src(%arg12 : memref<16x128xf32, #tpu.memory_space<vmem>>) dst(%dma_wait3A_350 : memref<16x128xf32, #tpu.memory_space<vmem_shared>>)
    %dma_wait3A_351 = arith.constant 0 : i32
    %dma_wait3A_352 = tpu.memref_slice %arg13[%add3A_47, %dma_wait3A_351] : memref<10240x128xf32, #tpu.memory_space<vmem_shared>> -> memref<16x128xf32, #tpu.memory_space<vmem_shared>>
    %dma_wait3A_353 = arith.constant 0 : i32
    %dma_wait3A_354 = tpu.memref_slice %arg13[%add3A_47, %dma_wait3A_353] : memref<10240x128xf32, #tpu.memory_space<vmem_shared>> -> memref<16x128xf32, #tpu.memory_space<vmem_shared>>
    tpu.wait_dma2 semaphore(%arg24 : memref<!tpu.dma_semaphore, #tpu.memory_space<semaphore_mem>>) src(%arg12 : memref<16x128xf32, #tpu.memory_space<vmem>>) dst(%dma_wait3A_354 : memref<16x128xf32, #tpu.memory_space<vmem_shared>>)
    %dma_wait3A_355 = arith.constant 0 : i32
    %dma_wait3A_356 = tpu.memref_slice %arg13[%add3A_55, %dma_wait3A_355] : memref<10240x128xf32, #tpu.memory_space<vmem_shared>> -> memref<16x128xf32, #tpu.memory_space<vmem_shared>>
    %dma_wait3A_357 = arith.constant 0 : i32
    %dma_wait3A_358 = tpu.memref_slice %arg13[%add3A_55, %dma_wait3A_357] : memref<10240x128xf32, #tpu.memory_space<vmem_shared>> -> memref<16x128xf32, #tpu.memory_space<vmem_shared>>
    tpu.wait_dma2 semaphore(%arg24 : memref<!tpu.dma_semaphore, #tpu.memory_space<semaphore_mem>>) src(%arg12 : memref<16x128xf32, #tpu.memory_space<vmem>>) dst(%dma_wait3A_358 : memref<16x128xf32, #tpu.memory_space<vmem_shared>>)
    %dma_wait3A_359 = arith.constant 0 : i32
    %dma_wait3A_360 = tpu.memref_slice %arg13[%add3A_63, %dma_wait3A_359] : memref<10240x128xf32, #tpu.memory_space<vmem_shared>> -> memref<16x128xf32, #tpu.memory_space<vmem_shared>>
    %dma_wait3A_361 = arith.constant 0 : i32
    %dma_wait3A_362 = tpu.memref_slice %arg13[%add3A_63, %dma_wait3A_361] : memref<10240x128xf32, #tpu.memory_space<vmem_shared>> -> memref<16x128xf32, #tpu.memory_space<vmem_shared>>
    tpu.wait_dma2 semaphore(%arg24 : memref<!tpu.dma_semaphore, #tpu.memory_space<semaphore_mem>>) src(%arg12 : memref<16x128xf32, #tpu.memory_space<vmem>>) dst(%dma_wait3A_362 : memref<16x128xf32, #tpu.memory_space<vmem_shared>>)
    %dma_wait3A_363 = arith.constant 0 : i32
    %dma_wait3A_364 = tpu.memref_slice %arg13[%add3A_71, %dma_wait3A_363] : memref<10240x128xf32, #tpu.memory_space<vmem_shared>> -> memref<16x128xf32, #tpu.memory_space<vmem_shared>>
    %dma_wait3A_365 = arith.constant 0 : i32
    %dma_wait3A_366 = tpu.memref_slice %arg13[%add3A_71, %dma_wait3A_365] : memref<10240x128xf32, #tpu.memory_space<vmem_shared>> -> memref<16x128xf32, #tpu.memory_space<vmem_shared>>
    tpu.wait_dma2 semaphore(%arg24 : memref<!tpu.dma_semaphore, #tpu.memory_space<semaphore_mem>>) src(%arg12 : memref<16x128xf32, #tpu.memory_space<vmem>>) dst(%dma_wait3A_366 : memref<16x128xf32, #tpu.memory_space<vmem_shared>>)
    %dma_wait3A_367 = arith.constant 0 : i32
    %dma_wait3A_368 = tpu.memref_slice %arg13[%add3A_79, %dma_wait3A_367] : memref<10240x128xf32, #tpu.memory_space<vmem_shared>> -> memref<16x128xf32, #tpu.memory_space<vmem_shared>>
    %dma_wait3A_369 = arith.constant 0 : i32
    %dma_wait3A_370 = tpu.memref_slice %arg13[%add3A_79, %dma_wait3A_369] : memref<10240x128xf32, #tpu.memory_space<vmem_shared>> -> memref<16x128xf32, #tpu.memory_space<vmem_shared>>
    tpu.wait_dma2 semaphore(%arg24 : memref<!tpu.dma_semaphore, #tpu.memory_space<semaphore_mem>>) src(%arg12 : memref<16x128xf32, #tpu.memory_space<vmem>>) dst(%dma_wait3A_370 : memref<16x128xf32, #tpu.memory_space<vmem_shared>>)
    %dma_wait3A_371 = arith.constant 0 : i32
    %dma_wait3A_372 = tpu.memref_slice %arg13[%add3A_87, %dma_wait3A_371] : memref<10240x128xf32, #tpu.memory_space<vmem_shared>> -> memref<16x128xf32, #tpu.memory_space<vmem_shared>>
    %dma_wait3A_373 = arith.constant 0 : i32
    %dma_wait3A_374 = tpu.memref_slice %arg13[%add3A_87, %dma_wait3A_373] : memref<10240x128xf32, #tpu.memory_space<vmem_shared>> -> memref<16x128xf32, #tpu.memory_space<vmem_shared>>
    tpu.wait_dma2 semaphore(%arg24 : memref<!tpu.dma_semaphore, #tpu.memory_space<semaphore_mem>>) src(%arg12 : memref<16x128xf32, #tpu.memory_space<vmem>>) dst(%dma_wait3A_374 : memref<16x128xf32, #tpu.memory_space<vmem_shared>>)
    %dma_wait3A_375 = arith.constant 0 : i32
    %dma_wait3A_376 = tpu.memref_slice %arg13[%add3A_95, %dma_wait3A_375] : memref<10240x128xf32, #tpu.memory_space<vmem_shared>> -> memref<16x128xf32, #tpu.memory_space<vmem_shared>>
    %dma_wait3A_377 = arith.constant 0 : i32
    %dma_wait3A_378 = tpu.memref_slice %arg13[%add3A_95, %dma_wait3A_377] : memref<10240x128xf32, #tpu.memory_space<vmem_shared>> -> memref<16x128xf32, #tpu.memory_space<vmem_shared>>
    tpu.wait_dma2 semaphore(%arg24 : memref<!tpu.dma_semaphore, #tpu.memory_space<semaphore_mem>>) src(%arg12 : memref<16x128xf32, #tpu.memory_space<vmem>>) dst(%dma_wait3A_378 : memref<16x128xf32, #tpu.memory_space<vmem_shared>>)
    %dma_wait3A_379 = arith.constant 0 : i32
    %dma_wait3A_380 = tpu.memref_slice %arg13[%add3A_103, %dma_wait3A_379] : memref<10240x128xf32, #tpu.memory_space<vmem_shared>> -> memref<16x128xf32, #tpu.memory_space<vmem_shared>>
    %dma_wait3A_381 = arith.constant 0 : i32
    %dma_wait3A_382 = tpu.memref_slice %arg13[%add3A_103, %dma_wait3A_381] : memref<10240x128xf32, #tpu.memory_space<vmem_shared>> -> memref<16x128xf32, #tpu.memory_space<vmem_shared>>
    tpu.wait_dma2 semaphore(%arg24 : memref<!tpu.dma_semaphore, #tpu.memory_space<semaphore_mem>>) src(%arg12 : memref<16x128xf32, #tpu.memory_space<vmem>>) dst(%dma_wait3A_382 : memref<16x128xf32, #tpu.memory_space<vmem_shared>>)
    %dma_wait3A_383 = arith.constant 0 : i32
    %dma_wait3A_384 = tpu.memref_slice %arg13[%add3A_111, %dma_wait3A_383] : memref<10240x128xf32, #tpu.memory_space<vmem_shared>> -> memref<16x128xf32, #tpu.memory_space<vmem_shared>>
    %dma_wait3A_385 = arith.constant 0 : i32
    %dma_wait3A_386 = tpu.memref_slice %arg13[%add3A_111, %dma_wait3A_385] : memref<10240x128xf32, #tpu.memory_space<vmem_shared>> -> memref<16x128xf32, #tpu.memory_space<vmem_shared>>
    tpu.wait_dma2 semaphore(%arg24 : memref<!tpu.dma_semaphore, #tpu.memory_space<semaphore_mem>>) src(%arg12 : memref<16x128xf32, #tpu.memory_space<vmem>>) dst(%dma_wait3A_386 : memref<16x128xf32, #tpu.memory_space<vmem_shared>>)
    %dma_wait3A_387 = arith.constant 0 : i32
    %dma_wait3A_388 = tpu.memref_slice %arg13[%add3A_119, %dma_wait3A_387] : memref<10240x128xf32, #tpu.memory_space<vmem_shared>> -> memref<16x128xf32, #tpu.memory_space<vmem_shared>>
    %dma_wait3A_389 = arith.constant 0 : i32
    %dma_wait3A_390 = tpu.memref_slice %arg13[%add3A_119, %dma_wait3A_389] : memref<10240x128xf32, #tpu.memory_space<vmem_shared>> -> memref<16x128xf32, #tpu.memory_space<vmem_shared>>
    tpu.wait_dma2 semaphore(%arg24 : memref<!tpu.dma_semaphore, #tpu.memory_space<semaphore_mem>>) src(%arg12 : memref<16x128xf32, #tpu.memory_space<vmem>>) dst(%dma_wait3A_390 : memref<16x128xf32, #tpu.memory_space<vmem_shared>>)
    %dma_wait3A_391 = arith.constant 0 : i32
    %dma_wait3A_392 = tpu.memref_slice %arg13[%add3A_127, %dma_wait3A_391] : memref<10240x128xf32, #tpu.memory_space<vmem_shared>> -> memref<16x128xf32, #tpu.memory_space<vmem_shared>>
    %dma_wait3A_393 = arith.constant 0 : i32
    %dma_wait3A_394 = tpu.memref_slice %arg13[%add3A_127, %dma_wait3A_393] : memref<10240x128xf32, #tpu.memory_space<vmem_shared>> -> memref<16x128xf32, #tpu.memory_space<vmem_shared>>
    tpu.wait_dma2 semaphore(%arg24 : memref<!tpu.dma_semaphore, #tpu.memory_space<semaphore_mem>>) src(%arg12 : memref<16x128xf32, #tpu.memory_space<vmem>>) dst(%dma_wait3A_394 : memref<16x128xf32, #tpu.memory_space<vmem_shared>>)
    %dma_wait3A_395 = arith.constant 0 : i32
    %dma_wait3A_396 = tpu.memref_slice %arg13[%add3A_135, %dma_wait3A_395] : memref<10240x128xf32, #tpu.memory_space<vmem_shared>> -> memref<16x128xf32, #tpu.memory_space<vmem_shared>>
    %dma_wait3A_397 = arith.constant 0 : i32
    %dma_wait3A_398 = tpu.memref_slice %arg13[%add3A_135, %dma_wait3A_397] : memref<10240x128xf32, #tpu.memory_space<vmem_shared>> -> memref<16x128xf32, #tpu.memory_space<vmem_shared>>
    tpu.wait_dma2 semaphore(%arg24 : memref<!tpu.dma_semaphore, #tpu.memory_space<semaphore_mem>>) src(%arg12 : memref<16x128xf32, #tpu.memory_space<vmem>>) dst(%dma_wait3A_398 : memref<16x128xf32, #tpu.memory_space<vmem_shared>>)
    %dma_wait3A_399 = arith.constant 0 : i32
    %dma_wait3A_400 = tpu.memref_slice %arg13[%add3A_143, %dma_wait3A_399] : memref<10240x128xf32, #tpu.memory_space<vmem_shared>> -> memref<16x128xf32, #tpu.memory_space<vmem_shared>>
    %dma_wait3A_401 = arith.constant 0 : i32
    %dma_wait3A_402 = tpu.memref_slice %arg13[%add3A_143, %dma_wait3A_401] : memref<10240x128xf32, #tpu.memory_space<vmem_shared>> -> memref<16x128xf32, #tpu.memory_space<vmem_shared>>
    tpu.wait_dma2 semaphore(%arg24 : memref<!tpu.dma_semaphore, #tpu.memory_space<semaphore_mem>>) src(%arg12 : memref<16x128xf32, #tpu.memory_space<vmem>>) dst(%dma_wait3A_402 : memref<16x128xf32, #tpu.memory_space<vmem_shared>>)
    %dma_wait3A_403 = arith.constant 0 : i32
    %dma_wait3A_404 = tpu.memref_slice %arg13[%add3A_151, %dma_wait3A_403] : memref<10240x128xf32, #tpu.memory_space<vmem_shared>> -> memref<16x128xf32, #tpu.memory_space<vmem_shared>>
    %dma_wait3A_405 = arith.constant 0 : i32
    %dma_wait3A_406 = tpu.memref_slice %arg13[%add3A_151, %dma_wait3A_405] : memref<10240x128xf32, #tpu.memory_space<vmem_shared>> -> memref<16x128xf32, #tpu.memory_space<vmem_shared>>
    tpu.wait_dma2 semaphore(%arg24 : memref<!tpu.dma_semaphore, #tpu.memory_space<semaphore_mem>>) src(%arg12 : memref<16x128xf32, #tpu.memory_space<vmem>>) dst(%dma_wait3A_406 : memref<16x128xf32, #tpu.memory_space<vmem_shared>>)
    %dma_wait3A_407 = arith.constant 0 : i32
    %dma_wait3A_408 = tpu.memref_slice %arg13[%add3A_159, %dma_wait3A_407] : memref<10240x128xf32, #tpu.memory_space<vmem_shared>> -> memref<16x128xf32, #tpu.memory_space<vmem_shared>>
    %dma_wait3A_409 = arith.constant 0 : i32
    %dma_wait3A_410 = tpu.memref_slice %arg13[%add3A_159, %dma_wait3A_409] : memref<10240x128xf32, #tpu.memory_space<vmem_shared>> -> memref<16x128xf32, #tpu.memory_space<vmem_shared>>
    tpu.wait_dma2 semaphore(%arg24 : memref<!tpu.dma_semaphore, #tpu.memory_space<semaphore_mem>>) src(%arg12 : memref<16x128xf32, #tpu.memory_space<vmem>>) dst(%dma_wait3A_410 : memref<16x128xf32, #tpu.memory_space<vmem_shared>>)
    %dma_wait3A_411 = arith.constant 0 : i32
    %dma_wait3A_412 = tpu.memref_slice %arg13[%add3A_167, %dma_wait3A_411] : memref<10240x128xf32, #tpu.memory_space<vmem_shared>> -> memref<16x128xf32, #tpu.memory_space<vmem_shared>>
    %dma_wait3A_413 = arith.constant 0 : i32
    %dma_wait3A_414 = tpu.memref_slice %arg13[%add3A_167, %dma_wait3A_413] : memref<10240x128xf32, #tpu.memory_space<vmem_shared>> -> memref<16x128xf32, #tpu.memory_space<vmem_shared>>
    tpu.wait_dma2 semaphore(%arg24 : memref<!tpu.dma_semaphore, #tpu.memory_space<semaphore_mem>>) src(%arg12 : memref<16x128xf32, #tpu.memory_space<vmem>>) dst(%dma_wait3A_414 : memref<16x128xf32, #tpu.memory_space<vmem_shared>>)
    %dma_wait3A_415 = arith.constant 0 : i32
    %dma_wait3A_416 = tpu.memref_slice %arg13[%add3A_175, %dma_wait3A_415] : memref<10240x128xf32, #tpu.memory_space<vmem_shared>> -> memref<16x128xf32, #tpu.memory_space<vmem_shared>>
    %dma_wait3A_417 = arith.constant 0 : i32
    %dma_wait3A_418 = tpu.memref_slice %arg13[%add3A_175, %dma_wait3A_417] : memref<10240x128xf32, #tpu.memory_space<vmem_shared>> -> memref<16x128xf32, #tpu.memory_space<vmem_shared>>
    tpu.wait_dma2 semaphore(%arg24 : memref<!tpu.dma_semaphore, #tpu.memory_space<semaphore_mem>>) src(%arg12 : memref<16x128xf32, #tpu.memory_space<vmem>>) dst(%dma_wait3A_418 : memref<16x128xf32, #tpu.memory_space<vmem_shared>>)
    %dma_wait3A_419 = arith.constant 0 : i32
    %dma_wait3A_420 = tpu.memref_slice %arg13[%add3A_183, %dma_wait3A_419] : memref<10240x128xf32, #tpu.memory_space<vmem_shared>> -> memref<16x128xf32, #tpu.memory_space<vmem_shared>>
    %dma_wait3A_421 = arith.constant 0 : i32
    %dma_wait3A_422 = tpu.memref_slice %arg13[%add3A_183, %dma_wait3A_421] : memref<10240x128xf32, #tpu.memory_space<vmem_shared>> -> memref<16x128xf32, #tpu.memory_space<vmem_shared>>
    tpu.wait_dma2 semaphore(%arg24 : memref<!tpu.dma_semaphore, #tpu.memory_space<semaphore_mem>>) src(%arg12 : memref<16x128xf32, #tpu.memory_space<vmem>>) dst(%dma_wait3A_422 : memref<16x128xf32, #tpu.memory_space<vmem_shared>>)
    %dma_wait3A_423 = arith.constant 0 : i32
    %dma_wait3A_424 = tpu.memref_slice %arg13[%add3A_191, %dma_wait3A_423] : memref<10240x128xf32, #tpu.memory_space<vmem_shared>> -> memref<16x128xf32, #tpu.memory_space<vmem_shared>>
    %dma_wait3A_425 = arith.constant 0 : i32
    %dma_wait3A_426 = tpu.memref_slice %arg13[%add3A_191, %dma_wait3A_425] : memref<10240x128xf32, #tpu.memory_space<vmem_shared>> -> memref<16x128xf32, #tpu.memory_space<vmem_shared>>
    tpu.wait_dma2 semaphore(%arg24 : memref<!tpu.dma_semaphore, #tpu.memory_space<semaphore_mem>>) src(%arg12 : memref<16x128xf32, #tpu.memory_space<vmem>>) dst(%dma_wait3A_426 : memref<16x128xf32, #tpu.memory_space<vmem_shared>>)
    %dma_wait3A_427 = arith.constant 0 : i32
    %dma_wait3A_428 = tpu.memref_slice %arg13[%add3A_199, %dma_wait3A_427] : memref<10240x128xf32, #tpu.memory_space<vmem_shared>> -> memref<16x128xf32, #tpu.memory_space<vmem_shared>>
    %dma_wait3A_429 = arith.constant 0 : i32
    %dma_wait3A_430 = tpu.memref_slice %arg13[%add3A_199, %dma_wait3A_429] : memref<10240x128xf32, #tpu.memory_space<vmem_shared>> -> memref<16x128xf32, #tpu.memory_space<vmem_shared>>
    tpu.wait_dma2 semaphore(%arg24 : memref<!tpu.dma_semaphore, #tpu.memory_space<semaphore_mem>>) src(%arg12 : memref<16x128xf32, #tpu.memory_space<vmem>>) dst(%dma_wait3A_430 : memref<16x128xf32, #tpu.memory_space<vmem_shared>>)
    %dma_wait3A_431 = arith.constant 0 : i32
    %dma_wait3A_432 = tpu.memref_slice %arg13[%add3A_207, %dma_wait3A_431] : memref<10240x128xf32, #tpu.memory_space<vmem_shared>> -> memref<16x128xf32, #tpu.memory_space<vmem_shared>>
    %dma_wait3A_433 = arith.constant 0 : i32
    %dma_wait3A_434 = tpu.memref_slice %arg13[%add3A_207, %dma_wait3A_433] : memref<10240x128xf32, #tpu.memory_space<vmem_shared>> -> memref<16x128xf32, #tpu.memory_space<vmem_shared>>
    tpu.wait_dma2 semaphore(%arg24 : memref<!tpu.dma_semaphore, #tpu.memory_space<semaphore_mem>>) src(%arg12 : memref<16x128xf32, #tpu.memory_space<vmem>>) dst(%dma_wait3A_434 : memref<16x128xf32, #tpu.memory_space<vmem_shared>>)
    %dma_wait3A_435 = arith.constant 0 : i32
    %dma_wait3A_436 = tpu.memref_slice %arg13[%add3A_215, %dma_wait3A_435] : memref<10240x128xf32, #tpu.memory_space<vmem_shared>> -> memref<16x128xf32, #tpu.memory_space<vmem_shared>>
    %dma_wait3A_437 = arith.constant 0 : i32
    %dma_wait3A_438 = tpu.memref_slice %arg13[%add3A_215, %dma_wait3A_437] : memref<10240x128xf32, #tpu.memory_space<vmem_shared>> -> memref<16x128xf32, #tpu.memory_space<vmem_shared>>
    tpu.wait_dma2 semaphore(%arg24 : memref<!tpu.dma_semaphore, #tpu.memory_space<semaphore_mem>>) src(%arg12 : memref<16x128xf32, #tpu.memory_space<vmem>>) dst(%dma_wait3A_438 : memref<16x128xf32, #tpu.memory_space<vmem_shared>>)
    %dma_wait3A_439 = arith.constant 0 : i32
    %dma_wait3A_440 = tpu.memref_slice %arg13[%add3A_223, %dma_wait3A_439] : memref<10240x128xf32, #tpu.memory_space<vmem_shared>> -> memref<16x128xf32, #tpu.memory_space<vmem_shared>>
    %dma_wait3A_441 = arith.constant 0 : i32
    %dma_wait3A_442 = tpu.memref_slice %arg13[%add3A_223, %dma_wait3A_441] : memref<10240x128xf32, #tpu.memory_space<vmem_shared>> -> memref<16x128xf32, #tpu.memory_space<vmem_shared>>
    tpu.wait_dma2 semaphore(%arg24 : memref<!tpu.dma_semaphore, #tpu.memory_space<semaphore_mem>>) src(%arg12 : memref<16x128xf32, #tpu.memory_space<vmem>>) dst(%dma_wait3A_442 : memref<16x128xf32, #tpu.memory_space<vmem_shared>>)
    %dma_wait3A_443 = arith.constant 0 : i32
    %dma_wait3A_444 = tpu.memref_slice %arg13[%add3A_231, %dma_wait3A_443] : memref<10240x128xf32, #tpu.memory_space<vmem_shared>> -> memref<16x128xf32, #tpu.memory_space<vmem_shared>>
    %dma_wait3A_445 = arith.constant 0 : i32
    %dma_wait3A_446 = tpu.memref_slice %arg13[%add3A_231, %dma_wait3A_445] : memref<10240x128xf32, #tpu.memory_space<vmem_shared>> -> memref<16x128xf32, #tpu.memory_space<vmem_shared>>
    tpu.wait_dma2 semaphore(%arg24 : memref<!tpu.dma_semaphore, #tpu.memory_space<semaphore_mem>>) src(%arg12 : memref<16x128xf32, #tpu.memory_space<vmem>>) dst(%dma_wait3A_446 : memref<16x128xf32, #tpu.memory_space<vmem_shared>>)
    %dma_wait3A_447 = arith.constant 0 : i32
    %dma_wait3A_448 = tpu.memref_slice %arg13[%add3A_239, %dma_wait3A_447] : memref<10240x128xf32, #tpu.memory_space<vmem_shared>> -> memref<16x128xf32, #tpu.memory_space<vmem_shared>>
    %dma_wait3A_449 = arith.constant 0 : i32
    %dma_wait3A_450 = tpu.memref_slice %arg13[%add3A_239, %dma_wait3A_449] : memref<10240x128xf32, #tpu.memory_space<vmem_shared>> -> memref<16x128xf32, #tpu.memory_space<vmem_shared>>
    tpu.wait_dma2 semaphore(%arg24 : memref<!tpu.dma_semaphore, #tpu.memory_space<semaphore_mem>>) src(%arg12 : memref<16x128xf32, #tpu.memory_space<vmem>>) dst(%dma_wait3A_450 : memref<16x128xf32, #tpu.memory_space<vmem_shared>>)
    %dma_wait3A_451 = arith.constant 0 : i32
    %dma_wait3A_452 = tpu.memref_slice %arg13[%add3A_247, %dma_wait3A_451] : memref<10240x128xf32, #tpu.memory_space<vmem_shared>> -> memref<16x128xf32, #tpu.memory_space<vmem_shared>>
    %dma_wait3A_453 = arith.constant 0 : i32
    %dma_wait3A_454 = tpu.memref_slice %arg13[%add3A_247, %dma_wait3A_453] : memref<10240x128xf32, #tpu.memory_space<vmem_shared>> -> memref<16x128xf32, #tpu.memory_space<vmem_shared>>
    tpu.wait_dma2 semaphore(%arg24 : memref<!tpu.dma_semaphore, #tpu.memory_space<semaphore_mem>>) src(%arg12 : memref<16x128xf32, #tpu.memory_space<vmem>>) dst(%dma_wait3A_454 : memref<16x128xf32, #tpu.memory_space<vmem_shared>>)
    %dma_wait3A_455 = arith.constant 0 : i32
    %dma_wait3A_456 = tpu.memref_slice %arg13[%add3A_255, %dma_wait3A_455] : memref<10240x128xf32, #tpu.memory_space<vmem_shared>> -> memref<16x128xf32, #tpu.memory_space<vmem_shared>>
    %dma_wait3A_457 = arith.constant 0 : i32
    %dma_wait3A_458 = tpu.memref_slice %arg13[%add3A_255, %dma_wait3A_457] : memref<10240x128xf32, #tpu.memory_space<vmem_shared>> -> memref<16x128xf32, #tpu.memory_space<vmem_shared>>
    tpu.wait_dma2 semaphore(%arg24 : memref<!tpu.dma_semaphore, #tpu.memory_space<semaphore_mem>>) src(%arg12 : memref<16x128xf32, #tpu.memory_space<vmem>>) dst(%dma_wait3A_458 : memref<16x128xf32, #tpu.memory_space<vmem_shared>>)
    %dma_wait3A_459 = arith.constant 0 : i32
    %dma_wait3A_460 = tpu.memref_slice %arg13[%add3A_263, %dma_wait3A_459] : memref<10240x128xf32, #tpu.memory_space<vmem_shared>> -> memref<16x128xf32, #tpu.memory_space<vmem_shared>>
    %dma_wait3A_461 = arith.constant 0 : i32
    %dma_wait3A_462 = tpu.memref_slice %arg13[%add3A_263, %dma_wait3A_461] : memref<10240x128xf32, #tpu.memory_space<vmem_shared>> -> memref<16x128xf32, #tpu.memory_space<vmem_shared>>
    tpu.wait_dma2 semaphore(%arg24 : memref<!tpu.dma_semaphore, #tpu.memory_space<semaphore_mem>>) src(%arg12 : memref<16x128xf32, #tpu.memory_space<vmem>>) dst(%dma_wait3A_462 : memref<16x128xf32, #tpu.memory_space<vmem_shared>>)
    %dma_wait3A_463 = arith.constant 0 : i32
    %dma_wait3A_464 = tpu.memref_slice %arg13[%add3A_271, %dma_wait3A_463] : memref<10240x128xf32, #tpu.memory_space<vmem_shared>> -> memref<16x128xf32, #tpu.memory_space<vmem_shared>>
    %dma_wait3A_465 = arith.constant 0 : i32
    %dma_wait3A_466 = tpu.memref_slice %arg13[%add3A_271, %dma_wait3A_465] : memref<10240x128xf32, #tpu.memory_space<vmem_shared>> -> memref<16x128xf32, #tpu.memory_space<vmem_shared>>
    tpu.wait_dma2 semaphore(%arg24 : memref<!tpu.dma_semaphore, #tpu.memory_space<semaphore_mem>>) src(%arg12 : memref<16x128xf32, #tpu.memory_space<vmem>>) dst(%dma_wait3A_466 : memref<16x128xf32, #tpu.memory_space<vmem_shared>>)
    %dma_wait3A_467 = arith.constant 0 : i32
    %dma_wait3A_468 = tpu.memref_slice %arg13[%add3A_279, %dma_wait3A_467] : memref<10240x128xf32, #tpu.memory_space<vmem_shared>> -> memref<16x128xf32, #tpu.memory_space<vmem_shared>>
    %dma_wait3A_469 = arith.constant 0 : i32
    %dma_wait3A_470 = tpu.memref_slice %arg13[%add3A_279, %dma_wait3A_469] : memref<10240x128xf32, #tpu.memory_space<vmem_shared>> -> memref<16x128xf32, #tpu.memory_space<vmem_shared>>
    tpu.wait_dma2 semaphore(%arg24 : memref<!tpu.dma_semaphore, #tpu.memory_space<semaphore_mem>>) src(%arg12 : memref<16x128xf32, #tpu.memory_space<vmem>>) dst(%dma_wait3A_470 : memref<16x128xf32, #tpu.memory_space<vmem_shared>>)
    %dma_wait3A_471 = arith.constant 0 : i32
    %dma_wait3A_472 = tpu.memref_slice %arg13[%add3A_287, %dma_wait3A_471] : memref<10240x128xf32, #tpu.memory_space<vmem_shared>> -> memref<16x128xf32, #tpu.memory_space<vmem_shared>>
    %dma_wait3A_473 = arith.constant 0 : i32
    %dma_wait3A_474 = tpu.memref_slice %arg13[%add3A_287, %dma_wait3A_473] : memref<10240x128xf32, #tpu.memory_space<vmem_shared>> -> memref<16x128xf32, #tpu.memory_space<vmem_shared>>
    tpu.wait_dma2 semaphore(%arg24 : memref<!tpu.dma_semaphore, #tpu.memory_space<semaphore_mem>>) src(%arg12 : memref<16x128xf32, #tpu.memory_space<vmem>>) dst(%dma_wait3A_474 : memref<16x128xf32, #tpu.memory_space<vmem_shared>>)
    %dma_wait3A_475 = arith.constant 0 : i32
    %dma_wait3A_476 = tpu.memref_slice %arg13[%add3A_295, %dma_wait3A_475] : memref<10240x128xf32, #tpu.memory_space<vmem_shared>> -> memref<16x128xf32, #tpu.memory_space<vmem_shared>>
    %dma_wait3A_477 = arith.constant 0 : i32
    %dma_wait3A_478 = tpu.memref_slice %arg13[%add3A_295, %dma_wait3A_477] : memref<10240x128xf32, #tpu.memory_space<vmem_shared>> -> memref<16x128xf32, #tpu.memory_space<vmem_shared>>
    tpu.wait_dma2 semaphore(%arg24 : memref<!tpu.dma_semaphore, #tpu.memory_space<semaphore_mem>>) src(%arg12 : memref<16x128xf32, #tpu.memory_space<vmem>>) dst(%dma_wait3A_478 : memref<16x128xf32, #tpu.memory_space<vmem_shared>>)
    %dma_wait3A_479 = arith.constant 0 : i32
    %dma_wait3A_480 = tpu.memref_slice %arg13[%add3A_303, %dma_wait3A_479] : memref<10240x128xf32, #tpu.memory_space<vmem_shared>> -> memref<16x128xf32, #tpu.memory_space<vmem_shared>>
    %dma_wait3A_481 = arith.constant 0 : i32
    %dma_wait3A_482 = tpu.memref_slice %arg13[%add3A_303, %dma_wait3A_481] : memref<10240x128xf32, #tpu.memory_space<vmem_shared>> -> memref<16x128xf32, #tpu.memory_space<vmem_shared>>
    tpu.wait_dma2 semaphore(%arg24 : memref<!tpu.dma_semaphore, #tpu.memory_space<semaphore_mem>>) src(%arg12 : memref<16x128xf32, #tpu.memory_space<vmem>>) dst(%dma_wait3A_482 : memref<16x128xf32, #tpu.memory_space<vmem_shared>>)
    %dma_wait3A_483 = arith.constant 0 : i32
    %dma_wait3A_484 = tpu.memref_slice %arg13[%add3A_311, %dma_wait3A_483] : memref<10240x128xf32, #tpu.memory_space<vmem_shared>> -> memref<16x128xf32, #tpu.memory_space<vmem_shared>>
    %dma_wait3A_485 = arith.constant 0 : i32
    %dma_wait3A_486 = tpu.memref_slice %arg13[%add3A_311, %dma_wait3A_485] : memref<10240x128xf32, #tpu.memory_space<vmem_shared>> -> memref<16x128xf32, #tpu.memory_space<vmem_shared>>
    tpu.wait_dma2 semaphore(%arg24 : memref<!tpu.dma_semaphore, #tpu.memory_space<semaphore_mem>>) src(%arg12 : memref<16x128xf32, #tpu.memory_space<vmem>>) dst(%dma_wait3A_486 : memref<16x128xf32, #tpu.memory_space<vmem_shared>>)
    %dma_wait3A_487 = arith.constant 0 : i32
    %dma_wait3A_488 = tpu.memref_slice %arg13[%add3A_319, %dma_wait3A_487] : memref<10240x128xf32, #tpu.memory_space<vmem_shared>> -> memref<16x128xf32, #tpu.memory_space<vmem_shared>>
    %dma_wait3A_489 = arith.constant 0 : i32
    %dma_wait3A_490 = tpu.memref_slice %arg13[%add3A_319, %dma_wait3A_489] : memref<10240x128xf32, #tpu.memory_space<vmem_shared>> -> memref<16x128xf32, #tpu.memory_space<vmem_shared>>
    tpu.wait_dma2 semaphore(%arg24 : memref<!tpu.dma_semaphore, #tpu.memory_space<semaphore_mem>>) src(%arg12 : memref<16x128xf32, #tpu.memory_space<vmem>>) dst(%dma_wait3A_490 : memref<16x128xf32, #tpu.memory_space<vmem_shared>>)
    %dma_wait3A_491 = arith.constant 0 : i32
    %dma_wait3A_492 = tpu.memref_slice %arg13[%add3A_327, %dma_wait3A_491] : memref<10240x128xf32, #tpu.memory_space<vmem_shared>> -> memref<16x128xf32, #tpu.memory_space<vmem_shared>>
    %dma_wait3A_493 = arith.constant 0 : i32
    %dma_wait3A_494 = tpu.memref_slice %arg13[%add3A_327, %dma_wait3A_493] : memref<10240x128xf32, #tpu.memory_space<vmem_shared>> -> memref<16x128xf32, #tpu.memory_space<vmem_shared>>
    tpu.wait_dma2 semaphore(%arg24 : memref<!tpu.dma_semaphore, #tpu.memory_space<semaphore_mem>>) src(%arg12 : memref<16x128xf32, #tpu.memory_space<vmem>>) dst(%dma_wait3A_494 : memref<16x128xf32, #tpu.memory_space<vmem_shared>>)
    %dma_wait3A_495 = arith.constant 0 : i32
    %dma_wait3A_496 = tpu.memref_slice %arg13[%add3A_335, %dma_wait3A_495] : memref<10240x128xf32, #tpu.memory_space<vmem_shared>> -> memref<16x128xf32, #tpu.memory_space<vmem_shared>>
    %dma_wait3A_497 = arith.constant 0 : i32
    %dma_wait3A_498 = tpu.memref_slice %arg13[%add3A_335, %dma_wait3A_497] : memref<10240x128xf32, #tpu.memory_space<vmem_shared>> -> memref<16x128xf32, #tpu.memory_space<vmem_shared>>
    tpu.wait_dma2 semaphore(%arg24 : memref<!tpu.dma_semaphore, #tpu.memory_space<semaphore_mem>>) src(%arg12 : memref<16x128xf32, #tpu.memory_space<vmem>>) dst(%dma_wait3A_498 : memref<16x128xf32, #tpu.memory_space<vmem_shared>>)
    %barrier3A = arith.constant 0 : index
    tpu.barrier barrier_id(%barrier3A)
    %rem3A = arith.constant 1 : i32
    %rem3A_499 = arith.constant 16 : i32
    %rem3A_500 = arith.remsi %rem3A, %rem3A_499 : i32
    %mul3A_501 = arith.constant 8 : i32
    %mul3A_502 = arith.muli %rem3A_500, %mul3A_501 : i32
    %dma_start3A_503 = arith.constant 8 : i32
    %dma_start3A_504 = arith.constant 0 : i32
    %dma_start3A_505 = tpu.memref_slice %arg6[%dma_start3A_503, %dma_start3A_504] : memref<16x80xi32, #tpu.memory_space<vmem>> -> memref<8x80xi32, #tpu.memory_space<vmem>>
    %dma_start3A_506 = arith.constant 0 : i32
    %dma_start3A_507 = tpu.memref_slice %arg3[%add3A, %mul3A_502, %dma_start3A_506] : memref<32x128x80xi32, #tpu.memory_space<hbm>> -> memref<1x8x80xi32, #tpu.memory_space<hbm>>
    %dma_start3A_508 = tpu.memref_squeeze %dma_start3A_507 : memref<1x8x80xi32, #tpu.memory_space<hbm>> -> memref<8x80xi32, #tpu.memory_space<hbm>>
    %dma_start3A_509 = arith.constant 8 : i32
    %dma_start3A_510 = arith.constant 0 : i32
    %dma_start3A_511 = tpu.memref_slice %arg6[%dma_start3A_509, %dma_start3A_510] : memref<16x80xi32, #tpu.memory_space<vmem>> -> memref<8x80xi32, #tpu.memory_space<vmem>>
    %dma_start3A_512 = arith.constant 0 : i32
    %dma_start3A_513 = tpu.memref_slice %arg3[%add3A, %mul3A_502, %dma_start3A_512] : memref<32x128x80xi32, #tpu.memory_space<hbm>> -> memref<1x8x80xi32, #tpu.memory_space<hbm>>
    %dma_start3A_514 = tpu.memref_squeeze %dma_start3A_513 : memref<1x8x80xi32, #tpu.memory_space<hbm>> -> memref<8x80xi32, #tpu.memory_space<hbm>>
    tpu.enqueue_dma source(%dma_start3A_514 : memref<8x80xi32, #tpu.memory_space<hbm>>) target(%dma_start3A_511 : memref<8x80xi32, #tpu.memory_space<vmem>>) target_semaphore(%arg22 : memref<!tpu.dma_semaphore, #tpu.memory_space<semaphore_mem>>)
    %mul3A_515 = arith.constant 8 : i32
    %mul3A_516 = arith.muli %rem3A_500, %mul3A_515 : i32
    %dma_start3A_517 = arith.constant 8 : i32
    %dma_start3A_518 = arith.constant 0 : i32
    %dma_start3A_519 = tpu.memref_slice %arg7[%dma_start3A_517, %dma_start3A_518] : memref<16x80xi32, #tpu.memory_space<vmem>> -> memref<8x80xi32, #tpu.memory_space<vmem>>
    %dma_start3A_520 = arith.constant 0 : i32
    %dma_start3A_521 = tpu.memref_slice %arg4[%add3A, %mul3A_516, %dma_start3A_520] : memref<32x128x80xi32, #tpu.memory_space<hbm>> -> memref<1x8x80xi32, #tpu.memory_space<hbm>>
    %dma_start3A_522 = tpu.memref_squeeze %dma_start3A_521 : memref<1x8x80xi32, #tpu.memory_space<hbm>> -> memref<8x80xi32, #tpu.memory_space<hbm>>
    %dma_start3A_523 = arith.constant 8 : i32
    %dma_start3A_524 = arith.constant 0 : i32
    %dma_start3A_525 = tpu.memref_slice %arg7[%dma_start3A_523, %dma_start3A_524] : memref<16x80xi32, #tpu.memory_space<vmem>> -> memref<8x80xi32, #tpu.memory_space<vmem>>
    %dma_start3A_526 = arith.constant 0 : i32
    %dma_start3A_527 = tpu.memref_slice %arg4[%add3A, %mul3A_516, %dma_start3A_526] : memref<32x128x80xi32, #tpu.memory_space<hbm>> -> memref<1x8x80xi32, #tpu.memory_space<hbm>>
    %dma_start3A_528 = tpu.memref_squeeze %dma_start3A_527 : memref<1x8x80xi32, #tpu.memory_space<hbm>> -> memref<8x80xi32, #tpu.memory_space<hbm>>
    tpu.enqueue_dma source(%dma_start3A_528 : memref<8x80xi32, #tpu.memory_space<hbm>>) target(%dma_start3A_525 : memref<8x80xi32, #tpu.memory_space<vmem>>) target_semaphore(%arg23 : memref<!tpu.dma_semaphore, #tpu.memory_space<semaphore_mem>>)
    %dma_wait3A_529 = arith.constant 0 : i32
    %dma_wait3A_530 = arith.constant 0 : i32
    %dma_wait3A_531 = tpu.memref_slice %arg2[%dma_wait3A_529, %dma_wait3A_530] : memref<10240x128xf32, #tpu.memory_space<hbm>> -> memref<80x128xf32, #tpu.memory_space<hbm>>
    %dma_wait3A_532 = arith.constant 0 : i32
    %dma_wait3A_533 = arith.constant 0 : i32
    %dma_wait3A_534 = tpu.memref_slice %arg2[%dma_wait3A_532, %dma_wait3A_533] : memref<10240x128xf32, #tpu.memory_space<hbm>> -> memref<80x128xf32, #tpu.memory_space<hbm>>
    tpu.wait_dma2 semaphore(%arg14 : memref<!tpu.dma_semaphore, #tpu.memory_space<semaphore_mem>>) src(%dma_wait3A_534 : memref<80x128xf32, #tpu.memory_space<hbm>>) dst(%arg8 : memref<80x128xf32, #tpu.memory_space<vmem>>)
    %dma_start3A_535 = arith.constant 0 : i32
    %dma_start3A_536 = arith.constant 0 : i32
    %dma_start3A_537 = tpu.memref_slice %arg7[%dma_start3A_535, %dma_start3A_536] : memref<16x80xi32, #tpu.memory_space<vmem>> -> memref<1x80xi32, #tpu.memory_space<vmem>>
    %dma_start3A_538 = tpu.memref_squeeze %dma_start3A_537 : memref<1x80xi32, #tpu.memory_space<vmem>> -> memref<80xi32, #tpu.memory_space<vmem>>
    %dma_start3A_539 = arith.constant 0 : i32
    %dma_start3A_540 = arith.constant 0 : i32
    %dma_start3A_541 = tpu.memref_slice %arg13[%dma_start3A_539, %dma_start3A_540] : memref<10240x128xf32, #tpu.memory_space<vmem_shared>> -> memref<10240x128xf32, #tpu.memory_space<vmem_shared>>
    tpu.enqueue_indirect_dma source(%arg8 : memref<80x128xf32, #tpu.memory_space<vmem>>) target(%dma_start3A_541 : memref<10240x128xf32, #tpu.memory_space<vmem_shared>>) offsets(%dma_start3A_538 : memref<80xi32, #tpu.memory_space<vmem>>) semaphore(%arg18 : memref<!tpu.dma_semaphore, #tpu.memory_space<semaphore_mem>>) {add = true}
    %dma_start3A_542 = arith.constant 2 : i32
    %dma_start3A_543 = arith.constant 0 : i32
    %dma_start3A_544 = tpu.memref_slice %arg6[%dma_start3A_542, %dma_start3A_543] : memref<16x80xi32, #tpu.memory_space<vmem>> -> memref<1x80xi32, #tpu.memory_space<vmem>>
    %dma_start3A_545 = tpu.memref_squeeze %dma_start3A_544 : memref<1x80xi32, #tpu.memory_space<vmem>> -> memref<80xi32, #tpu.memory_space<vmem>>
    %dma_start3A_546 = arith.constant 0 : i32
    %dma_start3A_547 = arith.constant 0 : i32
    %dma_start3A_548 = tpu.memref_slice %arg2[%dma_start3A_546, %dma_start3A_547] : memref<10240x128xf32, #tpu.memory_space<hbm>> -> memref<10240x128xf32, #tpu.memory_space<hbm>>
    tpu.enqueue_indirect_dma source(%dma_start3A_548 : memref<10240x128xf32, #tpu.memory_space<hbm>>) target(%arg10 : memref<80x128xf32, #tpu.memory_space<vmem>>) offsets(%dma_start3A_545 : memref<80xi32, #tpu.memory_space<vmem>>) semaphore(%arg16 : memref<!tpu.dma_semaphore, #tpu.memory_space<semaphore_mem>>)
    %dma_wait3A_549 = arith.constant 0 : i32
    %dma_wait3A_550 = arith.constant 0 : i32
    %dma_wait3A_551 = tpu.memref_slice %arg2[%dma_wait3A_549, %dma_wait3A_550] : memref<10240x128xf32, #tpu.memory_space<hbm>> -> memref<80x128xf32, #tpu.memory_space<hbm>>
    %dma_wait3A_552 = arith.constant 0 : i32
    %dma_wait3A_553 = arith.constant 0 : i32
    %dma_wait3A_554 = tpu.memref_slice %arg2[%dma_wait3A_552, %dma_wait3A_553] : memref<10240x128xf32, #tpu.memory_space<hbm>> -> memref<80x128xf32, #tpu.memory_space<hbm>>
    tpu.wait_dma2 semaphore(%arg15 : memref<!tpu.dma_semaphore, #tpu.memory_space<semaphore_mem>>) src(%dma_wait3A_554 : memref<80x128xf32, #tpu.memory_space<hbm>>) dst(%arg9 : memref<80x128xf32, #tpu.memory_space<vmem>>)
    %dma_start3A_555 = arith.constant 1 : i32
    %dma_start3A_556 = arith.constant 0 : i32
    %dma_start3A_557 = tpu.memref_slice %arg7[%dma_start3A_555, %dma_start3A_556] : memref<16x80xi32, #tpu.memory_space<vmem>> -> memref<1x80xi32, #tpu.memory_space<vmem>>
    %dma_start3A_558 = tpu.memref_squeeze %dma_start3A_557 : memref<1x80xi32, #tpu.memory_space<vmem>> -> memref<80xi32, #tpu.memory_space<vmem>>
    %dma_start3A_559 = arith.constant 0 : i32
    %dma_start3A_560 = arith.constant 0 : i32
    %dma_start3A_561 = tpu.memref_slice %arg13[%dma_start3A_559, %dma_start3A_560] : memref<10240x128xf32, #tpu.memory_space<vmem_shared>> -> memref<10240x128xf32, #tpu.memory_space<vmem_shared>>
    tpu.enqueue_indirect_dma source(%arg9 : memref<80x128xf32, #tpu.memory_space<vmem>>) target(%dma_start3A_561 : memref<10240x128xf32, #tpu.memory_space<vmem_shared>>) offsets(%dma_start3A_558 : memref<80xi32, #tpu.memory_space<vmem>>) semaphore(%arg19 : memref<!tpu.dma_semaphore, #tpu.memory_space<semaphore_mem>>) {add = true}
    %dma_start3A_562 = arith.constant 3 : i32
    %dma_start3A_563 = arith.constant 0 : i32
    %dma_start3A_564 = tpu.memref_slice %arg6[%dma_start3A_562, %dma_start3A_563] : memref<16x80xi32, #tpu.memory_space<vmem>> -> memref<1x80xi32, #tpu.memory_space<vmem>>
    %dma_start3A_565 = tpu.memref_squeeze %dma_start3A_564 : memref<1x80xi32, #tpu.memory_space<vmem>> -> memref<80xi32, #tpu.memory_space<vmem>>
    %dma_start3A_566 = arith.constant 0 : i32
    %dma_start3A_567 = arith.constant 0 : i32
    %dma_start3A_568 = tpu.memref_slice %arg2[%dma_start3A_566, %dma_start3A_567] : memref<10240x128xf32, #tpu.memory_space<hbm>> -> memref<10240x128xf32, #tpu.memory_space<hbm>>
    tpu.enqueue_indirect_dma source(%dma_start3A_568 : memref<10240x128xf32, #tpu.memory_space<hbm>>) target(%arg11 : memref<80x128xf32, #tpu.memory_space<vmem>>) offsets(%dma_start3A_565 : memref<80xi32, #tpu.memory_space<vmem>>) semaphore(%arg17 : memref<!tpu.dma_semaphore, #tpu.memory_space<semaphore_mem>>)
    %dma_wait3A_569 = arith.constant 0 : i32
    %dma_wait3A_570 = arith.constant 0 : i32
    %dma_wait3A_571 = tpu.memref_slice %arg2[%dma_wait3A_569, %dma_wait3A_570] : memref<10240x128xf32, #tpu.memory_space<hbm>> -> memref<80x128xf32, #tpu.memory_space<hbm>>
    %dma_wait3A_572 = arith.constant 0 : i32
    %dma_wait3A_573 = arith.constant 0 : i32
    %dma_wait3A_574 = tpu.memref_slice %arg2[%dma_wait3A_572, %dma_wait3A_573] : memref<10240x128xf32, #tpu.memory_space<hbm>> -> memref<80x128xf32, #tpu.memory_space<hbm>>
    tpu.wait_dma2 semaphore(%arg16 : memref<!tpu.dma_semaphore, #tpu.memory_space<semaphore_mem>>) src(%dma_wait3A_574 : memref<80x128xf32, #tpu.memory_space<hbm>>) dst(%arg10 : memref<80x128xf32, #tpu.memory_space<vmem>>)
    %dma_start3A_575 = arith.constant 2 : i32
    %dma_start3A_576 = arith.constant 0 : i32
    %dma_start3A_577 = tpu.memref_slice %arg7[%dma_start3A_575, %dma_start3A_576] : memref<16x80xi32, #tpu.memory_space<vmem>> -> memref<1x80xi32, #tpu.memory_space<vmem>>
    %dma_start3A_578 = tpu.memref_squeeze %dma_start3A_577 : memref<1x80xi32, #tpu.memory_space<vmem>> -> memref<80xi32, #tpu.memory_space<vmem>>
    %dma_start3A_579 = arith.constant 0 : i32
    %dma_start3A_580 = arith.constant 0 : i32
    %dma_start3A_581 = tpu.memref_slice %arg13[%dma_start3A_579, %dma_start3A_580] : memref<10240x128xf32, #tpu.memory_space<vmem_shared>> -> memref<10240x128xf32, #tpu.memory_space<vmem_shared>>
    tpu.enqueue_indirect_dma source(%arg10 : memref<80x128xf32, #tpu.memory_space<vmem>>) target(%dma_start3A_581 : memref<10240x128xf32, #tpu.memory_space<vmem_shared>>) offsets(%dma_start3A_578 : memref<80xi32, #tpu.memory_space<vmem>>) semaphore(%arg20 : memref<!tpu.dma_semaphore, #tpu.memory_space<semaphore_mem>>) {add = true}
    %dma_wait3A_582 = arith.constant 0 : i32
    %dma_wait3A_583 = arith.constant 0 : i32
    %dma_wait3A_584 = tpu.memref_slice %arg7[%dma_wait3A_582, %dma_wait3A_583] : memref<16x80xi32, #tpu.memory_space<vmem>> -> memref<1x80xi32, #tpu.memory_space<vmem>>
    %dma_wait3A_585 = tpu.memref_squeeze %dma_wait3A_584 : memref<1x80xi32, #tpu.memory_space<vmem>> -> memref<80xi32, #tpu.memory_space<vmem>>
    %dma_wait3A_586 = arith.constant 0 : i32
    %dma_wait3A_587 = arith.constant 0 : i32
    %dma_wait3A_588 = tpu.memref_slice %arg13[%dma_wait3A_586, %dma_wait3A_587] : memref<10240x128xf32, #tpu.memory_space<vmem_shared>> -> memref<10240x128xf32, #tpu.memory_space<vmem_shared>>
    tpu.wait_indirect_dma semaphore(%arg18 : memref<!tpu.dma_semaphore, #tpu.memory_space<semaphore_mem>>) src(%arg8 : memref<80x128xf32, #tpu.memory_space<vmem>>) dst(%dma_wait3A_588 : memref<10240x128xf32, #tpu.memory_space<vmem_shared>>)
    %dma_start3A_589 = arith.constant 4 : i32
    %dma_start3A_590 = arith.constant 0 : i32
    %dma_start3A_591 = tpu.memref_slice %arg6[%dma_start3A_589, %dma_start3A_590] : memref<16x80xi32, #tpu.memory_space<vmem>> -> memref<1x80xi32, #tpu.memory_space<vmem>>
    %dma_start3A_592 = tpu.memref_squeeze %dma_start3A_591 : memref<1x80xi32, #tpu.memory_space<vmem>> -> memref<80xi32, #tpu.memory_space<vmem>>
    %dma_start3A_593 = arith.constant 0 : i32
    %dma_start3A_594 = arith.constant 0 : i32
    %dma_start3A_595 = tpu.memref_slice %arg2[%dma_start3A_593, %dma_start3A_594] : memref<10240x128xf32, #tpu.memory_space<hbm>> -> memref<10240x128xf32, #tpu.memory_space<hbm>>
    tpu.enqueue_indirect_dma source(%dma_start3A_595 : memref<10240x128xf32, #tpu.memory_space<hbm>>) target(%arg8 : memref<80x128xf32, #tpu.memory_space<vmem>>) offsets(%dma_start3A_592 : memref<80xi32, #tpu.memory_space<vmem>>) semaphore(%arg14 : memref<!tpu.dma_semaphore, #tpu.memory_space<semaphore_mem>>)
    %dma_wait3A_596 = arith.constant 0 : i32
    %dma_wait3A_597 = arith.constant 0 : i32
    %dma_wait3A_598 = tpu.memref_slice %arg2[%dma_wait3A_596, %dma_wait3A_597] : memref<10240x128xf32, #tpu.memory_space<hbm>> -> memref<80x128xf32, #tpu.memory_space<hbm>>
    %dma_wait3A_599 = arith.constant 0 : i32
    %dma_wait3A_600 = arith.constant 0 : i32
    %dma_wait3A_601 = tpu.memref_slice %arg2[%dma_wait3A_599, %dma_wait3A_600] : memref<10240x128xf32, #tpu.memory_space<hbm>> -> memref<80x128xf32, #tpu.memory_space<hbm>>
    tpu.wait_dma2 semaphore(%arg17 : memref<!tpu.dma_semaphore, #tpu.memory_space<semaphore_mem>>) src(%dma_wait3A_601 : memref<80x128xf32, #tpu.memory_space<hbm>>) dst(%arg11 : memref<80x128xf32, #tpu.memory_space<vmem>>)
    %dma_start3A_602 = arith.constant 3 : i32
    %dma_start3A_603 = arith.constant 0 : i32
    %dma_start3A_604 = tpu.memref_slice %arg7[%dma_start3A_602, %dma_start3A_603] : memref<16x80xi32, #tpu.memory_space<vmem>> -> memref<1x80xi32, #tpu.memory_space<vmem>>
    %dma_start3A_605 = tpu.memref_squeeze %dma_start3A_604 : memref<1x80xi32, #tpu.memory_space<vmem>> -> memref<80xi32, #tpu.memory_space<vmem>>
    %dma_start3A_606 = arith.constant 0 : i32
    %dma_start3A_607 = arith.constant 0 : i32
    %dma_start3A_608 = tpu.memref_slice %arg13[%dma_start3A_606, %dma_start3A_607] : memref<10240x128xf32, #tpu.memory_space<vmem_shared>> -> memref<10240x128xf32, #tpu.memory_space<vmem_shared>>
    tpu.enqueue_indirect_dma source(%arg11 : memref<80x128xf32, #tpu.memory_space<vmem>>) target(%dma_start3A_608 : memref<10240x128xf32, #tpu.memory_space<vmem_shared>>) offsets(%dma_start3A_605 : memref<80xi32, #tpu.memory_space<vmem>>) semaphore(%arg21 : memref<!tpu.dma_semaphore, #tpu.memory_space<semaphore_mem>>) {add = true}
    %dma_wait3A_609 = arith.constant 0 : i32
    %dma_wait3A_610 = arith.constant 0 : i32
    %dma_wait3A_611 = tpu.memref_slice %arg7[%dma_wait3A_609, %dma_wait3A_610] : memref<16x80xi32, #tpu.memory_space<vmem>> -> memref<1x80xi32, #tpu.memory_space<vmem>>
    %dma_wait3A_612 = tpu.memref_squeeze %dma_wait3A_611 : memref<1x80xi32, #tpu.memory_space<vmem>> -> memref<80xi32, #tpu.memory_space<vmem>>
    %dma_wait3A_613 = arith.constant 0 : i32
    %dma_wait3A_614 = arith.constant 0 : i32
    %dma_wait3A_615 = tpu.memref_slice %arg13[%dma_wait3A_613, %dma_wait3A_614] : memref<10240x128xf32, #tpu.memory_space<vmem_shared>> -> memref<10240x128xf32, #tpu.memory_space<vmem_shared>>
    tpu.wait_indirect_dma semaphore(%arg19 : memref<!tpu.dma_semaphore, #tpu.memory_space<semaphore_mem>>) src(%arg9 : memref<80x128xf32, #tpu.memory_space<vmem>>) dst(%dma_wait3A_615 : memref<10240x128xf32, #tpu.memory_space<vmem_shared>>)
    %dma_start3A_616 = arith.constant 5 : i32
    %dma_start3A_617 = arith.constant 0 : i32
    %dma_start3A_618 = tpu.memref_slice %arg6[%dma_start3A_616, %dma_start3A_617] : memref<16x80xi32, #tpu.memory_space<vmem>> -> memref<1x80xi32, #tpu.memory_space<vmem>>
    %dma_start3A_619 = tpu.memref_squeeze %dma_start3A_618 : memref<1x80xi32, #tpu.memory_space<vmem>> -> memref<80xi32, #tpu.memory_space<vmem>>
    %dma_start3A_620 = arith.constant 0 : i32
    %dma_start3A_621 = arith.constant 0 : i32
    %dma_start3A_622 = tpu.memref_slice %arg2[%dma_start3A_620, %dma_start3A_621] : memref<10240x128xf32, #tpu.memory_space<hbm>> -> memref<10240x128xf32, #tpu.memory_space<hbm>>
    tpu.enqueue_indirect_dma source(%dma_start3A_622 : memref<10240x128xf32, #tpu.memory_space<hbm>>) target(%arg9 : memref<80x128xf32, #tpu.memory_space<vmem>>) offsets(%dma_start3A_619 : memref<80xi32, #tpu.memory_space<vmem>>) semaphore(%arg15 : memref<!tpu.dma_semaphore, #tpu.memory_space<semaphore_mem>>)
    %dma_wait3A_623 = arith.constant 0 : i32
    %dma_wait3A_624 = arith.constant 0 : i32
    %dma_wait3A_625 = tpu.memref_slice %arg2[%dma_wait3A_623, %dma_wait3A_624] : memref<10240x128xf32, #tpu.memory_space<hbm>> -> memref<80x128xf32, #tpu.memory_space<hbm>>
    %dma_wait3A_626 = arith.constant 0 : i32
    %dma_wait3A_627 = arith.constant 0 : i32
    %dma_wait3A_628 = tpu.memref_slice %arg2[%dma_wait3A_626, %dma_wait3A_627] : memref<10240x128xf32, #tpu.memory_space<hbm>> -> memref<80x128xf32, #tpu.memory_space<hbm>>
    tpu.wait_dma2 semaphore(%arg14 : memref<!tpu.dma_semaphore, #tpu.memory_space<semaphore_mem>>) src(%dma_wait3A_628 : memref<80x128xf32, #tpu.memory_space<hbm>>) dst(%arg8 : memref<80x128xf32, #tpu.memory_space<vmem>>)
    %dma_start3A_629 = arith.constant 4 : i32
    %dma_start3A_630 = arith.constant 0 : i32
    %dma_start3A_631 = tpu.memref_slice %arg7[%dma_start3A_629, %dma_start3A_630] : memref<16x80xi32, #tpu.memory_space<vmem>> -> memref<1x80xi32, #tpu.memory_space<vmem>>
    %dma_start3A_632 = tpu.memref_squeeze %dma_start3A_631 : memref<1x80xi32, #tpu.memory_space<vmem>> -> memref<80xi32, #tpu.memory_space<vmem>>
    %dma_start3A_633 = arith.constant 0 : i32
    %dma_start3A_634 = arith.constant 0 : i32
    %dma_start3A_635 = tpu.memref_slice %arg13[%dma_start3A_633, %dma_start3A_634] : memref<10240x128xf32, #tpu.memory_space<vmem_shared>> -> memref<10240x128xf32, #tpu.memory_space<vmem_shared>>
    tpu.enqueue_indirect_dma source(%arg8 : memref<80x128xf32, #tpu.memory_space<vmem>>) target(%dma_start3A_635 : memref<10240x128xf32, #tpu.memory_space<vmem_shared>>) offsets(%dma_start3A_632 : memref<80xi32, #tpu.memory_space<vmem>>) semaphore(%arg18 : memref<!tpu.dma_semaphore, #tpu.memory_space<semaphore_mem>>) {add = true}
    %dma_wait3A_636 = arith.constant 0 : i32
    %dma_wait3A_637 = arith.constant 0 : i32
    %dma_wait3A_638 = tpu.memref_slice %arg7[%dma_wait3A_636, %dma_wait3A_637] : memref<16x80xi32, #tpu.memory_space<vmem>> -> memref<1x80xi32, #tpu.memory_space<vmem>>
    %dma_wait3A_639 = tpu.memref_squeeze %dma_wait3A_638 : memref<1x80xi32, #tpu.memory_space<vmem>> -> memref<80xi32, #tpu.memory_space<vmem>>
    %dma_wait3A_640 = arith.constant 0 : i32
    %dma_wait3A_641 = arith.constant 0 : i32
    %dma_wait3A_642 = tpu.memref_slice %arg13[%dma_wait3A_640, %dma_wait3A_641] : memref<10240x128xf32, #tpu.memory_space<vmem_shared>> -> memref<10240x128xf32, #tpu.memory_space<vmem_shared>>
    tpu.wait_indirect_dma semaphore(%arg20 : memref<!tpu.dma_semaphore, #tpu.memory_space<semaphore_mem>>) src(%arg10 : memref<80x128xf32, #tpu.memory_space<vmem>>) dst(%dma_wait3A_642 : memref<10240x128xf32, #tpu.memory_space<vmem_shared>>)
    %dma_start3A_643 = arith.constant 6 : i32
    %dma_start3A_644 = arith.constant 0 : i32
    %dma_start3A_645 = tpu.memref_slice %arg6[%dma_start3A_643, %dma_start3A_644] : memref<16x80xi32, #tpu.memory_space<vmem>> -> memref<1x80xi32, #tpu.memory_space<vmem>>
    %dma_start3A_646 = tpu.memref_squeeze %dma_start3A_645 : memref<1x80xi32, #tpu.memory_space<vmem>> -> memref<80xi32, #tpu.memory_space<vmem>>
    %dma_start3A_647 = arith.constant 0 : i32
    %dma_start3A_648 = arith.constant 0 : i32
    %dma_start3A_649 = tpu.memref_slice %arg2[%dma_start3A_647, %dma_start3A_648] : memref<10240x128xf32, #tpu.memory_space<hbm>> -> memref<10240x128xf32, #tpu.memory_space<hbm>>
    tpu.enqueue_indirect_dma source(%dma_start3A_649 : memref<10240x128xf32, #tpu.memory_space<hbm>>) target(%arg10 : memref<80x128xf32, #tpu.memory_space<vmem>>) offsets(%dma_start3A_646 : memref<80xi32, #tpu.memory_space<vmem>>) semaphore(%arg16 : memref<!tpu.dma_semaphore, #tpu.memory_space<semaphore_mem>>)
    %dma_wait3A_650 = arith.constant 0 : i32
    %dma_wait3A_651 = arith.constant 0 : i32
    %dma_wait3A_652 = tpu.memref_slice %arg2[%dma_wait3A_650, %dma_wait3A_651] : memref<10240x128xf32, #tpu.memory_space<hbm>> -> memref<80x128xf32, #tpu.memory_space<hbm>>
    %dma_wait3A_653 = arith.constant 0 : i32
    %dma_wait3A_654 = arith.constant 0 : i32
    %dma_wait3A_655 = tpu.memref_slice %arg2[%dma_wait3A_653, %dma_wait3A_654] : memref<10240x128xf32, #tpu.memory_space<hbm>> -> memref<80x128xf32, #tpu.memory_space<hbm>>
    tpu.wait_dma2 semaphore(%arg15 : memref<!tpu.dma_semaphore, #tpu.memory_space<semaphore_mem>>) src(%dma_wait3A_655 : memref<80x128xf32, #tpu.memory_space<hbm>>) dst(%arg9 : memref<80x128xf32, #tpu.memory_space<vmem>>)
    %dma_start3A_656 = arith.constant 5 : i32
    %dma_start3A_657 = arith.constant 0 : i32
    %dma_start3A_658 = tpu.memref_slice %arg7[%dma_start3A_656, %dma_start3A_657] : memref<16x80xi32, #tpu.memory_space<vmem>> -> memref<1x80xi32, #tpu.memory_space<vmem>>
    %dma_start3A_659 = tpu.memref_squeeze %dma_start3A_658 : memref<1x80xi32, #tpu.memory_space<vmem>> -> memref<80xi32, #tpu.memory_space<vmem>>
    %dma_start3A_660 = arith.constant 0 : i32
    %dma_start3A_661 = arith.constant 0 : i32
    %dma_start3A_662 = tpu.memref_slice %arg13[%dma_start3A_660, %dma_start3A_661] : memref<10240x128xf32, #tpu.memory_space<vmem_shared>> -> memref<10240x128xf32, #tpu.memory_space<vmem_shared>>
    tpu.enqueue_indirect_dma source(%arg9 : memref<80x128xf32, #tpu.memory_space<vmem>>) target(%dma_start3A_662 : memref<10240x128xf32, #tpu.memory_space<vmem_shared>>) offsets(%dma_start3A_659 : memref<80xi32, #tpu.memory_space<vmem>>) semaphore(%arg19 : memref<!tpu.dma_semaphore, #tpu.memory_space<semaphore_mem>>) {add = true}
    %dma_wait3A_663 = arith.constant 0 : i32
    %dma_wait3A_664 = arith.constant 0 : i32
    %dma_wait3A_665 = tpu.memref_slice %arg7[%dma_wait3A_663, %dma_wait3A_664] : memref<16x80xi32, #tpu.memory_space<vmem>> -> memref<1x80xi32, #tpu.memory_space<vmem>>
    %dma_wait3A_666 = tpu.memref_squeeze %dma_wait3A_665 : memref<1x80xi32, #tpu.memory_space<vmem>> -> memref<80xi32, #tpu.memory_space<vmem>>
    %dma_wait3A_667 = arith.constant 0 : i32
    %dma_wait3A_668 = arith.constant 0 : i32
    %dma_wait3A_669 = tpu.memref_slice %arg13[%dma_wait3A_667, %dma_wait3A_668] : memref<10240x128xf32, #tpu.memory_space<vmem_shared>> -> memref<10240x128xf32, #tpu.memory_space<vmem_shared>>
    tpu.wait_indirect_dma semaphore(%arg21 : memref<!tpu.dma_semaphore, #tpu.memory_space<semaphore_mem>>) src(%arg11 : memref<80x128xf32, #tpu.memory_space<vmem>>) dst(%dma_wait3A_669 : memref<10240x128xf32, #tpu.memory_space<vmem_shared>>)
    %dma_start3A_670 = arith.constant 7 : i32
    %dma_start3A_671 = arith.constant 0 : i32
    %dma_start3A_672 = tpu.memref_slice %arg6[%dma_start3A_670, %dma_start3A_671] : memref<16x80xi32, #tpu.memory_space<vmem>> -> memref<1x80xi32, #tpu.memory_space<vmem>>
    %dma_start3A_673 = tpu.memref_squeeze %dma_start3A_672 : memref<1x80xi32, #tpu.memory_space<vmem>> -> memref<80xi32, #tpu.memory_space<vmem>>
    %dma_start3A_674 = arith.constant 0 : i32
    %dma_start3A_675 = arith.constant 0 : i32
    %dma_start3A_676 = tpu.memref_slice %arg2[%dma_start3A_674, %dma_start3A_675] : memref<10240x128xf32, #tpu.memory_space<hbm>> -> memref<10240x128xf32, #tpu.memory_space<hbm>>
    tpu.enqueue_indirect_dma source(%dma_start3A_676 : memref<10240x128xf32, #tpu.memory_space<hbm>>) target(%arg11 : memref<80x128xf32, #tpu.memory_space<vmem>>) offsets(%dma_start3A_673 : memref<80xi32, #tpu.memory_space<vmem>>) semaphore(%arg17 : memref<!tpu.dma_semaphore, #tpu.memory_space<semaphore_mem>>)
    %dma_wait3A_677 = arith.constant 0 : i32
    %dma_wait3A_678 = arith.constant 0 : i32
    %dma_wait3A_679 = tpu.memref_slice %arg2[%dma_wait3A_677, %dma_wait3A_678] : memref<10240x128xf32, #tpu.memory_space<hbm>> -> memref<80x128xf32, #tpu.memory_space<hbm>>
    %dma_wait3A_680 = arith.constant 0 : i32
    %dma_wait3A_681 = arith.constant 0 : i32
    %dma_wait3A_682 = tpu.memref_slice %arg2[%dma_wait3A_680, %dma_wait3A_681] : memref<10240x128xf32, #tpu.memory_space<hbm>> -> memref<80x128xf32, #tpu.memory_space<hbm>>
    tpu.wait_dma2 semaphore(%arg16 : memref<!tpu.dma_semaphore, #tpu.memory_space<semaphore_mem>>) src(%dma_wait3A_682 : memref<80x128xf32, #tpu.memory_space<hbm>>) dst(%arg10 : memref<80x128xf32, #tpu.memory_space<vmem>>)
    %dma_start3A_683 = arith.constant 6 : i32
    %dma_start3A_684 = arith.constant 0 : i32
    %dma_start3A_685 = tpu.memref_slice %arg7[%dma_start3A_683, %dma_start3A_684] : memref<16x80xi32, #tpu.memory_space<vmem>> -> memref<1x80xi32, #tpu.memory_space<vmem>>
    %dma_start3A_686 = tpu.memref_squeeze %dma_start3A_685 : memref<1x80xi32, #tpu.memory_space<vmem>> -> memref<80xi32, #tpu.memory_space<vmem>>
    %dma_start3A_687 = arith.constant 0 : i32
    %dma_start3A_688 = arith.constant 0 : i32
    %dma_start3A_689 = tpu.memref_slice %arg13[%dma_start3A_687, %dma_start3A_688] : memref<10240x128xf32, #tpu.memory_space<vmem_shared>> -> memref<10240x128xf32, #tpu.memory_space<vmem_shared>>
    tpu.enqueue_indirect_dma source(%arg10 : memref<80x128xf32, #tpu.memory_space<vmem>>) target(%dma_start3A_689 : memref<10240x128xf32, #tpu.memory_space<vmem_shared>>) offsets(%dma_start3A_686 : memref<80xi32, #tpu.memory_space<vmem>>) semaphore(%arg20 : memref<!tpu.dma_semaphore, #tpu.memory_space<semaphore_mem>>) {add = true}
    %dma_wait3A_690 = arith.constant 0 : i32
    %dma_wait3A_691 = arith.constant 0 : i32
    %dma_wait3A_692 = tpu.memref_slice %arg7[%dma_wait3A_690, %dma_wait3A_691] : memref<16x80xi32, #tpu.memory_space<vmem>> -> memref<1x80xi32, #tpu.memory_space<vmem>>
    %dma_wait3A_693 = tpu.memref_squeeze %dma_wait3A_692 : memref<1x80xi32, #tpu.memory_space<vmem>> -> memref<80xi32, #tpu.memory_space<vmem>>
    %dma_wait3A_694 = arith.constant 0 : i32
    %dma_wait3A_695 = arith.constant 0 : i32
    %dma_wait3A_696 = tpu.memref_slice %arg13[%dma_wait3A_694, %dma_wait3A_695] : memref<10240x128xf32, #tpu.memory_space<vmem_shared>> -> memref<10240x128xf32, #tpu.memory_space<vmem_shared>>
    tpu.wait_indirect_dma semaphore(%arg18 : memref<!tpu.dma_semaphore, #tpu.memory_space<semaphore_mem>>) src(%arg8 : memref<80x128xf32, #tpu.memory_space<vmem>>) dst(%dma_wait3A_696 : memref<10240x128xf32, #tpu.memory_space<vmem_shared>>)
    %dma_wait3A_697 = arith.constant 8 : i32
    %dma_wait3A_698 = arith.constant 0 : i32
    %dma_wait3A_699 = tpu.memref_slice %arg6[%dma_wait3A_697, %dma_wait3A_698] : memref<16x80xi32, #tpu.memory_space<vmem>> -> memref<8x80xi32, #tpu.memory_space<vmem>>
    %dma_wait3A_700 = arith.constant 0 : i32
    %dma_wait3A_701 = tpu.memref_slice %arg3[%add3A, %mul3A_502, %dma_wait3A_700] : memref<32x128x80xi32, #tpu.memory_space<hbm>> -> memref<1x8x80xi32, #tpu.memory_space<hbm>>
    %dma_wait3A_702 = tpu.memref_squeeze %dma_wait3A_701 : memref<1x8x80xi32, #tpu.memory_space<hbm>> -> memref<8x80xi32, #tpu.memory_space<hbm>>
    %dma_wait3A_703 = arith.constant 8 : i32
    %dma_wait3A_704 = arith.constant 0 : i32
    %dma_wait3A_705 = tpu.memref_slice %arg6[%dma_wait3A_703, %dma_wait3A_704] : memref<16x80xi32, #tpu.memory_space<vmem>> -> memref<8x80xi32, #tpu.memory_space<vmem>>
    %dma_wait3A_706 = arith.constant 0 : i32
    %dma_wait3A_707 = tpu.memref_slice %arg3[%add3A, %mul3A_502, %dma_wait3A_706] : memref<32x128x80xi32, #tpu.memory_space<hbm>> -> memref<1x8x80xi32, #tpu.memory_space<hbm>>
    %dma_wait3A_708 = tpu.memref_squeeze %dma_wait3A_707 : memref<1x8x80xi32, #tpu.memory_space<hbm>> -> memref<8x80xi32, #tpu.memory_space<hbm>>
    tpu.wait_dma2 semaphore(%arg22 : memref<!tpu.dma_semaphore, #tpu.memory_space<semaphore_mem>>) src(%dma_wait3A_708 : memref<8x80xi32, #tpu.memory_space<hbm>>) dst(%dma_wait3A_705 : memref<8x80xi32, #tpu.memory_space<vmem>>)
    %dma_wait3A_709 = arith.constant 8 : i32
    %dma_wait3A_710 = arith.constant 0 : i32
    %dma_wait3A_711 = tpu.memref_slice %arg7[%dma_wait3A_709, %dma_wait3A_710] : memref<16x80xi32, #tpu.memory_space<vmem>> -> memref<8x80xi32, #tpu.memory_space<vmem>>
    %dma_wait3A_712 = arith.constant 0 : i32
    %dma_wait3A_713 = tpu.memref_slice %arg4[%add3A, %mul3A_516, %dma_wait3A_712] : memref<32x128x80xi32, #tpu.memory_space<hbm>> -> memref<1x8x80xi32, #tpu.memory_space<hbm>>
    %dma_wait3A_714 = tpu.memref_squeeze %dma_wait3A_713 : memref<1x8x80xi32, #tpu.memory_space<hbm>> -> memref<8x80xi32, #tpu.memory_space<hbm>>
    %dma_wait3A_715 = arith.constant 8 : i32
    %dma_wait3A_716 = arith.constant 0 : i32
    %dma_wait3A_717 = tpu.memref_slice %arg7[%dma_wait3A_715, %dma_wait3A_716] : memref<16x80xi32, #tpu.memory_space<vmem>> -> memref<8x80xi32, #tpu.memory_space<vmem>>
    %dma_wait3A_718 = arith.constant 0 : i32
    %dma_wait3A_719 = tpu.memref_slice %arg4[%add3A, %mul3A_516, %dma_wait3A_718] : memref<32x128x80xi32, #tpu.memory_space<hbm>> -> memref<1x8x80xi32, #tpu.memory_space<hbm>>
    %dma_wait3A_720 = tpu.memref_squeeze %dma_wait3A_719 : memref<1x8x80xi32, #tpu.memory_space<hbm>> -> memref<8x80xi32, #tpu.memory_space<hbm>>
    tpu.wait_dma2 semaphore(%arg23 : memref<!tpu.dma_semaphore, #tpu.memory_space<semaphore_mem>>) src(%dma_wait3A_720 : memref<8x80xi32, #tpu.memory_space<hbm>>) dst(%dma_wait3A_717 : memref<8x80xi32, #tpu.memory_space<vmem>>)
    %dma_start3A_721 = arith.constant 8 : i32
    %dma_start3A_722 = arith.constant 0 : i32
    %dma_start3A_723 = tpu.memref_slice %arg6[%dma_start3A_721, %dma_start3A_722] : memref<16x80xi32, #tpu.memory_space<vmem>> -> memref<1x80xi32, #tpu.memory_space<vmem>>
    %dma_start3A_724 = tpu.memref_squeeze %dma_start3A_723 : memref<1x80xi32, #tpu.memory_space<vmem>> -> memref<80xi32, #tpu.memory_space<vmem>>
    %dma_start3A_725 = arith.constant 0 : i32
    %dma_start3A_726 = arith.constant 0 : i32
    %dma_start3A_727 = tpu.memref_slice %arg2[%dma_start3A_725, %dma_start3A_726] : memref<10240x128xf32, #tpu.memory_space<hbm>> -> memref<10240x128xf32, #tpu.memory_space<hbm>>
    tpu.enqueue_indirect_dma source(%dma_start3A_727 : memref<10240x128xf32, #tpu.memory_space<hbm>>) target(%arg8 : memref<80x128xf32, #tpu.memory_space<vmem>>) offsets(%dma_start3A_724 : memref<80xi32, #tpu.memory_space<vmem>>) semaphore(%arg14 : memref<!tpu.dma_semaphore, #tpu.memory_space<semaphore_mem>>)
    %dma_wait3A_728 = arith.constant 0 : i32
    %dma_wait3A_729 = arith.constant 0 : i32
    %dma_wait3A_730 = tpu.memref_slice %arg2[%dma_wait3A_728, %dma_wait3A_729] : memref<10240x128xf32, #tpu.memory_space<hbm>> -> memref<80x128xf32, #tpu.memory_space<hbm>>
    %dma_wait3A_731 = arith.constant 0 : i32
    %dma_wait3A_732 = arith.constant 0 : i32
    %dma_wait3A_733 = tpu.memref_slice %arg2[%dma_wait3A_731, %dma_wait3A_732] : memref<10240x128xf32, #tpu.memory_space<hbm>> -> memref<80x128xf32, #tpu.memory_space<hbm>>
    tpu.wait_dma2 semaphore(%arg17 : memref<!tpu.dma_semaphore, #tpu.memory_space<semaphore_mem>>) src(%dma_wait3A_733 : memref<80x128xf32, #tpu.memory_space<hbm>>) dst(%arg11 : memref<80x128xf32, #tpu.memory_space<vmem>>)
    %dma_start3A_734 = arith.constant 7 : i32
    %dma_start3A_735 = arith.constant 0 : i32
    %dma_start3A_736 = tpu.memref_slice %arg7[%dma_start3A_734, %dma_start3A_735] : memref<16x80xi32, #tpu.memory_space<vmem>> -> memref<1x80xi32, #tpu.memory_space<vmem>>
    %dma_start3A_737 = tpu.memref_squeeze %dma_start3A_736 : memref<1x80xi32, #tpu.memory_space<vmem>> -> memref<80xi32, #tpu.memory_space<vmem>>
    %dma_start3A_738 = arith.constant 0 : i32
    %dma_start3A_739 = arith.constant 0 : i32
    %dma_start3A_740 = tpu.memref_slice %arg13[%dma_start3A_738, %dma_start3A_739] : memref<10240x128xf32, #tpu.memory_space<vmem_shared>> -> memref<10240x128xf32, #tpu.memory_space<vmem_shared>>
    tpu.enqueue_indirect_dma source(%arg11 : memref<80x128xf32, #tpu.memory_space<vmem>>) target(%dma_start3A_740 : memref<10240x128xf32, #tpu.memory_space<vmem_shared>>) offsets(%dma_start3A_737 : memref<80xi32, #tpu.memory_space<vmem>>) semaphore(%arg21 : memref<!tpu.dma_semaphore, #tpu.memory_space<semaphore_mem>>) {add = true}
    %dma_wait3A_741 = arith.constant 0 : i32
    %dma_wait3A_742 = arith.constant 0 : i32
    %dma_wait3A_743 = tpu.memref_slice %arg7[%dma_wait3A_741, %dma_wait3A_742] : memref<16x80xi32, #tpu.memory_space<vmem>> -> memref<1x80xi32, #tpu.memory_space<vmem>>
    %dma_wait3A_744 = tpu.memref_squeeze %dma_wait3A_743 : memref<1x80xi32, #tpu.memory_space<vmem>> -> memref<80xi32, #tpu.memory_space<vmem>>
    %dma_wait3A_745 = arith.constant 0 : i32
    %dma_wait3A_746 = arith.constant 0 : i32
    %dma_wait3A_747 = tpu.memref_slice %arg13[%dma_wait3A_745, %dma_wait3A_746] : memref<10240x128xf32, #tpu.memory_space<vmem_shared>> -> memref<10240x128xf32, #tpu.memory_space<vmem_shared>>
    tpu.wait_indirect_dma semaphore(%arg19 : memref<!tpu.dma_semaphore, #tpu.memory_space<semaphore_mem>>) src(%arg9 : memref<80x128xf32, #tpu.memory_space<vmem>>) dst(%dma_wait3A_747 : memref<10240x128xf32, #tpu.memory_space<vmem_shared>>)
    %dma_start3A_748 = arith.constant 9 : i32
    %dma_start3A_749 = arith.constant 0 : i32
    %dma_start3A_750 = tpu.memref_slice %arg6[%dma_start3A_748, %dma_start3A_749] : memref<16x80xi32, #tpu.memory_space<vmem>> -> memref<1x80xi32, #tpu.memory_space<vmem>>
    %dma_start3A_751 = tpu.memref_squeeze %dma_start3A_750 : memref<1x80xi32, #tpu.memory_space<vmem>> -> memref<80xi32, #tpu.memory_space<vmem>>
    %dma_start3A_752 = arith.constant 0 : i32
    %dma_start3A_753 = arith.constant 0 : i32
    %dma_start3A_754 = tpu.memref_slice %arg2[%dma_start3A_752, %dma_start3A_753] : memref<10240x128xf32, #tpu.memory_space<hbm>> -> memref<10240x128xf32, #tpu.memory_space<hbm>>
    tpu.enqueue_indirect_dma source(%dma_start3A_754 : memref<10240x128xf32, #tpu.memory_space<hbm>>) target(%arg9 : memref<80x128xf32, #tpu.memory_space<vmem>>) offsets(%dma_start3A_751 : memref<80xi32, #tpu.memory_space<vmem>>) semaphore(%arg15 : memref<!tpu.dma_semaphore, #tpu.memory_space<semaphore_mem>>)
    %scan3A_755 = arith.constant 0 : i32
    %scan3A_756 = arith.constant 1 : i32
    %scan3A_757 = arith.constant 15 : i32
    %scan3A_758 = arith.addi %scan3A_756, %scan3A_757 : i32
    %scan3A_759 = arith.constant 1 : i32
    %scan3A_760 = scf.for %scan3A_793 = %scan3A_756 to %scan3A_758 step %scan3A_759 iter_args(%scan3A_794 = %scan3A_755) -> (i32)  : i32 {
      %rem3A_795 = arith.constant 2 : i32
      %rem3A_796 = arith.remsi %scan3A_793, %rem3A_795 : i32
      %sub3A = arith.constant 1 : i32
      %sub3A_797 = arith.subi %sub3A, %rem3A_796 : i32
      %add3A_798 = arith.constant 1 : i32
      %add3A_799 = arith.addi %scan3A_793, %add3A_798 : i32
      %rem3A_800 = arith.constant 16 : i32
      %rem3A_801 = arith.remsi %add3A_799, %rem3A_800 : i32
      %mul3A_802 = arith.constant 8 : i32
      %mul3A_803 = arith.muli %rem3A_801, %mul3A_802 : i32
      %mul3A_804 = arith.constant 8 : i32
      %mul3A_805 = arith.muli %sub3A_797, %mul3A_804 : i32
      %dma_start3A_806 = arith.constant 0 : i32
      %dma_start3A_807 = tpu.memref_slice %arg6[%mul3A_805, %dma_start3A_806] : memref<16x80xi32, #tpu.memory_space<vmem>> -> memref<8x80xi32, #tpu.memory_space<vmem>>
      %dma_start3A_808 = arith.constant 0 : i32
      %dma_start3A_809 = tpu.memref_slice %arg3[%add3A, %mul3A_803, %dma_start3A_808] : memref<32x128x80xi32, #tpu.memory_space<hbm>> -> memref<1x8x80xi32, #tpu.memory_space<hbm>>
      %dma_start3A_810 = tpu.memref_squeeze %dma_start3A_809 : memref<1x8x80xi32, #tpu.memory_space<hbm>> -> memref<8x80xi32, #tpu.memory_space<hbm>>
      %dma_start3A_811 = arith.constant 0 : i32
      %dma_start3A_812 = tpu.memref_slice %arg6[%mul3A_805, %dma_start3A_811] : memref<16x80xi32, #tpu.memory_space<vmem>> -> memref<8x80xi32, #tpu.memory_space<vmem>>
      %dma_start3A_813 = arith.constant 0 : i32
      %dma_start3A_814 = tpu.memref_slice %arg3[%add3A, %mul3A_803, %dma_start3A_813] : memref<32x128x80xi32, #tpu.memory_space<hbm>> -> memref<1x8x80xi32, #tpu.memory_space<hbm>>
      %dma_start3A_815 = tpu.memref_squeeze %dma_start3A_814 : memref<1x8x80xi32, #tpu.memory_space<hbm>> -> memref<8x80xi32, #tpu.memory_space<hbm>>
      tpu.enqueue_dma source(%dma_start3A_815 : memref<8x80xi32, #tpu.memory_space<hbm>>) target(%dma_start3A_812 : memref<8x80xi32, #tpu.memory_space<vmem>>) target_semaphore(%arg22 : memref<!tpu.dma_semaphore, #tpu.memory_space<semaphore_mem>>)
      %mul3A_816 = arith.constant 8 : i32
      %mul3A_817 = arith.muli %rem3A_801, %mul3A_816 : i32
      %mul3A_818 = arith.constant 8 : i32
      %mul3A_819 = arith.muli %sub3A_797, %mul3A_818 : i32
      %dma_start3A_820 = arith.constant 0 : i32
      %dma_start3A_821 = tpu.memref_slice %arg7[%mul3A_819, %dma_start3A_820] : memref<16x80xi32, #tpu.memory_space<vmem>> -> memref<8x80xi32, #tpu.memory_space<vmem>>
      %dma_start3A_822 = arith.constant 0 : i32
      %dma_start3A_823 = tpu.memref_slice %arg4[%add3A, %mul3A_817, %dma_start3A_822] : memref<32x128x80xi32, #tpu.memory_space<hbm>> -> memref<1x8x80xi32, #tpu.memory_space<hbm>>
      %dma_start3A_824 = tpu.memref_squeeze %dma_start3A_823 : memref<1x8x80xi32, #tpu.memory_space<hbm>> -> memref<8x80xi32, #tpu.memory_space<hbm>>
      %dma_start3A_825 = arith.constant 0 : i32
      %dma_start3A_826 = tpu.memref_slice %arg7[%mul3A_819, %dma_start3A_825] : memref<16x80xi32, #tpu.memory_space<vmem>> -> memref<8x80xi32, #tpu.memory_space<vmem>>
      %dma_start3A_827 = arith.constant 0 : i32
      %dma_start3A_828 = tpu.memref_slice %arg4[%add3A, %mul3A_817, %dma_start3A_827] : memref<32x128x80xi32, #tpu.memory_space<hbm>> -> memref<1x8x80xi32, #tpu.memory_space<hbm>>
      %dma_start3A_829 = tpu.memref_squeeze %dma_start3A_828 : memref<1x8x80xi32, #tpu.memory_space<hbm>> -> memref<8x80xi32, #tpu.memory_space<hbm>>
      tpu.enqueue_dma source(%dma_start3A_829 : memref<8x80xi32, #tpu.memory_space<hbm>>) target(%dma_start3A_826 : memref<8x80xi32, #tpu.memory_space<vmem>>) target_semaphore(%arg23 : memref<!tpu.dma_semaphore, #tpu.memory_space<semaphore_mem>>)
      %dma_wait3A_830 = arith.constant 0 : i32
      %dma_wait3A_831 = arith.constant 0 : i32
      %dma_wait3A_832 = tpu.memref_slice %arg2[%dma_wait3A_830, %dma_wait3A_831] : memref<10240x128xf32, #tpu.memory_space<hbm>> -> memref<80x128xf32, #tpu.memory_space<hbm>>
      %dma_wait3A_833 = arith.constant 0 : i32
      %dma_wait3A_834 = arith.constant 0 : i32
      %dma_wait3A_835 = tpu.memref_slice %arg2[%dma_wait3A_833, %dma_wait3A_834] : memref<10240x128xf32, #tpu.memory_space<hbm>> -> memref<80x128xf32, #tpu.memory_space<hbm>>
      tpu.wait_dma2 semaphore(%arg14 : memref<!tpu.dma_semaphore, #tpu.memory_space<semaphore_mem>>) src(%dma_wait3A_835 : memref<80x128xf32, #tpu.memory_space<hbm>>) dst(%arg8 : memref<80x128xf32, #tpu.memory_space<vmem>>)
      %mul3A_836 = arith.constant 8 : i32
      %mul3A_837 = arith.muli %rem3A_796, %mul3A_836 : i32
      %add3A_838 = arith.constant 0 : i32
      %add3A_839 = arith.addi %mul3A_837, %add3A_838 : i32
      %dma_start3A_840 = arith.constant 0 : i32
      %dma_start3A_841 = tpu.memref_slice %arg7[%add3A_839, %dma_start3A_840] : memref<16x80xi32, #tpu.memory_space<vmem>> -> memref<1x80xi32, #tpu.memory_space<vmem>>
      %dma_start3A_842 = tpu.memref_squeeze %dma_start3A_841 : memref<1x80xi32, #tpu.memory_space<vmem>> -> memref<80xi32, #tpu.memory_space<vmem>>
      %dma_start3A_843 = arith.constant 0 : i32
      %dma_start3A_844 = arith.constant 0 : i32
      %dma_start3A_845 = tpu.memref_slice %arg13[%dma_start3A_843, %dma_start3A_844] : memref<10240x128xf32, #tpu.memory_space<vmem_shared>> -> memref<10240x128xf32, #tpu.memory_space<vmem_shared>>
      tpu.enqueue_indirect_dma source(%arg8 : memref<80x128xf32, #tpu.memory_space<vmem>>) target(%dma_start3A_845 : memref<10240x128xf32, #tpu.memory_space<vmem_shared>>) offsets(%dma_start3A_842 : memref<80xi32, #tpu.memory_space<vmem>>) semaphore(%arg18 : memref<!tpu.dma_semaphore, #tpu.memory_space<semaphore_mem>>) {add = true}
      %dma_wait3A_846 = arith.constant 0 : i32
      %dma_wait3A_847 = arith.constant 0 : i32
      %dma_wait3A_848 = tpu.memref_slice %arg7[%dma_wait3A_846, %dma_wait3A_847] : memref<16x80xi32, #tpu.memory_space<vmem>> -> memref<1x80xi32, #tpu.memory_space<vmem>>
      %dma_wait3A_849 = tpu.memref_squeeze %dma_wait3A_848 : memref<1x80xi32, #tpu.memory_space<vmem>> -> memref<80xi32, #tpu.memory_space<vmem>>
      %dma_wait3A_850 = arith.constant 0 : i32
      %dma_wait3A_851 = arith.constant 0 : i32
      %dma_wait3A_852 = tpu.memref_slice %arg13[%dma_wait3A_850, %dma_wait3A_851] : memref<10240x128xf32, #tpu.memory_space<vmem_shared>> -> memref<10240x128xf32, #tpu.memory_space<vmem_shared>>
      tpu.wait_indirect_dma semaphore(%arg20 : memref<!tpu.dma_semaphore, #tpu.memory_space<semaphore_mem>>) src(%arg10 : memref<80x128xf32, #tpu.memory_space<vmem>>) dst(%dma_wait3A_852 : memref<10240x128xf32, #tpu.memory_space<vmem_shared>>)
      %mul3A_853 = arith.constant 8 : i32
      %mul3A_854 = arith.muli %rem3A_796, %mul3A_853 : i32
      %add3A_855 = arith.constant 0 : i32
      %add3A_856 = arith.addi %mul3A_854, %add3A_855 : i32
      %add3A_857 = arith.constant 2 : i32
      %add3A_858 = arith.addi %add3A_856, %add3A_857 : i32
      %dma_start3A_859 = arith.constant 0 : i32
      %dma_start3A_860 = tpu.memref_slice %arg6[%add3A_858, %dma_start3A_859] : memref<16x80xi32, #tpu.memory_space<vmem>> -> memref<1x80xi32, #tpu.memory_space<vmem>>
      %dma_start3A_861 = tpu.memref_squeeze %dma_start3A_860 : memref<1x80xi32, #tpu.memory_space<vmem>> -> memref<80xi32, #tpu.memory_space<vmem>>
      %dma_start3A_862 = arith.constant 0 : i32
      %dma_start3A_863 = arith.constant 0 : i32
      %dma_start3A_864 = tpu.memref_slice %arg2[%dma_start3A_862, %dma_start3A_863] : memref<10240x128xf32, #tpu.memory_space<hbm>> -> memref<10240x128xf32, #tpu.memory_space<hbm>>
      tpu.enqueue_indirect_dma source(%dma_start3A_864 : memref<10240x128xf32, #tpu.memory_space<hbm>>) target(%arg10 : memref<80x128xf32, #tpu.memory_space<vmem>>) offsets(%dma_start3A_861 : memref<80xi32, #tpu.memory_space<vmem>>) semaphore(%arg16 : memref<!tpu.dma_semaphore, #tpu.memory_space<semaphore_mem>>)
      %dma_wait3A_865 = arith.constant 0 : i32
      %dma_wait3A_866 = arith.constant 0 : i32
      %dma_wait3A_867 = tpu.memref_slice %arg2[%dma_wait3A_865, %dma_wait3A_866] : memref<10240x128xf32, #tpu.memory_space<hbm>> -> memref<80x128xf32, #tpu.memory_space<hbm>>
      %dma_wait3A_868 = arith.constant 0 : i32
      %dma_wait3A_869 = arith.constant 0 : i32
      %dma_wait3A_870 = tpu.memref_slice %arg2[%dma_wait3A_868, %dma_wait3A_869] : memref<10240x128xf32, #tpu.memory_space<hbm>> -> memref<80x128xf32, #tpu.memory_space<hbm>>
      tpu.wait_dma2 semaphore(%arg15 : memref<!tpu.dma_semaphore, #tpu.memory_space<semaphore_mem>>) src(%dma_wait3A_870 : memref<80x128xf32, #tpu.memory_space<hbm>>) dst(%arg9 : memref<80x128xf32, #tpu.memory_space<vmem>>)
      %mul3A_871 = arith.constant 8 : i32
      %mul3A_872 = arith.muli %rem3A_796, %mul3A_871 : i32
      %add3A_873 = arith.constant 1 : i32
      %add3A_874 = arith.addi %mul3A_872, %add3A_873 : i32
      %dma_start3A_875 = arith.constant 0 : i32
      %dma_start3A_876 = tpu.memref_slice %arg7[%add3A_874, %dma_start3A_875] : memref<16x80xi32, #tpu.memory_space<vmem>> -> memref<1x80xi32, #tpu.memory_space<vmem>>
      %dma_start3A_877 = tpu.memref_squeeze %dma_start3A_876 : memref<1x80xi32, #tpu.memory_space<vmem>> -> memref<80xi32, #tpu.memory_space<vmem>>
      %dma_start3A_878 = arith.constant 0 : i32
      %dma_start3A_879 = arith.constant 0 : i32
      %dma_start3A_880 = tpu.memref_slice %arg13[%dma_start3A_878, %dma_start3A_879] : memref<10240x128xf32, #tpu.memory_space<vmem_shared>> -> memref<10240x128xf32, #tpu.memory_space<vmem_shared>>
      tpu.enqueue_indirect_dma source(%arg9 : memref<80x128xf32, #tpu.memory_space<vmem>>) target(%dma_start3A_880 : memref<10240x128xf32, #tpu.memory_space<vmem_shared>>) offsets(%dma_start3A_877 : memref<80xi32, #tpu.memory_space<vmem>>) semaphore(%arg19 : memref<!tpu.dma_semaphore, #tpu.memory_space<semaphore_mem>>) {add = true}
      %dma_wait3A_881 = arith.constant 0 : i32
      %dma_wait3A_882 = arith.constant 0 : i32
      %dma_wait3A_883 = tpu.memref_slice %arg7[%dma_wait3A_881, %dma_wait3A_882] : memref<16x80xi32, #tpu.memory_space<vmem>> -> memref<1x80xi32, #tpu.memory_space<vmem>>
      %dma_wait3A_884 = tpu.memref_squeeze %dma_wait3A_883 : memref<1x80xi32, #tpu.memory_space<vmem>> -> memref<80xi32, #tpu.memory_space<vmem>>
      %dma_wait3A_885 = arith.constant 0 : i32
      %dma_wait3A_886 = arith.constant 0 : i32
      %dma_wait3A_887 = tpu.memref_slice %arg13[%dma_wait3A_885, %dma_wait3A_886] : memref<10240x128xf32, #tpu.memory_space<vmem_shared>> -> memref<10240x128xf32, #tpu.memory_space<vmem_shared>>
      tpu.wait_indirect_dma semaphore(%arg21 : memref<!tpu.dma_semaphore, #tpu.memory_space<semaphore_mem>>) src(%arg11 : memref<80x128xf32, #tpu.memory_space<vmem>>) dst(%dma_wait3A_887 : memref<10240x128xf32, #tpu.memory_space<vmem_shared>>)
      %mul3A_888 = arith.constant 8 : i32
      %mul3A_889 = arith.muli %rem3A_796, %mul3A_888 : i32
      %add3A_890 = arith.constant 1 : i32
      %add3A_891 = arith.addi %mul3A_889, %add3A_890 : i32
      %add3A_892 = arith.constant 2 : i32
      %add3A_893 = arith.addi %add3A_891, %add3A_892 : i32
      %dma_start3A_894 = arith.constant 0 : i32
      %dma_start3A_895 = tpu.memref_slice %arg6[%add3A_893, %dma_start3A_894] : memref<16x80xi32, #tpu.memory_space<vmem>> -> memref<1x80xi32, #tpu.memory_space<vmem>>
      %dma_start3A_896 = tpu.memref_squeeze %dma_start3A_895 : memref<1x80xi32, #tpu.memory_space<vmem>> -> memref<80xi32, #tpu.memory_space<vmem>>
      %dma_start3A_897 = arith.constant 0 : i32
      %dma_start3A_898 = arith.constant 0 : i32
      %dma_start3A_899 = tpu.memref_slice %arg2[%dma_start3A_897, %dma_start3A_898] : memref<10240x128xf32, #tpu.memory_space<hbm>> -> memref<10240x128xf32, #tpu.memory_space<hbm>>
      tpu.enqueue_indirect_dma source(%dma_start3A_899 : memref<10240x128xf32, #tpu.memory_space<hbm>>) target(%arg11 : memref<80x128xf32, #tpu.memory_space<vmem>>) offsets(%dma_start3A_896 : memref<80xi32, #tpu.memory_space<vmem>>) semaphore(%arg17 : memref<!tpu.dma_semaphore, #tpu.memory_space<semaphore_mem>>)
      %dma_wait3A_900 = arith.constant 0 : i32
      %dma_wait3A_901 = arith.constant 0 : i32
      %dma_wait3A_902 = tpu.memref_slice %arg2[%dma_wait3A_900, %dma_wait3A_901] : memref<10240x128xf32, #tpu.memory_space<hbm>> -> memref<80x128xf32, #tpu.memory_space<hbm>>
      %dma_wait3A_903 = arith.constant 0 : i32
      %dma_wait3A_904 = arith.constant 0 : i32
      %dma_wait3A_905 = tpu.memref_slice %arg2[%dma_wait3A_903, %dma_wait3A_904] : memref<10240x128xf32, #tpu.memory_space<hbm>> -> memref<80x128xf32, #tpu.memory_space<hbm>>
      tpu.wait_dma2 semaphore(%arg16 : memref<!tpu.dma_semaphore, #tpu.memory_space<semaphore_mem>>) src(%dma_wait3A_905 : memref<80x128xf32, #tpu.memory_space<hbm>>) dst(%arg10 : memref<80x128xf32, #tpu.memory_space<vmem>>)
      %mul3A_906 = arith.constant 8 : i32
      %mul3A_907 = arith.muli %rem3A_796, %mul3A_906 : i32
      %add3A_908 = arith.constant 2 : i32
      %add3A_909 = arith.addi %mul3A_907, %add3A_908 : i32
      %dma_start3A_910 = arith.constant 0 : i32
      %dma_start3A_911 = tpu.memref_slice %arg7[%add3A_909, %dma_start3A_910] : memref<16x80xi32, #tpu.memory_space<vmem>> -> memref<1x80xi32, #tpu.memory_space<vmem>>
      %dma_start3A_912 = tpu.memref_squeeze %dma_start3A_911 : memref<1x80xi32, #tpu.memory_space<vmem>> -> memref<80xi32, #tpu.memory_space<vmem>>
      %dma_start3A_913 = arith.constant 0 : i32
      %dma_start3A_914 = arith.constant 0 : i32
      %dma_start3A_915 = tpu.memref_slice %arg13[%dma_start3A_913, %dma_start3A_914] : memref<10240x128xf32, #tpu.memory_space<vmem_shared>> -> memref<10240x128xf32, #tpu.memory_space<vmem_shared>>
      tpu.enqueue_indirect_dma source(%arg10 : memref<80x128xf32, #tpu.memory_space<vmem>>) target(%dma_start3A_915 : memref<10240x128xf32, #tpu.memory_space<vmem_shared>>) offsets(%dma_start3A_912 : memref<80xi32, #tpu.memory_space<vmem>>) semaphore(%arg20 : memref<!tpu.dma_semaphore, #tpu.memory_space<semaphore_mem>>) {add = true}
      %dma_wait3A_916 = arith.constant 0 : i32
      %dma_wait3A_917 = arith.constant 0 : i32
      %dma_wait3A_918 = tpu.memref_slice %arg7[%dma_wait3A_916, %dma_wait3A_917] : memref<16x80xi32, #tpu.memory_space<vmem>> -> memref<1x80xi32, #tpu.memory_space<vmem>>
      %dma_wait3A_919 = tpu.memref_squeeze %dma_wait3A_918 : memref<1x80xi32, #tpu.memory_space<vmem>> -> memref<80xi32, #tpu.memory_space<vmem>>
      %dma_wait3A_920 = arith.constant 0 : i32
      %dma_wait3A_921 = arith.constant 0 : i32
      %dma_wait3A_922 = tpu.memref_slice %arg13[%dma_wait3A_920, %dma_wait3A_921] : memref<10240x128xf32, #tpu.memory_space<vmem_shared>> -> memref<10240x128xf32, #tpu.memory_space<vmem_shared>>
      tpu.wait_indirect_dma semaphore(%arg18 : memref<!tpu.dma_semaphore, #tpu.memory_space<semaphore_mem>>) src(%arg8 : memref<80x128xf32, #tpu.memory_space<vmem>>) dst(%dma_wait3A_922 : memref<10240x128xf32, #tpu.memory_space<vmem_shared>>)
      %mul3A_923 = arith.constant 8 : i32
      %mul3A_924 = arith.muli %rem3A_796, %mul3A_923 : i32
      %add3A_925 = arith.constant 2 : i32
      %add3A_926 = arith.addi %mul3A_924, %add3A_925 : i32
      %add3A_927 = arith.constant 2 : i32
      %add3A_928 = arith.addi %add3A_926, %add3A_927 : i32
      %dma_start3A_929 = arith.constant 0 : i32
      %dma_start3A_930 = tpu.memref_slice %arg6[%add3A_928, %dma_start3A_929] : memref<16x80xi32, #tpu.memory_space<vmem>> -> memref<1x80xi32, #tpu.memory_space<vmem>>
      %dma_start3A_931 = tpu.memref_squeeze %dma_start3A_930 : memref<1x80xi32, #tpu.memory_space<vmem>> -> memref<80xi32, #tpu.memory_space<vmem>>
      %dma_start3A_932 = arith.constant 0 : i32
      %dma_start3A_933 = arith.constant 0 : i32
      %dma_start3A_934 = tpu.memref_slice %arg2[%dma_start3A_932, %dma_start3A_933] : memref<10240x128xf32, #tpu.memory_space<hbm>> -> memref<10240x128xf32, #tpu.memory_space<hbm>>
      tpu.enqueue_indirect_dma source(%dma_start3A_934 : memref<10240x128xf32, #tpu.memory_space<hbm>>) target(%arg8 : memref<80x128xf32, #tpu.memory_space<vmem>>) offsets(%dma_start3A_931 : memref<80xi32, #tpu.memory_space<vmem>>) semaphore(%arg14 : memref<!tpu.dma_semaphore, #tpu.memory_space<semaphore_mem>>)
      %dma_wait3A_935 = arith.constant 0 : i32
      %dma_wait3A_936 = arith.constant 0 : i32
      %dma_wait3A_937 = tpu.memref_slice %arg2[%dma_wait3A_935, %dma_wait3A_936] : memref<10240x128xf32, #tpu.memory_space<hbm>> -> memref<80x128xf32, #tpu.memory_space<hbm>>
      %dma_wait3A_938 = arith.constant 0 : i32
      %dma_wait3A_939 = arith.constant 0 : i32
      %dma_wait3A_940 = tpu.memref_slice %arg2[%dma_wait3A_938, %dma_wait3A_939] : memref<10240x128xf32, #tpu.memory_space<hbm>> -> memref<80x128xf32, #tpu.memory_space<hbm>>
      tpu.wait_dma2 semaphore(%arg17 : memref<!tpu.dma_semaphore, #tpu.memory_space<semaphore_mem>>) src(%dma_wait3A_940 : memref<80x128xf32, #tpu.memory_space<hbm>>) dst(%arg11 : memref<80x128xf32, #tpu.memory_space<vmem>>)
      %mul3A_941 = arith.constant 8 : i32
      %mul3A_942 = arith.muli %rem3A_796, %mul3A_941 : i32
      %add3A_943 = arith.constant 3 : i32
      %add3A_944 = arith.addi %mul3A_942, %add3A_943 : i32
      %dma_start3A_945 = arith.constant 0 : i32
      %dma_start3A_946 = tpu.memref_slice %arg7[%add3A_944, %dma_start3A_945] : memref<16x80xi32, #tpu.memory_space<vmem>> -> memref<1x80xi32, #tpu.memory_space<vmem>>
      %dma_start3A_947 = tpu.memref_squeeze %dma_start3A_946 : memref<1x80xi32, #tpu.memory_space<vmem>> -> memref<80xi32, #tpu.memory_space<vmem>>
      %dma_start3A_948 = arith.constant 0 : i32
      %dma_start3A_949 = arith.constant 0 : i32
      %dma_start3A_950 = tpu.memref_slice %arg13[%dma_start3A_948, %dma_start3A_949] : memref<10240x128xf32, #tpu.memory_space<vmem_shared>> -> memref<10240x128xf32, #tpu.memory_space<vmem_shared>>
      tpu.enqueue_indirect_dma source(%arg11 : memref<80x128xf32, #tpu.memory_space<vmem>>) target(%dma_start3A_950 : memref<10240x128xf32, #tpu.memory_space<vmem_shared>>) offsets(%dma_start3A_947 : memref<80xi32, #tpu.memory_space<vmem>>) semaphore(%arg21 : memref<!tpu.dma_semaphore, #tpu.memory_space<semaphore_mem>>) {add = true}
      %dma_wait3A_951 = arith.constant 0 : i32
      %dma_wait3A_952 = arith.constant 0 : i32
      %dma_wait3A_953 = tpu.memref_slice %arg7[%dma_wait3A_951, %dma_wait3A_952] : memref<16x80xi32, #tpu.memory_space<vmem>> -> memref<1x80xi32, #tpu.memory_space<vmem>>
      %dma_wait3A_954 = tpu.memref_squeeze %dma_wait3A_953 : memref<1x80xi32, #tpu.memory_space<vmem>> -> memref<80xi32, #tpu.memory_space<vmem>>
      %dma_wait3A_955 = arith.constant 0 : i32
      %dma_wait3A_956 = arith.constant 0 : i32
      %dma_wait3A_957 = tpu.memref_slice %arg13[%dma_wait3A_955, %dma_wait3A_956] : memref<10240x128xf32, #tpu.memory_space<vmem_shared>> -> memref<10240x128xf32, #tpu.memory_space<vmem_shared>>
      tpu.wait_indirect_dma semaphore(%arg19 : memref<!tpu.dma_semaphore, #tpu.memory_space<semaphore_mem>>) src(%arg9 : memref<80x128xf32, #tpu.memory_space<vmem>>) dst(%dma_wait3A_957 : memref<10240x128xf32, #tpu.memory_space<vmem_shared>>)
      %mul3A_958 = arith.constant 8 : i32
      %mul3A_959 = arith.muli %rem3A_796, %mul3A_958 : i32
      %add3A_960 = arith.constant 3 : i32
      %add3A_961 = arith.addi %mul3A_959, %add3A_960 : i32
      %add3A_962 = arith.constant 2 : i32
      %add3A_963 = arith.addi %add3A_961, %add3A_962 : i32
      %dma_start3A_964 = arith.constant 0 : i32
      %dma_start3A_965 = tpu.memref_slice %arg6[%add3A_963, %dma_start3A_964] : memref<16x80xi32, #tpu.memory_space<vmem>> -> memref<1x80xi32, #tpu.memory_space<vmem>>
      %dma_start3A_966 = tpu.memref_squeeze %dma_start3A_965 : memref<1x80xi32, #tpu.memory_space<vmem>> -> memref<80xi32, #tpu.memory_space<vmem>>
      %dma_start3A_967 = arith.constant 0 : i32
      %dma_start3A_968 = arith.constant 0 : i32
      %dma_start3A_969 = tpu.memref_slice %arg2[%dma_start3A_967, %dma_start3A_968] : memref<10240x128xf32, #tpu.memory_space<hbm>> -> memref<10240x128xf32, #tpu.memory_space<hbm>>
      tpu.enqueue_indirect_dma source(%dma_start3A_969 : memref<10240x128xf32, #tpu.memory_space<hbm>>) target(%arg9 : memref<80x128xf32, #tpu.memory_space<vmem>>) offsets(%dma_start3A_966 : memref<80xi32, #tpu.memory_space<vmem>>) semaphore(%arg15 : memref<!tpu.dma_semaphore, #tpu.memory_space<semaphore_mem>>)
      %dma_wait3A_970 = arith.constant 0 : i32
      %dma_wait3A_971 = arith.constant 0 : i32
      %dma_wait3A_972 = tpu.memref_slice %arg2[%dma_wait3A_970, %dma_wait3A_971] : memref<10240x128xf32, #tpu.memory_space<hbm>> -> memref<80x128xf32, #tpu.memory_space<hbm>>
      %dma_wait3A_973 = arith.constant 0 : i32
      %dma_wait3A_974 = arith.constant 0 : i32
      %dma_wait3A_975 = tpu.memref_slice %arg2[%dma_wait3A_973, %dma_wait3A_974] : memref<10240x128xf32, #tpu.memory_space<hbm>> -> memref<80x128xf32, #tpu.memory_space<hbm>>
      tpu.wait_dma2 semaphore(%arg14 : memref<!tpu.dma_semaphore, #tpu.memory_space<semaphore_mem>>) src(%dma_wait3A_975 : memref<80x128xf32, #tpu.memory_space<hbm>>) dst(%arg8 : memref<80x128xf32, #tpu.memory_space<vmem>>)
      %mul3A_976 = arith.constant 8 : i32
      %mul3A_977 = arith.muli %rem3A_796, %mul3A_976 : i32
      %add3A_978 = arith.constant 4 : i32
      %add3A_979 = arith.addi %mul3A_977, %add3A_978 : i32
      %dma_start3A_980 = arith.constant 0 : i32
      %dma_start3A_981 = tpu.memref_slice %arg7[%add3A_979, %dma_start3A_980] : memref<16x80xi32, #tpu.memory_space<vmem>> -> memref<1x80xi32, #tpu.memory_space<vmem>>
      %dma_start3A_982 = tpu.memref_squeeze %dma_start3A_981 : memref<1x80xi32, #tpu.memory_space<vmem>> -> memref<80xi32, #tpu.memory_space<vmem>>
      %dma_start3A_983 = arith.constant 0 : i32
      %dma_start3A_984 = arith.constant 0 : i32
      %dma_start3A_985 = tpu.memref_slice %arg13[%dma_start3A_983, %dma_start3A_984] : memref<10240x128xf32, #tpu.memory_space<vmem_shared>> -> memref<10240x128xf32, #tpu.memory_space<vmem_shared>>
      tpu.enqueue_indirect_dma source(%arg8 : memref<80x128xf32, #tpu.memory_space<vmem>>) target(%dma_start3A_985 : memref<10240x128xf32, #tpu.memory_space<vmem_shared>>) offsets(%dma_start3A_982 : memref<80xi32, #tpu.memory_space<vmem>>) semaphore(%arg18 : memref<!tpu.dma_semaphore, #tpu.memory_space<semaphore_mem>>) {add = true}
      %dma_wait3A_986 = arith.constant 0 : i32
      %dma_wait3A_987 = arith.constant 0 : i32
      %dma_wait3A_988 = tpu.memref_slice %arg7[%dma_wait3A_986, %dma_wait3A_987] : memref<16x80xi32, #tpu.memory_space<vmem>> -> memref<1x80xi32, #tpu.memory_space<vmem>>
      %dma_wait3A_989 = tpu.memref_squeeze %dma_wait3A_988 : memref<1x80xi32, #tpu.memory_space<vmem>> -> memref<80xi32, #tpu.memory_space<vmem>>
      %dma_wait3A_990 = arith.constant 0 : i32
      %dma_wait3A_991 = arith.constant 0 : i32
      %dma_wait3A_992 = tpu.memref_slice %arg13[%dma_wait3A_990, %dma_wait3A_991] : memref<10240x128xf32, #tpu.memory_space<vmem_shared>> -> memref<10240x128xf32, #tpu.memory_space<vmem_shared>>
      tpu.wait_indirect_dma semaphore(%arg20 : memref<!tpu.dma_semaphore, #tpu.memory_space<semaphore_mem>>) src(%arg10 : memref<80x128xf32, #tpu.memory_space<vmem>>) dst(%dma_wait3A_992 : memref<10240x128xf32, #tpu.memory_space<vmem_shared>>)
      %mul3A_993 = arith.constant 8 : i32
      %mul3A_994 = arith.muli %rem3A_796, %mul3A_993 : i32
      %add3A_995 = arith.constant 4 : i32
      %add3A_996 = arith.addi %mul3A_994, %add3A_995 : i32
      %add3A_997 = arith.constant 2 : i32
      %add3A_998 = arith.addi %add3A_996, %add3A_997 : i32
      %dma_start3A_999 = arith.constant 0 : i32
      %dma_start3A_1000 = tpu.memref_slice %arg6[%add3A_998, %dma_start3A_999] : memref<16x80xi32, #tpu.memory_space<vmem>> -> memref<1x80xi32, #tpu.memory_space<vmem>>
      %dma_start3A_1001 = tpu.memref_squeeze %dma_start3A_1000 : memref<1x80xi32, #tpu.memory_space<vmem>> -> memref<80xi32, #tpu.memory_space<vmem>>
      %dma_start3A_1002 = arith.constant 0 : i32
      %dma_start3A_1003 = arith.constant 0 : i32
      %dma_start3A_1004 = tpu.memref_slice %arg2[%dma_start3A_1002, %dma_start3A_1003] : memref<10240x128xf32, #tpu.memory_space<hbm>> -> memref<10240x128xf32, #tpu.memory_space<hbm>>
      tpu.enqueue_indirect_dma source(%dma_start3A_1004 : memref<10240x128xf32, #tpu.memory_space<hbm>>) target(%arg10 : memref<80x128xf32, #tpu.memory_space<vmem>>) offsets(%dma_start3A_1001 : memref<80xi32, #tpu.memory_space<vmem>>) semaphore(%arg16 : memref<!tpu.dma_semaphore, #tpu.memory_space<semaphore_mem>>)
      %dma_wait3A_1005 = arith.constant 0 : i32
      %dma_wait3A_1006 = arith.constant 0 : i32
      %dma_wait3A_1007 = tpu.memref_slice %arg2[%dma_wait3A_1005, %dma_wait3A_1006] : memref<10240x128xf32, #tpu.memory_space<hbm>> -> memref<80x128xf32, #tpu.memory_space<hbm>>
      %dma_wait3A_1008 = arith.constant 0 : i32
      %dma_wait3A_1009 = arith.constant 0 : i32
      %dma_wait3A_1010 = tpu.memref_slice %arg2[%dma_wait3A_1008, %dma_wait3A_1009] : memref<10240x128xf32, #tpu.memory_space<hbm>> -> memref<80x128xf32, #tpu.memory_space<hbm>>
      tpu.wait_dma2 semaphore(%arg15 : memref<!tpu.dma_semaphore, #tpu.memory_space<semaphore_mem>>) src(%dma_wait3A_1010 : memref<80x128xf32, #tpu.memory_space<hbm>>) dst(%arg9 : memref<80x128xf32, #tpu.memory_space<vmem>>)
      %mul3A_1011 = arith.constant 8 : i32
      %mul3A_1012 = arith.muli %rem3A_796, %mul3A_1011 : i32
      %add3A_1013 = arith.constant 5 : i32
      %add3A_1014 = arith.addi %mul3A_1012, %add3A_1013 : i32
      %dma_start3A_1015 = arith.constant 0 : i32
      %dma_start3A_1016 = tpu.memref_slice %arg7[%add3A_1014, %dma_start3A_1015] : memref<16x80xi32, #tpu.memory_space<vmem>> -> memref<1x80xi32, #tpu.memory_space<vmem>>
      %dma_start3A_1017 = tpu.memref_squeeze %dma_start3A_1016 : memref<1x80xi32, #tpu.memory_space<vmem>> -> memref<80xi32, #tpu.memory_space<vmem>>
      %dma_start3A_1018 = arith.constant 0 : i32
      %dma_start3A_1019 = arith.constant 0 : i32
      %dma_start3A_1020 = tpu.memref_slice %arg13[%dma_start3A_1018, %dma_start3A_1019] : memref<10240x128xf32, #tpu.memory_space<vmem_shared>> -> memref<10240x128xf32, #tpu.memory_space<vmem_shared>>
      tpu.enqueue_indirect_dma source(%arg9 : memref<80x128xf32, #tpu.memory_space<vmem>>) target(%dma_start3A_1020 : memref<10240x128xf32, #tpu.memory_space<vmem_shared>>) offsets(%dma_start3A_1017 : memref<80xi32, #tpu.memory_space<vmem>>) semaphore(%arg19 : memref<!tpu.dma_semaphore, #tpu.memory_space<semaphore_mem>>) {add = true}
      %dma_wait3A_1021 = arith.constant 0 : i32
      %dma_wait3A_1022 = arith.constant 0 : i32
      %dma_wait3A_1023 = tpu.memref_slice %arg7[%dma_wait3A_1021, %dma_wait3A_1022] : memref<16x80xi32, #tpu.memory_space<vmem>> -> memref<1x80xi32, #tpu.memory_space<vmem>>
      %dma_wait3A_1024 = tpu.memref_squeeze %dma_wait3A_1023 : memref<1x80xi32, #tpu.memory_space<vmem>> -> memref<80xi32, #tpu.memory_space<vmem>>
      %dma_wait3A_1025 = arith.constant 0 : i32
      %dma_wait3A_1026 = arith.constant 0 : i32
      %dma_wait3A_1027 = tpu.memref_slice %arg13[%dma_wait3A_1025, %dma_wait3A_1026] : memref<10240x128xf32, #tpu.memory_space<vmem_shared>> -> memref<10240x128xf32, #tpu.memory_space<vmem_shared>>
      tpu.wait_indirect_dma semaphore(%arg21 : memref<!tpu.dma_semaphore, #tpu.memory_space<semaphore_mem>>) src(%arg11 : memref<80x128xf32, #tpu.memory_space<vmem>>) dst(%dma_wait3A_1027 : memref<10240x128xf32, #tpu.memory_space<vmem_shared>>)
      %mul3A_1028 = arith.constant 8 : i32
      %mul3A_1029 = arith.muli %rem3A_796, %mul3A_1028 : i32
      %add3A_1030 = arith.constant 5 : i32
      %add3A_1031 = arith.addi %mul3A_1029, %add3A_1030 : i32
      %add3A_1032 = arith.constant 2 : i32
      %add3A_1033 = arith.addi %add3A_1031, %add3A_1032 : i32
      %dma_start3A_1034 = arith.constant 0 : i32
      %dma_start3A_1035 = tpu.memref_slice %arg6[%add3A_1033, %dma_start3A_1034] : memref<16x80xi32, #tpu.memory_space<vmem>> -> memref<1x80xi32, #tpu.memory_space<vmem>>
      %dma_start3A_1036 = tpu.memref_squeeze %dma_start3A_1035 : memref<1x80xi32, #tpu.memory_space<vmem>> -> memref<80xi32, #tpu.memory_space<vmem>>
      %dma_start3A_1037 = arith.constant 0 : i32
      %dma_start3A_1038 = arith.constant 0 : i32
      %dma_start3A_1039 = tpu.memref_slice %arg2[%dma_start3A_1037, %dma_start3A_1038] : memref<10240x128xf32, #tpu.memory_space<hbm>> -> memref<10240x128xf32, #tpu.memory_space<hbm>>
      tpu.enqueue_indirect_dma source(%dma_start3A_1039 : memref<10240x128xf32, #tpu.memory_space<hbm>>) target(%arg11 : memref<80x128xf32, #tpu.memory_space<vmem>>) offsets(%dma_start3A_1036 : memref<80xi32, #tpu.memory_space<vmem>>) semaphore(%arg17 : memref<!tpu.dma_semaphore, #tpu.memory_space<semaphore_mem>>)
      %dma_wait3A_1040 = arith.constant 0 : i32
      %dma_wait3A_1041 = arith.constant 0 : i32
      %dma_wait3A_1042 = tpu.memref_slice %arg2[%dma_wait3A_1040, %dma_wait3A_1041] : memref<10240x128xf32, #tpu.memory_space<hbm>> -> memref<80x128xf32, #tpu.memory_space<hbm>>
      %dma_wait3A_1043 = arith.constant 0 : i32
      %dma_wait3A_1044 = arith.constant 0 : i32
      %dma_wait3A_1045 = tpu.memref_slice %arg2[%dma_wait3A_1043, %dma_wait3A_1044] : memref<10240x128xf32, #tpu.memory_space<hbm>> -> memref<80x128xf32, #tpu.memory_space<hbm>>
      tpu.wait_dma2 semaphore(%arg16 : memref<!tpu.dma_semaphore, #tpu.memory_space<semaphore_mem>>) src(%dma_wait3A_1045 : memref<80x128xf32, #tpu.memory_space<hbm>>) dst(%arg10 : memref<80x128xf32, #tpu.memory_space<vmem>>)
      %mul3A_1046 = arith.constant 8 : i32
      %mul3A_1047 = arith.muli %rem3A_796, %mul3A_1046 : i32
      %add3A_1048 = arith.constant 6 : i32
      %add3A_1049 = arith.addi %mul3A_1047, %add3A_1048 : i32
      %dma_start3A_1050 = arith.constant 0 : i32
      %dma_start3A_1051 = tpu.memref_slice %arg7[%add3A_1049, %dma_start3A_1050] : memref<16x80xi32, #tpu.memory_space<vmem>> -> memref<1x80xi32, #tpu.memory_space<vmem>>
      %dma_start3A_1052 = tpu.memref_squeeze %dma_start3A_1051 : memref<1x80xi32, #tpu.memory_space<vmem>> -> memref<80xi32, #tpu.memory_space<vmem>>
      %dma_start3A_1053 = arith.constant 0 : i32
      %dma_start3A_1054 = arith.constant 0 : i32
      %dma_start3A_1055 = tpu.memref_slice %arg13[%dma_start3A_1053, %dma_start3A_1054] : memref<10240x128xf32, #tpu.memory_space<vmem_shared>> -> memref<10240x128xf32, #tpu.memory_space<vmem_shared>>
      tpu.enqueue_indirect_dma source(%arg10 : memref<80x128xf32, #tpu.memory_space<vmem>>) target(%dma_start3A_1055 : memref<10240x128xf32, #tpu.memory_space<vmem_shared>>) offsets(%dma_start3A_1052 : memref<80xi32, #tpu.memory_space<vmem>>) semaphore(%arg20 : memref<!tpu.dma_semaphore, #tpu.memory_space<semaphore_mem>>) {add = true}
      %dma_wait3A_1056 = arith.constant 0 : i32
      %dma_wait3A_1057 = arith.constant 0 : i32
      %dma_wait3A_1058 = tpu.memref_slice %arg7[%dma_wait3A_1056, %dma_wait3A_1057] : memref<16x80xi32, #tpu.memory_space<vmem>> -> memref<1x80xi32, #tpu.memory_space<vmem>>
      %dma_wait3A_1059 = tpu.memref_squeeze %dma_wait3A_1058 : memref<1x80xi32, #tpu.memory_space<vmem>> -> memref<80xi32, #tpu.memory_space<vmem>>
      %dma_wait3A_1060 = arith.constant 0 : i32
      %dma_wait3A_1061 = arith.constant 0 : i32
      %dma_wait3A_1062 = tpu.memref_slice %arg13[%dma_wait3A_1060, %dma_wait3A_1061] : memref<10240x128xf32, #tpu.memory_space<vmem_shared>> -> memref<10240x128xf32, #tpu.memory_space<vmem_shared>>
      tpu.wait_indirect_dma semaphore(%arg18 : memref<!tpu.dma_semaphore, #tpu.memory_space<semaphore_mem>>) src(%arg8 : memref<80x128xf32, #tpu.memory_space<vmem>>) dst(%dma_wait3A_1062 : memref<10240x128xf32, #tpu.memory_space<vmem_shared>>)
      %dma_wait3A_1063 = arith.constant 0 : i32
      %dma_wait3A_1064 = tpu.memref_slice %arg6[%mul3A_805, %dma_wait3A_1063] : memref<16x80xi32, #tpu.memory_space<vmem>> -> memref<8x80xi32, #tpu.memory_space<vmem>>
      %dma_wait3A_1065 = arith.constant 0 : i32
      %dma_wait3A_1066 = tpu.memref_slice %arg3[%add3A, %mul3A_803, %dma_wait3A_1065] : memref<32x128x80xi32, #tpu.memory_space<hbm>> -> memref<1x8x80xi32, #tpu.memory_space<hbm>>
      %dma_wait3A_1067 = tpu.memref_squeeze %dma_wait3A_1066 : memref<1x8x80xi32, #tpu.memory_space<hbm>> -> memref<8x80xi32, #tpu.memory_space<hbm>>
      %dma_wait3A_1068 = arith.constant 0 : i32
      %dma_wait3A_1069 = tpu.memref_slice %arg6[%mul3A_805, %dma_wait3A_1068] : memref<16x80xi32, #tpu.memory_space<vmem>> -> memref<8x80xi32, #tpu.memory_space<vmem>>
      %dma_wait3A_1070 = arith.constant 0 : i32
      %dma_wait3A_1071 = tpu.memref_slice %arg3[%add3A, %mul3A_803, %dma_wait3A_1070] : memref<32x128x80xi32, #tpu.memory_space<hbm>> -> memref<1x8x80xi32, #tpu.memory_space<hbm>>
      %dma_wait3A_1072 = tpu.memref_squeeze %dma_wait3A_1071 : memref<1x8x80xi32, #tpu.memory_space<hbm>> -> memref<8x80xi32, #tpu.memory_space<hbm>>
      tpu.wait_dma2 semaphore(%arg22 : memref<!tpu.dma_semaphore, #tpu.memory_space<semaphore_mem>>) src(%dma_wait3A_1072 : memref<8x80xi32, #tpu.memory_space<hbm>>) dst(%dma_wait3A_1069 : memref<8x80xi32, #tpu.memory_space<vmem>>)
      %dma_wait3A_1073 = arith.constant 0 : i32
      %dma_wait3A_1074 = tpu.memref_slice %arg7[%mul3A_819, %dma_wait3A_1073] : memref<16x80xi32, #tpu.memory_space<vmem>> -> memref<8x80xi32, #tpu.memory_space<vmem>>
      %dma_wait3A_1075 = arith.constant 0 : i32
      %dma_wait3A_1076 = tpu.memref_slice %arg4[%add3A, %mul3A_817, %dma_wait3A_1075] : memref<32x128x80xi32, #tpu.memory_space<hbm>> -> memref<1x8x80xi32, #tpu.memory_space<hbm>>
      %dma_wait3A_1077 = tpu.memref_squeeze %dma_wait3A_1076 : memref<1x8x80xi32, #tpu.memory_space<hbm>> -> memref<8x80xi32, #tpu.memory_space<hbm>>
      %dma_wait3A_1078 = arith.constant 0 : i32
      %dma_wait3A_1079 = tpu.memref_slice %arg7[%mul3A_819, %dma_wait3A_1078] : memref<16x80xi32, #tpu.memory_space<vmem>> -> memref<8x80xi32, #tpu.memory_space<vmem>>
      %dma_wait3A_1080 = arith.constant 0 : i32
      %dma_wait3A_1081 = tpu.memref_slice %arg4[%add3A, %mul3A_817, %dma_wait3A_1080] : memref<32x128x80xi32, #tpu.memory_space<hbm>> -> memref<1x8x80xi32, #tpu.memory_space<hbm>>
      %dma_wait3A_1082 = tpu.memref_squeeze %dma_wait3A_1081 : memref<1x8x80xi32, #tpu.memory_space<hbm>> -> memref<8x80xi32, #tpu.memory_space<hbm>>
      tpu.wait_dma2 semaphore(%arg23 : memref<!tpu.dma_semaphore, #tpu.memory_space<semaphore_mem>>) src(%dma_wait3A_1082 : memref<8x80xi32, #tpu.memory_space<hbm>>) dst(%dma_wait3A_1079 : memref<8x80xi32, #tpu.memory_space<vmem>>)
      %mul3A_1083 = arith.constant 8 : i32
      %mul3A_1084 = arith.muli %sub3A_797, %mul3A_1083 : i32
      %add3A_1085 = arith.constant 0 : i32
      %add3A_1086 = arith.addi %mul3A_1084, %add3A_1085 : i32
      %dma_start3A_1087 = arith.constant 0 : i32
      %dma_start3A_1088 = tpu.memref_slice %arg6[%add3A_1086, %dma_start3A_1087] : memref<16x80xi32, #tpu.memory_space<vmem>> -> memref<1x80xi32, #tpu.memory_space<vmem>>
      %dma_start3A_1089 = tpu.memref_squeeze %dma_start3A_1088 : memref<1x80xi32, #tpu.memory_space<vmem>> -> memref<80xi32, #tpu.memory_space<vmem>>
      %dma_start3A_1090 = arith.constant 0 : i32
      %dma_start3A_1091 = arith.constant 0 : i32
      %dma_start3A_1092 = tpu.memref_slice %arg2[%dma_start3A_1090, %dma_start3A_1091] : memref<10240x128xf32, #tpu.memory_space<hbm>> -> memref<10240x128xf32, #tpu.memory_space<hbm>>
      tpu.enqueue_indirect_dma source(%dma_start3A_1092 : memref<10240x128xf32, #tpu.memory_space<hbm>>) target(%arg8 : memref<80x128xf32, #tpu.memory_space<vmem>>) offsets(%dma_start3A_1089 : memref<80xi32, #tpu.memory_space<vmem>>) semaphore(%arg14 : memref<!tpu.dma_semaphore, #tpu.memory_space<semaphore_mem>>)
      %dma_wait3A_1093 = arith.constant 0 : i32
      %dma_wait3A_1094 = arith.constant 0 : i32
      %dma_wait3A_1095 = tpu.memref_slice %arg2[%dma_wait3A_1093, %dma_wait3A_1094] : memref<10240x128xf32, #tpu.memory_space<hbm>> -> memref<80x128xf32, #tpu.memory_space<hbm>>
      %dma_wait3A_1096 = arith.constant 0 : i32
      %dma_wait3A_1097 = arith.constant 0 : i32
      %dma_wait3A_1098 = tpu.memref_slice %arg2[%dma_wait3A_1096, %dma_wait3A_1097] : memref<10240x128xf32, #tpu.memory_space<hbm>> -> memref<80x128xf32, #tpu.memory_space<hbm>>
      tpu.wait_dma2 semaphore(%arg17 : memref<!tpu.dma_semaphore, #tpu.memory_space<semaphore_mem>>) src(%dma_wait3A_1098 : memref<80x128xf32, #tpu.memory_space<hbm>>) dst(%arg11 : memref<80x128xf32, #tpu.memory_space<vmem>>)
      %mul3A_1099 = arith.constant 8 : i32
      %mul3A_1100 = arith.muli %rem3A_796, %mul3A_1099 : i32
      %add3A_1101 = arith.constant 7 : i32
      %add3A_1102 = arith.addi %mul3A_1100, %add3A_1101 : i32
      %dma_start3A_1103 = arith.constant 0 : i32
      %dma_start3A_1104 = tpu.memref_slice %arg7[%add3A_1102, %dma_start3A_1103] : memref<16x80xi32, #tpu.memory_space<vmem>> -> memref<1x80xi32, #tpu.memory_space<vmem>>
      %dma_start3A_1105 = tpu.memref_squeeze %dma_start3A_1104 : memref<1x80xi32, #tpu.memory_space<vmem>> -> memref<80xi32, #tpu.memory_space<vmem>>
      %dma_start3A_1106 = arith.constant 0 : i32
      %dma_start3A_1107 = arith.constant 0 : i32
      %dma_start3A_1108 = tpu.memref_slice %arg13[%dma_start3A_1106, %dma_start3A_1107] : memref<10240x128xf32, #tpu.memory_space<vmem_shared>> -> memref<10240x128xf32, #tpu.memory_space<vmem_shared>>
      tpu.enqueue_indirect_dma source(%arg11 : memref<80x128xf32, #tpu.memory_space<vmem>>) target(%dma_start3A_1108 : memref<10240x128xf32, #tpu.memory_space<vmem_shared>>) offsets(%dma_start3A_1105 : memref<80xi32, #tpu.memory_space<vmem>>) semaphore(%arg21 : memref<!tpu.dma_semaphore, #tpu.memory_space<semaphore_mem>>) {add = true}
      %dma_wait3A_1109 = arith.constant 0 : i32
      %dma_wait3A_1110 = arith.constant 0 : i32
      %dma_wait3A_1111 = tpu.memref_slice %arg7[%dma_wait3A_1109, %dma_wait3A_1110] : memref<16x80xi32, #tpu.memory_space<vmem>> -> memref<1x80xi32, #tpu.memory_space<vmem>>
      %dma_wait3A_1112 = tpu.memref_squeeze %dma_wait3A_1111 : memref<1x80xi32, #tpu.memory_space<vmem>> -> memref<80xi32, #tpu.memory_space<vmem>>
      %dma_wait3A_1113 = arith.constant 0 : i32
      %dma_wait3A_1114 = arith.constant 0 : i32
      %dma_wait3A_1115 = tpu.memref_slice %arg13[%dma_wait3A_1113, %dma_wait3A_1114] : memref<10240x128xf32, #tpu.memory_space<vmem_shared>> -> memref<10240x128xf32, #tpu.memory_space<vmem_shared>>
      tpu.wait_indirect_dma semaphore(%arg19 : memref<!tpu.dma_semaphore, #tpu.memory_space<semaphore_mem>>) src(%arg9 : memref<80x128xf32, #tpu.memory_space<vmem>>) dst(%dma_wait3A_1115 : memref<10240x128xf32, #tpu.memory_space<vmem_shared>>)
      %mul3A_1116 = arith.constant 8 : i32
      %mul3A_1117 = arith.muli %sub3A_797, %mul3A_1116 : i32
      %add3A_1118 = arith.constant 1 : i32
      %add3A_1119 = arith.addi %mul3A_1117, %add3A_1118 : i32
      %dma_start3A_1120 = arith.constant 0 : i32
      %dma_start3A_1121 = tpu.memref_slice %arg6[%add3A_1119, %dma_start3A_1120] : memref<16x80xi32, #tpu.memory_space<vmem>> -> memref<1x80xi32, #tpu.memory_space<vmem>>
      %dma_start3A_1122 = tpu.memref_squeeze %dma_start3A_1121 : memref<1x80xi32, #tpu.memory_space<vmem>> -> memref<80xi32, #tpu.memory_space<vmem>>
      %dma_start3A_1123 = arith.constant 0 : i32
      %dma_start3A_1124 = arith.constant 0 : i32
      %dma_start3A_1125 = tpu.memref_slice %arg2[%dma_start3A_1123, %dma_start3A_1124] : memref<10240x128xf32, #tpu.memory_space<hbm>> -> memref<10240x128xf32, #tpu.memory_space<hbm>>
      tpu.enqueue_indirect_dma source(%dma_start3A_1125 : memref<10240x128xf32, #tpu.memory_space<hbm>>) target(%arg9 : memref<80x128xf32, #tpu.memory_space<vmem>>) offsets(%dma_start3A_1122 : memref<80xi32, #tpu.memory_space<vmem>>) semaphore(%arg15 : memref<!tpu.dma_semaphore, #tpu.memory_space<semaphore_mem>>)
      %scan3A_1126 = arith.constant 0 : i32
      scf.yield %scan3A_1126 : i32
    }
    %scan3A_761 = arith.constant 15 : i32
    %dma_wait3A_762 = arith.constant 0 : i32
    %dma_wait3A_763 = arith.constant 0 : i32
    %dma_wait3A_764 = tpu.memref_slice %arg7[%dma_wait3A_762, %dma_wait3A_763] : memref<16x80xi32, #tpu.memory_space<vmem>> -> memref<1x80xi32, #tpu.memory_space<vmem>>
    %dma_wait3A_765 = tpu.memref_squeeze %dma_wait3A_764 : memref<1x80xi32, #tpu.memory_space<vmem>> -> memref<80xi32, #tpu.memory_space<vmem>>
    %dma_wait3A_766 = arith.constant 0 : i32
    %dma_wait3A_767 = arith.constant 0 : i32
    %dma_wait3A_768 = tpu.memref_slice %arg13[%dma_wait3A_766, %dma_wait3A_767] : memref<10240x128xf32, #tpu.memory_space<vmem_shared>> -> memref<10240x128xf32, #tpu.memory_space<vmem_shared>>
    tpu.wait_indirect_dma semaphore(%arg20 : memref<!tpu.dma_semaphore, #tpu.memory_space<semaphore_mem>>) src(%arg10 : memref<80x128xf32, #tpu.memory_space<vmem>>) dst(%dma_wait3A_768 : memref<10240x128xf32, #tpu.memory_space<vmem_shared>>)
    %dma_wait3A_769 = arith.constant 0 : i32
    %dma_wait3A_770 = arith.constant 0 : i32
    %dma_wait3A_771 = tpu.memref_slice %arg7[%dma_wait3A_769, %dma_wait3A_770] : memref<16x80xi32, #tpu.memory_space<vmem>> -> memref<1x80xi32, #tpu.memory_space<vmem>>
    %dma_wait3A_772 = tpu.memref_squeeze %dma_wait3A_771 : memref<1x80xi32, #tpu.memory_space<vmem>> -> memref<80xi32, #tpu.memory_space<vmem>>
    %dma_wait3A_773 = arith.constant 0 : i32
    %dma_wait3A_774 = arith.constant 0 : i32
    %dma_wait3A_775 = tpu.memref_slice %arg13[%dma_wait3A_773, %dma_wait3A_774] : memref<10240x128xf32, #tpu.memory_space<vmem_shared>> -> memref<10240x128xf32, #tpu.memory_space<vmem_shared>>
    tpu.wait_indirect_dma semaphore(%arg21 : memref<!tpu.dma_semaphore, #tpu.memory_space<semaphore_mem>>) src(%arg11 : memref<80x128xf32, #tpu.memory_space<vmem>>) dst(%dma_wait3A_775 : memref<10240x128xf32, #tpu.memory_space<vmem_shared>>)
    %dma_wait3A_776 = arith.constant 0 : i32
    %dma_wait3A_777 = arith.constant 0 : i32
    %dma_wait3A_778 = tpu.memref_slice %arg2[%dma_wait3A_776, %dma_wait3A_777] : memref<10240x128xf32, #tpu.memory_space<hbm>> -> memref<80x128xf32, #tpu.memory_space<hbm>>
    %dma_wait3A_779 = arith.constant 0 : i32
    %dma_wait3A_780 = arith.constant 0 : i32
    %dma_wait3A_781 = tpu.memref_slice %arg2[%dma_wait3A_779, %dma_wait3A_780] : memref<10240x128xf32, #tpu.memory_space<hbm>> -> memref<80x128xf32, #tpu.memory_space<hbm>>
    tpu.wait_dma2 semaphore(%arg14 : memref<!tpu.dma_semaphore, #tpu.memory_space<semaphore_mem>>) src(%dma_wait3A_781 : memref<80x128xf32, #tpu.memory_space<hbm>>) dst(%arg8 : memref<80x128xf32, #tpu.memory_space<vmem>>)
    %dma_wait3A_782 = arith.constant 0 : i32
    %dma_wait3A_783 = arith.constant 0 : i32
    %dma_wait3A_784 = tpu.memref_slice %arg2[%dma_wait3A_782, %dma_wait3A_783] : memref<10240x128xf32, #tpu.memory_space<hbm>> -> memref<80x128xf32, #tpu.memory_space<hbm>>
    %dma_wait3A_785 = arith.constant 0 : i32
    %dma_wait3A_786 = arith.constant 0 : i32
    %dma_wait3A_787 = tpu.memref_slice %arg2[%dma_wait3A_785, %dma_wait3A_786] : memref<10240x128xf32, #tpu.memory_space<hbm>> -> memref<80x128xf32, #tpu.memory_space<hbm>>
    tpu.wait_dma2 semaphore(%arg15 : memref<!tpu.dma_semaphore, #tpu.memory_space<semaphore_mem>>) src(%dma_wait3A_787 : memref<80x128xf32, #tpu.memory_space<hbm>>) dst(%arg9 : memref<80x128xf32, #tpu.memory_space<vmem>>)
    %barrier3A_788 = arith.constant 0 : index
    tpu.barrier barrier_id(%barrier3A_788)
    %mul3A_789 = arith.constant 640 : i32
    %mul3A_790 = arith.muli %arg1, %mul3A_789 : i32
    %mul3A_791 = arith.constant 640 : i32
    %mul3A_792 = arith.muli %arg1, %mul3A_791 : i32
    "tpu.region"() ({
      %run_scoped3A = tpu.sem_alloc : memref<!tpu.dma_semaphore, #tpu.memory_space<semaphore_mem>>
      %dma_start3A_793 = arith.constant 0 : i32
      %dma_start3A_794 = tpu.memref_slice %arg5[%arg0, %mul3A_792, %dma_start3A_793] : memref<2x10240x128xf32, #tpu.memory_space<hbm>> -> memref<1x640x128xf32, #tpu.memory_space<hbm>>
      %dma_start3A_795 = tpu.memref_squeeze %dma_start3A_794 : memref<1x640x128xf32, #tpu.memory_space<hbm>> -> memref<640x128xf32, #tpu.memory_space<hbm>>
      %dma_start3A_796 = arith.constant 0 : i32
      %dma_start3A_797 = tpu.memref_slice %arg13[%mul3A_790, %dma_start3A_796] : memref<10240x128xf32, #tpu.memory_space<vmem_shared>> -> memref<640x128xf32, #tpu.memory_space<vmem_shared>>
      tpu.enqueue_dma source(%dma_start3A_797 : memref<640x128xf32, #tpu.memory_space<vmem_shared>>) target(%dma_start3A_795 : memref<640x128xf32, #tpu.memory_space<hbm>>) target_semaphore(%run_scoped3A : memref<!tpu.dma_semaphore, #tpu.memory_space<semaphore_mem>>)
      %dma_wait3A_798 = arith.constant 0 : i32
      %dma_wait3A_799 = tpu.memref_slice %arg5[%arg0, %mul3A_792, %dma_wait3A_798] : memref<2x10240x128xf32, #tpu.memory_space<hbm>> -> memref<1x640x128xf32, #tpu.memory_space<hbm>>
      %dma_wait3A_800 = tpu.memref_squeeze %dma_wait3A_799 : memref<1x640x128xf32, #tpu.memory_space<hbm>> -> memref<640x128xf32, #tpu.memory_space<hbm>>
      %dma_wait3A_801 = arith.constant 0 : i32
      %dma_wait3A_802 = tpu.memref_slice %arg13[%mul3A_790, %dma_wait3A_801] : memref<10240x128xf32, #tpu.memory_space<vmem_shared>> -> memref<640x128xf32, #tpu.memory_space<vmem_shared>>
      tpu.wait_dma2 semaphore(%run_scoped3A : memref<!tpu.dma_semaphore, #tpu.memory_space<semaphore_mem>>) src(%dma_wait3A_802 : memref<640x128xf32, #tpu.memory_space<vmem_shared>>) dst(%dma_wait3A_800 : memref<640x128xf32, #tpu.memory_space<hbm>>)
      tpu.yield
    }) : () -> ()
    return
  }
}

module attributes {stable_mosaic.version = 14 : i64} {
  func.func @body(%arg0: i32, %arg1: memref<2048x1xf32, #tpu.memory_space<vmem>>, %arg2: memref<2048x1xf32, #tpu.memory_space<vmem>>, %arg3: memref<2048x128xf32, #tpu.memory_space<vmem>>, %arg4: memref<2048x1xf32, #tpu.memory_space<vmem>>, %arg5: memref<2048x128xf32, #tpu.memory_space<vmem>>) attributes {dimension_semantics = [#tpu.dimension_semantics<arbitrary>], iteration_bounds = array<i64: 5>, scalar_prefetch = 0 : i64, scratch_operands = 0 : i64, tpu.core_type = #tpu.core_type<tc>, window_params = [{transform_indices = @transform_0, window_bounds = array<i64: 2048, 1>}, {transform_indices = @transform_1, window_bounds = array<i64: 2048, 1>}, {transform_indices = @transform_2, window_bounds = array<i64: 2048, 128>}, {transform_indices = @transform_3, window_bounds = array<i64: 2048, 1>}, {transform_indices = @transform_4, window_bounds = array<i64: 2048, 128>}]} {
    %get3A = arith.constant 0 : index
    %get3A_0 = arith.constant 0 : index
    %get3A_1 = vector.load %arg1[%get3A, %get3A_0] : memref<2048x1xf32, #tpu.memory_space<vmem>>, vector<2048x1xf32>
    %get3A_2 = arith.constant 0 : index
    %get3A_3 = arith.constant 0 : index
    %get3A_4 = vector.load %arg2[%get3A_2, %get3A_3] : memref<2048x1xf32, #tpu.memory_space<vmem>>, vector<2048x1xf32>
    %add3A = arith.addf %get3A_1, %get3A_4 : vector<2048x1xf32>
    %add3A_5 = arith.constant 1.000000e+00 : f32
    %add3A_6 = vector.broadcast %add3A_5 : f32 to vector<2048x1xf32>
    %add3A_7 = arith.addf %add3A, %add3A_6 : vector<2048x1xf32>
    %rsqrt3A = math.rsqrt %add3A_7 : vector<2048x1xf32>
    %swap3A = arith.constant 0 : index
    %swap3A_8 = arith.constant 0 : index
    %swap3A_9 = vector.load %arg4[%swap3A, %swap3A_8] : memref<2048x1xf32, #tpu.memory_space<vmem>>, vector<2048x1xf32>
    tpu.vector_store %arg4[%swap3A, %swap3A_8], %rsqrt3A {strides = array<i32>} : memref<2048x1xf32, #tpu.memory_space<vmem>>, vector<2048x1xf32>,
    %get3A_10 = arith.constant 0 : index
    %get3A_11 = arith.constant 0 : index
    %get3A_12 = vector.load %arg3[%get3A_10, %get3A_11] : memref<2048x128xf32, #tpu.memory_space<vmem>>, vector<2048x128xf32>
    %mul3A = vector.broadcast %rsqrt3A : vector<2048x1xf32> to vector<2048x128xf32>
    %mul3A_13 = arith.mulf %get3A_12, %mul3A : vector<2048x128xf32>
    %swap3A_14 = arith.constant 0 : index
    %swap3A_15 = arith.constant 0 : index
    %swap3A_16 = vector.load %arg5[%swap3A_14, %swap3A_15] : memref<2048x128xf32, #tpu.memory_space<vmem>>, vector<2048x128xf32>
    tpu.vector_store %arg5[%swap3A_14, %swap3A_15], %mul3A_13 {strides = array<i32>} : memref<2048x128xf32, #tpu.memory_space<vmem>>, vector<2048x128xf32>,
    return
  }
  func.func @transform_0(%arg0: i32) -> (i32, i32) {
    %c0_i32 = arith.constant 0 : i32
    %c0_i32_0 = arith.constant 0 : i32
    return %arg0, %c0_i32 : i32, i32
  }
  func.func @transform_1(%arg0: i32) -> (i32, i32) {
    %c0_i32 = arith.constant 0 : i32
    %c0_i32_0 = arith.constant 0 : i32
    return %arg0, %c0_i32 : i32, i32
  }
  func.func @transform_2(%arg0: i32) -> (i32, i32) {
    %c0_i32 = arith.constant 0 : i32
    %c0_i32_0 = arith.constant 0 : i32
    return %arg0, %c0_i32 : i32, i32
  }
  func.func @transform_3(%arg0: i32) -> (i32, i32) {
    %c0_i32 = arith.constant 0 : i32
    %c0_i32_0 = arith.constant 0 : i32
    return %arg0, %c0_i32 : i32, i32
  }
  func.func @transform_4(%arg0: i32) -> (i32, i32) {
    %c0_i32 = arith.constant 0 : i32
    %c0_i32_0 = arith.constant 0 : i32
    return %arg0, %c0_i32 : i32, i32
  }
}

module attributes {stable_mosaic.version = 14 : i64} {
  func.func @body(%arg0: i32, %arg1: memref<2x2048x128xf32, #tpu.memory_space<vmem>>, %arg2: memref<2048x128xf32, #tpu.memory_space<vmem>>, %arg3: memref<2048x1xf32, #tpu.memory_space<vmem>>, %arg4: memref<128x128xf32, #tpu.memory_space<vmem>>, %arg5: memref<1x128xf32, #tpu.memory_space<vmem>>, %arg6: memref<128x128xf32, #tpu.memory_space<vmem>>, %arg7: memref<1x128xf32, #tpu.memory_space<vmem>>, %arg8: memref<128x40xf32, #tpu.memory_space<vmem>>, %arg9: memref<128x40xf32, #tpu.memory_space<vmem>>, %arg10: memref<2048x128xf32, #tpu.memory_space<vmem>>) attributes {dimension_semantics = [#tpu.dimension_semantics<arbitrary>], iteration_bounds = array<i64: 5>, scalar_prefetch = 0 : i64, scratch_operands = 0 : i64, tpu.core_type = #tpu.core_type<tc>, window_params = [{transform_indices = @transform_0, window_bounds = array<i64: 2, 2048, 128>}, {transform_indices = @transform_1, window_bounds = array<i64: 2048, 128>}, {transform_indices = @transform_2, window_bounds = array<i64: 2048, 1>}, {pipeline_mode = #tpu.pipeline_mode<synchronous>, transform_indices = @transform_3, window_bounds = array<i64: 128, 128>}, {pipeline_mode = #tpu.pipeline_mode<synchronous>, transform_indices = @transform_4, window_bounds = array<i64: 1, 128>}, {pipeline_mode = #tpu.pipeline_mode<synchronous>, transform_indices = @transform_5, window_bounds = array<i64: 128, 128>}, {pipeline_mode = #tpu.pipeline_mode<synchronous>, transform_indices = @transform_6, window_bounds = array<i64: 1, 128>}, {pipeline_mode = #tpu.pipeline_mode<synchronous>, transform_indices = @transform_7, window_bounds = array<i64: 128, 40>}, {pipeline_mode = #tpu.pipeline_mode<synchronous>, transform_indices = @transform_8, window_bounds = array<i64: 128, 40>}, {transform_indices = @transform_9, window_bounds = array<i64: 2048, 128>}]} {
    %get3A = arith.constant 0 : index
    %get3A_0 = arith.constant 0 : index
    %get3A_1 = vector.load %arg3[%get3A, %get3A_0] : memref<2048x1xf32, #tpu.memory_space<vmem>>, vector<2048x1xf32>
    %get3A_2 = arith.constant 0 : index
    %get3A_3 = arith.constant 0 : index
    %get3A_4 = arith.constant 0 : index
    %get3A_5 = vector.load %arg1[%get3A_2, %get3A_3, %get3A_4] : memref<2x2048x128xf32, #tpu.memory_space<vmem>>, vector<1x2048x128xf32>
    %get3A_6 = vector.shape_cast %get3A_5 : vector<1x2048x128xf32> to vector<2048x128xf32>
    %get3A_7 = arith.constant 1 : index
    %get3A_8 = arith.constant 0 : index
    %get3A_9 = arith.constant 0 : index
    %get3A_10 = vector.load %arg1[%get3A_7, %get3A_8, %get3A_9] : memref<2x2048x128xf32, #tpu.memory_space<vmem>>, vector<1x2048x128xf32>
    %get3A_11 = vector.shape_cast %get3A_10 : vector<1x2048x128xf32> to vector<2048x128xf32>
    %add3A = arith.addf %get3A_6, %get3A_11 : vector<2048x128xf32>
    %get3A_12 = arith.constant 0 : index
    %get3A_13 = arith.constant 0 : index
    %get3A_14 = vector.load %arg2[%get3A_12, %get3A_13] : memref<2048x128xf32, #tpu.memory_space<vmem>>, vector<2048x128xf32>
    %add3A_15 = arith.addf %add3A, %get3A_14 : vector<2048x128xf32>
    %mul3A = vector.broadcast %get3A_1 : vector<2048x1xf32> to vector<2048x128xf32>
    %mul3A_16 = arith.mulf %add3A_15, %mul3A : vector<2048x128xf32>
    %get3A_17 = arith.constant 0 : index
    %get3A_18 = arith.constant 0 : index
    %get3A_19 = vector.load %arg4[%get3A_17, %get3A_18] : memref<128x128xf32, #tpu.memory_space<vmem>>, vector<128x128xf32>
    %dot_general3A = arith.constant dense<0.000000e+00> : vector<2048x128xf32>
    %dot_general3A_20 = tpu.matmul %mul3A_16, %get3A_19, %dot_general3A {dimension_numbers = #tpu.dot_dimension_numbers<[1], [0], [0], [1], [0, 0, 1, 1], [], []>, transpose_lhs_hint = false} : vector<2048x128xf32>, vector<128x128xf32>, vector<2048x128xf32> -> vector<2048x128xf32>
    %get3A_21 = arith.constant 0 : index
    %get3A_22 = arith.constant 0 : index
    %get3A_23 = vector.load %arg5[%get3A_21, %get3A_22] : memref<1x128xf32, #tpu.memory_space<vmem>>, vector<1x128xf32>
    %add3A_24 = vector.broadcast %get3A_23 : vector<1x128xf32> to vector<2048x128xf32>
    %add3A_25 = arith.addf %dot_general3A_20, %add3A_24 : vector<2048x128xf32>
    %max3A = arith.constant 0.000000e+00 : f32
    %max3A_26 = vector.broadcast %max3A : f32 to vector<2048x128xf32>
    %max3A_27 = arith.maximumf %add3A_25, %max3A_26 : vector<2048x128xf32>
    %get3A_28 = arith.constant 0 : index
    %get3A_29 = arith.constant 0 : index
    %get3A_30 = vector.load %arg6[%get3A_28, %get3A_29] : memref<128x128xf32, #tpu.memory_space<vmem>>, vector<128x128xf32>
    %dot_general3A_31 = arith.constant dense<0.000000e+00> : vector<2048x128xf32>
    %dot_general3A_32 = tpu.matmul %mul3A_16, %get3A_30, %dot_general3A_31 {dimension_numbers = #tpu.dot_dimension_numbers<[1], [0], [0], [1], [0, 0, 1, 1], [], []>, transpose_lhs_hint = false} : vector<2048x128xf32>, vector<128x128xf32>, vector<2048x128xf32> -> vector<2048x128xf32>
    %get3A_33 = arith.constant 0 : index
    %get3A_34 = arith.constant 0 : index
    %get3A_35 = vector.load %arg7[%get3A_33, %get3A_34] : memref<1x128xf32, #tpu.memory_space<vmem>>, vector<1x128xf32>
    %add3A_36 = vector.broadcast %get3A_35 : vector<1x128xf32> to vector<2048x128xf32>
    %add3A_37 = arith.addf %dot_general3A_32, %add3A_36 : vector<2048x128xf32>
    %max3A_38 = arith.constant 0.000000e+00 : f32
    %max3A_39 = vector.broadcast %max3A_38 : f32 to vector<2048x128xf32>
    %max3A_40 = arith.maximumf %add3A_37, %max3A_39 : vector<2048x128xf32>
    %get3A_41 = arith.constant 0 : index
    %get3A_42 = arith.constant 0 : index
    %get3A_43 = vector.load %arg8[%get3A_41, %get3A_42] : memref<128x40xf32, #tpu.memory_space<vmem>>, vector<128x40xf32>
    %dot_general3A_44 = arith.constant dense<0.000000e+00> : vector<2048x40xf32>
    %dot_general3A_45 = tpu.matmul %max3A_27, %get3A_43, %dot_general3A_44 {dimension_numbers = #tpu.dot_dimension_numbers<[1], [0], [0], [1], [0, 0, 1, 1], [], []>, transpose_lhs_hint = false} : vector<2048x128xf32>, vector<128x40xf32>, vector<2048x40xf32> -> vector<2048x40xf32>
    %get3A_46 = arith.constant 0 : index
    %get3A_47 = arith.constant 0 : index
    %get3A_48 = vector.load %arg9[%get3A_46, %get3A_47] : memref<128x40xf32, #tpu.memory_space<vmem>>, vector<128x40xf32>
    %dot_general3A_49 = arith.constant dense<0.000000e+00> : vector<2048x40xf32>
    %dot_general3A_50 = tpu.matmul %max3A_40, %get3A_48, %dot_general3A_49 {dimension_numbers = #tpu.dot_dimension_numbers<[1], [0], [0], [1], [0, 0, 1, 1], [], []>, transpose_lhs_hint = false} : vector<2048x128xf32>, vector<128x40xf32>, vector<2048x40xf32> -> vector<2048x40xf32>
    %broadcast_in_dim3A = arith.constant 0.000000e+00 : f32
    %broadcast_in_dim3A_51 = vector.broadcast %broadcast_in_dim3A : f32 to vector<2048x48xf32>
    %concatenate3A = tpu.concatenate %dot_general3A_45, %dot_general3A_50, %broadcast_in_dim3A_51 in 1 : vector<2048x40xf32>, vector<2048x40xf32>, vector<2048x48xf32> -> vector<2048x128xf32>
    %mul3A_52 = vector.broadcast %get3A_1 : vector<2048x1xf32> to vector<2048x128xf32>
    %mul3A_53 = arith.mulf %concatenate3A, %mul3A_52 : vector<2048x128xf32>
    %swap3A = arith.constant 0 : index
    %swap3A_54 = arith.constant 0 : index
    %swap3A_55 = vector.load %arg10[%swap3A, %swap3A_54] : memref<2048x128xf32, #tpu.memory_space<vmem>>, vector<2048x128xf32>
    tpu.vector_store %arg10[%swap3A, %swap3A_54], %mul3A_53 {strides = array<i32>} : memref<2048x128xf32, #tpu.memory_space<vmem>>, vector<2048x128xf32>,
    return
  }
  func.func @transform_0(%arg0: i32) -> (i32, i32, i32) {
    %c0_i32 = arith.constant 0 : i32
    %c0_i32_0 = arith.constant 0 : i32
    %c0_i32_1 = arith.constant 0 : i32
    return %c0_i32, %arg0, %c0_i32_0 : i32, i32, i32
  }
  func.func @transform_1(%arg0: i32) -> (i32, i32) {
    %c0_i32 = arith.constant 0 : i32
    %c0_i32_0 = arith.constant 0 : i32
    return %arg0, %c0_i32 : i32, i32
  }
  func.func @transform_2(%arg0: i32) -> (i32, i32) {
    %c0_i32 = arith.constant 0 : i32
    %c0_i32_0 = arith.constant 0 : i32
    return %arg0, %c0_i32 : i32, i32
  }
  func.func @transform_3(%arg0: i32) -> (i32, i32) {
    %c0_i32 = arith.constant 0 : i32
    %c0_i32_0 = arith.constant 0 : i32
    %c0_i32_1 = arith.constant 0 : i32
    return %c0_i32, %c0_i32_0 : i32, i32
  }
  func.func @transform_4(%arg0: i32) -> (i32, i32) {
    %c0_i32 = arith.constant 0 : i32
    %c0_i32_0 = arith.constant 0 : i32
    %c0_i32_1 = arith.constant 0 : i32
    return %c0_i32, %c0_i32_0 : i32, i32
  }
  func.func @transform_5(%arg0: i32) -> (i32, i32) {
    %c0_i32 = arith.constant 0 : i32
    %c0_i32_0 = arith.constant 0 : i32
    %c0_i32_1 = arith.constant 0 : i32
    return %c0_i32, %c0_i32_0 : i32, i32
  }
  func.func @transform_6(%arg0: i32) -> (i32, i32) {
    %c0_i32 = arith.constant 0 : i32
    %c0_i32_0 = arith.constant 0 : i32
    %c0_i32_1 = arith.constant 0 : i32
    return %c0_i32, %c0_i32_0 : i32, i32
  }
  func.func @transform_7(%arg0: i32) -> (i32, i32) {
    %c0_i32 = arith.constant 0 : i32
    %c0_i32_0 = arith.constant 0 : i32
    %c0_i32_1 = arith.constant 0 : i32
    return %c0_i32, %c0_i32_0 : i32, i32
  }
  func.func @transform_8(%arg0: i32) -> (i32, i32) {
    %c0_i32 = arith.constant 0 : i32
    %c0_i32_0 = arith.constant 0 : i32
    %c0_i32_1 = arith.constant 0 : i32
    return %c0_i32, %c0_i32_0 : i32, i32
  }
  func.func @transform_9(%arg0: i32) -> (i32, i32) {
    %c0_i32 = arith.constant 0 : i32
    %c0_i32_0 = arith.constant 0 : i32
    return %arg0, %c0_i32 : i32, i32
  }
}

module attributes {stable_mosaic.version = 14 : i64} {
  func.func @body(%arg0: i32, %arg1: memref<2x2048x128xf32, #tpu.memory_space<vmem>>, %arg2: memref<2048x128xf32, #tpu.memory_space<vmem>>, %arg3: memref<2048x1xf32, #tpu.memory_space<vmem>>, %arg4: memref<1x40xf32, #tpu.memory_space<vmem>>, %arg5: memref<1x40xf32, #tpu.memory_space<vmem>>, %arg6: memref<2048x40xf32, #tpu.memory_space<vmem>>, %arg7: memref<2048x40xf32, #tpu.memory_space<vmem>>) attributes {dimension_semantics = [#tpu.dimension_semantics<arbitrary>], iteration_bounds = array<i64: 5>, scalar_prefetch = 0 : i64, scratch_operands = 0 : i64, tpu.core_type = #tpu.core_type<tc>, window_params = [{transform_indices = @transform_0, window_bounds = array<i64: 2, 2048, 128>}, {transform_indices = @transform_1, window_bounds = array<i64: 2048, 128>}, {transform_indices = @transform_2, window_bounds = array<i64: 2048, 1>}, {pipeline_mode = #tpu.pipeline_mode<synchronous>, transform_indices = @transform_3, window_bounds = array<i64: 1, 40>}, {pipeline_mode = #tpu.pipeline_mode<synchronous>, transform_indices = @transform_4, window_bounds = array<i64: 1, 40>}, {transform_indices = @transform_5, window_bounds = array<i64: 2048, 40>}, {transform_indices = @transform_6, window_bounds = array<i64: 2048, 40>}]} {
    %get3A = arith.constant 0 : index
    %get3A_0 = arith.constant 0 : index
    %get3A_1 = arith.constant 0 : index
    %get3A_2 = vector.load %arg1[%get3A, %get3A_0, %get3A_1] : memref<2x2048x128xf32, #tpu.memory_space<vmem>>, vector<1x2048x128xf32>
    %get3A_3 = vector.shape_cast %get3A_2 : vector<1x2048x128xf32> to vector<2048x128xf32>
    %get3A_4 = arith.constant 1 : index
    %get3A_5 = arith.constant 0 : index
    %get3A_6 = arith.constant 0 : index
    %get3A_7 = vector.load %arg1[%get3A_4, %get3A_5, %get3A_6] : memref<2x2048x128xf32, #tpu.memory_space<vmem>>, vector<1x2048x128xf32>
    %get3A_8 = vector.shape_cast %get3A_7 : vector<1x2048x128xf32> to vector<2048x128xf32>
    %add3A = arith.addf %get3A_3, %get3A_8 : vector<2048x128xf32>
    %get3A_9 = arith.constant 0 : index
    %get3A_10 = arith.constant 0 : index
    %get3A_11 = vector.load %arg2[%get3A_9, %get3A_10] : memref<2048x128xf32, #tpu.memory_space<vmem>>, vector<2048x128xf32>
    %add3A_12 = arith.addf %add3A, %get3A_11 : vector<2048x128xf32>
    %get3A_13 = arith.constant 0 : index
    %get3A_14 = arith.constant 0 : index
    %get3A_15 = vector.load %arg3[%get3A_13, %get3A_14] : memref<2048x1xf32, #tpu.memory_space<vmem>>, vector<2048x1xf32>
    %mul3A = vector.broadcast %get3A_15 : vector<2048x1xf32> to vector<2048x128xf32>
    %mul3A_16 = arith.mulf %add3A_12, %mul3A : vector<2048x128xf32>
    %slice3A = vector.extract_strided_slice %mul3A_16 {offsets = [0, 0], sizes = [2048, 40], strides = [1, 1]} : vector<2048x128xf32> to vector<2048x40xf32>
    %get3A_17 = arith.constant 0 : index
    %get3A_18 = arith.constant 0 : index
    %get3A_19 = vector.load %arg4[%get3A_17, %get3A_18] : memref<1x40xf32, #tpu.memory_space<vmem>>, vector<1x40xf32>
    %add3A_20 = vector.broadcast %get3A_19 : vector<1x40xf32> to vector<2048x40xf32>
    %add3A_21 = arith.addf %slice3A, %add3A_20 : vector<2048x40xf32>
    %swap3A = arith.constant 0 : index
    %swap3A_22 = arith.constant 0 : index
    %swap3A_23 = vector.load %arg6[%swap3A, %swap3A_22] : memref<2048x40xf32, #tpu.memory_space<vmem>>, vector<2048x40xf32>
    tpu.vector_store %arg6[%swap3A, %swap3A_22], %add3A_21 {strides = array<i32>} : memref<2048x40xf32, #tpu.memory_space<vmem>>, vector<2048x40xf32>,
    %slice3A_24 = vector.extract_strided_slice %mul3A_16 {offsets = [0, 40], sizes = [2048, 40], strides = [1, 1]} : vector<2048x128xf32> to vector<2048x40xf32>
    %get3A_25 = arith.constant 0 : index
    %get3A_26 = arith.constant 0 : index
    %get3A_27 = vector.load %arg5[%get3A_25, %get3A_26] : memref<1x40xf32, #tpu.memory_space<vmem>>, vector<1x40xf32>
    %add3A_28 = vector.broadcast %get3A_27 : vector<1x40xf32> to vector<2048x40xf32>
    %add3A_29 = arith.addf %slice3A_24, %add3A_28 : vector<2048x40xf32>
    %swap3A_30 = arith.constant 0 : index
    %swap3A_31 = arith.constant 0 : index
    %swap3A_32 = vector.load %arg7[%swap3A_30, %swap3A_31] : memref<2048x40xf32, #tpu.memory_space<vmem>>, vector<2048x40xf32>
    tpu.vector_store %arg7[%swap3A_30, %swap3A_31], %add3A_29 {strides = array<i32>} : memref<2048x40xf32, #tpu.memory_space<vmem>>, vector<2048x40xf32>,
    return
  }
  func.func @transform_0(%arg0: i32) -> (i32, i32, i32) {
    %c0_i32 = arith.constant 0 : i32
    %c0_i32_0 = arith.constant 0 : i32
    %c0_i32_1 = arith.constant 0 : i32
    return %c0_i32, %arg0, %c0_i32_0 : i32, i32, i32
  }
  func.func @transform_1(%arg0: i32) -> (i32, i32) {
    %c0_i32 = arith.constant 0 : i32
    %c0_i32_0 = arith.constant 0 : i32
    return %arg0, %c0_i32 : i32, i32
  }
  func.func @transform_2(%arg0: i32) -> (i32, i32) {
    %c0_i32 = arith.constant 0 : i32
    %c0_i32_0 = arith.constant 0 : i32
    return %arg0, %c0_i32 : i32, i32
  }
  func.func @transform_3(%arg0: i32) -> (i32, i32) {
    %c0_i32 = arith.constant 0 : i32
    %c0_i32_0 = arith.constant 0 : i32
    %c0_i32_1 = arith.constant 0 : i32
    return %c0_i32, %c0_i32_0 : i32, i32
  }
  func.func @transform_4(%arg0: i32) -> (i32, i32) {
    %c0_i32 = arith.constant 0 : i32
    %c0_i32_0 = arith.constant 0 : i32
    %c0_i32_1 = arith.constant 0 : i32
    return %c0_i32, %c0_i32_0 : i32, i32
  }
  func.func @transform_5(%arg0: i32) -> (i32, i32) {
    %c0_i32 = arith.constant 0 : i32
    %c0_i32_0 = arith.constant 0 : i32
    return %arg0, %c0_i32 : i32, i32
  }
  func.func @transform_6(%arg0: i32) -> (i32, i32) {
    %c0_i32 = arith.constant 0 : i32
    %c0_i32_0 = arith.constant 0 : i32
    return %arg0, %c0_i32 : i32, i32
  }
}

</mosaic_0001>

<sc_bundles>
// kernel: kernel.11.cloned.1.call-start
scs
__scs_entry_jumppad:
0x0: {  	(pc) =	sbr.rel $0x88, $3  }
0x1: {  	(tag) =	ssettag $0x0;
	lr =	simm.s32 $0x1  }
0x2: {  	[smem:$0x3F97] =	sst lr;
	_ =	strace $0xD0000000  }
0x3: {  	_ = 	snop  }
0x4: {  	_ = 	snop  }
0x5: {  	_ = 	snop  }
0x6: {  	_ = 	snop  }
0x7: {  	_ = 	snop  }
__scs_overlays_trampoline_lowered:
0x8: {  	[smem:$0x3FA6] =	sst s0  }
0x9: {  	[smem:$0x3FA7] =	sst s1  }
0xa: {  	[smem:$0x3FA8] =	sst s2  }
0xb: {  	[smem:$0x3FA9] =	sst s3  }
0xc: {  	[smem:$0x3FAA] =	sst s4  }
0xd: {  	[smem:$0x3FAB] =	sst s5  }
0xe: {  	[smem:$0x3FAC] =	sst s6  }
0xf: {  	[smem:$0x3FAD] =	sst s7  }
0x10: {  	[smem:$0x3FAE] =	sst s8  }
0x11: {  	[smem:$0x3FAF] =	sst s9;
	s0 =	simm.s32 @!p0 $0x0  }
0x12: {  	s1 =	sld [smem:$0x3F95];
	s0 =	simm.s32 @p0 $0x1  }
0x13: {  	[smem:$0x3FB0] =	sst s0;
	s0 =	simm.s32 @!p1 $0x0  }
0x14: {  	s2 =	sld [smem:$0x3F94];
	s0 =	simm.s32 @p1 $0x1  }
0x15: {  	[smem:$0x3FB1] =	sst s0;
	s0 =	simm.s32 @!p2 $0x0  }
0x16: {  	s3 =	sld [smem:$0x3FDB];
	s0 =	simm.s32 @p2 $0x1  }
0x17: {  	s4 =	simm.s32 $0x1BF5;
	[smem:$0x3FB3] =	sst s0  }
0x18: {  	s0 =	sld [smem:$0x3F96];
	_ =	swait.ge [sflag:s4], $0x0  }
0x19: {  	s7 =	sld [smem:$0x3F97]  }
0x1a: {  	s8 =	sadd.s32 $0xFFFFE003, lr  }
0x1b: {  	s9 =	sadd.s32 $0xFFFFFEF7, lr;
	s5 =	simm.s32 $0xFFFFFFFF;
	p2 =	slt.u32 s8, $0xFFFFF086  }
0x1c: {  	p1 =	slt.u32 s9, $0xF7A;
	s5 =	simm.s32 @!p2 $0x0  }
0x1d: {  	s5 =	simm.s32 @p1 $0x1;
	p0 =	seq.s32 s7, s2  }
0x1e: {  	s7 =	smul.u32 @!p0 $0xF7A, s2;
	p2 =	seq.s32 @!p0 s5, $0x0  }
0x1f: {  	s9 =	smul.u32 $0xF7A, s1;
	s8 =	simm.s32 @!p0 $0x1BF5;
	p2 =	por !p2, p0  }
0x20: {  	[sflag:s8] =	ssyncset.s32 @!p0 $0xFFFFF086;
	s6 =	sadd.s32 @!p0 s3, s7;
	s7 =	simm.s32 @!p0 $0x108  }
0x21: {  	s3 =	sadd.s32 s3, s9;
	s6 =	sadd.s32 @!p0 $0x88, s6;
	s7 =	simm.s32 @p2 $0x1082  }
0x22: {  	[simem:s7], [sflag:s8] =	dma.local @!p0 [hbm:s6], $0xF7A  }
0x23: {  	s9 =	sor.u32 $0xD0000000, s2;
	s6 =	simm.s32 $0x108;
	_ =	swait.ge @!p0 [sflag:s8], $0x0  }
0x24: {  	s3 =	sadd.s32 $0x88, s3;
	s6 =	simm.s32 @!p1 $0x1082;
	[sflag:s4] =	ssyncset.s32 $0xFFFFF086  }
0x25: {  	[simem:s6], [sflag:s4] =	dma.local [hbm:s3], $0xF7A  }
0x26: {  	[smem:$0x3F97] =	sst s1;
	(tag) =	ssettag s2;
	_ =	strace s9  }
0x27: {  	s1 =	sld [smem:$0x3FA7]  }
0x28: {  	s2 =	sld [smem:$0x3FA8]  }
0x29: {  	s4 =	sld [smem:$0x3FAA]  }
0x2a: {  	p0 =	seq.s32 s5, $0x0;
	s5 =	sld [smem:$0x3FAB]  }
0x2b: {  	s6 =	sld [smem:$0x3FAC]  }
0x2c: {  	s7 =	sld [smem:$0x3FAD]  }
0x2d: {  	s3 =	simm.s32 $0x108;
	s8 =	sld [smem:$0x3FAE]  }
0x2e: {  	s3 =	simm.s32 @!p0 $0x1082;
	s9 =	sld [smem:$0x3FAF]  }
0x2f: {  	lr =	sadd.s32 s0, s3;
	s0 =	sld [smem:$0x3FA6]  }
0x30: {  	s3 =	sld [smem:$0x3FA9]  }
0x31: {  	[smem:$0x3FB2] =	sst s10  }
0x32: {  	s10 =	sld [smem:$0x3FB0];
	_ =	sdelay $0x3  }
0x33: {  	p0 =	seq.s32 s10, $0x1;
	s10 =	sld [smem:$0x3FB2];
	_ =	sdelay $0x3  }
0x34: {  	[smem:$0x3FB2] =	sst s10  }
0x35: {  	s10 =	sld [smem:$0x3FB1];
	_ =	sdelay $0x3  }
0x36: {  	p1 =	seq.s32 s10, $0x1;
	s10 =	sld [smem:$0x3FB2];
	_ =	sdelay $0x3  }
0x37: {  	[smem:$0x3FB2] =	sst s10  }
0x38: {  	s10 =	sld [smem:$0x3FB3]  }
0x39: {  	_ = 	snop;
	(pc) =	sbr.ind lr, $3  }
0x3a: {  	_ = 	snop  }
0x3b: {  	_ = 	snop  }
0x3c: {  	p2 =	seq.s32 s10, $0x1;
	s10 =	sld [smem:$0x3FB2]  }
0x3d: {  	_ =	shalt  }
0x3e: {  	_ =	shalt  }
0x3f: {  	_ =	shalt  }
0x40: {  	_ =	shalt  }
0x41: {  	_ =	shalt  }
0x42: {  	_ =	shalt  }
0x43: {  	_ =	shalt  }
0x44: {  	_ =	shalt  }
0x45: {  	_ =	shalt  }
0x46: {  	_ =	shalt  }
0x47: {  	_ =	shalt  }
0x48: {  	_ =	shalt  }
0x49: {  	_ =	shalt  }
0x4a: {  	_ =	shalt  }
0x4b: {  	_ =	shalt  }
0x4c: {  	_ =	shalt  }
0x4d: {  	_ =	shalt  }
0x4e: {  	_ =	shalt  }
0x4f: {  	_ =	shalt  }
0x50: {  	_ =	shalt  }
0x51: {  	_ =	shalt  }
0x52: {  	_ =	shalt  }
0x53: {  	_ =	shalt  }
0x54: {  	_ =	shalt  }
0x55: {  	_ =	shalt  }
0x56: {  	_ =	shalt  }
0x57: {  	_ =	shalt  }
0x58: {  	_ =	shalt  }
0x59: {  	_ =	shalt  }
0x5a: {  	_ =	shalt  }
0x5b: {  	_ =	shalt  }
0x5c: {  	_ =	shalt  }
0x5d: {  	_ =	shalt  }
0x5e: {  	_ =	shalt  }
0x5f: {  	_ =	shalt  }
0x60: {  	_ =	shalt  }
0x61: {  	_ =	shalt  }
0x62: {  	_ =	shalt  }
0x63: {  	_ =	shalt  }
0x64: {  	_ =	shalt  }
0x65: {  	_ =	shalt  }
0x66: {  	_ =	shalt  }
0x67: {  	_ =	shalt  }
0x68: {  	_ =	shalt  }
0x69: {  	_ =	shalt  }
0x6a: {  	_ =	shalt  }
0x6b: {  	_ =	shalt  }
0x6c: {  	_ =	shalt  }
0x6d: {  	_ =	shalt  }
0x6e: {  	_ =	shalt  }
0x6f: {  	_ =	shalt  }
0x70: {  	_ =	shalt  }
0x71: {  	_ =	shalt  }
0x72: {  	_ =	shalt  }
0x73: {  	_ =	shalt  }
0x74: {  	_ =	shalt  }
0x75: {  	_ =	shalt  }
0x76: {  	_ =	shalt  }
0x77: {  	_ =	shalt  }
0x78: {  	_ =	shalt  }
0x79: {  	_ =	shalt  }
0x7a: {  	_ =	shalt  }
0x7b: {  	_ =	shalt  }
0x7c: {  	_ =	shalt  }
0x7d: {  	_ =	shalt  }
0x7e: {  	_ =	shalt  }
0x7f: {  	_ =	shalt  }
0x80: {  	_ =	shalt  }
0x81: {  	_ =	shalt  }
0x82: {  	_ =	shalt  }
0x83: {  	_ =	shalt  }
0x84: {  	_ =	shalt  }
0x85: {  	_ =	shalt  }
0x86: {  	_ =	shalt  }
0x87: {  	_ =	shalt  }
.Lfunc_end0:
.L_simem_size_0:
called_computation.1_lowered:
.L_overlay_start_0:
0x88: {  	s2 =	sld [smem:$0x3FD9]  }
0x89: {  	s3 =	sld [smem:$0x3FFE];
	_ =	sdelay $0x1  }
0x8a: {  	s1 =	srdreg.scid  }
0x8b: {  	s0 =	sand.u32 $0x1, s1  }
0x8c: {  	s16 =	sshll.u32 s0, $0xA;
	s2 =	sadd.s32 s3, s2  }
0x8d: {  	s2 =	sadd.s32 s2, s16  }
0x8e: {  	[smem:$0x3FBE] =	sst s2  }
0x8f: {  	_ = 	snop  }
0x90: {  	(tm) =	ssettm $0x1  }
0x91: {  	s17 =	sld [smem:$0x3FFB];
	_ =	sdelay $0x3  }
0x92: {  	_ =	strace s17  }
0x93: {  	s2 =	sld [smem:$0x3FFC];
	_ =	sdelay $0x3  }
0x94: {  	_ =	strace s2  }
0x95: {  	s2 =	sld [smem:$0x3FFD];
	_ =	sdelay $0x3  }
0x96: {  	_ =	strace s2  }
0x97: {  	_ =	strace $0x8FFFFFFF  }
0x98: {  	s18 =	sld [smem:$0x3FDB];
	_ =	sdelay $0x1  }
0x99: {  	s19 =	simm.s32 $_scs_section_size  }
0x9a: {  	s4 =	simm.s32 $_size__tile_overlayer_lowered;
	s5 =	simm.s32 $_tile_overlayer_lowered  }
0x9b: {  	s22 =	simm.s32 $0x1BFF;
	s21 =	sshll.u32 s5, $0x1;
	s2 =	sadd.s32 s19, s18  }
0x9c: {  	s6 =	simm.s32 $0x0;
	s20 =	sshll.u32 s4, $0x1;
	s4 =	sadd.s32 s21, s2  }
0x9d: {  	[timem:s6], [sflag:s22] =	dma.local [hbm:s4], s20  }
0x9e: {  	_ =	swait.ge [sflag:s22], s20  }
0x9f: {  	s3 =	ssub.s32 $0x0, s20;
	[sflag:s22] =	ssyncset.done $0x0  }
0xa0: {  	[sflag:s22] =	ssyncadd.s32 s3;
	_ =	sdelay $0x1  }
0xa1: {  	s23 =	simm.s32 $0x1B8B  }
0xa2: {  	_ =	swait.ge [sflag:s23], $0x1  }
0xa3: {  	[sflag:s23] =	ssyncset.done $0x0  }
0xa4: {  	s25 =	simm.s32 $0x1B8E;
	s24 =	sld [smem:$0x3FFE];
	[sflag:s23] =	ssyncadd.s32 $0xFFFFFFFF  }
0xa5: {  	s26 =	simm.s32 $execute0_lowered;
	[smem:$0x3FD2] =	sst s25  }
0xa6: {  	s4 =	sshll.u32 s26, $0x1;
	_ =	strace $0x80000049;
	[dreg:$0x1] =	wrdreg $0xFFFFFFFF  }
0xa7: {  	s28 =	simm.s32 $_size_execute0_lowered;
	s2 =	sadd.s32 s2, s4;
	[dreg:$0x0] =	wrdreg $0x0  }
0xa8: {  	s4 =	sshll.u32 s28, $0x1;
	[dreg:$0x2] =	wrdreg s2  }
0xa9: {  	[dreg:$0x3] =	wrdreg s4  }
0xaa: {  	[dreg:$0x4] =	wrdreg $0xC0  }
0xab: {  	_ =	task [dreg:s6], $0x5FFFF  }
0xac: {  	[dreg:$0x1] =	wrdreg $0xFFFFFFFF  }
0xad: {  	[dreg:$0x0] =	wrdreg $0x60  }
0xae: {  	[dreg:$0x2] =	wrdreg s24  }
0xaf: {  	[dreg:$0x3] =	wrdreg $0xB8000  }
0xb0: {  	[dreg:$0x4] =	wrdreg $0x9  }
0xb1: {  	_ =	task.clear_ibuf [dreg:s6], $0x5FFFF;
	_ =	strace $0x90000049  }
0xb2: {  	s29 =	simm.s32 $0x9;
	_ =	strace $0x8000004B  }
0xb3: {  	_ =	swait.ge [sflag:s29], $0x1  }
0xb4: {  	[sflag:s29] =	ssyncadd.s32 $0xFFFFFFFF  }
0xb5: {  	_ =	strace $0x9000004B  }
0xb6: {  	_ =	sfence  }
0xb7: {  	s30 =	sld [smem:$0x0];
	_ =	sdelay $0x2  }
0xb8: {  	s31 =	sshll.u32 s1, $0xD;
	s1 =	sshrl.u32 s1, $0x2  }
0xb9: {  	s3 =	sand.u32 $0x4000, s31;
	s1 =	sadd.s32 s1, s30  }
0xba: {  	s0 =	sor.u32 s3, s0;
	s1 =	sshll.u32 s1, $0x11  }
0xbb: {  	s0 =	sor.u32 s1, s0  }
0xbc: {  	s0 =	sadd.s32 $0x8F2B, s0  }
0xbd: {  	[sflag:s0] =	ssyncadd.remote.s32 $0x1  }
0xbe: {  	_ =	sfence.sel $0xFFFF  }
0xbf: {  	[dreg:$0x0] =	wrdreg $0xFFFFFFFF;
	(pc) =	sbr.abs _section_cstart, $3  }
0xc0: {  	[dreg:$0x1] =	wrdreg $0xFFFFFFFF  }
0xc1: {  	_ =	task.clear_ibuf [dreg:s6], $0x2FFFF;
	_ =	strace $0x9FFFFFFF  }
0xc2: {  	(tm) =	ssettm $0x7FFFFFFF  }
0xc3: {  	_ =	shalt  }
tec
execute0_lowered:
.L_overlay_start_1:
0x0: {  	(tag) =	ssettag $0x1  }
0x1: {  	s10 =	stileid.u32  }
0x2: {  	s7 =	smul.u32 $0x14000, s10  }
0x3: {  	s9 =	sshll.u32 s10, $0xE;
	s10 =	smul.u32 $0x50000, s10  }
0x4: {  	s0 =	rddreg [dreg:$0x0]  }
0x5: {  	s1 =	rddreg [dreg:$0x1];
	s3 =	simm.s32 $0x0;
	s31 =	sshrl.u32 s10, $0x2  }
0x6: {  	[smem:$0x7FF] =	sst s3;
	s25 =	sadd.s32 s31, s1  }
0x7: {  	_ =	strace $0x8000004A;
	s13 =	sadd.s32 $0x1000, s25;
	[dreg:$0x5] =	wrdreg s25  }
0x8: {  	s14 =	sadd.s32 $0x1800, s25;
	[dreg:$0x7] =	wrdreg s13  }
0x9: {  	s15 =	sadd.s32 $0x2000, s25;
	[dreg:$0x8] =	wrdreg s14  }
0xa: {  	s2 =	srdreg.scid;
	s16 =	sadd.s32 $0x2800, s25;
	[dreg:$0x9] =	wrdreg s15  }
0xb: {  	s2 =	sand.u32 $0x1, s2;
	s17 =	sadd.s32 $0x3000, s25;
	[dreg:$0xa] =	wrdreg s16  }
0xc: {  	s4 =	sadd.s32 $0x23400, s0;
	s18 =	sadd.s32 $0x3800, s25;
	[dreg:$0xb] =	wrdreg s17  }
0xd: {  	s5 =	sadd.s32 $0x13400, s0;
	s19 =	sadd.s32 $0x4000, s25;
	[dreg:$0xc] =	wrdreg s18  }
0xe: {  	s8 =	ssub.s32 $0x2, s2;
	s20 =	sadd.s32 $0x4800, s25;
	[dreg:$0xd] =	wrdreg s19  }
0xf: {  	s11 =	sshrl.u32 s8, $0x1;
	s21 =	sadd.s32 $0x5000, s25;
	[dreg:$0xe] =	wrdreg s20  }
0x10: {  	s29 =	ssub.s32 s8, s11;
	s22 =	sadd.s32 $0x5800, s25;
	[dreg:$0xf] =	wrdreg s21  }
0x11: {  	s6 =	smul.u32 $0x140000, s2;
	s24 =	smax.u32 s29, $0x1;
	[dreg:$0x10] =	wrdreg s22  }
0x12: {  	s2 =	sshll.u32 s2, $0x12;
	s26 =	sadd.s32 $0x6000, s25;
	[dreg:$0x14] =	wrdreg s24  }
0x13: {  	s7 =	sadd.s32 s7, s6;
	s28 =	sadd.s32 $0x6800, s25;
	[dreg:$0x15] =	wrdreg s26  }
0x14: {  	s6 =	sadd.s32 $0x3400, s0;
	s29 =	sadd.s32 $0x7000, s25;
	[dreg:$0x16] =	wrdreg s28  }
0x15: {  	s7 =	sshrl.u32 s7, $0x3;
	s31 =	sadd.s32 $0x8000, s25;
	[dreg:$0x17] =	wrdreg s29  }
0x16: {  	s10 =	sadd.s32 $0xA000, s25;
	s0 =	sadd.s32 s7, s0;
	[dreg:$0x19] =	wrdreg s31  }
0x17: {  	s7 =	sor.u32 s9, s2;
	s9 =	sadd.s32 $0x800, s25;
	[dreg:$0x1d] =	wrdreg s10  }
0x18: {  	s2 =	sadd.s32 $0x8800, s25;
	[dreg:$0x6] =	wrdreg s9  }
0x19: {  	s13 =	sadd.s32 $0xB800, s25;
	[dreg:$0x1a] =	wrdreg s2  }
0x1a: {  	s14 =	sadd.s32 $0xC000, s25;
	[smem:$0x7ED] =	sst s13  }
0x1b: {  	s15 =	sadd.s32 $0xC800, s25;
	[smem:$0x7EE] =	sst s14  }
0x1c: {  	s16 =	sadd.s32 $0xD000, s25;
	[smem:$0x7EF] =	sst s15  }
0x1d: {  	s17 =	sadd.s32 $0xD800, s25;
	[smem:$0x7F0] =	sst s16  }
0x1e: {  	s18 =	sadd.s32 $0xE000, s25;
	[smem:$0x7F1] =	sst s17  }
0x1f: {  	s19 =	sadd.s32 $0xE800, s25;
	[smem:$0x7F2] =	sst s18  }
0x20: {  	s20 =	sadd.s32 $0xF000, s25;
	[smem:$0x7F3] =	sst s19  }
0x21: {  	s21 =	sadd.s32 $0xF800, s25;
	[smem:$0x7F4] =	sst s20  }
0x22: {  	s22 =	sadd.s32 $0x10000, s25;
	[smem:$0x7F5] =	sst s21  }
0x23: {  	s24 =	sadd.s32 $0x11000, s25;
	[smem:$0x7F6] =	sst s22  }
0x24: {  	s26 =	sadd.s32 $0x11800, s25;
	[smem:$0x7F8] =	sst s24  }
0x25: {  	s28 =	sadd.s32 $0x12000, s25;
	s29 =	sadd.s32 $0x12800, s25;
	[smem:$0x7F9] =	sst s26  }
0x26: {  	s31 =	sadd.s32 $0x13800, s25;
	s10 =	simm.s32 $0xC;
	[smem:$0x7FA] =	sst s28  }
0x27: {  	s30 =	sshrl.u32 s7, $0x3;
	s0 =	sadd.s32 $0x4B400, s0;
	[smem:$0x7FB] =	sst s29  }
0x28: {  	s9 =	sadd.s32 $0x9800, s25;
	[smem:$0x7FD] =	sst s31;
	s2 =	simm.s32 $0x1000  }
0x29: {  	s13 =	simm.s32 $0x6000;
	s14 =	simm.s32 $0x2;
	s15 =	simm.s32 $0x8800  }
0x2a: {  	s16 =	simm.s32 $0x3;
	s17 =	simm.s32 $0x5;
	[dreg:$0x13] =	wrdreg s0  }
0x2b: {  	s18 =	simm.s32 $0x4;
	s11 =	sadd.s32 s5, s30;
	[dreg:$0x1c] =	wrdreg s9  }
0x2c: {  	s19 =	simm.s32 $0x6;
	s12 =	sadd.s32 s6, s30;
	[dreg:$0x3] =	wrdreg s11  }
0x2d: {  	s8 =	sor.u32 $0x80, s30;
	s30 =	sadd.s32 $0x7800, s25;
	[dreg:$0x4] =	wrdreg s12  }
0x2e: {  	s20 =	simm.s32 $0x7;
	s23 =	sadd.s32 s5, s8;
	[dreg:$0x18] =	wrdreg s30  }
0x2f: {  	s21 =	simm.s32 $0x8;
	s8 =	sadd.s32 s6, s8;
	[dreg:$0x11] =	wrdreg s23  }
0x30: {  	s22 =	simm.s32 $0x9;
	s11 =	sadd.s32 $0xA800, s25;
	[dreg:$0x12] =	wrdreg s8  }
0x31: {  	s24 =	simm.s32 $0x1;
	s12 =	sadd.s32 $0xB000, s25;
	[dreg:$0x1e] =	wrdreg s11  }
0x32: {  	s0 =	simm.s32 $0x50;
	s30 =	sadd.s32 $0x13000, s25;
	[dreg:$0x1f] =	wrdreg s12  }
0x33: {  	s8 =	sadd.s32 $0x9000, s25;
	s23 =	sadd.s32 $0x10800, s25;
	[smem:$0x7FC] =	sst s30  }
0x34: {  	s11 =	simm.s32 $0xB;
	s12 =	simm.s32 $0x0;
	[dreg:$0x1b] =	wrdreg s8  }
0x35: {  	v0 =	vimm.f32 $0.0e+00;
	[smem:$0x7F7] =	sst s23;
	s8 =	simm.s32 $0x3800;
	s23 =	simm.s32 $0xA  }
.LBB2_1:
0x36: {  	[smem:$0x7EC] =	sst s12  }
0x37: {  	s9 =	rddreg [dreg:$0x3]  }
0x38: {  	[tilespmem:s3], [sflag:$0xC] =	stream.linear.gather [hbm4b:s9+s3], $0x400, $0x38;
	[tilespmem:$0x1F800] =	vst v63  }
0x39: {  	_ =	swait.ge [sflag:s10], $0x400  }
0x3a: {  	[sflag:s10] =	ssyncset.done $0x0  }
0x3b: {  	s28 =	simm.s32 $0x800;
	s26 =	rddreg [dreg:$0x4];
	[sflag:s10] =	ssyncadd.s32 $0xFFFFFC00  }
0x3c: {  	[tilespmem:s28], [sflag:$0xC] =	stream.linear.gather [hbm4b:s26+s3], $0x400, $0x38;
	[tilespmem:$0x1F800] =	vst v63  }
0x3d: {  	_ =	swait.ge [sflag:s10], $0x400  }
0x3e: {  	s29 =	simm.s32 $0x80;
	s30 =	sand.u32 $0x1E00, s3;
	[sflag:s10] =	ssyncset.done $0x0  }
0x3f: {  	s31 =	sand.u32 $0x70, s3;
	s26 =	sshrl.u32 s30, $0x2;
	[sflag:s10] =	ssyncadd.s32 $0xFFFFFC00  }
0x40: {  	[tilespmem:s2], [sflag:$0x1] =	stream.indirect.gather [hbm4b:s4+s0], $0x80, s3, s0, $0xb8;
	[tilespmem:$0x1F800] =	vst v63  }
0x41: {  	s12 =	simm.s32 $0x0;
	s26 =	sor.u32 s31, s26;
	s10 =	simm.s32 $0x40  }
0x42: {  	[tilespmem:s8], [sflag:$0x2] =	stream.indirect.gather [hbm4b:s4+s0], $0x80, s29, s0, $0xb8;
	[tilespmem:$0x1F800] =	vst v63  }
.LBB2_2:
0x43: {  	p0 =	sne.s32 s10, $0x1FC0  }
0x44: {  	[tilespmem:s26+$0xB000] =	vst v0;
	s12 =	sadd.s32 $0x10, s12;
	s26 =	smov.u32 s10;
	s10 =	sadd.s32 $0x40, s10  }
.Ltmp0:
0x45: {  	(pc) =	sbr.rel @p0 .LBB2_2-.Ltmp0, $4  }
0x46: {  	_ = 	snop  }
0x47: {  	s26 =	sand.u32 $0x1E00, s26  }
0x48: {  	s28 =	sand.u32 $0x70, s12;
	s26 =	sshrl.u32 s26, $0x2  }
0x49: {  	s26 =	sor.u32 s28, s26  }
0x4a: {  	[tilespmem:s26+$0xB000] =	vst v0;
	s10 =	simm.s32 $0xB000;
	s9 =	rddreg [dreg:$0x6]  }
0x4b: {  	[spmem:s25] =	stream.linear.scatter [tilespmem:s10], [sflag:$0xB], $0x800, $0x38;
	[tilespmem:$0x1F800] =	vst v63  }
0x4c: {  	s26 =	rddreg [dreg:$0x7]  }
0x4d: {  	[spmem:s9] =	stream.linear.scatter [tilespmem:s10], [sflag:$0xB], $0x800, $0x38;
	[tilespmem:$0x1F800] =	vst v63  }
0x4e: {  	s30 =	rddreg [dreg:$0x8]  }
0x4f: {  	[spmem:s26] =	stream.linear.scatter [tilespmem:s10], [sflag:$0xB], $0x800, $0x38;
	[tilespmem:$0x1F800] =	vst v63  }
0x50: {  	s31 =	rddreg [dreg:$0x9]  }
0x51: {  	[spmem:s30] =	stream.linear.scatter [tilespmem:s10], [sflag:$0xB], $0x800, $0x38;
	[tilespmem:$0x1F800] =	vst v63  }
0x52: {  	s12 =	rddreg [dreg:$0xa]  }
0x53: {  	[spmem:s31] =	stream.linear.scatter [tilespmem:s10], [sflag:$0xB], $0x800, $0x38;
	[tilespmem:$0x1F800] =	vst v63  }
0x54: {  	s25 =	rddreg [dreg:$0xb]  }
0x55: {  	[spmem:s12] =	stream.linear.scatter [tilespmem:s10], [sflag:$0xB], $0x800, $0x38;
	[tilespmem:$0x1F800] =	vst v63  }
0x56: {  	s26 =	rddreg [dreg:$0xc]  }
0x57: {  	[spmem:s25] =	stream.linear.scatter [tilespmem:s10], [sflag:$0xB], $0x800, $0x38;
	[tilespmem:$0x1F800] =	vst v63  }
0x58: {  	s30 =	rddreg [dreg:$0xd]  }
0x59: {  	[spmem:s26] =	stream.linear.scatter [tilespmem:s10], [sflag:$0xB], $0x800, $0x38;
	[tilespmem:$0x1F800] =	vst v63  }
0x5a: {  	s31 =	rddreg [dreg:$0xe]  }
0x5b: {  	[spmem:s30] =	stream.linear.scatter [tilespmem:s10], [sflag:$0xB], $0x800, $0x38;
	[tilespmem:$0x1F800] =	vst v63  }
0x5c: {  	s12 =	rddreg [dreg:$0xf]  }
0x5d: {  	[spmem:s31] =	stream.linear.scatter [tilespmem:s10], [sflag:$0xB], $0x800, $0x38;
	[tilespmem:$0x1F800] =	vst v63  }
0x5e: {  	s25 =	rddreg [dreg:$0x10]  }
0x5f: {  	[spmem:s12] =	stream.linear.scatter [tilespmem:s10], [sflag:$0xB], $0x800, $0x38;
	[tilespmem:$0x1F800] =	vst v63  }
0x60: {  	s26 =	rddreg [dreg:$0x15]  }
0x61: {  	[spmem:s25] =	stream.linear.scatter [tilespmem:s10], [sflag:$0xB], $0x800, $0x38;
	[tilespmem:$0x1F800] =	vst v63  }
0x62: {  	s30 =	rddreg [dreg:$0x16]  }
0x63: {  	[spmem:s26] =	stream.linear.scatter [tilespmem:s10], [sflag:$0xB], $0x800, $0x38;
	[tilespmem:$0x1F800] =	vst v63  }
0x64: {  	s31 =	rddreg [dreg:$0x17]  }
0x65: {  	[spmem:s30] =	stream.linear.scatter [tilespmem:s10], [sflag:$0xB], $0x800, $0x38;
	[tilespmem:$0x1F800] =	vst v63  }
0x66: {  	s12 =	rddreg [dreg:$0x18]  }
0x67: {  	[spmem:s31] =	stream.linear.scatter [tilespmem:s10], [sflag:$0xB], $0x800, $0x38;
	[tilespmem:$0x1F800] =	vst v63  }
0x68: {  	s25 =	rddreg [dreg:$0x19]  }
0x69: {  	[spmem:s12] =	stream.linear.scatter [tilespmem:s10], [sflag:$0xB], $0x800, $0x38;
	[tilespmem:$0x1F800] =	vst v63  }
0x6a: {  	s26 =	rddreg [dreg:$0x1a]  }
0x6b: {  	[spmem:s25] =	stream.linear.scatter [tilespmem:s10], [sflag:$0xB], $0x800, $0x38;
	[tilespmem:$0x1F800] =	vst v63  }
0x6c: {  	s30 =	rddreg [dreg:$0x1b]  }
0x6d: {  	[spmem:s26] =	stream.linear.scatter [tilespmem:s10], [sflag:$0xB], $0x800, $0x38;
	[tilespmem:$0x1F800] =	vst v63  }
0x6e: {  	s31 =	rddreg [dreg:$0x1c]  }
0x6f: {  	[spmem:s30] =	stream.linear.scatter [tilespmem:s10], [sflag:$0xB], $0x800, $0x38;
	[tilespmem:$0x1F800] =	vst v63  }
0x70: {  	s12 =	rddreg [dreg:$0x1d]  }
0x71: {  	[spmem:s31] =	stream.linear.scatter [tilespmem:s10], [sflag:$0xB], $0x800, $0x38;
	[tilespmem:$0x1F800] =	vst v63  }
0x72: {  	s25 =	rddreg [dreg:$0x1e]  }
0x73: {  	[spmem:s12] =	stream.linear.scatter [tilespmem:s10], [sflag:$0xB], $0x800, $0x38;
	[tilespmem:$0x1F800] =	vst v63  }
0x74: {  	s26 =	rddreg [dreg:$0x1f]  }
0x75: {  	[spmem:s25] =	stream.linear.scatter [tilespmem:s10], [sflag:$0xB], $0x800, $0x38;
	[tilespmem:$0x1F800] =	vst v63  }
0x76: {  	s30 =	sld [smem:$0x7ED]  }
0x77: {  	[spmem:s26] =	stream.linear.scatter [tilespmem:s10], [sflag:$0xB], $0x800, $0x38;
	[tilespmem:$0x1F800] =	vst v63  }
0x78: {  	s31 =	sld [smem:$0x7EE]  }
0x79: {  	[spmem:s30] =	stream.linear.scatter [tilespmem:s10], [sflag:$0xB], $0x800, $0x38;
	[tilespmem:$0x1F800] =	vst v63  }
0x7a: {  	s12 =	sld [smem:$0x7EF]  }
0x7b: {  	[spmem:s31] =	stream.linear.scatter [tilespmem:s10], [sflag:$0xB], $0x800, $0x38;
	[tilespmem:$0x1F800] =	vst v63  }
0x7c: {  	s25 =	sld [smem:$0x7F0]  }
0x7d: {  	[spmem:s12] =	stream.linear.scatter [tilespmem:s10], [sflag:$0xB], $0x800, $0x38;
	[tilespmem:$0x1F800] =	vst v63  }
0x7e: {  	s26 =	sld [smem:$0x7F1]  }
0x7f: {  	[spmem:s25] =	stream.linear.scatter [tilespmem:s10], [sflag:$0xB], $0x800, $0x38;
	[tilespmem:$0x1F800] =	vst v63  }
0x80: {  	s30 =	sld [smem:$0x7F2]  }
0x81: {  	[spmem:s26] =	stream.linear.scatter [tilespmem:s10], [sflag:$0xB], $0x800, $0x38;
	[tilespmem:$0x1F800] =	vst v63  }
0x82: {  	s31 =	sld [smem:$0x7F3]  }
0x83: {  	[spmem:s30] =	stream.linear.scatter [tilespmem:s10], [sflag:$0xB], $0x800, $0x38;
	[tilespmem:$0x1F800] =	vst v63  }
0x84: {  	s12 =	sld [smem:$0x7F4]  }
0x85: {  	[spmem:s31] =	stream.linear.scatter [tilespmem:s10], [sflag:$0xB], $0x800, $0x38;
	[tilespmem:$0x1F800] =	vst v63  }
0x86: {  	s25 =	sld [smem:$0x7F5]  }
0x87: {  	[spmem:s12] =	stream.linear.scatter [tilespmem:s10], [sflag:$0xB], $0x800, $0x38;
	[tilespmem:$0x1F800] =	vst v63  }
0x88: {  	s26 =	sld [smem:$0x7F6]  }
0x89: {  	[spmem:s25] =	stream.linear.scatter [tilespmem:s10], [sflag:$0xB], $0x800, $0x38;
	[tilespmem:$0x1F800] =	vst v63  }
0x8a: {  	s30 =	sld [smem:$0x7F7]  }
0x8b: {  	[spmem:s26] =	stream.linear.scatter [tilespmem:s10], [sflag:$0xB], $0x800, $0x38;
	[tilespmem:$0x1F800] =	vst v63  }
0x8c: {  	s31 =	sld [smem:$0x7F8]  }
0x8d: {  	[spmem:s30] =	stream.linear.scatter [tilespmem:s10], [sflag:$0xB], $0x800, $0x38;
	[tilespmem:$0x1F800] =	vst v63  }
0x8e: {  	s12 =	sld [smem:$0x7F9]  }
0x8f: {  	[spmem:s31] =	stream.linear.scatter [tilespmem:s10], [sflag:$0xB], $0x800, $0x38;
	[tilespmem:$0x1F800] =	vst v63  }
0x90: {  	s25 =	sld [smem:$0x7FA]  }
0x91: {  	[spmem:s12] =	stream.linear.scatter [tilespmem:s10], [sflag:$0xB], $0x800, $0x38;
	[tilespmem:$0x1F800] =	vst v63  }
0x92: {  	s26 =	sld [smem:$0x7FB]  }
0x93: {  	[spmem:s25] =	stream.linear.scatter [tilespmem:s10], [sflag:$0xB], $0x800, $0x38;
	[tilespmem:$0x1F800] =	vst v63  }
0x94: {  	s30 =	sld [smem:$0x7FC]  }
0x95: {  	[spmem:s26] =	stream.linear.scatter [tilespmem:s10], [sflag:$0xB], $0x800, $0x38;
	[tilespmem:$0x1F800] =	vst v63  }
0x96: {  	s31 =	sld [smem:$0x7FD]  }
0x97: {  	[spmem:s30] =	stream.linear.scatter [tilespmem:s10], [sflag:$0xB], $0x800, $0x38;
	[tilespmem:$0x1F800] =	vst v63  }
0x98: {  	_ = 	snop  }
0x99: {  	[spmem:s31] =	stream.linear.scatter [tilespmem:s10], [sflag:$0xB], $0x800, $0x38;
	[tilespmem:$0x1F800] =	vst v63  }
0x9a: {  	_ =	swait.ge [sflag:s11], $0x800  }
0x9b: {  	[sflag:s11] =	ssyncset.done $0x0  }
0x9c: {  	[sflag:s11] =	ssyncadd.s32 $0xFFFFF800  }
0x9d: {  	_ =	swait.ge [sflag:s11], $0x800  }
0x9e: {  	[sflag:s11] =	ssyncset.done $0x0  }
0x9f: {  	[sflag:s11] =	ssyncadd.s32 $0xFFFFF800  }
0xa0: {  	_ =	swait.ge [sflag:s11], $0x800  }
0xa1: {  	[sflag:s11] =	ssyncset.done $0x0  }
0xa2: {  	[sflag:s11] =	ssyncadd.s32 $0xFFFFF800  }
0xa3: {  	_ =	swait.ge [sflag:s11], $0x800  }
0xa4: {  	[sflag:s11] =	ssyncset.done $0x0  }
0xa5: {  	[sflag:s11] =	ssyncadd.s32 $0xFFFFF800  }
0xa6: {  	_ =	swait.ge [sflag:s11], $0x800  }
0xa7: {  	[sflag:s11] =	ssyncset.done $0x0  }
0xa8: {  	[sflag:s11] =	ssyncadd.s32 $0xFFFFF800  }
0xa9: {  	_ =	swait.ge [sflag:s11], $0x800  }
0xaa: {  	[sflag:s11] =	ssyncset.done $0x0  }
0xab: {  	[sflag:s11] =	ssyncadd.s32 $0xFFFFF800  }
0xac: {  	_ =	swait.ge [sflag:s11], $0x800  }
0xad: {  	[sflag:s11] =	ssyncset.done $0x0  }
0xae: {  	[sflag:s11] =	ssyncadd.s32 $0xFFFFF800  }
0xaf: {  	_ =	swait.ge [sflag:s11], $0x800  }
0xb0: {  	[sflag:s11] =	ssyncset.done $0x0  }
0xb1: {  	[sflag:s11] =	ssyncadd.s32 $0xFFFFF800  }
0xb2: {  	_ =	swait.ge [sflag:s11], $0x800  }
0xb3: {  	[sflag:s11] =	ssyncset.done $0x0  }
0xb4: {  	[sflag:s11] =	ssyncadd.s32 $0xFFFFF800  }
0xb5: {  	_ =	swait.ge [sflag:s11], $0x800  }
0xb6: {  	[sflag:s11] =	ssyncset.done $0x0  }
0xb7: {  	[sflag:s11] =	ssyncadd.s32 $0xFFFFF800  }
0xb8: {  	_ =	swait.ge [sflag:s11], $0x800  }
0xb9: {  	[sflag:s11] =	ssyncset.done $0x0  }
0xba: {  	[sflag:s11] =	ssyncadd.s32 $0xFFFFF800  }
0xbb: {  	_ =	swait.ge [sflag:s11], $0x800  }
0xbc: {  	[sflag:s11] =	ssyncset.done $0x0  }
0xbd: {  	[sflag:s11] =	ssyncadd.s32 $0xFFFFF800  }
0xbe: {  	_ =	swait.ge [sflag:s11], $0x800  }
0xbf: {  	[sflag:s11] =	ssyncset.done $0x0  }
0xc0: {  	[sflag:s11] =	ssyncadd.s32 $0xFFFFF800  }
0xc1: {  	_ =	swait.ge [sflag:s11], $0x800  }
0xc2: {  	[sflag:s11] =	ssyncset.done $0x0  }
0xc3: {  	[sflag:s11] =	ssyncadd.s32 $0xFFFFF800  }
0xc4: {  	_ =	swait.ge [sflag:s11], $0x800  }
0xc5: {  	[sflag:s11] =	ssyncset.done $0x0  }
0xc6: {  	[sflag:s11] =	ssyncadd.s32 $0xFFFFF800  }
0xc7: {  	_ =	swait.ge [sflag:s11], $0x800  }
0xc8: {  	[sflag:s11] =	ssyncset.done $0x0  }
0xc9: {  	[sflag:s11] =	ssyncadd.s32 $0xFFFFF800  }
0xca: {  	_ =	swait.ge [sflag:s11], $0x800  }
0xcb: {  	[sflag:s11] =	ssyncset.done $0x0  }
0xcc: {  	[sflag:s11] =	ssyncadd.s32 $0xFFFFF800  }
0xcd: {  	_ =	swait.ge [sflag:s11], $0x800  }
0xce: {  	[sflag:s11] =	ssyncset.done $0x0  }
0xcf: {  	[sflag:s11] =	ssyncadd.s32 $0xFFFFF800  }
0xd0: {  	_ =	swait.ge [sflag:s11], $0x800  }
0xd1: {  	[sflag:s11] =	ssyncset.done $0x0  }
0xd2: {  	[sflag:s11] =	ssyncadd.s32 $0xFFFFF800  }
0xd3: {  	_ =	swait.ge [sflag:s11], $0x800  }
0xd4: {  	[sflag:s11] =	ssyncset.done $0x0  }
0xd5: {  	[sflag:s11] =	ssyncadd.s32 $0xFFFFF800  }
0xd6: {  	_ =	swait.ge [sflag:s11], $0x800  }
0xd7: {  	[sflag:s11] =	ssyncset.done $0x0  }
0xd8: {  	[sflag:s11] =	ssyncadd.s32 $0xFFFFF800  }
0xd9: {  	_ =	swait.ge [sflag:s11], $0x800  }
0xda: {  	[sflag:s11] =	ssyncset.done $0x0  }
0xdb: {  	[sflag:s11] =	ssyncadd.s32 $0xFFFFF800  }
0xdc: {  	_ =	swait.ge [sflag:s11], $0x800  }
0xdd: {  	[sflag:s11] =	ssyncset.done $0x0  }
0xde: {  	[sflag:s11] =	ssyncadd.s32 $0xFFFFF800  }
0xdf: {  	_ =	swait.ge [sflag:s11], $0x800  }
0xe0: {  	[sflag:s11] =	ssyncset.done $0x0  }
0xe1: {  	[sflag:s11] =	ssyncadd.s32 $0xFFFFF800  }
0xe2: {  	_ =	swait.ge [sflag:s11], $0x800  }
0xe3: {  	[sflag:s11] =	ssyncset.done $0x0  }
0xe4: {  	[sflag:s11] =	ssyncadd.s32 $0xFFFFF800  }
0xe5: {  	_ =	swait.ge [sflag:s11], $0x800  }
0xe6: {  	[sflag:s11] =	ssyncset.done $0x0  }
0xe7: {  	[sflag:s11] =	ssyncadd.s32 $0xFFFFF800  }
0xe8: {  	_ =	swait.ge [sflag:s11], $0x800  }
0xe9: {  	[sflag:s11] =	ssyncset.done $0x0  }
0xea: {  	[sflag:s11] =	ssyncadd.s32 $0xFFFFF800  }
0xeb: {  	_ =	swait.ge [sflag:s11], $0x800  }
0xec: {  	[sflag:s11] =	ssyncset.done $0x0  }
0xed: {  	[sflag:s11] =	ssyncadd.s32 $0xFFFFF800  }
0xee: {  	_ =	swait.ge [sflag:s11], $0x800  }
0xef: {  	[sflag:s11] =	ssyncset.done $0x0  }
0xf0: {  	[sflag:s11] =	ssyncadd.s32 $0xFFFFF800  }
0xf1: {  	_ =	swait.ge [sflag:s11], $0x800  }
0xf2: {  	[sflag:s11] =	ssyncset.done $0x0  }
0xf3: {  	[sflag:s11] =	ssyncadd.s32 $0xFFFFF800  }
0xf4: {  	_ =	swait.ge [sflag:s11], $0x800  }
0xf5: {  	[sflag:s11] =	ssyncset.done $0x0  }
0xf6: {  	[sflag:s11] =	ssyncadd.s32 $0xFFFFF800  }
0xf7: {  	_ =	swait.ge [sflag:s11], $0x800  }
0xf8: {  	[sflag:s11] =	ssyncset.done $0x0  }
0xf9: {  	[sflag:s11] =	ssyncadd.s32 $0xFFFFF800  }
0xfa: {  	_ =	swait.ge [sflag:s11], $0x800  }
0xfb: {  	[sflag:s11] =	ssyncset.done $0x0  }
0xfc: {  	[sflag:s11] =	ssyncadd.s32 $0xFFFFF800  }
0xfd: {  	_ =	swait.ge [sflag:s11], $0x800  }
0xfe: {  	[sflag:s11] =	ssyncset.done $0x0  }
0xff: {  	[sflag:s11] =	ssyncadd.s32 $0xFFFFF800  }
0x100: {  	_ =	swait.ge [sflag:s11], $0x800  }
0x101: {  	[sflag:s11] =	ssyncset.done $0x0  }
0x102: {  	[sflag:s11] =	ssyncadd.s32 $0xFFFFF800  }
0x103: {  	_ =	swait.ge [sflag:s11], $0x800  }
0x104: {  	[sflag:s11] =	ssyncset.done $0x0  }
0x105: {  	[sflag:s11] =	ssyncadd.s32 $0xFFFFF800  }
0x106: {  	_ =	swait.ge [sflag:s11], $0x800  }
0x107: {  	[sflag:s11] =	ssyncset.done $0x0  }
0x108: {  	[sflag:s11] =	ssyncadd.s32 $0xFFFFF800  }
0x109: {  	_ =	swait.ge [sflag:s11], $0x800  }
0x10a: {  	[sflag:s11] =	ssyncset.done $0x0  }
0x10b: {  	[sflag:s11] =	ssyncadd.s32 $0xFFFFF800  }
0x10c: {  	_ =	swait.ge [sflag:s11], $0x800  }
0x10d: {  	[sflag:s11] =	ssyncset.done $0x0  }
0x10e: {  	[sflag:s11] =	ssyncadd.s32 $0xFFFFF800  }
0x10f: {  	_ =	swait.ge [sflag:s11], $0x800  }
0x110: {  	[sflag:s11] =	ssyncset.done $0x0  }
0x111: {  	[sflag:s11] =	ssyncadd.s32 $0xFFFFF800  }
0x112: {  	[bflag:$0x0] =	sbarrier.arrive $0xFFFF  }
0x113: {  	s25 =	simm.s32 $0x400;
	s12 =	rddreg [dreg:$0x11]  }
0x114: {  	[tilespmem:s25], [sflag:$0x9] =	stream.linear.gather [hbm4b:s12+s3], $0x400, $0x38;
	[tilespmem:$0x1F800] =	vst v63  }
0x115: {  	s30 =	simm.s32 $0xC00;
	s10 =	simm.s32 $0x1;
	s26 =	rddreg [dreg:$0x12]  }
0x116: {  	[tilespmem:s30], [sflag:$0xA] =	stream.linear.gather [hbm4b:s26+s3], $0x400, $0x38;
	[tilespmem:$0x1F800] =	vst v63  }
0x117: {  	_ =	swait.ge [sflag:s10], $0x2800  }
0x118: {  	[sflag:s10] =	ssyncset.done $0x0  }
0x119: {  	s12 =	simm.s32 $0x800;
	[sflag:s10] =	ssyncadd.s32 $0xFFFFD800  }
0x11a: {  	[spmem:s1] =	stream.indirect.scatter.add.f32 [tilespmem:s2], [sflag:$0x5], $0x80, s12, s0, $0xb8;
	[tilespmem:$0x1F800] =	vst v63  }
0x11b: {  	s31 =	simm.s32 $0x100  }
0x11c: {  	[tilespmem:s13], [sflag:$0x3] =	stream.indirect.gather [hbm4b:s4+s0], $0x80, s31, s0, $0xb8;
	[tilespmem:$0x1F800] =	vst v63  }
0x11d: {  	_ =	swait.ge [sflag:s14], $0x2800  }
0x11e: {  	[sflag:s14] =	ssyncset.done $0x0  }
0x11f: {  	s26 =	simm.s32 $0x880;
	[sflag:s14] =	ssyncadd.s32 $0xFFFFD800  }
0x120: {  	[spmem:s1] =	stream.indirect.scatter.add.f32 [tilespmem:s8], [sflag:$0x6], $0x80, s26, s0, $0xb8;
	[tilespmem:$0x1F800] =	vst v63  }
0x121: {  	s30 =	simm.s32 $0x180  }
0x122: {  	[tilespmem:s15], [sflag:$0x4] =	stream.indirect.gather [hbm4b:s4+s0], $0x80, s30, s0, $0xb8;
	[tilespmem:$0x1F800] =	vst v63  }
0x123: {  	_ =	swait.ge [sflag:s16], $0x2800  }
0x124: {  	[sflag:s16] =	ssyncset.done $0x0  }
0x125: {  	s31 =	simm.s32 $0x900;
	[sflag:s16] =	ssyncadd.s32 $0xFFFFD800  }
0x126: {  	[spmem:s1] =	stream.indirect.scatter.add.f32 [tilespmem:s13], [sflag:$0x7], $0x80, s31, s0, $0xb8;
	[tilespmem:$0x1F800] =	vst v63  }
0x127: {  	_ =	swait.ge [sflag:s17], $0x2800  }
0x128: {  	[sflag:s17] =	ssyncset.done $0x0  }
0x129: {  	s26 =	simm.s32 $0x200;
	[sflag:s17] =	ssyncadd.s32 $0xFFFFD800  }
0x12a: {  	[tilespmem:s2], [sflag:$0x1] =	stream.indirect.gather [hbm4b:s4+s0], $0x80, s26, s0, $0xb8;
	[tilespmem:$0x1F800] =	vst v63  }
0x12b: {  	_ =	swait.ge [sflag:s18], $0x2800  }
0x12c: {  	[sflag:s18] =	ssyncset.done $0x0  }
0x12d: {  	s30 =	simm.s32 $0x980;
	[sflag:s18] =	ssyncadd.s32 $0xFFFFD800  }
0x12e: {  	[spmem:s1] =	stream.indirect.scatter.add.f32 [tilespmem:s15], [sflag:$0x8], $0x80, s30, s0, $0xb8;
	[tilespmem:$0x1F800] =	vst v63  }
0x12f: {  	_ =	swait.ge [sflag:s19], $0x2800  }
0x130: {  	[sflag:s19] =	ssyncset.done $0x0  }
0x131: {  	s31 =	simm.s32 $0x280;
	[sflag:s19] =	ssyncadd.s32 $0xFFFFD800  }
0x132: {  	[tilespmem:s8], [sflag:$0x2] =	stream.indirect.gather [hbm4b:s4+s0], $0x80, s31, s0, $0xb8;
	[tilespmem:$0x1F800] =	vst v63  }
0x133: {  	_ =	swait.ge [sflag:s10], $0x2800  }
0x134: {  	[sflag:s10] =	ssyncset.done $0x0  }
0x135: {  	[sflag:s10] =	ssyncadd.s32 $0xFFFFD800;
	s10 =	simm.s32 $0xA00  }
0x136: {  	[spmem:s1] =	stream.indirect.scatter.add.f32 [tilespmem:s2], [sflag:$0x5], $0x80, s10, s0, $0xb8;
	[tilespmem:$0x1F800] =	vst v63  }
0x137: {  	_ =	swait.ge [sflag:s20], $0x2800  }
0x138: {  	[sflag:s20] =	ssyncset.done $0x0  }
0x139: {  	s26 =	simm.s32 $0x300;
	[sflag:s20] =	ssyncadd.s32 $0xFFFFD800  }
0x13a: {  	[tilespmem:s13], [sflag:$0x3] =	stream.indirect.gather [hbm4b:s4+s0], $0x80, s26, s0, $0xb8;
	[tilespmem:$0x1F800] =	vst v63  }
0x13b: {  	_ =	swait.ge [sflag:s14], $0x2800  }
0x13c: {  	[sflag:s14] =	ssyncset.done $0x0  }
0x13d: {  	s30 =	simm.s32 $0xA80;
	[sflag:s14] =	ssyncadd.s32 $0xFFFFD800  }
0x13e: {  	[spmem:s1] =	stream.indirect.scatter.add.f32 [tilespmem:s8], [sflag:$0x6], $0x80, s30, s0, $0xb8;
	[tilespmem:$0x1F800] =	vst v63  }
0x13f: {  	_ =	swait.ge [sflag:s21], $0x2800  }
0x140: {  	[sflag:s21] =	ssyncset.done $0x0  }
0x141: {  	s31 =	simm.s32 $0x380;
	[sflag:s21] =	ssyncadd.s32 $0xFFFFD800  }
0x142: {  	[tilespmem:s15], [sflag:$0x4] =	stream.indirect.gather [hbm4b:s4+s0], $0x80, s31, s0, $0xb8;
	[tilespmem:$0x1F800] =	vst v63  }
0x143: {  	_ =	swait.ge [sflag:s16], $0x2800  }
0x144: {  	[sflag:s16] =	ssyncset.done $0x0  }
0x145: {  	s10 =	simm.s32 $0xB00;
	[sflag:s16] =	ssyncadd.s32 $0xFFFFD800  }
0x146: {  	[spmem:s1] =	stream.indirect.scatter.add.f32 [tilespmem:s13], [sflag:$0x7], $0x80, s10, s0, $0xb8;
	[tilespmem:$0x1F800] =	vst v63  }
0x147: {  	_ =	swait.ge [sflag:s17], $0x2800  }
0x148: {  	[sflag:s17] =	ssyncset.done $0x0  }
0x149: {  	[sflag:s17] =	ssyncadd.s32 $0xFFFFD800  }
0x14a: {  	_ =	swait.ge [sflag:s22], $0x400  }
0x14b: {  	[sflag:s22] =	ssyncset.done $0x0  }
0x14c: {  	[sflag:s22] =	ssyncadd.s32 $0xFFFFFC00  }
0x14d: {  	_ =	swait.ge [sflag:s23], $0x400  }
0x14e: {  	[sflag:s23] =	ssyncset.done $0x0  }
0x14f: {  	[sflag:s23] =	ssyncadd.s32 $0xFFFFFC00  }
0x150: {  	[tilespmem:s2], [sflag:$0x1] =	stream.indirect.gather [hbm4b:s4+s0], $0x80, s25, s0, $0xb8;
	[tilespmem:$0x1F800] =	vst v63  }
0x151: {  	_ =	swait.ge [sflag:s18], $0x2800  }
0x152: {  	[sflag:s18] =	ssyncset.done $0x0  }
0x153: {  	s26 =	simm.s32 $0xB80;
	[sflag:s18] =	ssyncadd.s32 $0xFFFFD800  }
0x154: {  	[spmem:s1] =	stream.indirect.scatter.add.f32 [tilespmem:s15], [sflag:$0x8], $0x80, s26, s0, $0xb8;
	[tilespmem:$0x1F800] =	vst v63  }
0x155: {  	s9 =	simm.s32 $0x400;
	s31 =	sand.u32 $0x3C00, s12;
	_ =	swait.ge [sflag:s19], $0x2800  }
0x156: {  	s30 =	simm.s32 $0x480;
	s10 =	sor.u32 s7, s31;
	[sflag:s19] =	ssyncset.done $0x0  }
0x157: {  	s25 =	sshrl.u32 s10, $0x3;
	s10 =	sand.u32 $0x400, s9;
	[sflag:s19] =	ssyncadd.s32 $0xFFFFD800  }
0x158: {  	[tilespmem:s8], [sflag:$0x2] =	stream.indirect.gather [hbm4b:s4+s0], $0x80, s30, s0, $0xb8;
	[tilespmem:$0x1F800] =	vst v63  }
0x159: {  	s12 =	sxor.u32 $0x400, s10;
	s28 =	sadd.s32 s5, s25  }
0x15a: {  	[tilespmem:s12], [sflag:$0x9] =	stream.linear.gather [hbm4b:s28+s3], $0x400, $0x38;
	[tilespmem:$0x1F800] =	vst v63  }
0x15b: {  	s26 =	sadd.s32 s6, s25;
	s28 =	sxor.u32 $0xC00, s10  }
0x15c: {  	[tilespmem:s28], [sflag:$0xA] =	stream.linear.gather [hbm4b:s26+s3], $0x400, $0x38;
	[tilespmem:$0x1F800] =	vst v63  }
0x15d: {  	_ =	swait.ge [sflag:s24], $0x2800  }
0x15e: {  	[sflag:s24] =	ssyncset.done $0x0  }
0x15f: {  	s30 =	sor.u32 $0x800, s10;
	[sflag:s24] =	ssyncadd.s32 $0xFFFFD800  }
0x160: {  	[spmem:s1] =	stream.indirect.scatter.add.f32 [tilespmem:s2], [sflag:$0x5], $0x80, s30, s0, $0xb8;
	[tilespmem:$0x1F800] =	vst v63  }
0x161: {  	_ =	swait.ge [sflag:s20], $0x2800  }
0x162: {  	[sflag:s20] =	ssyncset.done $0x0  }
0x163: {  	s31 =	sor.u32 $0x100, s10;
	[sflag:s20] =	ssyncadd.s32 $0xFFFFD800  }
0x164: {  	[tilespmem:s13], [sflag:$0x3] =	stream.indirect.gather [hbm4b:s4+s0], $0x80, s31, s0, $0xb8;
	[tilespmem:$0x1F800] =	vst v63  }
0x165: {  	_ =	swait.ge [sflag:s14], $0x2800  }
0x166: {  	[sflag:s14] =	ssyncset.done $0x0  }
0x167: {  	s9 =	sor.u32 $0x880, s10;
	[sflag:s14] =	ssyncadd.s32 $0xFFFFD800  }
0x168: {  	[spmem:s1] =	stream.indirect.scatter.add.f32 [tilespmem:s8], [sflag:$0x6], $0x80, s9, s0, $0xb8;
	[tilespmem:$0x1F800] =	vst v63  }
0x169: {  	_ =	swait.ge [sflag:s21], $0x2800  }
0x16a: {  	[sflag:s21] =	ssyncset.done $0x0  }
0x16b: {  	s25 =	sor.u32 $0x180, s10;
	[sflag:s21] =	ssyncadd.s32 $0xFFFFD800  }
0x16c: {  	[tilespmem:s15], [sflag:$0x4] =	stream.indirect.gather [hbm4b:s4+s0], $0x80, s25, s0, $0xb8;
	[tilespmem:$0x1F800] =	vst v63  }
0x16d: {  	_ =	swait.ge [sflag:s16], $0x2800  }
0x16e: {  	[sflag:s16] =	ssyncset.done $0x0  }
0x16f: {  	s30 =	sor.u32 $0x900, s10;
	[sflag:s16] =	ssyncadd.s32 $0xFFFFD800  }
0x170: {  	[spmem:s1] =	stream.indirect.scatter.add.f32 [tilespmem:s13], [sflag:$0x7], $0x80, s30, s0, $0xb8;
	[tilespmem:$0x1F800] =	vst v63  }
0x171: {  	_ =	swait.ge [sflag:s17], $0x2800  }
0x172: {  	[sflag:s17] =	ssyncset.done $0x0  }
0x173: {  	s31 =	sor.u32 $0x200, s10;
	[sflag:s17] =	ssyncadd.s32 $0xFFFFD800  }
0x174: {  	[tilespmem:s2], [sflag:$0x1] =	stream.indirect.gather [hbm4b:s4+s0], $0x80, s31, s0, $0xb8;
	[tilespmem:$0x1F800] =	vst v63  }
0x175: {  	_ =	swait.ge [sflag:s18], $0x2800  }
0x176: {  	[sflag:s18] =	ssyncset.done $0x0  }
0x177: {  	s9 =	sor.u32 $0x980, s10;
	[sflag:s18] =	ssyncadd.s32 $0xFFFFD800  }
0x178: {  	[spmem:s1] =	stream.indirect.scatter.add.f32 [tilespmem:s15], [sflag:$0x8], $0x80, s9, s0, $0xb8;
	[tilespmem:$0x1F800] =	vst v63  }
0x179: {  	_ =	swait.ge [sflag:s19], $0x2800  }
0x17a: {  	[sflag:s19] =	ssyncset.done $0x0  }
0x17b: {  	s25 =	sor.u32 $0x280, s10;
	[sflag:s19] =	ssyncadd.s32 $0xFFFFD800  }
0x17c: {  	[tilespmem:s8], [sflag:$0x2] =	stream.indirect.gather [hbm4b:s4+s0], $0x80, s25, s0, $0xb8;
	[tilespmem:$0x1F800] =	vst v63  }
0x17d: {  	_ =	swait.ge [sflag:s24], $0x2800  }
0x17e: {  	[sflag:s24] =	ssyncset.done $0x0  }
0x17f: {  	s30 =	sor.u32 $0xA00, s10;
	[sflag:s24] =	ssyncadd.s32 $0xFFFFD800  }
0x180: {  	[spmem:s1] =	stream.indirect.scatter.add.f32 [tilespmem:s2], [sflag:$0x5], $0x80, s30, s0, $0xb8;
	[tilespmem:$0x1F800] =	vst v63  }
0x181: {  	_ =	swait.ge [sflag:s20], $0x2800  }
0x182: {  	[sflag:s20] =	ssyncset.done $0x0  }
0x183: {  	s31 =	sor.u32 $0x300, s10;
	[sflag:s20] =	ssyncadd.s32 $0xFFFFD800  }
0x184: {  	[tilespmem:s13], [sflag:$0x3] =	stream.indirect.gather [hbm4b:s4+s0], $0x80, s31, s0, $0xb8;
	[tilespmem:$0x1F800] =	vst v63  }
0x185: {  	_ =	swait.ge [sflag:s14], $0x2800  }
0x186: {  	[sflag:s14] =	ssyncset.done $0x0  }
0x187: {  	s9 =	sor.u32 $0xA80, s10;
	[sflag:s14] =	ssyncadd.s32 $0xFFFFD800  }
0x188: {  	[spmem:s1] =	stream.indirect.scatter.add.f32 [tilespmem:s8], [sflag:$0x6], $0x80, s9, s0, $0xb8;
	[tilespmem:$0x1F800] =	vst v63  }
0x189: {  	_ =	swait.ge [sflag:s21], $0x2800  }
0x18a: {  	[sflag:s21] =	ssyncset.done $0x0  }
0x18b: {  	s25 =	sor.u32 $0x380, s10;
	[sflag:s21] =	ssyncadd.s32 $0xFFFFD800  }
0x18c: {  	[tilespmem:s15], [sflag:$0x4] =	stream.indirect.gather [hbm4b:s4+s0], $0x80, s25, s0, $0xb8;
	[tilespmem:$0x1F800] =	vst v63  }
0x18d: {  	_ =	swait.ge [sflag:s16], $0x2800  }
0x18e: {  	[sflag:s16] =	ssyncset.done $0x0  }
0x18f: {  	s30 =	sor.u32 $0xB00, s10;
	[sflag:s16] =	ssyncadd.s32 $0xFFFFD800  }
0x190: {  	[spmem:s1] =	stream.indirect.scatter.add.f32 [tilespmem:s13], [sflag:$0x7], $0x80, s30, s0, $0xb8;
	[tilespmem:$0x1F800] =	vst v63  }
0x191: {  	_ =	swait.ge [sflag:s17], $0x2800  }
0x192: {  	[sflag:s17] =	ssyncset.done $0x0  }
0x193: {  	[sflag:s17] =	ssyncadd.s32 $0xFFFFD800  }
0x194: {  	_ =	swait.ge [sflag:s22], $0x400  }
0x195: {  	[sflag:s22] =	ssyncset.done $0x0  }
0x196: {  	[sflag:s22] =	ssyncadd.s32 $0xFFFFFC00  }
0x197: {  	_ =	swait.ge [sflag:s23], $0x400  }
0x198: {  	[sflag:s23] =	ssyncset.done $0x0  }
0x199: {  	[sflag:s23] =	ssyncadd.s32 $0xFFFFFC00  }
0x19a: {  	[tilespmem:s2], [sflag:$0x1] =	stream.indirect.gather [hbm4b:s4+s0], $0x80, s12, s0, $0xb8;
	[tilespmem:$0x1F800] =	vst v63  }
0x19b: {  	s29 =	simm.s32 $0x3;
	_ =	swait.ge [sflag:s18], $0x2800  }
0x19c: {  	s26 =	simm.s32 $0xC00;
	s28 =	simm.s32 $0x2;
	[sflag:s18] =	ssyncset.done $0x0  }
0x19d: {  	s31 =	sor.u32 $0xB80, s10;
	s30 =	sand.u32 $0x3C00, s26;
	[sflag:s18] =	ssyncadd.s32 $0xFFFFD800  }
0x19e: {  	[spmem:s1] =	stream.indirect.scatter.add.f32 [tilespmem:s15], [sflag:$0x8], $0x80, s31, s0, $0xb8;
	[tilespmem:$0x1F800] =	vst v63  }
0x19f: {  	s12 =	sxor.u32 $0x480, s10;
	s10 =	sor.u32 s7, s30;
	_ =	swait.ge [sflag:s19], $0x2800  }
.LBB2_4:
0x1a0: {  	s30 =	sshll.u32 s28, $0xA  }
0x1a1: {  	s25 =	sshrl.u32 s10, $0x3;
	[sflag:s19] =	ssyncset.done $0x0;
	s28 =	smov.u32 s29  }
0x1a2: {  	s31 =	sadd.s32 $0x1, s29;
	s30 =	sand.u32 $0x400, s30;
	[sflag:s19] =	ssyncadd.s32 $0xFFFFD800  }
0x1a3: {  	[tilespmem:s8], [sflag:$0x2] =	stream.indirect.gather [hbm4b:s4+s0], $0x80, s12, s0, $0xb8;
	[tilespmem:$0x1F800] =	vst v63  }
0x1a4: {  	s9 =	sadd.s32 s5, s25;
	s10 =	sxor.u32 $0x400, s30;
	s12 =	sxor.u32 $0x480, s30  }
0x1a5: {  	[tilespmem:s10], [sflag:$0x9] =	stream.linear.gather [hbm4b:s9+s3], $0x400, $0x38;
	[tilespmem:$0x1F800] =	vst v63  }
0x1a6: {  	p0 =	sne.s32 s29, $0xF;
	s25 =	sadd.s32 s6, s25;
	s9 =	sxor.u32 $0xC00, s30  }
0x1a7: {  	[tilespmem:s9], [sflag:$0xA] =	stream.linear.gather [hbm4b:s25+s3], $0x400, $0x38;
	[tilespmem:$0x1F800] =	vst v63  }
0x1a8: {  	_ =	swait.ge [sflag:s24], $0x2800  }
0x1a9: {  	[sflag:s24] =	ssyncset.done $0x0  }
0x1aa: {  	s9 =	sor.u32 $0x800, s30;
	[sflag:s24] =	ssyncadd.s32 $0xFFFFD800  }
0x1ab: {  	[spmem:s1] =	stream.indirect.scatter.add.f32 [tilespmem:s2], [sflag:$0x5], $0x80, s9, s0, $0xb8;
	[tilespmem:$0x1F800] =	vst v63  }
0x1ac: {  	_ =	swait.ge [sflag:s20], $0x2800  }
0x1ad: {  	[sflag:s20] =	ssyncset.done $0x0  }
0x1ae: {  	s9 =	sor.u32 $0x100, s30;
	[sflag:s20] =	ssyncadd.s32 $0xFFFFD800  }
0x1af: {  	[tilespmem:s13], [sflag:$0x3] =	stream.indirect.gather [hbm4b:s4+s0], $0x80, s9, s0, $0xb8;
	[tilespmem:$0x1F800] =	vst v63  }
0x1b0: {  	_ =	swait.ge [sflag:s14], $0x2800  }
0x1b1: {  	[sflag:s14] =	ssyncset.done $0x0  }
0x1b2: {  	s9 =	sor.u32 $0x880, s30;
	[sflag:s14] =	ssyncadd.s32 $0xFFFFD800  }
0x1b3: {  	[spmem:s1] =	stream.indirect.scatter.add.f32 [tilespmem:s8], [sflag:$0x6], $0x80, s9, s0, $0xb8;
	[tilespmem:$0x1F800] =	vst v63  }
0x1b4: {  	_ =	swait.ge [sflag:s21], $0x2800  }
0x1b5: {  	[sflag:s21] =	ssyncset.done $0x0  }
0x1b6: {  	s9 =	sor.u32 $0x180, s30;
	[sflag:s21] =	ssyncadd.s32 $0xFFFFD800  }
0x1b7: {  	[tilespmem:s15], [sflag:$0x4] =	stream.indirect.gather [hbm4b:s4+s0], $0x80, s9, s0, $0xb8;
	[tilespmem:$0x1F800] =	vst v63  }
0x1b8: {  	_ =	swait.ge [sflag:s16], $0x2800  }
0x1b9: {  	[sflag:s16] =	ssyncset.done $0x0  }
0x1ba: {  	s9 =	sor.u32 $0x900, s30;
	[sflag:s16] =	ssyncadd.s32 $0xFFFFD800  }
0x1bb: {  	[spmem:s1] =	stream.indirect.scatter.add.f32 [tilespmem:s13], [sflag:$0x7], $0x80, s9, s0, $0xb8;
	[tilespmem:$0x1F800] =	vst v63  }
0x1bc: {  	_ =	swait.ge [sflag:s17], $0x2800  }
0x1bd: {  	[sflag:s17] =	ssyncset.done $0x0  }
0x1be: {  	s9 =	sor.u32 $0x200, s30;
	[sflag:s17] =	ssyncadd.s32 $0xFFFFD800  }
0x1bf: {  	[tilespmem:s2], [sflag:$0x1] =	stream.indirect.gather [hbm4b:s4+s0], $0x80, s9, s0, $0xb8;
	[tilespmem:$0x1F800] =	vst v63  }
0x1c0: {  	_ =	swait.ge [sflag:s18], $0x2800  }
0x1c1: {  	[sflag:s18] =	ssyncset.done $0x0  }
0x1c2: {  	s9 =	sor.u32 $0x980, s30;
	[sflag:s18] =	ssyncadd.s32 $0xFFFFD800  }
0x1c3: {  	[spmem:s1] =	stream.indirect.scatter.add.f32 [tilespmem:s15], [sflag:$0x8], $0x80, s9, s0, $0xb8;
	[tilespmem:$0x1F800] =	vst v63  }
0x1c4: {  	_ =	swait.ge [sflag:s19], $0x2800  }
0x1c5: {  	[sflag:s19] =	ssyncset.done $0x0  }
0x1c6: {  	s9 =	sor.u32 $0x280, s30;
	[sflag:s19] =	ssyncadd.s32 $0xFFFFD800  }
0x1c7: {  	[tilespmem:s8], [sflag:$0x2] =	stream.indirect.gather [hbm4b:s4+s0], $0x80, s9, s0, $0xb8;
	[tilespmem:$0x1F800] =	vst v63  }
0x1c8: {  	_ =	swait.ge [sflag:s24], $0x2800  }
0x1c9: {  	[sflag:s24] =	ssyncset.done $0x0  }
0x1ca: {  	s9 =	sor.u32 $0xA00, s30;
	[sflag:s24] =	ssyncadd.s32 $0xFFFFD800  }
0x1cb: {  	[spmem:s1] =	stream.indirect.scatter.add.f32 [tilespmem:s2], [sflag:$0x5], $0x80, s9, s0, $0xb8;
	[tilespmem:$0x1F800] =	vst v63  }
0x1cc: {  	_ =	swait.ge [sflag:s20], $0x2800  }
0x1cd: {  	[sflag:s20] =	ssyncset.done $0x0  }
0x1ce: {  	s9 =	sor.u32 $0x300, s30;
	[sflag:s20] =	ssyncadd.s32 $0xFFFFD800  }
0x1cf: {  	[tilespmem:s13], [sflag:$0x3] =	stream.indirect.gather [hbm4b:s4+s0], $0x80, s9, s0, $0xb8;
	[tilespmem:$0x1F800] =	vst v63  }
0x1d0: {  	_ =	swait.ge [sflag:s14], $0x2800  }
0x1d1: {  	[sflag:s14] =	ssyncset.done $0x0  }
0x1d2: {  	s9 =	sor.u32 $0xA80, s30;
	[sflag:s14] =	ssyncadd.s32 $0xFFFFD800  }
0x1d3: {  	[spmem:s1] =	stream.indirect.scatter.add.f32 [tilespmem:s8], [sflag:$0x6], $0x80, s9, s0, $0xb8;
	[tilespmem:$0x1F800] =	vst v63  }
0x1d4: {  	_ =	swait.ge [sflag:s21], $0x2800  }
0x1d5: {  	[sflag:s21] =	ssyncset.done $0x0  }
0x1d6: {  	s9 =	sor.u32 $0x380, s30;
	[sflag:s21] =	ssyncadd.s32 $0xFFFFD800  }
0x1d7: {  	[tilespmem:s15], [sflag:$0x4] =	stream.indirect.gather [hbm4b:s4+s0], $0x80, s9, s0, $0xb8;
	[tilespmem:$0x1F800] =	vst v63  }
0x1d8: {  	_ =	swait.ge [sflag:s16], $0x2800  }
0x1d9: {  	[sflag:s16] =	ssyncset.done $0x0  }
0x1da: {  	s9 =	sor.u32 $0xB00, s30;
	[sflag:s16] =	ssyncadd.s32 $0xFFFFD800  }
0x1db: {  	[spmem:s1] =	stream.indirect.scatter.add.f32 [tilespmem:s13], [sflag:$0x7], $0x80, s9, s0, $0xb8;
	[tilespmem:$0x1F800] =	vst v63  }
0x1dc: {  	_ =	swait.ge [sflag:s17], $0x2800  }
0x1dd: {  	[sflag:s17] =	ssyncset.done $0x0  }
0x1de: {  	[sflag:s17] =	ssyncadd.s32 $0xFFFFD800  }
0x1df: {  	_ =	swait.ge [sflag:s22], $0x400  }
0x1e0: {  	[sflag:s22] =	ssyncset.done $0x0  }
0x1e1: {  	[sflag:s22] =	ssyncadd.s32 $0xFFFFFC00  }
0x1e2: {  	_ =	swait.ge [sflag:s23], $0x400  }
0x1e3: {  	[sflag:s23] =	ssyncset.done $0x0  }
0x1e4: {  	[sflag:s23] =	ssyncadd.s32 $0xFFFFFC00  }
0x1e5: {  	[tilespmem:s2], [sflag:$0x1] =	stream.indirect.gather [hbm4b:s4+s0], $0x80, s10, s0, $0xb8;
	[tilespmem:$0x1F800] =	vst v63  }
.Ltmp1:
0x1e6: {  	_ =	swait.ge [sflag:s18], $0x2800;
	(pc) =	sbr.rel @p0 .LBB2_4-.Ltmp1, $4  }
0x1e7: {  	s26 =	sadd.s32 $0x400, s26;
	[sflag:s18] =	ssyncset.done $0x0  }
0x1e8: {  	s9 =	sand.u32 $0x3C00, s26;
	s10 =	sor.u32 $0xB80, s30;
	[sflag:s18] =	ssyncadd.s32 $0xFFFFD800  }
0x1e9: {  	[spmem:s1] =	stream.indirect.scatter.add.f32 [tilespmem:s15], [sflag:$0x8], $0x80, s10, s0, $0xb8;
	[tilespmem:$0x1F800] =	vst v63  }
0x1ea: {  	s29 =	smov.u32 s31;
	s10 =	sor.u32 s7, s9;
	_ =	swait.ge [sflag:s19], $0x2800  }
0x1eb: {  	s9 =	sshll.u32 s28, $0xA;
	[sflag:s19] =	ssyncset.done $0x0  }
0x1ec: {  	s25 =	sshrl.u32 s10, $0x3;
	s10 =	sand.u32 $0x400, s9;
	[sflag:s19] =	ssyncadd.s32 $0xFFFFD800  }
0x1ed: {  	[tilespmem:s8], [sflag:$0x2] =	stream.indirect.gather [hbm4b:s4+s0], $0x80, s12, s0, $0xb8;
	[tilespmem:$0x1F800] =	vst v63  }
0x1ee: {  	s29 =	sadd.s32 s5, s25;
	s12 =	sxor.u32 $0x400, s10  }
0x1ef: {  	[tilespmem:s12], [sflag:$0x9] =	stream.linear.gather [hbm4b:s29+s3], $0x400, $0x38;
	[tilespmem:$0x1F800] =	vst v63  }
0x1f0: {  	s25 =	sadd.s32 s6, s25;
	s30 =	sxor.u32 $0xC00, s10  }
0x1f1: {  	[tilespmem:s30], [sflag:$0xA] =	stream.linear.gather [hbm4b:s25+s3], $0x400, $0x38;
	[tilespmem:$0x1F800] =	vst v63  }
0x1f2: {  	_ =	swait.ge [sflag:s24], $0x2800  }
0x1f3: {  	[sflag:s24] =	ssyncset.done $0x0  }
0x1f4: {  	s31 =	sor.u32 $0x800, s10;
	[sflag:s24] =	ssyncadd.s32 $0xFFFFD800  }
0x1f5: {  	[spmem:s1] =	stream.indirect.scatter.add.f32 [tilespmem:s2], [sflag:$0x5], $0x80, s31, s0, $0xb8;
	[tilespmem:$0x1F800] =	vst v63  }
0x1f6: {  	_ =	swait.ge [sflag:s20], $0x2800  }
0x1f7: {  	[sflag:s20] =	ssyncset.done $0x0  }
0x1f8: {  	s25 =	sor.u32 $0x100, s10;
	[sflag:s20] =	ssyncadd.s32 $0xFFFFD800  }
0x1f9: {  	[tilespmem:s13], [sflag:$0x3] =	stream.indirect.gather [hbm4b:s4+s0], $0x80, s25, s0, $0xb8;
	[tilespmem:$0x1F800] =	vst v63  }
0x1fa: {  	_ =	swait.ge [sflag:s14], $0x2800  }
0x1fb: {  	[sflag:s14] =	ssyncset.done $0x0  }
0x1fc: {  	s26 =	sor.u32 $0x880, s10;
	[sflag:s14] =	ssyncadd.s32 $0xFFFFD800  }
0x1fd: {  	[spmem:s1] =	stream.indirect.scatter.add.f32 [tilespmem:s8], [sflag:$0x6], $0x80, s26, s0, $0xb8;
	[tilespmem:$0x1F800] =	vst v63  }
0x1fe: {  	_ =	swait.ge [sflag:s21], $0x2800  }
0x1ff: {  	[sflag:s21] =	ssyncset.done $0x0  }
0x200: {  	s28 =	sor.u32 $0x180, s10;
	[sflag:s21] =	ssyncadd.s32 $0xFFFFD800  }
0x201: {  	[tilespmem:s15], [sflag:$0x4] =	stream.indirect.gather [hbm4b:s4+s0], $0x80, s28, s0, $0xb8;
	[tilespmem:$0x1F800] =	vst v63  }
0x202: {  	_ =	swait.ge [sflag:s16], $0x2800  }
0x203: {  	[sflag:s16] =	ssyncset.done $0x0  }
0x204: {  	s29 =	sor.u32 $0x900, s10;
	[sflag:s16] =	ssyncadd.s32 $0xFFFFD800  }
0x205: {  	[spmem:s1] =	stream.indirect.scatter.add.f32 [tilespmem:s13], [sflag:$0x7], $0x80, s29, s0, $0xb8;
	[tilespmem:$0x1F800] =	vst v63  }
0x206: {  	_ =	swait.ge [sflag:s17], $0x2800  }
0x207: {  	[sflag:s17] =	ssyncset.done $0x0  }
0x208: {  	s30 =	sor.u32 $0x200, s10;
	[sflag:s17] =	ssyncadd.s32 $0xFFFFD800  }
0x209: {  	[tilespmem:s2], [sflag:$0x1] =	stream.indirect.gather [hbm4b:s4+s0], $0x80, s30, s0, $0xb8;
	[tilespmem:$0x1F800] =	vst v63  }
0x20a: {  	_ =	swait.ge [sflag:s18], $0x2800  }
0x20b: {  	[sflag:s18] =	ssyncset.done $0x0  }
0x20c: {  	s31 =	sor.u32 $0x980, s10;
	[sflag:s18] =	ssyncadd.s32 $0xFFFFD800  }
0x20d: {  	[spmem:s1] =	stream.indirect.scatter.add.f32 [tilespmem:s15], [sflag:$0x8], $0x80, s31, s0, $0xb8;
	[tilespmem:$0x1F800] =	vst v63  }
0x20e: {  	_ =	swait.ge [sflag:s19], $0x2800  }
0x20f: {  	[sflag:s19] =	ssyncset.done $0x0  }
0x210: {  	s25 =	sor.u32 $0x280, s10;
	[sflag:s19] =	ssyncadd.s32 $0xFFFFD800  }
0x211: {  	[tilespmem:s8], [sflag:$0x2] =	stream.indirect.gather [hbm4b:s4+s0], $0x80, s25, s0, $0xb8;
	[tilespmem:$0x1F800] =	vst v63  }
0x212: {  	_ =	swait.ge [sflag:s24], $0x2800  }
0x213: {  	[sflag:s24] =	ssyncset.done $0x0  }
0x214: {  	s26 =	sor.u32 $0xA00, s10;
	[sflag:s24] =	ssyncadd.s32 $0xFFFFD800  }
0x215: {  	[spmem:s1] =	stream.indirect.scatter.add.f32 [tilespmem:s2], [sflag:$0x5], $0x80, s26, s0, $0xb8;
	[tilespmem:$0x1F800] =	vst v63  }
0x216: {  	_ =	swait.ge [sflag:s20], $0x2800  }
0x217: {  	[sflag:s20] =	ssyncset.done $0x0  }
0x218: {  	s28 =	sor.u32 $0x300, s10;
	[sflag:s20] =	ssyncadd.s32 $0xFFFFD800  }
0x219: {  	[tilespmem:s13], [sflag:$0x3] =	stream.indirect.gather [hbm4b:s4+s0], $0x80, s28, s0, $0xb8;
	[tilespmem:$0x1F800] =	vst v63  }
0x21a: {  	_ =	swait.ge [sflag:s14], $0x2800  }
0x21b: {  	[sflag:s14] =	ssyncset.done $0x0  }
0x21c: {  	s29 =	sor.u32 $0xA80, s10;
	[sflag:s14] =	ssyncadd.s32 $0xFFFFD800  }
0x21d: {  	[spmem:s1] =	stream.indirect.scatter.add.f32 [tilespmem:s8], [sflag:$0x6], $0x80, s29, s0, $0xb8;
	[tilespmem:$0x1F800] =	vst v63  }
0x21e: {  	_ =	swait.ge [sflag:s21], $0x2800  }
0x21f: {  	[sflag:s21] =	ssyncset.done $0x0  }
0x220: {  	s30 =	sor.u32 $0x380, s10;
	[sflag:s21] =	ssyncadd.s32 $0xFFFFD800  }
0x221: {  	[tilespmem:s15], [sflag:$0x4] =	stream.indirect.gather [hbm4b:s4+s0], $0x80, s30, s0, $0xb8;
	[tilespmem:$0x1F800] =	vst v63  }
0x222: {  	_ =	swait.ge [sflag:s16], $0x2800  }
0x223: {  	[sflag:s16] =	ssyncset.done $0x0  }
0x224: {  	s31 =	sor.u32 $0xB00, s10;
	[sflag:s16] =	ssyncadd.s32 $0xFFFFD800  }
0x225: {  	[spmem:s1] =	stream.indirect.scatter.add.f32 [tilespmem:s13], [sflag:$0x7], $0x80, s31, s0, $0xb8;
	[tilespmem:$0x1F800] =	vst v63  }
0x226: {  	_ =	swait.ge [sflag:s17], $0x2800  }
0x227: {  	[sflag:s17] =	ssyncset.done $0x0  }
0x228: {  	[sflag:s17] =	ssyncadd.s32 $0xFFFFD800  }
0x229: {  	_ =	swait.ge [sflag:s22], $0x400  }
0x22a: {  	[sflag:s22] =	ssyncset.done $0x0  }
0x22b: {  	[sflag:s22] =	ssyncadd.s32 $0xFFFFFC00  }
0x22c: {  	_ =	swait.ge [sflag:s23], $0x400  }
0x22d: {  	[sflag:s23] =	ssyncset.done $0x0  }
0x22e: {  	[sflag:s23] =	ssyncadd.s32 $0xFFFFFC00  }
0x22f: {  	[tilespmem:s2], [sflag:$0x1] =	stream.indirect.gather [hbm4b:s4+s0], $0x80, s12, s0, $0xb8;
	[tilespmem:$0x1F800] =	vst v63  }
0x230: {  	_ =	swait.ge [sflag:s18], $0x2800  }
0x231: {  	[sflag:s18] =	ssyncset.done $0x0  }
0x232: {  	s12 =	sor.u32 $0xB80, s10;
	[sflag:s18] =	ssyncadd.s32 $0xFFFFD800  }
0x233: {  	[spmem:s1] =	stream.indirect.scatter.add.f32 [tilespmem:s15], [sflag:$0x8], $0x80, s12, s0, $0xb8;
	[tilespmem:$0x1F800] =	vst v63  }
0x234: {  	_ =	swait.ge [sflag:s19], $0x2800  }
0x235: {  	[sflag:s19] =	ssyncset.done $0x0  }
0x236: {  	s25 =	sxor.u32 $0x480, s10;
	[sflag:s19] =	ssyncadd.s32 $0xFFFFD800  }
0x237: {  	[tilespmem:s8], [sflag:$0x2] =	stream.indirect.gather [hbm4b:s4+s0], $0x80, s25, s0, $0xb8;
	[tilespmem:$0x1F800] =	vst v63  }
0x238: {  	_ =	swait.ge [sflag:s20], $0x2800  }
0x239: {  	[sflag:s20] =	ssyncset.done $0x0  }
0x23a: {  	[sflag:s20] =	ssyncadd.s32 $0xFFFFD800  }
0x23b: {  	_ =	swait.ge [sflag:s21], $0x2800  }
0x23c: {  	[sflag:s21] =	ssyncset.done $0x0  }
0x23d: {  	[sflag:s21] =	ssyncadd.s32 $0xFFFFD800  }
0x23e: {  	_ =	swait.ge [sflag:s24], $0x2800  }
0x23f: {  	[sflag:s24] =	ssyncset.done $0x0  }
0x240: {  	[sflag:s24] =	ssyncadd.s32 $0xFFFFD800  }
0x241: {  	_ =	swait.ge [sflag:s14], $0x2800  }
0x242: {  	[sflag:s14] =	ssyncset.done $0x0  }
0x243: {  	s26 =	stileid.u32;
	[sflag:s14] =	ssyncadd.s32 $0xFFFFD800  }
0x244: {  	s9 =	sshll.u32 s26, $0x6;
	[bflag:$0x0] =	sbarrier.arrive $0xFFFF  }
0x245: {  	s9 =	sor.u32 $0x1C0C, s9;
	s25 =	rddreg [dreg:$0x5]  }
0x246: {  	s10 =	simm.s32 $0xC;
	s29 =	rddreg [dreg:$0x13];
	s28 =	sshrl.u32 s25, $0x3  }
0x247: {  	[hbm:s29], [sflag:s9] =	dma.local [spmem:s28], $0x2800  }
0x248: {  	_ =	swait.ge [sflag:s10], $0x2800  }
0x249: {  	s30 =	sld [smem:$0x7EC];
	_ =	sdelay $0x2  }
0x24a: {  	s31 =	rddreg [dreg:$0x14];
	s12 =	sadd.s32 $0x1, s30  }
0x24b: {  	p0 =	sne.s32 s12, s31  }
.Ltmp2:
0x24c: {  	_ = 	snop;
	(pc) =	sbr.rel @p0 .LBB2_1-.Ltmp2, $3  }
0x24d: {  	_ =	sdelay $0x1  }
0x24e: {  	[sflag:s10] =	ssyncset.done $0x0  }
0x24f: {  	[sflag:s10] =	ssyncadd.s32 $0xFFFFD800  }
0x250: {  	_ =	sfence.sel $0x180000  }
0x251: {  	[bflag:$0x0] =	sbarrier.arrive $0xFFFF  }
0x252: {  	_ =	strace $0x9000004A  }
0x253: {  	s0 =	stileid.u32;
	[bflag:$0x2] =	sbarrier.arrive $0xFFFF  }
0x254: {  	p0 =	sne.s32 s0, $0x0;
	s0 =	rddreg [dreg:$0x2]  }
0x255: {  	s0 =	sadd.s32 @!p0 $0x100000, s0  }
0x256: {  	[sflag:s0] =	ssyncadd.tile.s32 @!p0 $0x1;
	_ =	shalt  }
.Lfunc_end2:
_tile_overlayer_lowered:
.L_overlay_start_2:
0x257: {  	(tag) =	ssettag $0x2  }
0x258: {  	s0 =	rddreg [dreg:$0x0];
	s2 =	stileid.u32  }
0x259: {  	s1 =	rddreg [dreg:$0x1];
	p0 =	sne.s32 s2, $0x0  }
0x25a: {  	s3 =	rddreg [dreg:$0x2];
	[bflag:$0x3] =	sbarrier.arrive $0xFFFF;
	s2 =	simm.s32 @!p0 $0x1C0C  }
0x25b: {  	[timem:s3], [sflag:s2] =	dma.local @!p0 [hbm:s0], s1  }
0x25c: {  	s0 =	simm.s32 @!p0 $0xC  }
0x25d: {  	_ =	swait.ge @!p0 [sflag:s0], s1  }
0x25e: {  	s1 =	ssub.s32 @!p0 $0x0, s1;
	[sflag:s0] =	ssyncset.done @!p0 $0x0  }
0x25f: {  	[sflag:s0] =	ssyncadd.s32 @!p0 s1  }
0x260: {  	[bflag:$0x3] =	sbarrier.arrive $0xFFFF  }
0x261: {  	_ =	shalt  }

// kernel: kernel.14.cloned.1.call-start
scs
__scs_entry_jumppad:
0x0: {  	(pc) =	sbr.rel $0x88, $3  }
0x1: {  	(tag) =	ssettag $0x0;
	lr =	simm.s32 $0x1  }
0x2: {  	[smem:$0x3F97] =	sst lr;
	_ =	strace $0xD0000000  }
0x3: {  	_ = 	snop  }
0x4: {  	_ = 	snop  }
0x5: {  	_ = 	snop  }
0x6: {  	_ = 	snop  }
0x7: {  	_ = 	snop  }
__scs_overlays_trampoline_lowered:
0x8: {  	[smem:$0x3FA6] =	sst s0  }
0x9: {  	[smem:$0x3FA7] =	sst s1  }
0xa: {  	[smem:$0x3FA8] =	sst s2  }
0xb: {  	[smem:$0x3FA9] =	sst s3  }
0xc: {  	[smem:$0x3FAA] =	sst s4  }
0xd: {  	[smem:$0x3FAB] =	sst s5  }
0xe: {  	[smem:$0x3FAC] =	sst s6  }
0xf: {  	[smem:$0x3FAD] =	sst s7  }
0x10: {  	[smem:$0x3FAE] =	sst s8  }
0x11: {  	[smem:$0x3FAF] =	sst s9;
	s0 =	simm.s32 @!p0 $0x0  }
0x12: {  	s1 =	sld [smem:$0x3F95];
	s0 =	simm.s32 @p0 $0x1  }
0x13: {  	[smem:$0x3FB0] =	sst s0;
	s0 =	simm.s32 @!p1 $0x0  }
0x14: {  	s2 =	sld [smem:$0x3F94];
	s0 =	simm.s32 @p1 $0x1  }
0x15: {  	[smem:$0x3FB1] =	sst s0;
	s0 =	simm.s32 @!p2 $0x0  }
0x16: {  	s3 =	sld [smem:$0x3FDB];
	s0 =	simm.s32 @p2 $0x1  }
0x17: {  	s4 =	simm.s32 $0x1BF5;
	[smem:$0x3FB3] =	sst s0  }
0x18: {  	s0 =	sld [smem:$0x3F96];
	_ =	swait.ge [sflag:s4], $0x0  }
0x19: {  	s7 =	sld [smem:$0x3F97]  }
0x1a: {  	s8 =	sadd.s32 $0xFFFFE003, lr  }
0x1b: {  	s9 =	sadd.s32 $0xFFFFFEF7, lr;
	s5 =	simm.s32 $0xFFFFFFFF;
	p2 =	slt.u32 s8, $0xFFFFF086  }
0x1c: {  	p1 =	slt.u32 s9, $0xF7A;
	s5 =	simm.s32 @!p2 $0x0  }
0x1d: {  	s5 =	simm.s32 @p1 $0x1;
	p0 =	seq.s32 s7, s2  }
0x1e: {  	s7 =	smul.u32 @!p0 $0xF7A, s2;
	p2 =	seq.s32 @!p0 s5, $0x0  }
0x1f: {  	s9 =	smul.u32 $0xF7A, s1;
	s8 =	simm.s32 @!p0 $0x1BF5;
	p2 =	por !p2, p0  }
0x20: {  	[sflag:s8] =	ssyncset.s32 @!p0 $0xFFFFF086;
	s6 =	sadd.s32 @!p0 s3, s7;
	s7 =	simm.s32 @!p0 $0x108  }
0x21: {  	s3 =	sadd.s32 s3, s9;
	s6 =	sadd.s32 @!p0 $0x88, s6;
	s7 =	simm.s32 @p2 $0x1082  }
0x22: {  	[simem:s7], [sflag:s8] =	dma.local @!p0 [hbm:s6], $0xF7A  }
0x23: {  	s9 =	sor.u32 $0xD0000000, s2;
	s6 =	simm.s32 $0x108;
	_ =	swait.ge @!p0 [sflag:s8], $0x0  }
0x24: {  	s3 =	sadd.s32 $0x88, s3;
	s6 =	simm.s32 @!p1 $0x1082;
	[sflag:s4] =	ssyncset.s32 $0xFFFFF086  }
0x25: {  	[simem:s6], [sflag:s4] =	dma.local [hbm:s3], $0xF7A  }
0x26: {  	[smem:$0x3F97] =	sst s1;
	(tag) =	ssettag s2;
	_ =	strace s9  }
0x27: {  	s1 =	sld [smem:$0x3FA7]  }
0x28: {  	s2 =	sld [smem:$0x3FA8]  }
0x29: {  	s4 =	sld [smem:$0x3FAA]  }
0x2a: {  	p0 =	seq.s32 s5, $0x0;
	s5 =	sld [smem:$0x3FAB]  }
0x2b: {  	s6 =	sld [smem:$0x3FAC]  }
0x2c: {  	s7 =	sld [smem:$0x3FAD]  }
0x2d: {  	s3 =	simm.s32 $0x108;
	s8 =	sld [smem:$0x3FAE]  }
0x2e: {  	s3 =	simm.s32 @!p0 $0x1082;
	s9 =	sld [smem:$0x3FAF]  }
0x2f: {  	lr =	sadd.s32 s0, s3;
	s0 =	sld [smem:$0x3FA6]  }
0x30: {  	s3 =	sld [smem:$0x3FA9]  }
0x31: {  	[smem:$0x3FB2] =	sst s10  }
0x32: {  	s10 =	sld [smem:$0x3FB0];
	_ =	sdelay $0x3  }
0x33: {  	p0 =	seq.s32 s10, $0x1;
	s10 =	sld [smem:$0x3FB2];
	_ =	sdelay $0x3  }
0x34: {  	[smem:$0x3FB2] =	sst s10  }
0x35: {  	s10 =	sld [smem:$0x3FB1];
	_ =	sdelay $0x3  }
0x36: {  	p1 =	seq.s32 s10, $0x1;
	s10 =	sld [smem:$0x3FB2];
	_ =	sdelay $0x3  }
0x37: {  	[smem:$0x3FB2] =	sst s10  }
0x38: {  	s10 =	sld [smem:$0x3FB3]  }
0x39: {  	_ = 	snop;
	(pc) =	sbr.ind lr, $3  }
0x3a: {  	_ = 	snop  }
0x3b: {  	_ = 	snop  }
0x3c: {  	p2 =	seq.s32 s10, $0x1;
	s10 =	sld [smem:$0x3FB2]  }
0x3d: {  	_ =	shalt  }
0x3e: {  	_ =	shalt  }
0x3f: {  	_ =	shalt  }
0x40: {  	_ =	shalt  }
0x41: {  	_ =	shalt  }
0x42: {  	_ =	shalt  }
0x43: {  	_ =	shalt  }
0x44: {  	_ =	shalt  }
0x45: {  	_ =	shalt  }
0x46: {  	_ =	shalt  }
0x47: {  	_ =	shalt  }
0x48: {  	_ =	shalt  }
0x49: {  	_ =	shalt  }
0x4a: {  	_ =	shalt  }
0x4b: {  	_ =	shalt  }
0x4c: {  	_ =	shalt  }
0x4d: {  	_ =	shalt  }
0x4e: {  	_ =	shalt  }
0x4f: {  	_ =	shalt  }
0x50: {  	_ =	shalt  }
0x51: {  	_ =	shalt  }
0x52: {  	_ =	shalt  }
0x53: {  	_ =	shalt  }
0x54: {  	_ =	shalt  }
0x55: {  	_ =	shalt  }
0x56: {  	_ =	shalt  }
0x57: {  	_ =	shalt  }
0x58: {  	_ =	shalt  }
0x59: {  	_ =	shalt  }
0x5a: {  	_ =	shalt  }
0x5b: {  	_ =	shalt  }
0x5c: {  	_ =	shalt  }
0x5d: {  	_ =	shalt  }
0x5e: {  	_ =	shalt  }
0x5f: {  	_ =	shalt  }
0x60: {  	_ =	shalt  }
0x61: {  	_ =	shalt  }
0x62: {  	_ =	shalt  }
0x63: {  	_ =	shalt  }
0x64: {  	_ =	shalt  }
0x65: {  	_ =	shalt  }
0x66: {  	_ =	shalt  }
0x67: {  	_ =	shalt  }
0x68: {  	_ =	shalt  }
0x69: {  	_ =	shalt  }
0x6a: {  	_ =	shalt  }
0x6b: {  	_ =	shalt  }
0x6c: {  	_ =	shalt  }
0x6d: {  	_ =	shalt  }
0x6e: {  	_ =	shalt  }
0x6f: {  	_ =	shalt  }
0x70: {  	_ =	shalt  }
0x71: {  	_ =	shalt  }
0x72: {  	_ =	shalt  }
0x73: {  	_ =	shalt  }
0x74: {  	_ =	shalt  }
0x75: {  	_ =	shalt  }
0x76: {  	_ =	shalt  }
0x77: {  	_ =	shalt  }
0x78: {  	_ =	shalt  }
0x79: {  	_ =	shalt  }
0x7a: {  	_ =	shalt  }
0x7b: {  	_ =	shalt  }
0x7c: {  	_ =	shalt  }
0x7d: {  	_ =	shalt  }
0x7e: {  	_ =	shalt  }
0x7f: {  	_ =	shalt  }
0x80: {  	_ =	shalt  }
0x81: {  	_ =	shalt  }
0x82: {  	_ =	shalt  }
0x83: {  	_ =	shalt  }
0x84: {  	_ =	shalt  }
0x85: {  	_ =	shalt  }
0x86: {  	_ =	shalt  }
0x87: {  	_ =	shalt  }
.Lfunc_end0:
.L_simem_size_0:
called_computation.2_lowered:
.L_overlay_start_0:
0x88: {  	s2 =	sld [smem:$0x3FD9]  }
0x89: {  	s3 =	sld [smem:$0x3FFE];
	_ =	sdelay $0x1  }
0x8a: {  	s1 =	srdreg.scid  }
0x8b: {  	s0 =	sand.u32 $0x1, s1  }
0x8c: {  	s16 =	sshll.u32 s0, $0xA;
	s2 =	sadd.s32 s3, s2  }
0x8d: {  	s2 =	sadd.s32 s2, s16  }
0x8e: {  	[smem:$0x3FBE] =	sst s2  }
0x8f: {  	_ = 	snop  }
0x90: {  	(tm) =	ssettm $0x1  }
0x91: {  	s17 =	sld [smem:$0x3FFB];
	_ =	sdelay $0x3  }
0x92: {  	_ =	strace s17  }
0x93: {  	s2 =	sld [smem:$0x3FFC];
	_ =	sdelay $0x3  }
0x94: {  	_ =	strace s2  }
0x95: {  	s2 =	sld [smem:$0x3FFD];
	_ =	sdelay $0x3  }
0x96: {  	_ =	strace s2  }
0x97: {  	_ =	strace $0x8FFFFFFF  }
0x98: {  	s18 =	sld [smem:$0x3FDB];
	_ =	sdelay $0x1  }
0x99: {  	s19 =	simm.s32 $_scs_section_size  }
0x9a: {  	s4 =	simm.s32 $_size__tile_overlayer_lowered;
	s5 =	simm.s32 $_tile_overlayer_lowered  }
0x9b: {  	s22 =	simm.s32 $0x1BFF;
	s21 =	sshll.u32 s5, $0x1;
	s2 =	sadd.s32 s19, s18  }
0x9c: {  	s6 =	simm.s32 $0x0;
	s20 =	sshll.u32 s4, $0x1;
	s4 =	sadd.s32 s21, s2  }
0x9d: {  	[timem:s6], [sflag:s22] =	dma.local [hbm:s4], s20  }
0x9e: {  	_ =	swait.ge [sflag:s22], s20  }
0x9f: {  	s3 =	ssub.s32 $0x0, s20;
	[sflag:s22] =	ssyncset.done $0x0  }
0xa0: {  	[sflag:s22] =	ssyncadd.s32 s3;
	_ =	sdelay $0x1  }
0xa1: {  	s23 =	simm.s32 $0x1B8B  }
0xa2: {  	_ =	swait.ge [sflag:s23], $0x1  }
0xa3: {  	[sflag:s23] =	ssyncset.done $0x0  }
0xa4: {  	s25 =	simm.s32 $0x1B8E;
	s24 =	sld [smem:$0x3FFE];
	[sflag:s23] =	ssyncadd.s32 $0xFFFFFFFF  }
0xa5: {  	s26 =	simm.s32 $execute0_lowered;
	[smem:$0x3FD2] =	sst s25  }
0xa6: {  	s4 =	sshll.u32 s26, $0x1;
	_ =	strace $0x8000004C;
	[dreg:$0x1] =	wrdreg $0xFFFFFFFF  }
0xa7: {  	s28 =	simm.s32 $_size_execute0_lowered;
	s2 =	sadd.s32 s2, s4;
	[dreg:$0x0] =	wrdreg $0x0  }
0xa8: {  	s4 =	sshll.u32 s28, $0x1;
	[dreg:$0x2] =	wrdreg s2  }
0xa9: {  	[dreg:$0x3] =	wrdreg s4  }
0xaa: {  	[dreg:$0x4] =	wrdreg $0xC0  }
0xab: {  	_ =	task [dreg:s6], $0x5FFFF  }
0xac: {  	[dreg:$0x1] =	wrdreg $0xFFFFFFFF  }
0xad: {  	[dreg:$0x0] =	wrdreg $0x60  }
0xae: {  	[dreg:$0x2] =	wrdreg s24  }
0xaf: {  	[dreg:$0x3] =	wrdreg $0xB8000  }
0xb0: {  	[dreg:$0x4] =	wrdreg $0x9  }
0xb1: {  	_ =	task.clear_ibuf [dreg:s6], $0x5FFFF;
	_ =	strace $0x9000004C  }
0xb2: {  	s29 =	simm.s32 $0x9;
	_ =	strace $0x8000004E  }
0xb3: {  	_ =	swait.ge [sflag:s29], $0x1  }
0xb4: {  	[sflag:s29] =	ssyncadd.s32 $0xFFFFFFFF  }
0xb5: {  	_ =	strace $0x9000004E  }
0xb6: {  	_ =	sfence  }
0xb7: {  	s30 =	sld [smem:$0x0];
	_ =	sdelay $0x2  }
0xb8: {  	s31 =	sshll.u32 s1, $0xD;
	s1 =	sshrl.u32 s1, $0x2  }
0xb9: {  	s3 =	sand.u32 $0x4000, s31;
	s1 =	sadd.s32 s1, s30  }
0xba: {  	s0 =	sor.u32 s3, s0;
	s1 =	sshll.u32 s1, $0x11  }
0xbb: {  	s0 =	sor.u32 s1, s0  }
0xbc: {  	s0 =	sadd.s32 $0x8F2B, s0  }
0xbd: {  	[sflag:s0] =	ssyncadd.remote.s32 $0x1  }
0xbe: {  	_ =	sfence.sel $0xFFFF  }
0xbf: {  	[dreg:$0x0] =	wrdreg $0xFFFFFFFF;
	(pc) =	sbr.abs _section_cstart, $3  }
0xc0: {  	[dreg:$0x1] =	wrdreg $0xFFFFFFFF  }
0xc1: {  	_ =	task.clear_ibuf [dreg:s6], $0x2FFFF;
	_ =	strace $0x9FFFFFFF  }
0xc2: {  	(tm) =	ssettm $0x7FFFFFFF  }
0xc3: {  	_ =	shalt  }
tec
execute0_lowered:
.L_overlay_start_1:
0x0: {  	(tag) =	ssettag $0x1  }
0x1: {  	s10 =	stileid.u32  }
0x2: {  	s7 =	smul.u32 $0x14000, s10  }
0x3: {  	s9 =	sshll.u32 s10, $0xE;
	s10 =	smul.u32 $0x50000, s10  }
0x4: {  	s0 =	rddreg [dreg:$0x0]  }
0x5: {  	s1 =	rddreg [dreg:$0x1];
	s3 =	simm.s32 $0x0;
	s31 =	sshrl.u32 s10, $0x2  }
0x6: {  	[smem:$0x7FF] =	sst s3;
	s25 =	sadd.s32 s31, s1  }
0x7: {  	_ =	strace $0x8000004D;
	s13 =	sadd.s32 $0x1000, s25;
	[dreg:$0x5] =	wrdreg s25  }
0x8: {  	s14 =	sadd.s32 $0x1800, s25;
	[dreg:$0x7] =	wrdreg s13  }
0x9: {  	s15 =	sadd.s32 $0x2000, s25;
	[dreg:$0x8] =	wrdreg s14  }
0xa: {  	s2 =	srdreg.scid;
	s16 =	sadd.s32 $0x2800, s25;
	[dreg:$0x9] =	wrdreg s15  }
0xb: {  	s2 =	sand.u32 $0x1, s2;
	s17 =	sadd.s32 $0x3000, s25;
	[dreg:$0xa] =	wrdreg s16  }
0xc: {  	s4 =	sadd.s32 $0x23400, s0;
	s18 =	sadd.s32 $0x3800, s25;
	[dreg:$0xb] =	wrdreg s17  }
0xd: {  	s5 =	sadd.s32 $0x13400, s0;
	s19 =	sadd.s32 $0x4000, s25;
	[dreg:$0xc] =	wrdreg s18  }
0xe: {  	s8 =	ssub.s32 $0x2, s2;
	s20 =	sadd.s32 $0x4800, s25;
	[dreg:$0xd] =	wrdreg s19  }
0xf: {  	s11 =	sshrl.u32 s8, $0x1;
	s21 =	sadd.s32 $0x5000, s25;
	[dreg:$0xe] =	wrdreg s20  }
0x10: {  	s29 =	ssub.s32 s8, s11;
	s22 =	sadd.s32 $0x5800, s25;
	[dreg:$0xf] =	wrdreg s21  }
0x11: {  	s6 =	smul.u32 $0x140000, s2;
	s24 =	smax.u32 s29, $0x1;
	[dreg:$0x10] =	wrdreg s22  }
0x12: {  	s2 =	sshll.u32 s2, $0x12;
	s26 =	sadd.s32 $0x6000, s25;
	[dreg:$0x14] =	wrdreg s24  }
0x13: {  	s7 =	sadd.s32 s7, s6;
	s28 =	sadd.s32 $0x6800, s25;
	[dreg:$0x15] =	wrdreg s26  }
0x14: {  	s6 =	sadd.s32 $0x3400, s0;
	s29 =	sadd.s32 $0x7000, s25;
	[dreg:$0x16] =	wrdreg s28  }
0x15: {  	s7 =	sshrl.u32 s7, $0x3;
	s31 =	sadd.s32 $0x8000, s25;
	[dreg:$0x17] =	wrdreg s29  }
0x16: {  	s10 =	sadd.s32 $0xA000, s25;
	s0 =	sadd.s32 s7, s0;
	[dreg:$0x19] =	wrdreg s31  }
0x17: {  	s7 =	sor.u32 s9, s2;
	s9 =	sadd.s32 $0x800, s25;
	[dreg:$0x1d] =	wrdreg s10  }
0x18: {  	s2 =	sadd.s32 $0x8800, s25;
	[dreg:$0x6] =	wrdreg s9  }
0x19: {  	s13 =	sadd.s32 $0xB800, s25;
	[dreg:$0x1a] =	wrdreg s2  }
0x1a: {  	s14 =	sadd.s32 $0xC000, s25;
	[smem:$0x7ED] =	sst s13  }
0x1b: {  	s15 =	sadd.s32 $0xC800, s25;
	[smem:$0x7EE] =	sst s14  }
0x1c: {  	s16 =	sadd.s32 $0xD000, s25;
	[smem:$0x7EF] =	sst s15  }
0x1d: {  	s17 =	sadd.s32 $0xD800, s25;
	[smem:$0x7F0] =	sst s16  }
0x1e: {  	s18 =	sadd.s32 $0xE000, s25;
	[smem:$0x7F1] =	sst s17  }
0x1f: {  	s19 =	sadd.s32 $0xE800, s25;
	[smem:$0x7F2] =	sst s18  }
0x20: {  	s20 =	sadd.s32 $0xF000, s25;
	[smem:$0x7F3] =	sst s19  }
0x21: {  	s21 =	sadd.s32 $0xF800, s25;
	[smem:$0x7F4] =	sst s20  }
0x22: {  	s22 =	sadd.s32 $0x10000, s25;
	[smem:$0x7F5] =	sst s21  }
0x23: {  	s24 =	sadd.s32 $0x11000, s25;
	[smem:$0x7F6] =	sst s22  }
0x24: {  	s26 =	sadd.s32 $0x11800, s25;
	[smem:$0x7F8] =	sst s24  }
0x25: {  	s28 =	sadd.s32 $0x12000, s25;
	s29 =	sadd.s32 $0x12800, s25;
	[smem:$0x7F9] =	sst s26  }
0x26: {  	s31 =	sadd.s32 $0x13800, s25;
	s10 =	simm.s32 $0xC;
	[smem:$0x7FA] =	sst s28  }
0x27: {  	s30 =	sshrl.u32 s7, $0x3;
	s0 =	sadd.s32 $0x4B400, s0;
	[smem:$0x7FB] =	sst s29  }
0x28: {  	s9 =	sadd.s32 $0x9800, s25;
	[smem:$0x7FD] =	sst s31;
	s2 =	simm.s32 $0x1000  }
0x29: {  	s13 =	simm.s32 $0x6000;
	s14 =	simm.s32 $0x2;
	s15 =	simm.s32 $0x8800  }
0x2a: {  	s16 =	simm.s32 $0x3;
	s17 =	simm.s32 $0x5;
	[dreg:$0x13] =	wrdreg s0  }
0x2b: {  	s18 =	simm.s32 $0x4;
	s11 =	sadd.s32 s5, s30;
	[dreg:$0x1c] =	wrdreg s9  }
0x2c: {  	s19 =	simm.s32 $0x6;
	s12 =	sadd.s32 s6, s30;
	[dreg:$0x3] =	wrdreg s11  }
0x2d: {  	s8 =	sor.u32 $0x80, s30;
	s30 =	sadd.s32 $0x7800, s25;
	[dreg:$0x4] =	wrdreg s12  }
0x2e: {  	s20 =	simm.s32 $0x7;
	s23 =	sadd.s32 s5, s8;
	[dreg:$0x18] =	wrdreg s30  }
0x2f: {  	s21 =	simm.s32 $0x8;
	s8 =	sadd.s32 s6, s8;
	[dreg:$0x11] =	wrdreg s23  }
0x30: {  	s22 =	simm.s32 $0x9;
	s11 =	sadd.s32 $0xA800, s25;
	[dreg:$0x12] =	wrdreg s8  }
0x31: {  	s24 =	simm.s32 $0x1;
	s12 =	sadd.s32 $0xB000, s25;
	[dreg:$0x1e] =	wrdreg s11  }
0x32: {  	s0 =	simm.s32 $0x50;
	s30 =	sadd.s32 $0x13000, s25;
	[dreg:$0x1f] =	wrdreg s12  }
0x33: {  	s8 =	sadd.s32 $0x9000, s25;
	s23 =	sadd.s32 $0x10800, s25;
	[smem:$0x7FC] =	sst s30  }
0x34: {  	s11 =	simm.s32 $0xB;
	s12 =	simm.s32 $0x0;
	[dreg:$0x1b] =	wrdreg s8  }
0x35: {  	v0 =	vimm.f32 $0.0e+00;
	[smem:$0x7F7] =	sst s23;
	s8 =	simm.s32 $0x3800;
	s23 =	simm.s32 $0xA  }
.LBB2_1:
0x36: {  	[smem:$0x7EC] =	sst s12  }
0x37: {  	s9 =	rddreg [dreg:$0x3]  }
0x38: {  	[tilespmem:s3], [sflag:$0xC] =	stream.linear.gather [hbm4b:s9+s3], $0x400, $0x38;
	[tilespmem:$0x1F800] =	vst v63  }
0x39: {  	_ =	swait.ge [sflag:s10], $0x400  }
0x3a: {  	[sflag:s10] =	ssyncset.done $0x0  }
0x3b: {  	s28 =	simm.s32 $0x800;
	s26 =	rddreg [dreg:$0x4];
	[sflag:s10] =	ssyncadd.s32 $0xFFFFFC00  }
0x3c: {  	[tilespmem:s28], [sflag:$0xC] =	stream.linear.gather [hbm4b:s26+s3], $0x400, $0x38;
	[tilespmem:$0x1F800] =	vst v63  }
0x3d: {  	_ =	swait.ge [sflag:s10], $0x400  }
0x3e: {  	s29 =	simm.s32 $0x80;
	s30 =	sand.u32 $0x1E00, s3;
	[sflag:s10] =	ssyncset.done $0x0  }
0x3f: {  	s31 =	sand.u32 $0x70, s3;
	s26 =	sshrl.u32 s30, $0x2;
	[sflag:s10] =	ssyncadd.s32 $0xFFFFFC00  }
0x40: {  	[tilespmem:s2], [sflag:$0x1] =	stream.indirect.gather [hbm4b:s4+s0], $0x80, s3, s0, $0xb8;
	[tilespmem:$0x1F800] =	vst v63  }
0x41: {  	s12 =	simm.s32 $0x0;
	s26 =	sor.u32 s31, s26;
	s10 =	simm.s32 $0x40  }
0x42: {  	[tilespmem:s8], [sflag:$0x2] =	stream.indirect.gather [hbm4b:s4+s0], $0x80, s29, s0, $0xb8;
	[tilespmem:$0x1F800] =	vst v63  }
.LBB2_2:
0x43: {  	p0 =	sne.s32 s10, $0x1FC0  }
0x44: {  	[tilespmem:s26+$0xB000] =	vst v0;
	s12 =	sadd.s32 $0x10, s12;
	s26 =	smov.u32 s10;
	s10 =	sadd.s32 $0x40, s10  }
.Ltmp0:
0x45: {  	(pc) =	sbr.rel @p0 .LBB2_2-.Ltmp0, $4  }
0x46: {  	_ = 	snop  }
0x47: {  	s26 =	sand.u32 $0x1E00, s26  }
0x48: {  	s28 =	sand.u32 $0x70, s12;
	s26 =	sshrl.u32 s26, $0x2  }
0x49: {  	s26 =	sor.u32 s28, s26  }
0x4a: {  	[tilespmem:s26+$0xB000] =	vst v0;
	s10 =	simm.s32 $0xB000;
	s9 =	rddreg [dreg:$0x6]  }
0x4b: {  	[spmem:s25] =	stream.linear.scatter [tilespmem:s10], [sflag:$0xB], $0x800, $0x38;
	[tilespmem:$0x1F800] =	vst v63  }
0x4c: {  	s26 =	rddreg [dreg:$0x7]  }
0x4d: {  	[spmem:s9] =	stream.linear.scatter [tilespmem:s10], [sflag:$0xB], $0x800, $0x38;
	[tilespmem:$0x1F800] =	vst v63  }
0x4e: {  	s30 =	rddreg [dreg:$0x8]  }
0x4f: {  	[spmem:s26] =	stream.linear.scatter [tilespmem:s10], [sflag:$0xB], $0x800, $0x38;
	[tilespmem:$0x1F800] =	vst v63  }
0x50: {  	s31 =	rddreg [dreg:$0x9]  }
0x51: {  	[spmem:s30] =	stream.linear.scatter [tilespmem:s10], [sflag:$0xB], $0x800, $0x38;
	[tilespmem:$0x1F800] =	vst v63  }
0x52: {  	s12 =	rddreg [dreg:$0xa]  }
0x53: {  	[spmem:s31] =	stream.linear.scatter [tilespmem:s10], [sflag:$0xB], $0x800, $0x38;
	[tilespmem:$0x1F800] =	vst v63  }
0x54: {  	s25 =	rddreg [dreg:$0xb]  }
0x55: {  	[spmem:s12] =	stream.linear.scatter [tilespmem:s10], [sflag:$0xB], $0x800, $0x38;
	[tilespmem:$0x1F800] =	vst v63  }
0x56: {  	s26 =	rddreg [dreg:$0xc]  }
0x57: {  	[spmem:s25] =	stream.linear.scatter [tilespmem:s10], [sflag:$0xB], $0x800, $0x38;
	[tilespmem:$0x1F800] =	vst v63  }
0x58: {  	s30 =	rddreg [dreg:$0xd]  }
0x59: {  	[spmem:s26] =	stream.linear.scatter [tilespmem:s10], [sflag:$0xB], $0x800, $0x38;
	[tilespmem:$0x1F800] =	vst v63  }
0x5a: {  	s31 =	rddreg [dreg:$0xe]  }
0x5b: {  	[spmem:s30] =	stream.linear.scatter [tilespmem:s10], [sflag:$0xB], $0x800, $0x38;
	[tilespmem:$0x1F800] =	vst v63  }
0x5c: {  	s12 =	rddreg [dreg:$0xf]  }
0x5d: {  	[spmem:s31] =	stream.linear.scatter [tilespmem:s10], [sflag:$0xB], $0x800, $0x38;
	[tilespmem:$0x1F800] =	vst v63  }
0x5e: {  	s25 =	rddreg [dreg:$0x10]  }
0x5f: {  	[spmem:s12] =	stream.linear.scatter [tilespmem:s10], [sflag:$0xB], $0x800, $0x38;
	[tilespmem:$0x1F800] =	vst v63  }
0x60: {  	s26 =	rddreg [dreg:$0x15]  }
0x61: {  	[spmem:s25] =	stream.linear.scatter [tilespmem:s10], [sflag:$0xB], $0x800, $0x38;
	[tilespmem:$0x1F800] =	vst v63  }
0x62: {  	s30 =	rddreg [dreg:$0x16]  }
0x63: {  	[spmem:s26] =	stream.linear.scatter [tilespmem:s10], [sflag:$0xB], $0x800, $0x38;
	[tilespmem:$0x1F800] =	vst v63  }
0x64: {  	s31 =	rddreg [dreg:$0x17]  }
0x65: {  	[spmem:s30] =	stream.linear.scatter [tilespmem:s10], [sflag:$0xB], $0x800, $0x38;
	[tilespmem:$0x1F800] =	vst v63  }
0x66: {  	s12 =	rddreg [dreg:$0x18]  }
0x67: {  	[spmem:s31] =	stream.linear.scatter [tilespmem:s10], [sflag:$0xB], $0x800, $0x38;
	[tilespmem:$0x1F800] =	vst v63  }
0x68: {  	s25 =	rddreg [dreg:$0x19]  }
0x69: {  	[spmem:s12] =	stream.linear.scatter [tilespmem:s10], [sflag:$0xB], $0x800, $0x38;
	[tilespmem:$0x1F800] =	vst v63  }
0x6a: {  	s26 =	rddreg [dreg:$0x1a]  }
0x6b: {  	[spmem:s25] =	stream.linear.scatter [tilespmem:s10], [sflag:$0xB], $0x800, $0x38;
	[tilespmem:$0x1F800] =	vst v63  }
0x6c: {  	s30 =	rddreg [dreg:$0x1b]  }
0x6d: {  	[spmem:s26] =	stream.linear.scatter [tilespmem:s10], [sflag:$0xB], $0x800, $0x38;
	[tilespmem:$0x1F800] =	vst v63  }
0x6e: {  	s31 =	rddreg [dreg:$0x1c]  }
0x6f: {  	[spmem:s30] =	stream.linear.scatter [tilespmem:s10], [sflag:$0xB], $0x800, $0x38;
	[tilespmem:$0x1F800] =	vst v63  }
0x70: {  	s12 =	rddreg [dreg:$0x1d]  }
0x71: {  	[spmem:s31] =	stream.linear.scatter [tilespmem:s10], [sflag:$0xB], $0x800, $0x38;
	[tilespmem:$0x1F800] =	vst v63  }
0x72: {  	s25 =	rddreg [dreg:$0x1e]  }
0x73: {  	[spmem:s12] =	stream.linear.scatter [tilespmem:s10], [sflag:$0xB], $0x800, $0x38;
	[tilespmem:$0x1F800] =	vst v63  }
0x74: {  	s26 =	rddreg [dreg:$0x1f]  }
0x75: {  	[spmem:s25] =	stream.linear.scatter [tilespmem:s10], [sflag:$0xB], $0x800, $0x38;
	[tilespmem:$0x1F800] =	vst v63  }
0x76: {  	s30 =	sld [smem:$0x7ED]  }
0x77: {  	[spmem:s26] =	stream.linear.scatter [tilespmem:s10], [sflag:$0xB], $0x800, $0x38;
	[tilespmem:$0x1F800] =	vst v63  }
0x78: {  	s31 =	sld [smem:$0x7EE]  }
0x79: {  	[spmem:s30] =	stream.linear.scatter [tilespmem:s10], [sflag:$0xB], $0x800, $0x38;
	[tilespmem:$0x1F800] =	vst v63  }
0x7a: {  	s12 =	sld [smem:$0x7EF]  }
0x7b: {  	[spmem:s31] =	stream.linear.scatter [tilespmem:s10], [sflag:$0xB], $0x800, $0x38;
	[tilespmem:$0x1F800] =	vst v63  }
0x7c: {  	s25 =	sld [smem:$0x7F0]  }
0x7d: {  	[spmem:s12] =	stream.linear.scatter [tilespmem:s10], [sflag:$0xB], $0x800, $0x38;
	[tilespmem:$0x1F800] =	vst v63  }
0x7e: {  	s26 =	sld [smem:$0x7F1]  }
0x7f: {  	[spmem:s25] =	stream.linear.scatter [tilespmem:s10], [sflag:$0xB], $0x800, $0x38;
	[tilespmem:$0x1F800] =	vst v63  }
0x80: {  	s30 =	sld [smem:$0x7F2]  }
0x81: {  	[spmem:s26] =	stream.linear.scatter [tilespmem:s10], [sflag:$0xB], $0x800, $0x38;
	[tilespmem:$0x1F800] =	vst v63  }
0x82: {  	s31 =	sld [smem:$0x7F3]  }
0x83: {  	[spmem:s30] =	stream.linear.scatter [tilespmem:s10], [sflag:$0xB], $0x800, $0x38;
	[tilespmem:$0x1F800] =	vst v63  }
0x84: {  	s12 =	sld [smem:$0x7F4]  }
0x85: {  	[spmem:s31] =	stream.linear.scatter [tilespmem:s10], [sflag:$0xB], $0x800, $0x38;
	[tilespmem:$0x1F800] =	vst v63  }
0x86: {  	s25 =	sld [smem:$0x7F5]  }
0x87: {  	[spmem:s12] =	stream.linear.scatter [tilespmem:s10], [sflag:$0xB], $0x800, $0x38;
	[tilespmem:$0x1F800] =	vst v63  }
0x88: {  	s26 =	sld [smem:$0x7F6]  }
0x89: {  	[spmem:s25] =	stream.linear.scatter [tilespmem:s10], [sflag:$0xB], $0x800, $0x38;
	[tilespmem:$0x1F800] =	vst v63  }
0x8a: {  	s30 =	sld [smem:$0x7F7]  }
0x8b: {  	[spmem:s26] =	stream.linear.scatter [tilespmem:s10], [sflag:$0xB], $0x800, $0x38;
	[tilespmem:$0x1F800] =	vst v63  }
0x8c: {  	s31 =	sld [smem:$0x7F8]  }
0x8d: {  	[spmem:s30] =	stream.linear.scatter [tilespmem:s10], [sflag:$0xB], $0x800, $0x38;
	[tilespmem:$0x1F800] =	vst v63  }
0x8e: {  	s12 =	sld [smem:$0x7F9]  }
0x8f: {  	[spmem:s31] =	stream.linear.scatter [tilespmem:s10], [sflag:$0xB], $0x800, $0x38;
	[tilespmem:$0x1F800] =	vst v63  }
0x90: {  	s25 =	sld [smem:$0x7FA]  }
0x91: {  	[spmem:s12] =	stream.linear.scatter [tilespmem:s10], [sflag:$0xB], $0x800, $0x38;
	[tilespmem:$0x1F800] =	vst v63  }
0x92: {  	s26 =	sld [smem:$0x7FB]  }
0x93: {  	[spmem:s25] =	stream.linear.scatter [tilespmem:s10], [sflag:$0xB], $0x800, $0x38;
	[tilespmem:$0x1F800] =	vst v63  }
0x94: {  	s30 =	sld [smem:$0x7FC]  }
0x95: {  	[spmem:s26] =	stream.linear.scatter [tilespmem:s10], [sflag:$0xB], $0x800, $0x38;
	[tilespmem:$0x1F800] =	vst v63  }
0x96: {  	s31 =	sld [smem:$0x7FD]  }
0x97: {  	[spmem:s30] =	stream.linear.scatter [tilespmem:s10], [sflag:$0xB], $0x800, $0x38;
	[tilespmem:$0x1F800] =	vst v63  }
0x98: {  	_ = 	snop  }
0x99: {  	[spmem:s31] =	stream.linear.scatter [tilespmem:s10], [sflag:$0xB], $0x800, $0x38;
	[tilespmem:$0x1F800] =	vst v63  }
0x9a: {  	_ =	swait.ge [sflag:s11], $0x800  }
0x9b: {  	[sflag:s11] =	ssyncset.done $0x0  }
0x9c: {  	[sflag:s11] =	ssyncadd.s32 $0xFFFFF800  }
0x9d: {  	_ =	swait.ge [sflag:s11], $0x800  }
0x9e: {  	[sflag:s11] =	ssyncset.done $0x0  }
0x9f: {  	[sflag:s11] =	ssyncadd.s32 $0xFFFFF800  }
0xa0: {  	_ =	swait.ge [sflag:s11], $0x800  }
0xa1: {  	[sflag:s11] =	ssyncset.done $0x0  }
0xa2: {  	[sflag:s11] =	ssyncadd.s32 $0xFFFFF800  }
0xa3: {  	_ =	swait.ge [sflag:s11], $0x800  }
0xa4: {  	[sflag:s11] =	ssyncset.done $0x0  }
0xa5: {  	[sflag:s11] =	ssyncadd.s32 $0xFFFFF800  }
0xa6: {  	_ =	swait.ge [sflag:s11], $0x800  }
0xa7: {  	[sflag:s11] =	ssyncset.done $0x0  }
0xa8: {  	[sflag:s11] =	ssyncadd.s32 $0xFFFFF800  }
0xa9: {  	_ =	swait.ge [sflag:s11], $0x800  }
0xaa: {  	[sflag:s11] =	ssyncset.done $0x0  }
0xab: {  	[sflag:s11] =	ssyncadd.s32 $0xFFFFF800  }
0xac: {  	_ =	swait.ge [sflag:s11], $0x800  }
0xad: {  	[sflag:s11] =	ssyncset.done $0x0  }
0xae: {  	[sflag:s11] =	ssyncadd.s32 $0xFFFFF800  }
0xaf: {  	_ =	swait.ge [sflag:s11], $0x800  }
0xb0: {  	[sflag:s11] =	ssyncset.done $0x0  }
0xb1: {  	[sflag:s11] =	ssyncadd.s32 $0xFFFFF800  }
0xb2: {  	_ =	swait.ge [sflag:s11], $0x800  }
0xb3: {  	[sflag:s11] =	ssyncset.done $0x0  }
0xb4: {  	[sflag:s11] =	ssyncadd.s32 $0xFFFFF800  }
0xb5: {  	_ =	swait.ge [sflag:s11], $0x800  }
0xb6: {  	[sflag:s11] =	ssyncset.done $0x0  }
0xb7: {  	[sflag:s11] =	ssyncadd.s32 $0xFFFFF800  }
0xb8: {  	_ =	swait.ge [sflag:s11], $0x800  }
0xb9: {  	[sflag:s11] =	ssyncset.done $0x0  }
0xba: {  	[sflag:s11] =	ssyncadd.s32 $0xFFFFF800  }
0xbb: {  	_ =	swait.ge [sflag:s11], $0x800  }
0xbc: {  	[sflag:s11] =	ssyncset.done $0x0  }
0xbd: {  	[sflag:s11] =	ssyncadd.s32 $0xFFFFF800  }
0xbe: {  	_ =	swait.ge [sflag:s11], $0x800  }
0xbf: {  	[sflag:s11] =	ssyncset.done $0x0  }
0xc0: {  	[sflag:s11] =	ssyncadd.s32 $0xFFFFF800  }
0xc1: {  	_ =	swait.ge [sflag:s11], $0x800  }
0xc2: {  	[sflag:s11] =	ssyncset.done $0x0  }
0xc3: {  	[sflag:s11] =	ssyncadd.s32 $0xFFFFF800  }
0xc4: {  	_ =	swait.ge [sflag:s11], $0x800  }
0xc5: {  	[sflag:s11] =	ssyncset.done $0x0  }
0xc6: {  	[sflag:s11] =	ssyncadd.s32 $0xFFFFF800  }
0xc7: {  	_ =	swait.ge [sflag:s11], $0x800  }
0xc8: {  	[sflag:s11] =	ssyncset.done $0x0  }
0xc9: {  	[sflag:s11] =	ssyncadd.s32 $0xFFFFF800  }
0xca: {  	_ =	swait.ge [sflag:s11], $0x800  }
0xcb: {  	[sflag:s11] =	ssyncset.done $0x0  }
0xcc: {  	[sflag:s11] =	ssyncadd.s32 $0xFFFFF800  }
0xcd: {  	_ =	swait.ge [sflag:s11], $0x800  }
0xce: {  	[sflag:s11] =	ssyncset.done $0x0  }
0xcf: {  	[sflag:s11] =	ssyncadd.s32 $0xFFFFF800  }
0xd0: {  	_ =	swait.ge [sflag:s11], $0x800  }
0xd1: {  	[sflag:s11] =	ssyncset.done $0x0  }
0xd2: {  	[sflag:s11] =	ssyncadd.s32 $0xFFFFF800  }
0xd3: {  	_ =	swait.ge [sflag:s11], $0x800  }
0xd4: {  	[sflag:s11] =	ssyncset.done $0x0  }
0xd5: {  	[sflag:s11] =	ssyncadd.s32 $0xFFFFF800  }
0xd6: {  	_ =	swait.ge [sflag:s11], $0x800  }
0xd7: {  	[sflag:s11] =	ssyncset.done $0x0  }
0xd8: {  	[sflag:s11] =	ssyncadd.s32 $0xFFFFF800  }
0xd9: {  	_ =	swait.ge [sflag:s11], $0x800  }
0xda: {  	[sflag:s11] =	ssyncset.done $0x0  }
0xdb: {  	[sflag:s11] =	ssyncadd.s32 $0xFFFFF800  }
0xdc: {  	_ =	swait.ge [sflag:s11], $0x800  }
0xdd: {  	[sflag:s11] =	ssyncset.done $0x0  }
0xde: {  	[sflag:s11] =	ssyncadd.s32 $0xFFFFF800  }
0xdf: {  	_ =	swait.ge [sflag:s11], $0x800  }
0xe0: {  	[sflag:s11] =	ssyncset.done $0x0  }
0xe1: {  	[sflag:s11] =	ssyncadd.s32 $0xFFFFF800  }
0xe2: {  	_ =	swait.ge [sflag:s11], $0x800  }
0xe3: {  	[sflag:s11] =	ssyncset.done $0x0  }
0xe4: {  	[sflag:s11] =	ssyncadd.s32 $0xFFFFF800  }
0xe5: {  	_ =	swait.ge [sflag:s11], $0x800  }
0xe6: {  	[sflag:s11] =	ssyncset.done $0x0  }
0xe7: {  	[sflag:s11] =	ssyncadd.s32 $0xFFFFF800  }
0xe8: {  	_ =	swait.ge [sflag:s11], $0x800  }
0xe9: {  	[sflag:s11] =	ssyncset.done $0x0  }
0xea: {  	[sflag:s11] =	ssyncadd.s32 $0xFFFFF800  }
0xeb: {  	_ =	swait.ge [sflag:s11], $0x800  }
0xec: {  	[sflag:s11] =	ssyncset.done $0x0  }
0xed: {  	[sflag:s11] =	ssyncadd.s32 $0xFFFFF800  }
0xee: {  	_ =	swait.ge [sflag:s11], $0x800  }
0xef: {  	[sflag:s11] =	ssyncset.done $0x0  }
0xf0: {  	[sflag:s11] =	ssyncadd.s32 $0xFFFFF800  }
0xf1: {  	_ =	swait.ge [sflag:s11], $0x800  }
0xf2: {  	[sflag:s11] =	ssyncset.done $0x0  }
0xf3: {  	[sflag:s11] =	ssyncadd.s32 $0xFFFFF800  }
0xf4: {  	_ =	swait.ge [sflag:s11], $0x800  }
0xf5: {  	[sflag:s11] =	ssyncset.done $0x0  }
0xf6: {  	[sflag:s11] =	ssyncadd.s32 $0xFFFFF800  }
0xf7: {  	_ =	swait.ge [sflag:s11], $0x800  }
0xf8: {  	[sflag:s11] =	ssyncset.done $0x0  }
0xf9: {  	[sflag:s11] =	ssyncadd.s32 $0xFFFFF800  }
0xfa: {  	_ =	swait.ge [sflag:s11], $0x800  }
0xfb: {  	[sflag:s11] =	ssyncset.done $0x0  }
0xfc: {  	[sflag:s11] =	ssyncadd.s32 $0xFFFFF800  }
0xfd: {  	_ =	swait.ge [sflag:s11], $0x800  }
0xfe: {  	[sflag:s11] =	ssyncset.done $0x0  }
0xff: {  	[sflag:s11] =	ssyncadd.s32 $0xFFFFF800  }
0x100: {  	_ =	swait.ge [sflag:s11], $0x800  }
0x101: {  	[sflag:s11] =	ssyncset.done $0x0  }
0x102: {  	[sflag:s11] =	ssyncadd.s32 $0xFFFFF800  }
0x103: {  	_ =	swait.ge [sflag:s11], $0x800  }
0x104: {  	[sflag:s11] =	ssyncset.done $0x0  }
0x105: {  	[sflag:s11] =	ssyncadd.s32 $0xFFFFF800  }
0x106: {  	_ =	swait.ge [sflag:s11], $0x800  }
0x107: {  	[sflag:s11] =	ssyncset.done $0x0  }
0x108: {  	[sflag:s11] =	ssyncadd.s32 $0xFFFFF800  }
0x109: {  	_ =	swait.ge [sflag:s11], $0x800  }
0x10a: {  	[sflag:s11] =	ssyncset.done $0x0  }
0x10b: {  	[sflag:s11] =	ssyncadd.s32 $0xFFFFF800  }
0x10c: {  	_ =	swait.ge [sflag:s11], $0x800  }
0x10d: {  	[sflag:s11] =	ssyncset.done $0x0  }
0x10e: {  	[sflag:s11] =	ssyncadd.s32 $0xFFFFF800  }
0x10f: {  	_ =	swait.ge [sflag:s11], $0x800  }
0x110: {  	[sflag:s11] =	ssyncset.done $0x0  }
0x111: {  	[sflag:s11] =	ssyncadd.s32 $0xFFFFF800  }
0x112: {  	[bflag:$0x0] =	sbarrier.arrive $0xFFFF  }
0x113: {  	s25 =	simm.s32 $0x400;
	s12 =	rddreg [dreg:$0x11]  }
0x114: {  	[tilespmem:s25], [sflag:$0x9] =	stream.linear.gather [hbm4b:s12+s3], $0x400, $0x38;
	[tilespmem:$0x1F800] =	vst v63  }
0x115: {  	s30 =	simm.s32 $0xC00;
	s10 =	simm.s32 $0x1;
	s26 =	rddreg [dreg:$0x12]  }
0x116: {  	[tilespmem:s30], [sflag:$0xA] =	stream.linear.gather [hbm4b:s26+s3], $0x400, $0x38;
	[tilespmem:$0x1F800] =	vst v63  }
0x117: {  	_ =	swait.ge [sflag:s10], $0x2800  }
0x118: {  	[sflag:s10] =	ssyncset.done $0x0  }
0x119: {  	s12 =	simm.s32 $0x800;
	[sflag:s10] =	ssyncadd.s32 $0xFFFFD800  }
0x11a: {  	[spmem:s1] =	stream.indirect.scatter.add.f32 [tilespmem:s2], [sflag:$0x5], $0x80, s12, s0, $0xb8;
	[tilespmem:$0x1F800] =	vst v63  }
0x11b: {  	s31 =	simm.s32 $0x100  }
0x11c: {  	[tilespmem:s13], [sflag:$0x3] =	stream.indirect.gather [hbm4b:s4+s0], $0x80, s31, s0, $0xb8;
	[tilespmem:$0x1F800] =	vst v63  }
0x11d: {  	_ =	swait.ge [sflag:s14], $0x2800  }
0x11e: {  	[sflag:s14] =	ssyncset.done $0x0  }
0x11f: {  	s26 =	simm.s32 $0x880;
	[sflag:s14] =	ssyncadd.s32 $0xFFFFD800  }
0x120: {  	[spmem:s1] =	stream.indirect.scatter.add.f32 [tilespmem:s8], [sflag:$0x6], $0x80, s26, s0, $0xb8;
	[tilespmem:$0x1F800] =	vst v63  }
0x121: {  	s30 =	simm.s32 $0x180  }
0x122: {  	[tilespmem:s15], [sflag:$0x4] =	stream.indirect.gather [hbm4b:s4+s0], $0x80, s30, s0, $0xb8;
	[tilespmem:$0x1F800] =	vst v63  }
0x123: {  	_ =	swait.ge [sflag:s16], $0x2800  }
0x124: {  	[sflag:s16] =	ssyncset.done $0x0  }
0x125: {  	s31 =	simm.s32 $0x900;
	[sflag:s16] =	ssyncadd.s32 $0xFFFFD800  }
0x126: {  	[spmem:s1] =	stream.indirect.scatter.add.f32 [tilespmem:s13], [sflag:$0x7], $0x80, s31, s0, $0xb8;
	[tilespmem:$0x1F800] =	vst v63  }
0x127: {  	_ =	swait.ge [sflag:s17], $0x2800  }
0x128: {  	[sflag:s17] =	ssyncset.done $0x0  }
0x129: {  	s26 =	simm.s32 $0x200;
	[sflag:s17] =	ssyncadd.s32 $0xFFFFD800  }
0x12a: {  	[tilespmem:s2], [sflag:$0x1] =	stream.indirect.gather [hbm4b:s4+s0], $0x80, s26, s0, $0xb8;
	[tilespmem:$0x1F800] =	vst v63  }
0x12b: {  	_ =	swait.ge [sflag:s18], $0x2800  }
0x12c: {  	[sflag:s18] =	ssyncset.done $0x0  }
0x12d: {  	s30 =	simm.s32 $0x980;
	[sflag:s18] =	ssyncadd.s32 $0xFFFFD800  }
0x12e: {  	[spmem:s1] =	stream.indirect.scatter.add.f32 [tilespmem:s15], [sflag:$0x8], $0x80, s30, s0, $0xb8;
	[tilespmem:$0x1F800] =	vst v63  }
0x12f: {  	_ =	swait.ge [sflag:s19], $0x2800  }
0x130: {  	[sflag:s19] =	ssyncset.done $0x0  }
0x131: {  	s31 =	simm.s32 $0x280;
	[sflag:s19] =	ssyncadd.s32 $0xFFFFD800  }
0x132: {  	[tilespmem:s8], [sflag:$0x2] =	stream.indirect.gather [hbm4b:s4+s0], $0x80, s31, s0, $0xb8;
	[tilespmem:$0x1F800] =	vst v63  }
0x133: {  	_ =	swait.ge [sflag:s10], $0x2800  }
0x134: {  	[sflag:s10] =	ssyncset.done $0x0  }
0x135: {  	[sflag:s10] =	ssyncadd.s32 $0xFFFFD800;
	s10 =	simm.s32 $0xA00  }
0x136: {  	[spmem:s1] =	stream.indirect.scatter.add.f32 [tilespmem:s2], [sflag:$0x5], $0x80, s10, s0, $0xb8;
	[tilespmem:$0x1F800] =	vst v63  }
0x137: {  	_ =	swait.ge [sflag:s20], $0x2800  }
0x138: {  	[sflag:s20] =	ssyncset.done $0x0  }
0x139: {  	s26 =	simm.s32 $0x300;
	[sflag:s20] =	ssyncadd.s32 $0xFFFFD800  }
0x13a: {  	[tilespmem:s13], [sflag:$0x3] =	stream.indirect.gather [hbm4b:s4+s0], $0x80, s26, s0, $0xb8;
	[tilespmem:$0x1F800] =	vst v63  }
0x13b: {  	_ =	swait.ge [sflag:s14], $0x2800  }
0x13c: {  	[sflag:s14] =	ssyncset.done $0x0  }
0x13d: {  	s30 =	simm.s32 $0xA80;
	[sflag:s14] =	ssyncadd.s32 $0xFFFFD800  }
0x13e: {  	[spmem:s1] =	stream.indirect.scatter.add.f32 [tilespmem:s8], [sflag:$0x6], $0x80, s30, s0, $0xb8;
	[tilespmem:$0x1F800] =	vst v63  }
0x13f: {  	_ =	swait.ge [sflag:s21], $0x2800  }
0x140: {  	[sflag:s21] =	ssyncset.done $0x0  }
0x141: {  	s31 =	simm.s32 $0x380;
	[sflag:s21] =	ssyncadd.s32 $0xFFFFD800  }
0x142: {  	[tilespmem:s15], [sflag:$0x4] =	stream.indirect.gather [hbm4b:s4+s0], $0x80, s31, s0, $0xb8;
	[tilespmem:$0x1F800] =	vst v63  }
0x143: {  	_ =	swait.ge [sflag:s16], $0x2800  }
0x144: {  	[sflag:s16] =	ssyncset.done $0x0  }
0x145: {  	s10 =	simm.s32 $0xB00;
	[sflag:s16] =	ssyncadd.s32 $0xFFFFD800  }
0x146: {  	[spmem:s1] =	stream.indirect.scatter.add.f32 [tilespmem:s13], [sflag:$0x7], $0x80, s10, s0, $0xb8;
	[tilespmem:$0x1F800] =	vst v63  }
0x147: {  	_ =	swait.ge [sflag:s17], $0x2800  }
0x148: {  	[sflag:s17] =	ssyncset.done $0x0  }
0x149: {  	[sflag:s17] =	ssyncadd.s32 $0xFFFFD800  }
0x14a: {  	_ =	swait.ge [sflag:s22], $0x400  }
0x14b: {  	[sflag:s22] =	ssyncset.done $0x0  }
0x14c: {  	[sflag:s22] =	ssyncadd.s32 $0xFFFFFC00  }
0x14d: {  	_ =	swait.ge [sflag:s23], $0x400  }
0x14e: {  	[sflag:s23] =	ssyncset.done $0x0  }
0x14f: {  	[sflag:s23] =	ssyncadd.s32 $0xFFFFFC00  }
0x150: {  	[tilespmem:s2], [sflag:$0x1] =	stream.indirect.gather [hbm4b:s4+s0], $0x80, s25, s0, $0xb8;
	[tilespmem:$0x1F800] =	vst v63  }
0x151: {  	_ =	swait.ge [sflag:s18], $0x2800  }
0x152: {  	[sflag:s18] =	ssyncset.done $0x0  }
0x153: {  	s26 =	simm.s32 $0xB80;
	[sflag:s18] =	ssyncadd.s32 $0xFFFFD800  }
0x154: {  	[spmem:s1] =	stream.indirect.scatter.add.f32 [tilespmem:s15], [sflag:$0x8], $0x80, s26, s0, $0xb8;
	[tilespmem:$0x1F800] =	vst v63  }
0x155: {  	s9 =	simm.s32 $0x400;
	s31 =	sand.u32 $0x3C00, s12;
	_ =	swait.ge [sflag:s19], $0x2800  }
0x156: {  	s30 =	simm.s32 $0x480;
	s10 =	sor.u32 s7, s31;
	[sflag:s19] =	ssyncset.done $0x0  }
0x157: {  	s25 =	sshrl.u32 s10, $0x3;
	s10 =	sand.u32 $0x400, s9;
	[sflag:s19] =	ssyncadd.s32 $0xFFFFD800  }
0x158: {  	[tilespmem:s8], [sflag:$0x2] =	stream.indirect.gather [hbm4b:s4+s0], $0x80, s30, s0, $0xb8;
	[tilespmem:$0x1F800] =	vst v63  }
0x159: {  	s12 =	sxor.u32 $0x400, s10;
	s28 =	sadd.s32 s5, s25  }
0x15a: {  	[tilespmem:s12], [sflag:$0x9] =	stream.linear.gather [hbm4b:s28+s3], $0x400, $0x38;
	[tilespmem:$0x1F800] =	vst v63  }
0x15b: {  	s26 =	sadd.s32 s6, s25;
	s28 =	sxor.u32 $0xC00, s10  }
0x15c: {  	[tilespmem:s28], [sflag:$0xA] =	stream.linear.gather [hbm4b:s26+s3], $0x400, $0x38;
	[tilespmem:$0x1F800] =	vst v63  }
0x15d: {  	_ =	swait.ge [sflag:s24], $0x2800  }
0x15e: {  	[sflag:s24] =	ssyncset.done $0x0  }
0x15f: {  	s30 =	sor.u32 $0x800, s10;
	[sflag:s24] =	ssyncadd.s32 $0xFFFFD800  }
0x160: {  	[spmem:s1] =	stream.indirect.scatter.add.f32 [tilespmem:s2], [sflag:$0x5], $0x80, s30, s0, $0xb8;
	[tilespmem:$0x1F800] =	vst v63  }
0x161: {  	_ =	swait.ge [sflag:s20], $0x2800  }
0x162: {  	[sflag:s20] =	ssyncset.done $0x0  }
0x163: {  	s31 =	sor.u32 $0x100, s10;
	[sflag:s20] =	ssyncadd.s32 $0xFFFFD800  }
0x164: {  	[tilespmem:s13], [sflag:$0x3] =	stream.indirect.gather [hbm4b:s4+s0], $0x80, s31, s0, $0xb8;
	[tilespmem:$0x1F800] =	vst v63  }
0x165: {  	_ =	swait.ge [sflag:s14], $0x2800  }
0x166: {  	[sflag:s14] =	ssyncset.done $0x0  }
0x167: {  	s9 =	sor.u32 $0x880, s10;
	[sflag:s14] =	ssyncadd.s32 $0xFFFFD800  }
0x168: {  	[spmem:s1] =	stream.indirect.scatter.add.f32 [tilespmem:s8], [sflag:$0x6], $0x80, s9, s0, $0xb8;
	[tilespmem:$0x1F800] =	vst v63  }
0x169: {  	_ =	swait.ge [sflag:s21], $0x2800  }
0x16a: {  	[sflag:s21] =	ssyncset.done $0x0  }
0x16b: {  	s25 =	sor.u32 $0x180, s10;
	[sflag:s21] =	ssyncadd.s32 $0xFFFFD800  }
0x16c: {  	[tilespmem:s15], [sflag:$0x4] =	stream.indirect.gather [hbm4b:s4+s0], $0x80, s25, s0, $0xb8;
	[tilespmem:$0x1F800] =	vst v63  }
0x16d: {  	_ =	swait.ge [sflag:s16], $0x2800  }
0x16e: {  	[sflag:s16] =	ssyncset.done $0x0  }
0x16f: {  	s30 =	sor.u32 $0x900, s10;
	[sflag:s16] =	ssyncadd.s32 $0xFFFFD800  }
0x170: {  	[spmem:s1] =	stream.indirect.scatter.add.f32 [tilespmem:s13], [sflag:$0x7], $0x80, s30, s0, $0xb8;
	[tilespmem:$0x1F800] =	vst v63  }
0x171: {  	_ =	swait.ge [sflag:s17], $0x2800  }
0x172: {  	[sflag:s17] =	ssyncset.done $0x0  }
0x173: {  	s31 =	sor.u32 $0x200, s10;
	[sflag:s17] =	ssyncadd.s32 $0xFFFFD800  }
0x174: {  	[tilespmem:s2], [sflag:$0x1] =	stream.indirect.gather [hbm4b:s4+s0], $0x80, s31, s0, $0xb8;
	[tilespmem:$0x1F800] =	vst v63  }
0x175: {  	_ =	swait.ge [sflag:s18], $0x2800  }
0x176: {  	[sflag:s18] =	ssyncset.done $0x0  }
0x177: {  	s9 =	sor.u32 $0x980, s10;
	[sflag:s18] =	ssyncadd.s32 $0xFFFFD800  }
0x178: {  	[spmem:s1] =	stream.indirect.scatter.add.f32 [tilespmem:s15], [sflag:$0x8], $0x80, s9, s0, $0xb8;
	[tilespmem:$0x1F800] =	vst v63  }
0x179: {  	_ =	swait.ge [sflag:s19], $0x2800  }
0x17a: {  	[sflag:s19] =	ssyncset.done $0x0  }
0x17b: {  	s25 =	sor.u32 $0x280, s10;
	[sflag:s19] =	ssyncadd.s32 $0xFFFFD800  }
0x17c: {  	[tilespmem:s8], [sflag:$0x2] =	stream.indirect.gather [hbm4b:s4+s0], $0x80, s25, s0, $0xb8;
	[tilespmem:$0x1F800] =	vst v63  }
0x17d: {  	_ =	swait.ge [sflag:s24], $0x2800  }
0x17e: {  	[sflag:s24] =	ssyncset.done $0x0  }
0x17f: {  	s30 =	sor.u32 $0xA00, s10;
	[sflag:s24] =	ssyncadd.s32 $0xFFFFD800  }
0x180: {  	[spmem:s1] =	stream.indirect.scatter.add.f32 [tilespmem:s2], [sflag:$0x5], $0x80, s30, s0, $0xb8;
	[tilespmem:$0x1F800] =	vst v63  }
0x181: {  	_ =	swait.ge [sflag:s20], $0x2800  }
0x182: {  	[sflag:s20] =	ssyncset.done $0x0  }
0x183: {  	s31 =	sor.u32 $0x300, s10;
	[sflag:s20] =	ssyncadd.s32 $0xFFFFD800  }
0x184: {  	[tilespmem:s13], [sflag:$0x3] =	stream.indirect.gather [hbm4b:s4+s0], $0x80, s31, s0, $0xb8;
	[tilespmem:$0x1F800] =	vst v63  }
0x185: {  	_ =	swait.ge [sflag:s14], $0x2800  }
0x186: {  	[sflag:s14] =	ssyncset.done $0x0  }
0x187: {  	s9 =	sor.u32 $0xA80, s10;
	[sflag:s14] =	ssyncadd.s32 $0xFFFFD800  }
0x188: {  	[spmem:s1] =	stream.indirect.scatter.add.f32 [tilespmem:s8], [sflag:$0x6], $0x80, s9, s0, $0xb8;
	[tilespmem:$0x1F800] =	vst v63  }
0x189: {  	_ =	swait.ge [sflag:s21], $0x2800  }
0x18a: {  	[sflag:s21] =	ssyncset.done $0x0  }
0x18b: {  	s25 =	sor.u32 $0x380, s10;
	[sflag:s21] =	ssyncadd.s32 $0xFFFFD800  }
0x18c: {  	[tilespmem:s15], [sflag:$0x4] =	stream.indirect.gather [hbm4b:s4+s0], $0x80, s25, s0, $0xb8;
	[tilespmem:$0x1F800] =	vst v63  }
0x18d: {  	_ =	swait.ge [sflag:s16], $0x2800  }
0x18e: {  	[sflag:s16] =	ssyncset.done $0x0  }
0x18f: {  	s30 =	sor.u32 $0xB00, s10;
	[sflag:s16] =	ssyncadd.s32 $0xFFFFD800  }
0x190: {  	[spmem:s1] =	stream.indirect.scatter.add.f32 [tilespmem:s13], [sflag:$0x7], $0x80, s30, s0, $0xb8;
	[tilespmem:$0x1F800] =	vst v63  }
0x191: {  	_ =	swait.ge [sflag:s17], $0x2800  }
0x192: {  	[sflag:s17] =	ssyncset.done $0x0  }
0x193: {  	[sflag:s17] =	ssyncadd.s32 $0xFFFFD800  }
0x194: {  	_ =	swait.ge [sflag:s22], $0x400  }
0x195: {  	[sflag:s22] =	ssyncset.done $0x0  }
0x196: {  	[sflag:s22] =	ssyncadd.s32 $0xFFFFFC00  }
0x197: {  	_ =	swait.ge [sflag:s23], $0x400  }
0x198: {  	[sflag:s23] =	ssyncset.done $0x0  }
0x199: {  	[sflag:s23] =	ssyncadd.s32 $0xFFFFFC00  }
0x19a: {  	[tilespmem:s2], [sflag:$0x1] =	stream.indirect.gather [hbm4b:s4+s0], $0x80, s12, s0, $0xb8;
	[tilespmem:$0x1F800] =	vst v63  }
0x19b: {  	s29 =	simm.s32 $0x3;
	_ =	swait.ge [sflag:s18], $0x2800  }
0x19c: {  	s26 =	simm.s32 $0xC00;
	s28 =	simm.s32 $0x2;
	[sflag:s18] =	ssyncset.done $0x0  }
0x19d: {  	s31 =	sor.u32 $0xB80, s10;
	s30 =	sand.u32 $0x3C00, s26;
	[sflag:s18] =	ssyncadd.s32 $0xFFFFD800  }
0x19e: {  	[spmem:s1] =	stream.indirect.scatter.add.f32 [tilespmem:s15], [sflag:$0x8], $0x80, s31, s0, $0xb8;
	[tilespmem:$0x1F800] =	vst v63  }
0x19f: {  	s12 =	sxor.u32 $0x480, s10;
	s10 =	sor.u32 s7, s30;
	_ =	swait.ge [sflag:s19], $0x2800  }
.LBB2_4:
0x1a0: {  	s30 =	sshll.u32 s28, $0xA  }
0x1a1: {  	s25 =	sshrl.u32 s10, $0x3;
	[sflag:s19] =	ssyncset.done $0x0;
	s28 =	smov.u32 s29  }
0x1a2: {  	s31 =	sadd.s32 $0x1, s29;
	s30 =	sand.u32 $0x400, s30;
	[sflag:s19] =	ssyncadd.s32 $0xFFFFD800  }
0x1a3: {  	[tilespmem:s8], [sflag:$0x2] =	stream.indirect.gather [hbm4b:s4+s0], $0x80, s12, s0, $0xb8;
	[tilespmem:$0x1F800] =	vst v63  }
0x1a4: {  	s9 =	sadd.s32 s5, s25;
	s10 =	sxor.u32 $0x400, s30;
	s12 =	sxor.u32 $0x480, s30  }
0x1a5: {  	[tilespmem:s10], [sflag:$0x9] =	stream.linear.gather [hbm4b:s9+s3], $0x400, $0x38;
	[tilespmem:$0x1F800] =	vst v63  }
0x1a6: {  	p0 =	sne.s32 s29, $0xF;
	s25 =	sadd.s32 s6, s25;
	s9 =	sxor.u32 $0xC00, s30  }
0x1a7: {  	[tilespmem:s9], [sflag:$0xA] =	stream.linear.gather [hbm4b:s25+s3], $0x400, $0x38;
	[tilespmem:$0x1F800] =	vst v63  }
0x1a8: {  	_ =	swait.ge [sflag:s24], $0x2800  }
0x1a9: {  	[sflag:s24] =	ssyncset.done $0x0  }
0x1aa: {  	s9 =	sor.u32 $0x800, s30;
	[sflag:s24] =	ssyncadd.s32 $0xFFFFD800  }
0x1ab: {  	[spmem:s1] =	stream.indirect.scatter.add.f32 [tilespmem:s2], [sflag:$0x5], $0x80, s9, s0, $0xb8;
	[tilespmem:$0x1F800] =	vst v63  }
0x1ac: {  	_ =	swait.ge [sflag:s20], $0x2800  }
0x1ad: {  	[sflag:s20] =	ssyncset.done $0x0  }
0x1ae: {  	s9 =	sor.u32 $0x100, s30;
	[sflag:s20] =	ssyncadd.s32 $0xFFFFD800  }
0x1af: {  	[tilespmem:s13], [sflag:$0x3] =	stream.indirect.gather [hbm4b:s4+s0], $0x80, s9, s0, $0xb8;
	[tilespmem:$0x1F800] =	vst v63  }
0x1b0: {  	_ =	swait.ge [sflag:s14], $0x2800  }
0x1b1: {  	[sflag:s14] =	ssyncset.done $0x0  }
0x1b2: {  	s9 =	sor.u32 $0x880, s30;
	[sflag:s14] =	ssyncadd.s32 $0xFFFFD800  }
0x1b3: {  	[spmem:s1] =	stream.indirect.scatter.add.f32 [tilespmem:s8], [sflag:$0x6], $0x80, s9, s0, $0xb8;
	[tilespmem:$0x1F800] =	vst v63  }
0x1b4: {  	_ =	swait.ge [sflag:s21], $0x2800  }
0x1b5: {  	[sflag:s21] =	ssyncset.done $0x0  }
0x1b6: {  	s9 =	sor.u32 $0x180, s30;
	[sflag:s21] =	ssyncadd.s32 $0xFFFFD800  }
0x1b7: {  	[tilespmem:s15], [sflag:$0x4] =	stream.indirect.gather [hbm4b:s4+s0], $0x80, s9, s0, $0xb8;
	[tilespmem:$0x1F800] =	vst v63  }
0x1b8: {  	_ =	swait.ge [sflag:s16], $0x2800  }
0x1b9: {  	[sflag:s16] =	ssyncset.done $0x0  }
0x1ba: {  	s9 =	sor.u32 $0x900, s30;
	[sflag:s16] =	ssyncadd.s32 $0xFFFFD800  }
0x1bb: {  	[spmem:s1] =	stream.indirect.scatter.add.f32 [tilespmem:s13], [sflag:$0x7], $0x80, s9, s0, $0xb8;
	[tilespmem:$0x1F800] =	vst v63  }
0x1bc: {  	_ =	swait.ge [sflag:s17], $0x2800  }
0x1bd: {  	[sflag:s17] =	ssyncset.done $0x0  }
0x1be: {  	s9 =	sor.u32 $0x200, s30;
	[sflag:s17] =	ssyncadd.s32 $0xFFFFD800  }
0x1bf: {  	[tilespmem:s2], [sflag:$0x1] =	stream.indirect.gather [hbm4b:s4+s0], $0x80, s9, s0, $0xb8;
	[tilespmem:$0x1F800] =	vst v63  }
0x1c0: {  	_ =	swait.ge [sflag:s18], $0x2800  }
0x1c1: {  	[sflag:s18] =	ssyncset.done $0x0  }
0x1c2: {  	s9 =	sor.u32 $0x980, s30;
	[sflag:s18] =	ssyncadd.s32 $0xFFFFD800  }
0x1c3: {  	[spmem:s1] =	stream.indirect.scatter.add.f32 [tilespmem:s15], [sflag:$0x8], $0x80, s9, s0, $0xb8;
	[tilespmem:$0x1F800] =	vst v63  }
0x1c4: {  	_ =	swait.ge [sflag:s19], $0x2800  }
0x1c5: {  	[sflag:s19] =	ssyncset.done $0x0  }
0x1c6: {  	s9 =	sor.u32 $0x280, s30;
	[sflag:s19] =	ssyncadd.s32 $0xFFFFD800  }
0x1c7: {  	[tilespmem:s8], [sflag:$0x2] =	stream.indirect.gather [hbm4b:s4+s0], $0x80, s9, s0, $0xb8;
	[tilespmem:$0x1F800] =	vst v63  }
0x1c8: {  	_ =	swait.ge [sflag:s24], $0x2800  }
0x1c9: {  	[sflag:s24] =	ssyncset.done $0x0  }
0x1ca: {  	s9 =	sor.u32 $0xA00, s30;
	[sflag:s24] =	ssyncadd.s32 $0xFFFFD800  }
0x1cb: {  	[spmem:s1] =	stream.indirect.scatter.add.f32 [tilespmem:s2], [sflag:$0x5], $0x80, s9, s0, $0xb8;
	[tilespmem:$0x1F800] =	vst v63  }
0x1cc: {  	_ =	swait.ge [sflag:s20], $0x2800  }
0x1cd: {  	[sflag:s20] =	ssyncset.done $0x0  }
0x1ce: {  	s9 =	sor.u32 $0x300, s30;
	[sflag:s20] =	ssyncadd.s32 $0xFFFFD800  }
0x1cf: {  	[tilespmem:s13], [sflag:$0x3] =	stream.indirect.gather [hbm4b:s4+s0], $0x80, s9, s0, $0xb8;
	[tilespmem:$0x1F800] =	vst v63  }
0x1d0: {  	_ =	swait.ge [sflag:s14], $0x2800  }
0x1d1: {  	[sflag:s14] =	ssyncset.done $0x0  }
0x1d2: {  	s9 =	sor.u32 $0xA80, s30;
	[sflag:s14] =	ssyncadd.s32 $0xFFFFD800  }
0x1d3: {  	[spmem:s1] =	stream.indirect.scatter.add.f32 [tilespmem:s8], [sflag:$0x6], $0x80, s9, s0, $0xb8;
	[tilespmem:$0x1F800] =	vst v63  }
0x1d4: {  	_ =	swait.ge [sflag:s21], $0x2800  }
0x1d5: {  	[sflag:s21] =	ssyncset.done $0x0  }
0x1d6: {  	s9 =	sor.u32 $0x380, s30;
	[sflag:s21] =	ssyncadd.s32 $0xFFFFD800  }
0x1d7: {  	[tilespmem:s15], [sflag:$0x4] =	stream.indirect.gather [hbm4b:s4+s0], $0x80, s9, s0, $0xb8;
	[tilespmem:$0x1F800] =	vst v63  }
0x1d8: {  	_ =	swait.ge [sflag:s16], $0x2800  }
0x1d9: {  	[sflag:s16] =	ssyncset.done $0x0  }
0x1da: {  	s9 =	sor.u32 $0xB00, s30;
	[sflag:s16] =	ssyncadd.s32 $0xFFFFD800  }
0x1db: {  	[spmem:s1] =	stream.indirect.scatter.add.f32 [tilespmem:s13], [sflag:$0x7], $0x80, s9, s0, $0xb8;
	[tilespmem:$0x1F800] =	vst v63  }
0x1dc: {  	_ =	swait.ge [sflag:s17], $0x2800  }
0x1dd: {  	[sflag:s17] =	ssyncset.done $0x0  }
0x1de: {  	[sflag:s17] =	ssyncadd.s32 $0xFFFFD800  }
0x1df: {  	_ =	swait.ge [sflag:s22], $0x400  }
0x1e0: {  	[sflag:s22] =	ssyncset.done $0x0  }
0x1e1: {  	[sflag:s22] =	ssyncadd.s32 $0xFFFFFC00  }
0x1e2: {  	_ =	swait.ge [sflag:s23], $0x400  }
0x1e3: {  	[sflag:s23] =	ssyncset.done $0x0  }
0x1e4: {  	[sflag:s23] =	ssyncadd.s32 $0xFFFFFC00  }
0x1e5: {  	[tilespmem:s2], [sflag:$0x1] =	stream.indirect.gather [hbm4b:s4+s0], $0x80, s10, s0, $0xb8;
	[tilespmem:$0x1F800] =	vst v63  }
.Ltmp1:
0x1e6: {  	_ =	swait.ge [sflag:s18], $0x2800;
	(pc) =	sbr.rel @p0 .LBB2_4-.Ltmp1, $4  }
0x1e7: {  	s26 =	sadd.s32 $0x400, s26;
	[sflag:s18] =	ssyncset.done $0x0  }
0x1e8: {  	s9 =	sand.u32 $0x3C00, s26;
	s10 =	sor.u32 $0xB80, s30;
	[sflag:s18] =	ssyncadd.s32 $0xFFFFD800  }
0x1e9: {  	[spmem:s1] =	stream.indirect.scatter.add.f32 [tilespmem:s15], [sflag:$0x8], $0x80, s10, s0, $0xb8;
	[tilespmem:$0x1F800] =	vst v63  }
0x1ea: {  	s29 =	smov.u32 s31;
	s10 =	sor.u32 s7, s9;
	_ =	swait.ge [sflag:s19], $0x2800  }
0x1eb: {  	s9 =	sshll.u32 s28, $0xA;
	[sflag:s19] =	ssyncset.done $0x0  }
0x1ec: {  	s25 =	sshrl.u32 s10, $0x3;
	s10 =	sand.u32 $0x400, s9;
	[sflag:s19] =	ssyncadd.s32 $0xFFFFD800  }
0x1ed: {  	[tilespmem:s8], [sflag:$0x2] =	stream.indirect.gather [hbm4b:s4+s0], $0x80, s12, s0, $0xb8;
	[tilespmem:$0x1F800] =	vst v63  }
0x1ee: {  	s29 =	sadd.s32 s5, s25;
	s12 =	sxor.u32 $0x400, s10  }
0x1ef: {  	[tilespmem:s12], [sflag:$0x9] =	stream.linear.gather [hbm4b:s29+s3], $0x400, $0x38;
	[tilespmem:$0x1F800] =	vst v63  }
0x1f0: {  	s25 =	sadd.s32 s6, s25;
	s30 =	sxor.u32 $0xC00, s10  }
0x1f1: {  	[tilespmem:s30], [sflag:$0xA] =	stream.linear.gather [hbm4b:s25+s3], $0x400, $0x38;
	[tilespmem:$0x1F800] =	vst v63  }
0x1f2: {  	_ =	swait.ge [sflag:s24], $0x2800  }
0x1f3: {  	[sflag:s24] =	ssyncset.done $0x0  }
0x1f4: {  	s31 =	sor.u32 $0x800, s10;
	[sflag:s24] =	ssyncadd.s32 $0xFFFFD800  }
0x1f5: {  	[spmem:s1] =	stream.indirect.scatter.add.f32 [tilespmem:s2], [sflag:$0x5], $0x80, s31, s0, $0xb8;
	[tilespmem:$0x1F800] =	vst v63  }
0x1f6: {  	_ =	swait.ge [sflag:s20], $0x2800  }
0x1f7: {  	[sflag:s20] =	ssyncset.done $0x0  }
0x1f8: {  	s25 =	sor.u32 $0x100, s10;
	[sflag:s20] =	ssyncadd.s32 $0xFFFFD800  }
0x1f9: {  	[tilespmem:s13], [sflag:$0x3] =	stream.indirect.gather [hbm4b:s4+s0], $0x80, s25, s0, $0xb8;
	[tilespmem:$0x1F800] =	vst v63  }
0x1fa: {  	_ =	swait.ge [sflag:s14], $0x2800  }
0x1fb: {  	[sflag:s14] =	ssyncset.done $0x0  }
0x1fc: {  	s26 =	sor.u32 $0x880, s10;
	[sflag:s14] =	ssyncadd.s32 $0xFFFFD800  }
0x1fd: {  	[spmem:s1] =	stream.indirect.scatter.add.f32 [tilespmem:s8], [sflag:$0x6], $0x80, s26, s0, $0xb8;
	[tilespmem:$0x1F800] =	vst v63  }
0x1fe: {  	_ =	swait.ge [sflag:s21], $0x2800  }
0x1ff: {  	[sflag:s21] =	ssyncset.done $0x0  }
0x200: {  	s28 =	sor.u32 $0x180, s10;
	[sflag:s21] =	ssyncadd.s32 $0xFFFFD800  }
0x201: {  	[tilespmem:s15], [sflag:$0x4] =	stream.indirect.gather [hbm4b:s4+s0], $0x80, s28, s0, $0xb8;
	[tilespmem:$0x1F800] =	vst v63  }
0x202: {  	_ =	swait.ge [sflag:s16], $0x2800  }
0x203: {  	[sflag:s16] =	ssyncset.done $0x0  }
0x204: {  	s29 =	sor.u32 $0x900, s10;
	[sflag:s16] =	ssyncadd.s32 $0xFFFFD800  }
0x205: {  	[spmem:s1] =	stream.indirect.scatter.add.f32 [tilespmem:s13], [sflag:$0x7], $0x80, s29, s0, $0xb8;
	[tilespmem:$0x1F800] =	vst v63  }
0x206: {  	_ =	swait.ge [sflag:s17], $0x2800  }
0x207: {  	[sflag:s17] =	ssyncset.done $0x0  }
0x208: {  	s30 =	sor.u32 $0x200, s10;
	[sflag:s17] =	ssyncadd.s32 $0xFFFFD800  }
0x209: {  	[tilespmem:s2], [sflag:$0x1] =	stream.indirect.gather [hbm4b:s4+s0], $0x80, s30, s0, $0xb8;
	[tilespmem:$0x1F800] =	vst v63  }
0x20a: {  	_ =	swait.ge [sflag:s18], $0x2800  }
0x20b: {  	[sflag:s18] =	ssyncset.done $0x0  }
0x20c: {  	s31 =	sor.u32 $0x980, s10;
	[sflag:s18] =	ssyncadd.s32 $0xFFFFD800  }
0x20d: {  	[spmem:s1] =	stream.indirect.scatter.add.f32 [tilespmem:s15], [sflag:$0x8], $0x80, s31, s0, $0xb8;
	[tilespmem:$0x1F800] =	vst v63  }
0x20e: {  	_ =	swait.ge [sflag:s19], $0x2800  }
0x20f: {  	[sflag:s19] =	ssyncset.done $0x0  }
0x210: {  	s25 =	sor.u32 $0x280, s10;
	[sflag:s19] =	ssyncadd.s32 $0xFFFFD800  }
0x211: {  	[tilespmem:s8], [sflag:$0x2] =	stream.indirect.gather [hbm4b:s4+s0], $0x80, s25, s0, $0xb8;
	[tilespmem:$0x1F800] =	vst v63  }
0x212: {  	_ =	swait.ge [sflag:s24], $0x2800  }
0x213: {  	[sflag:s24] =	ssyncset.done $0x0  }
0x214: {  	s26 =	sor.u32 $0xA00, s10;
	[sflag:s24] =	ssyncadd.s32 $0xFFFFD800  }
0x215: {  	[spmem:s1] =	stream.indirect.scatter.add.f32 [tilespmem:s2], [sflag:$0x5], $0x80, s26, s0, $0xb8;
	[tilespmem:$0x1F800] =	vst v63  }
0x216: {  	_ =	swait.ge [sflag:s20], $0x2800  }
0x217: {  	[sflag:s20] =	ssyncset.done $0x0  }
0x218: {  	s28 =	sor.u32 $0x300, s10;
	[sflag:s20] =	ssyncadd.s32 $0xFFFFD800  }
0x219: {  	[tilespmem:s13], [sflag:$0x3] =	stream.indirect.gather [hbm4b:s4+s0], $0x80, s28, s0, $0xb8;
	[tilespmem:$0x1F800] =	vst v63  }
0x21a: {  	_ =	swait.ge [sflag:s14], $0x2800  }
0x21b: {  	[sflag:s14] =	ssyncset.done $0x0  }
0x21c: {  	s29 =	sor.u32 $0xA80, s10;
	[sflag:s14] =	ssyncadd.s32 $0xFFFFD800  }
0x21d: {  	[spmem:s1] =	stream.indirect.scatter.add.f32 [tilespmem:s8], [sflag:$0x6], $0x80, s29, s0, $0xb8;
	[tilespmem:$0x1F800] =	vst v63  }
0x21e: {  	_ =	swait.ge [sflag:s21], $0x2800  }
0x21f: {  	[sflag:s21] =	ssyncset.done $0x0  }
0x220: {  	s30 =	sor.u32 $0x380, s10;
	[sflag:s21] =	ssyncadd.s32 $0xFFFFD800  }
0x221: {  	[tilespmem:s15], [sflag:$0x4] =	stream.indirect.gather [hbm4b:s4+s0], $0x80, s30, s0, $0xb8;
	[tilespmem:$0x1F800] =	vst v63  }
0x222: {  	_ =	swait.ge [sflag:s16], $0x2800  }
0x223: {  	[sflag:s16] =	ssyncset.done $0x0  }
0x224: {  	s31 =	sor.u32 $0xB00, s10;
	[sflag:s16] =	ssyncadd.s32 $0xFFFFD800  }
0x225: {  	[spmem:s1] =	stream.indirect.scatter.add.f32 [tilespmem:s13], [sflag:$0x7], $0x80, s31, s0, $0xb8;
	[tilespmem:$0x1F800] =	vst v63  }
0x226: {  	_ =	swait.ge [sflag:s17], $0x2800  }
0x227: {  	[sflag:s17] =	ssyncset.done $0x0  }
0x228: {  	[sflag:s17] =	ssyncadd.s32 $0xFFFFD800  }
0x229: {  	_ =	swait.ge [sflag:s22], $0x400  }
0x22a: {  	[sflag:s22] =	ssyncset.done $0x0  }
0x22b: {  	[sflag:s22] =	ssyncadd.s32 $0xFFFFFC00  }
0x22c: {  	_ =	swait.ge [sflag:s23], $0x400  }
0x22d: {  	[sflag:s23] =	ssyncset.done $0x0  }
0x22e: {  	[sflag:s23] =	ssyncadd.s32 $0xFFFFFC00  }
0x22f: {  	[tilespmem:s2], [sflag:$0x1] =	stream.indirect.gather [hbm4b:s4+s0], $0x80, s12, s0, $0xb8;
	[tilespmem:$0x1F800] =	vst v63  }
0x230: {  	_ =	swait.ge [sflag:s18], $0x2800  }
0x231: {  	[sflag:s18] =	ssyncset.done $0x0  }
0x232: {  	s12 =	sor.u32 $0xB80, s10;
	[sflag:s18] =	ssyncadd.s32 $0xFFFFD800  }
0x233: {  	[spmem:s1] =	stream.indirect.scatter.add.f32 [tilespmem:s15], [sflag:$0x8], $0x80, s12, s0, $0xb8;
	[tilespmem:$0x1F800] =	vst v63  }
0x234: {  	_ =	swait.ge [sflag:s19], $0x2800  }
0x235: {  	[sflag:s19] =	ssyncset.done $0x0  }
0x236: {  	s25 =	sxor.u32 $0x480, s10;
	[sflag:s19] =	ssyncadd.s32 $0xFFFFD800  }
0x237: {  	[tilespmem:s8], [sflag:$0x2] =	stream.indirect.gather [hbm4b:s4+s0], $0x80, s25, s0, $0xb8;
	[tilespmem:$0x1F800] =	vst v63  }
0x238: {  	_ =	swait.ge [sflag:s20], $0x2800  }
0x239: {  	[sflag:s20] =	ssyncset.done $0x0  }
0x23a: {  	[sflag:s20] =	ssyncadd.s32 $0xFFFFD800  }
0x23b: {  	_ =	swait.ge [sflag:s21], $0x2800  }
0x23c: {  	[sflag:s21] =	ssyncset.done $0x0  }
0x23d: {  	[sflag:s21] =	ssyncadd.s32 $0xFFFFD800  }
0x23e: {  	_ =	swait.ge [sflag:s24], $0x2800  }
0x23f: {  	[sflag:s24] =	ssyncset.done $0x0  }
0x240: {  	[sflag:s24] =	ssyncadd.s32 $0xFFFFD800  }
0x241: {  	_ =	swait.ge [sflag:s14], $0x2800  }
0x242: {  	[sflag:s14] =	ssyncset.done $0x0  }
0x243: {  	s26 =	stileid.u32;
	[sflag:s14] =	ssyncadd.s32 $0xFFFFD800  }
0x244: {  	s9 =	sshll.u32 s26, $0x6;
	[bflag:$0x0] =	sbarrier.arrive $0xFFFF  }
0x245: {  	s9 =	sor.u32 $0x1C0C, s9;
	s25 =	rddreg [dreg:$0x5]  }
0x246: {  	s10 =	simm.s32 $0xC;
	s29 =	rddreg [dreg:$0x13];
	s28 =	sshrl.u32 s25, $0x3  }
0x247: {  	[hbm:s29], [sflag:s9] =	dma.local [spmem:s28], $0x2800  }
0x248: {  	_ =	swait.ge [sflag:s10], $0x2800  }
0x249: {  	s30 =	sld [smem:$0x7EC];
	_ =	sdelay $0x2  }
0x24a: {  	s31 =	rddreg [dreg:$0x14];
	s12 =	sadd.s32 $0x1, s30  }
0x24b: {  	p0 =	sne.s32 s12, s31  }
.Ltmp2:
0x24c: {  	_ = 	snop;
	(pc) =	sbr.rel @p0 .LBB2_1-.Ltmp2, $3  }
0x24d: {  	_ =	sdelay $0x1  }
0x24e: {  	[sflag:s10] =	ssyncset.done $0x0  }
0x24f: {  	[sflag:s10] =	ssyncadd.s32 $0xFFFFD800  }
0x250: {  	_ =	sfence.sel $0x180000  }
0x251: {  	[bflag:$0x0] =	sbarrier.arrive $0xFFFF  }
0x252: {  	_ =	strace $0x9000004D  }
0x253: {  	s0 =	stileid.u32;
	[bflag:$0x2] =	sbarrier.arrive $0xFFFF  }
0x254: {  	p0 =	sne.s32 s0, $0x0;
	s0 =	rddreg [dreg:$0x2]  }
0x255: {  	s0 =	sadd.s32 @!p0 $0x100000, s0  }
0x256: {  	[sflag:s0] =	ssyncadd.tile.s32 @!p0 $0x1;
	_ =	shalt  }
.Lfunc_end2:
_tile_overlayer_lowered:
.L_overlay_start_2:
0x257: {  	(tag) =	ssettag $0x2  }
0x258: {  	s0 =	rddreg [dreg:$0x0];
	s2 =	stileid.u32  }
0x259: {  	s1 =	rddreg [dreg:$0x1];
	p0 =	sne.s32 s2, $0x0  }
0x25a: {  	s3 =	rddreg [dreg:$0x2];
	[bflag:$0x3] =	sbarrier.arrive $0xFFFF;
	s2 =	simm.s32 @!p0 $0x1C0C  }
0x25b: {  	[timem:s3], [sflag:s2] =	dma.local @!p0 [hbm:s0], s1  }
0x25c: {  	s0 =	simm.s32 @!p0 $0xC  }
0x25d: {  	_ =	swait.ge @!p0 [sflag:s0], s1  }
0x25e: {  	s1 =	ssub.s32 @!p0 $0x0, s1;
	[sflag:s0] =	ssyncset.done @!p0 $0x0  }
0x25f: {  	[sflag:s0] =	ssyncadd.s32 @!p0 s1  }
0x260: {  	[bflag:$0x3] =	sbarrier.arrive $0xFFFF  }
0x261: {  	_ =	shalt  }

// kernel: kernel.8.cloned.1.call-start
scs
__scs_entry_jumppad:
0x0: {  	(pc) =	sbr.rel $0x88, $3  }
0x1: {  	(tag) =	ssettag $0x0;
	lr =	simm.s32 $0x1  }
0x2: {  	[smem:$0x3F97] =	sst lr;
	_ =	strace $0xD0000000  }
0x3: {  	_ = 	snop  }
0x4: {  	_ = 	snop  }
0x5: {  	_ = 	snop  }
0x6: {  	_ = 	snop  }
0x7: {  	_ = 	snop  }
__scs_overlays_trampoline_lowered:
0x8: {  	[smem:$0x3FA6] =	sst s0  }
0x9: {  	[smem:$0x3FA7] =	sst s1  }
0xa: {  	[smem:$0x3FA8] =	sst s2  }
0xb: {  	[smem:$0x3FA9] =	sst s3  }
0xc: {  	[smem:$0x3FAA] =	sst s4  }
0xd: {  	[smem:$0x3FAB] =	sst s5  }
0xe: {  	[smem:$0x3FAC] =	sst s6  }
0xf: {  	[smem:$0x3FAD] =	sst s7  }
0x10: {  	[smem:$0x3FAE] =	sst s8  }
0x11: {  	[smem:$0x3FAF] =	sst s9;
	s0 =	simm.s32 @!p0 $0x0  }
0x12: {  	s1 =	sld [smem:$0x3F95];
	s0 =	simm.s32 @p0 $0x1  }
0x13: {  	[smem:$0x3FB0] =	sst s0;
	s0 =	simm.s32 @!p1 $0x0  }
0x14: {  	s2 =	sld [smem:$0x3F94];
	s0 =	simm.s32 @p1 $0x1  }
0x15: {  	[smem:$0x3FB1] =	sst s0;
	s0 =	simm.s32 @!p2 $0x0  }
0x16: {  	s3 =	sld [smem:$0x3FDB];
	s0 =	simm.s32 @p2 $0x1  }
0x17: {  	s4 =	simm.s32 $0x1BF5;
	[smem:$0x3FB3] =	sst s0  }
0x18: {  	s0 =	sld [smem:$0x3F96];
	_ =	swait.ge [sflag:s4], $0x0  }
0x19: {  	s7 =	sld [smem:$0x3F97]  }
0x1a: {  	s8 =	sadd.s32 $0xFFFFE003, lr  }
0x1b: {  	s9 =	sadd.s32 $0xFFFFFEF7, lr;
	s5 =	simm.s32 $0xFFFFFFFF;
	p2 =	slt.u32 s8, $0xFFFFF086  }
0x1c: {  	p1 =	slt.u32 s9, $0xF7A;
	s5 =	simm.s32 @!p2 $0x0  }
0x1d: {  	s5 =	simm.s32 @p1 $0x1;
	p0 =	seq.s32 s7, s2  }
0x1e: {  	s7 =	smul.u32 @!p0 $0xF7A, s2;
	p2 =	seq.s32 @!p0 s5, $0x0  }
0x1f: {  	s9 =	smul.u32 $0xF7A, s1;
	s8 =	simm.s32 @!p0 $0x1BF5;
	p2 =	por !p2, p0  }
0x20: {  	[sflag:s8] =	ssyncset.s32 @!p0 $0xFFFFF086;
	s6 =	sadd.s32 @!p0 s3, s7;
	s7 =	simm.s32 @!p0 $0x108  }
0x21: {  	s3 =	sadd.s32 s3, s9;
	s6 =	sadd.s32 @!p0 $0x88, s6;
	s7 =	simm.s32 @p2 $0x1082  }
0x22: {  	[simem:s7], [sflag:s8] =	dma.local @!p0 [hbm:s6], $0xF7A  }
0x23: {  	s9 =	sor.u32 $0xD0000000, s2;
	s6 =	simm.s32 $0x108;
	_ =	swait.ge @!p0 [sflag:s8], $0x0  }
0x24: {  	s3 =	sadd.s32 $0x88, s3;
	s6 =	simm.s32 @!p1 $0x1082;
	[sflag:s4] =	ssyncset.s32 $0xFFFFF086  }
0x25: {  	[simem:s6], [sflag:s4] =	dma.local [hbm:s3], $0xF7A  }
0x26: {  	[smem:$0x3F97] =	sst s1;
	(tag) =	ssettag s2;
	_ =	strace s9  }
0x27: {  	s1 =	sld [smem:$0x3FA7]  }
0x28: {  	s2 =	sld [smem:$0x3FA8]  }
0x29: {  	s4 =	sld [smem:$0x3FAA]  }
0x2a: {  	p0 =	seq.s32 s5, $0x0;
	s5 =	sld [smem:$0x3FAB]  }
0x2b: {  	s6 =	sld [smem:$0x3FAC]  }
0x2c: {  	s7 =	sld [smem:$0x3FAD]  }
0x2d: {  	s3 =	simm.s32 $0x108;
	s8 =	sld [smem:$0x3FAE]  }
0x2e: {  	s3 =	simm.s32 @!p0 $0x1082;
	s9 =	sld [smem:$0x3FAF]  }
0x2f: {  	lr =	sadd.s32 s0, s3;
	s0 =	sld [smem:$0x3FA6]  }
0x30: {  	s3 =	sld [smem:$0x3FA9]  }
0x31: {  	[smem:$0x3FB2] =	sst s10  }
0x32: {  	s10 =	sld [smem:$0x3FB0];
	_ =	sdelay $0x3  }
0x33: {  	p0 =	seq.s32 s10, $0x1;
	s10 =	sld [smem:$0x3FB2];
	_ =	sdelay $0x3  }
0x34: {  	[smem:$0x3FB2] =	sst s10  }
0x35: {  	s10 =	sld [smem:$0x3FB1];
	_ =	sdelay $0x3  }
0x36: {  	p1 =	seq.s32 s10, $0x1;
	s10 =	sld [smem:$0x3FB2];
	_ =	sdelay $0x3  }
0x37: {  	[smem:$0x3FB2] =	sst s10  }
0x38: {  	s10 =	sld [smem:$0x3FB3]  }
0x39: {  	_ = 	snop;
	(pc) =	sbr.ind lr, $3  }
0x3a: {  	_ = 	snop  }
0x3b: {  	_ = 	snop  }
0x3c: {  	p2 =	seq.s32 s10, $0x1;
	s10 =	sld [smem:$0x3FB2]  }
0x3d: {  	_ =	shalt  }
0x3e: {  	_ =	shalt  }
0x3f: {  	_ =	shalt  }
0x40: {  	_ =	shalt  }
0x41: {  	_ =	shalt  }
0x42: {  	_ =	shalt  }
0x43: {  	_ =	shalt  }
0x44: {  	_ =	shalt  }
0x45: {  	_ =	shalt  }
0x46: {  	_ =	shalt  }
0x47: {  	_ =	shalt  }
0x48: {  	_ =	shalt  }
0x49: {  	_ =	shalt  }
0x4a: {  	_ =	shalt  }
0x4b: {  	_ =	shalt  }
0x4c: {  	_ =	shalt  }
0x4d: {  	_ =	shalt  }
0x4e: {  	_ =	shalt  }
0x4f: {  	_ =	shalt  }
0x50: {  	_ =	shalt  }
0x51: {  	_ =	shalt  }
0x52: {  	_ =	shalt  }
0x53: {  	_ =	shalt  }
0x54: {  	_ =	shalt  }
0x55: {  	_ =	shalt  }
0x56: {  	_ =	shalt  }
0x57: {  	_ =	shalt  }
0x58: {  	_ =	shalt  }
0x59: {  	_ =	shalt  }
0x5a: {  	_ =	shalt  }
0x5b: {  	_ =	shalt  }
0x5c: {  	_ =	shalt  }
0x5d: {  	_ =	shalt  }
0x5e: {  	_ =	shalt  }
0x5f: {  	_ =	shalt  }
0x60: {  	_ =	shalt  }
0x61: {  	_ =	shalt  }
0x62: {  	_ =	shalt  }
0x63: {  	_ =	shalt  }
0x64: {  	_ =	shalt  }
0x65: {  	_ =	shalt  }
0x66: {  	_ =	shalt  }
0x67: {  	_ =	shalt  }
0x68: {  	_ =	shalt  }
0x69: {  	_ =	shalt  }
0x6a: {  	_ =	shalt  }
0x6b: {  	_ =	shalt  }
0x6c: {  	_ =	shalt  }
0x6d: {  	_ =	shalt  }
0x6e: {  	_ =	shalt  }
0x6f: {  	_ =	shalt  }
0x70: {  	_ =	shalt  }
0x71: {  	_ =	shalt  }
0x72: {  	_ =	shalt  }
0x73: {  	_ =	shalt  }
0x74: {  	_ =	shalt  }
0x75: {  	_ =	shalt  }
0x76: {  	_ =	shalt  }
0x77: {  	_ =	shalt  }
0x78: {  	_ =	shalt  }
0x79: {  	_ =	shalt  }
0x7a: {  	_ =	shalt  }
0x7b: {  	_ =	shalt  }
0x7c: {  	_ =	shalt  }
0x7d: {  	_ =	shalt  }
0x7e: {  	_ =	shalt  }
0x7f: {  	_ =	shalt  }
0x80: {  	_ =	shalt  }
0x81: {  	_ =	shalt  }
0x82: {  	_ =	shalt  }
0x83: {  	_ =	shalt  }
0x84: {  	_ =	shalt  }
0x85: {  	_ =	shalt  }
0x86: {  	_ =	shalt  }
0x87: {  	_ =	shalt  }
.Lfunc_end0:
.L_simem_size_0:
called_computation_lowered:
.L_overlay_start_0:
0x88: {  	s2 =	sld [smem:$0x3FD9]  }
0x89: {  	s3 =	sld [smem:$0x3FFE];
	_ =	sdelay $0x1  }
0x8a: {  	s1 =	srdreg.scid  }
0x8b: {  	s0 =	sand.u32 $0x1, s1  }
0x8c: {  	s15 =	sshll.u32 s0, $0xA;
	s2 =	sadd.s32 s3, s2  }
0x8d: {  	s2 =	sadd.s32 s2, s15  }
0x8e: {  	[smem:$0x3FBE] =	sst s2  }
0x8f: {  	_ = 	snop  }
0x90: {  	s2 =	sld [smem:$0x3FD0];
	_ =	sdelay $0x2  }
0x91: {  	s16 =	simm.s32 $0xA;
	s4 =	simm.s32 $0x10  }
0x92: {  	[smem:s4], [sflag:s16] =	dma.local [hbm:s2], $0x1  }
0x93: {  	_ =	swait.eq [sflag:s16], $0x1  }
0x94: {  	[sflag:s16] =	ssyncset.done $0x0  }
0x95: {  	s17 =	sld [smem:$0x10];
	[sflag:s16] =	ssyncadd.s32 $0xFFFFFFFF  }
0x96: {  	s18 =	sld [smem:$0x11];
	(tm) =	ssettm $0x1  }
0x97: {  	s19 =	sld [smem:$0x3FFB];
	_ =	sdelay $0x3  }
0x98: {  	_ =	strace s19  }
0x99: {  	s4 =	sld [smem:$0x3FFC];
	_ =	sdelay $0x3  }
0x9a: {  	_ =	strace s4  }
0x9b: {  	s4 =	sld [smem:$0x3FFD];
	_ =	sdelay $0x3  }
0x9c: {  	_ =	strace s4  }
0x9d: {  	_ =	strace $0x8FFFFFFF  }
0x9e: {  	s20 =	sld [smem:$0x3FDB];
	_ =	sdelay $0x1  }
0x9f: {  	s5 =	simm.s32 $_scs_section_size  }
0xa0: {  	s6 =	simm.s32 $_size__tile_overlayer_lowered;
	s7 =	simm.s32 $_tile_overlayer_lowered  }
0xa1: {  	s23 =	simm.s32 $0x1BFF;
	s22 =	sshll.u32 s7, $0x1;
	s4 =	sadd.s32 s5, s20  }
0xa2: {  	s8 =	simm.s32 $0x0;
	s21 =	sshll.u32 s6, $0x1;
	s6 =	sadd.s32 s22, s4  }
0xa3: {  	[timem:s8], [sflag:s23] =	dma.local [hbm:s6], s21  }
0xa4: {  	_ =	swait.ge [sflag:s23], s21  }
0xa5: {  	s5 =	ssub.s32 $0x0, s21;
	[sflag:s23] =	ssyncset.done $0x0  }
0xa6: {  	[sflag:s23] =	ssyncadd.s32 s5;
	_ =	sdelay $0x1  }
0xa7: {  	s24 =	simm.s32 $0x1B8B  }
0xa8: {  	_ =	swait.ge [sflag:s24], $0x1  }
0xa9: {  	[sflag:s24] =	ssyncset.done $0x0  }
0xaa: {  	s25 =	simm.s32 $0x1B8E;
	[sflag:s24] =	ssyncadd.s32 $0xFFFFFFFF  }
0xab: {  	s26 =	simm.s32 $execute0_lowered;
	[smem:$0x3FD2] =	sst s25  }
0xac: {  	s5 =	sshll.u32 s26, $0x1;
	_ =	strace $0x80000046;
	[dreg:$0x1] =	wrdreg $0xFFFFFFFF  }
0xad: {  	s28 =	simm.s32 $_size_execute0_lowered;
	s4 =	sadd.s32 s4, s5;
	[dreg:$0x0] =	wrdreg $0x0  }
0xae: {  	s5 =	sshll.u32 s28, $0x1;
	[dreg:$0x2] =	wrdreg s4  }
0xaf: {  	[dreg:$0x3] =	wrdreg s5  }
0xb0: {  	[dreg:$0x4] =	wrdreg $0xC0  }
0xb1: {  	_ =	task [dreg:s8], $0x5FFFF  }
0xb2: {  	[dreg:$0x1] =	wrdreg $0xFFFFFFFF  }
0xb3: {  	[dreg:$0x0] =	wrdreg $0x60  }
0xb4: {  	[dreg:$0x2] =	wrdreg s18  }
0xb5: {  	[dreg:$0x3] =	wrdreg s17  }
0xb6: {  	[dreg:$0x4] =	wrdreg $0x2B000  }
0xb7: {  	[dreg:$0x5] =	wrdreg $0x9  }
0xb8: {  	_ =	task.clear_ibuf [dreg:s8], $0x6FFFF;
	_ =	strace $0x90000046  }
0xb9: {  	s29 =	simm.s32 $0x9;
	_ =	strace $0x80000048  }
0xba: {  	_ =	swait.ge [sflag:s29], $0x1  }
0xbb: {  	[sflag:s29] =	ssyncadd.s32 $0xFFFFFFFF  }
0xbc: {  	_ =	strace $0x90000048  }
0xbd: {  	_ =	sfence  }
0xbe: {  	s30 =	sld [smem:$0x0];
	_ =	sdelay $0x2  }
0xbf: {  	s31 =	sshll.u32 s1, $0xD;
	s1 =	sshrl.u32 s1, $0x2  }
0xc0: {  	s3 =	sand.u32 $0x4000, s31;
	s1 =	sadd.s32 s1, s30  }
0xc1: {  	s0 =	sor.u32 s3, s0;
	s1 =	sshll.u32 s1, $0x11  }
0xc2: {  	s0 =	sor.u32 s1, s0  }
0xc3: {  	s0 =	sadd.s32 $0x8F2B, s0  }
0xc4: {  	[sflag:s0] =	ssyncadd.remote.s32 $0x1  }
0xc5: {  	_ =	sfence.sel $0xFFFF  }
0xc6: {  	[dreg:$0x0] =	wrdreg $0xFFFFFFFF;
	(pc) =	sbr.abs _section_cstart, $3  }
0xc7: {  	[dreg:$0x1] =	wrdreg $0xFFFFFFFF  }
0xc8: {  	_ =	task.clear_ibuf [dreg:s8], $0x2FFFF;
	_ =	strace $0x9FFFFFFF  }
0xc9: {  	(tm) =	ssettm $0x7FFFFFFF  }
tec
execute0_lowered:
.L_overlay_start_1:
0x0: {  	(tag) =	ssettag $0x1  }
0x1: {  	s4 =	rddreg [dreg:$0x0]  }
0x2: {  	s6 =	rddreg [dreg:$0x1]  }
0x3: {  	s1 =	rddreg [dreg:$0x2]  }
0x4: {  	s0 =	rddreg [dreg:$0x3]  }
0x5: {  	s3 =	simm.s32 $0x0;
	s5 =	srdreg.scid;
	s2 =	stileid.u32  }
0x6: {  	s12 =	simm.s32 $0x1;
	s15 =	simm.s32 $0x20;
	s16 =	simm.s32 $0x10  }
0x7: {  	s17 =	simm.s32 $0x0;
	[smem:$0x7FF] =	sst s3;
	s9 =	smul.u32 $0x500, s2  }
0x8: {  	s5 =	sand.u32 $0x1, s5;
	s10 =	smul.u32 $0xA00, s2;
	s13 =	sshll.u32 s2, $0x6  }
0x9: {  	_ =	strace $0x80000047;
	s7 =	ssub.s32 $0x2, s5;
	s8 =	sshll.u32 s5, $0x4  }
0xa: {  	s5 =	sshll.u32 s5, $0x7;
	s13 =	sor.u32 $0x1C02, s13;
	s8 =	sor.u32 s2, s8  }
0xb: {  	s11 =	sshrl.u32 s7, $0x1;
	s5 =	sor.u32 s5, s9;
	s30 =	sshrl.u32 s10, $0x2  }
0xc: {  	s9 =	simm.s32 $0x2880;
	s10 =	simm.s32 $0x80;
	s8 =	smul.u32 $0x500, s8  }
0xd: {  	s7 =	ssub.s32 s7, s11;
	s31 =	sshrl.u32 s5, $0x3;
	s5 =	sadd.s32 s30, s1  }
0xe: {  	s11 =	simm.s32 $0x2800;
	s6 =	sadd.s32 s6, s31;
	s7 =	smax.u32 s7, $0x1  }
0xf: {  	v0 =	vimm.f32 $1.000000000e+00;
	v1 =	vimm.f32 $0.0e+00;
	s14 =	sshrl.u32 s5, $0x3;
	s4 =	sadd.s32 s4, s8;
	s8 =	simm.s32 $0x2  }
.LBB2_1:
0x10: {  	[tilespmem:s3], [sflag:$0x2] =	stream.linear.gather [hbm4b:s4+s3], $0x2800, $0x38;
	[tilespmem:$0x2D80] =	vst v63  }
0x11: {  	_ =	swait.ge [sflag:s8], $0x2800  }
0x12: {  	[sflag:s8] =	ssyncset.done $0x0  }
0x13: {  	[sflag:s8] =	ssyncadd.s32 $0xFFFFD800  }
0x14: {  	[tilespmem:$0x2800] =	vst v0  }
0x15: {  	[tilespmem:$0x2810] =	vst v0  }
0x16: {  	[tilespmem:$0x2820] =	vst v0  }
0x17: {  	[tilespmem:$0x2830] =	vst v0  }
0x18: {  	[tilespmem:$0x2840] =	vst v0  }
0x19: {  	[tilespmem:$0x2850] =	vst v0  }
0x1a: {  	[tilespmem:$0x2860] =	vst v0  }
0x1b: {  	[tilespmem:$0x2870] =	vst v0  }
0x1c: {  	[tilespmem:$0x2880] =	vst v1  }
0x1d: {  	[tilespmem:$0x2890] =	vst v1  }
0x1e: {  	[tilespmem:$0x28A0] =	vst v1  }
0x1f: {  	[tilespmem:$0x28B0] =	vst v1  }
0x20: {  	[tilespmem:$0x28C0] =	vst v1  }
0x21: {  	[tilespmem:$0x28D0] =	vst v1  }
0x22: {  	[tilespmem:$0x28E0] =	vst v1  }
0x23: {  	[tilespmem:$0x28F0] =	vst v1  }
0x24: {  	[tilespmem:$0x2900] =	vst v1  }
0x25: {  	[tilespmem:$0x2910] =	vst v1  }
0x26: {  	[tilespmem:$0x2920] =	vst v1  }
0x27: {  	[tilespmem:$0x2930] =	vst v1  }
0x28: {  	[tilespmem:$0x2940] =	vst v1  }
0x29: {  	[tilespmem:$0x2950] =	vst v1  }
0x2a: {  	[tilespmem:$0x2960] =	vst v1  }
0x2b: {  	[tilespmem:$0x2970] =	vst v1  }
0x2c: {  	[tilespmem:$0x2980] =	vst v1  }
0x2d: {  	[tilespmem:$0x2990] =	vst v1  }
0x2e: {  	[tilespmem:$0x29A0] =	vst v1  }
0x2f: {  	[tilespmem:$0x29B0] =	vst v1  }
0x30: {  	[tilespmem:$0x29C0] =	vst v1  }
0x31: {  	[tilespmem:$0x29D0] =	vst v1  }
0x32: {  	[tilespmem:$0x29E0] =	vst v1  }
0x33: {  	[tilespmem:$0x29F0] =	vst v1  }
0x34: {  	[tilespmem:$0x2A00] =	vst v1  }
0x35: {  	[tilespmem:$0x2A10] =	vst v1  }
0x36: {  	[tilespmem:$0x2A20] =	vst v1  }
0x37: {  	[tilespmem:$0x2A30] =	vst v1  }
0x38: {  	[tilespmem:$0x2A40] =	vst v1  }
0x39: {  	[tilespmem:$0x2A50] =	vst v1  }
0x3a: {  	[tilespmem:$0x2A60] =	vst v1  }
0x3b: {  	[tilespmem:$0x2A70] =	vst v1  }
0x3c: {  	[tilespmem:$0x2A80] =	vst v1  }
0x3d: {  	[tilespmem:$0x2A90] =	vst v1  }
0x3e: {  	[tilespmem:$0x2AA0] =	vst v1  }
0x3f: {  	[tilespmem:$0x2AB0] =	vst v1  }
0x40: {  	[tilespmem:$0x2AC0] =	vst v1  }
0x41: {  	[tilespmem:$0x2AD0] =	vst v1  }
0x42: {  	[tilespmem:$0x2AE0] =	vst v1  }
0x43: {  	[tilespmem:$0x2AF0] =	vst v1  }
0x44: {  	[spmem:s5] =	stream.linear.scatter [tilespmem:s9], [sflag:$0x2], $0x280, $0x38;
	[tilespmem:$0x2D80] =	vst v63  }
0x45: {  	_ =	swait.ge [sflag:s8], $0x280  }
0x46: {  	[sflag:s8] =	ssyncset.done $0x0  }
0x47: {  	[sflag:s8] =	ssyncadd.s32 $0xFFFFFD80  }
0x48: {  	s18 =	simm.s32 $0x0;
	[bflag:$0x0] =	sbarrier.arrive $0xFFFF  }
0x49: {  	[spmem:s1] =	stream.indirect.scatter.add.f32 [tilespmem:s11], [sflag:$0x1], $0x1, s18, s10, $0xb8;
	[tilespmem:$0x2D80] =	vst v63  }
0x4a: {  	s24 =	simm.s32 $0x80  }
0x4b: {  	[spmem:s1] =	stream.indirect.scatter.add.f32 [tilespmem:s11], [sflag:$0x1], $0x1, s24, s10, $0xb8;
	[tilespmem:$0x2D80] =	vst v63  }
0x4c: {  	s25 =	simm.s32 $0x100  }
0x4d: {  	[spmem:s1] =	stream.indirect.scatter.add.f32 [tilespmem:s11], [sflag:$0x1], $0x1, s25, s10, $0xb8;
	[tilespmem:$0x2D80] =	vst v63  }
0x4e: {  	s26 =	simm.s32 $0x180  }
0x4f: {  	[spmem:s1] =	stream.indirect.scatter.add.f32 [tilespmem:s11], [sflag:$0x1], $0x1, s26, s10, $0xb8;
	[tilespmem:$0x2D80] =	vst v63  }
0x50: {  	s28 =	simm.s32 $0x200  }
0x51: {  	[spmem:s1] =	stream.indirect.scatter.add.f32 [tilespmem:s11], [sflag:$0x1], $0x1, s28, s10, $0xb8;
	[tilespmem:$0x2D80] =	vst v63  }
0x52: {  	s29 =	simm.s32 $0x280  }
0x53: {  	[spmem:s1] =	stream.indirect.scatter.add.f32 [tilespmem:s11], [sflag:$0x1], $0x1, s29, s10, $0xb8;
	[tilespmem:$0x2D80] =	vst v63  }
0x54: {  	s30 =	simm.s32 $0x300  }
0x55: {  	[spmem:s1] =	stream.indirect.scatter.add.f32 [tilespmem:s11], [sflag:$0x1], $0x1, s30, s10, $0xb8;
	[tilespmem:$0x2D80] =	vst v63  }
0x56: {  	s31 =	simm.s32 $0x380  }
0x57: {  	[spmem:s1] =	stream.indirect.scatter.add.f32 [tilespmem:s11], [sflag:$0x1], $0x1, s31, s10, $0xb8;
	[tilespmem:$0x2D80] =	vst v63  }
0x58: {  	_ =	swait.ge [sflag:s12], $0x80  }
0x59: {  	[sflag:s12] =	ssyncset.done $0x0  }
0x5a: {  	[sflag:s12] =	ssyncadd.s32 $0xFFFFFF80  }
0x5b: {  	_ =	swait.ge [sflag:s12], $0x80  }
0x5c: {  	[sflag:s12] =	ssyncset.done $0x0  }
0x5d: {  	[sflag:s12] =	ssyncadd.s32 $0xFFFFFF80  }
0x5e: {  	_ =	swait.ge [sflag:s12], $0x80  }
0x5f: {  	[sflag:s12] =	ssyncset.done $0x0  }
0x60: {  	[sflag:s12] =	ssyncadd.s32 $0xFFFFFF80  }
0x61: {  	_ =	swait.ge [sflag:s12], $0x80  }
0x62: {  	[sflag:s12] =	ssyncset.done $0x0  }
0x63: {  	[sflag:s12] =	ssyncadd.s32 $0xFFFFFF80  }
0x64: {  	_ =	swait.ge [sflag:s12], $0x80  }
0x65: {  	[sflag:s12] =	ssyncset.done $0x0  }
0x66: {  	[sflag:s12] =	ssyncadd.s32 $0xFFFFFF80  }
0x67: {  	_ =	swait.ge [sflag:s12], $0x80  }
0x68: {  	[sflag:s12] =	ssyncset.done $0x0  }
0x69: {  	[sflag:s12] =	ssyncadd.s32 $0xFFFFFF80  }
0x6a: {  	_ =	swait.ge [sflag:s12], $0x80  }
0x6b: {  	[sflag:s12] =	ssyncset.done $0x0  }
0x6c: {  	[sflag:s12] =	ssyncadd.s32 $0xFFFFFF80  }
0x6d: {  	_ =	swait.ge [sflag:s12], $0x80  }
0x6e: {  	s20 =	simm.s32 $0x2000;
	s18 =	simm.s32 $0x1000;
	[sflag:s12] =	ssyncset.done $0x0  }
.LBB2_2:
0x6f: {  	s21 =	sshra.s32 s18, $0x2  }
0x70: {  	[sflag:s12] =	ssyncadd.s32 $0xFFFFFF80;
	s18 =	smov.u32 s20;
	s19 =	sadd.s32 $0x1000, s20  }
0x71: {  	[spmem:s1] =	stream.indirect.scatter.add.f32 [tilespmem:s11], [sflag:$0x1], $0x1, s21, s10, $0xb8;
	[tilespmem:$0x2D80] =	vst v63  }
0x72: {  	p0 =	sne.s32 s20, $0x9000;
	s20 =	sadd.s32 $0x80, s21  }
0x73: {  	[spmem:s1] =	stream.indirect.scatter.add.f32 [tilespmem:s11], [sflag:$0x1], $0x1, s20, s10, $0xb8;
	[tilespmem:$0x2D80] =	vst v63  }
0x74: {  	s20 =	sadd.s32 $0x100, s21  }
0x75: {  	[spmem:s1] =	stream.indirect.scatter.add.f32 [tilespmem:s11], [sflag:$0x1], $0x1, s20, s10, $0xb8;
	[tilespmem:$0x2D80] =	vst v63  }
0x76: {  	s20 =	sadd.s32 $0x180, s21  }
0x77: {  	[spmem:s1] =	stream.indirect.scatter.add.f32 [tilespmem:s11], [sflag:$0x1], $0x1, s20, s10, $0xb8;
	[tilespmem:$0x2D80] =	vst v63  }
0x78: {  	s20 =	sadd.s32 $0x200, s21  }
0x79: {  	[spmem:s1] =	stream.indirect.scatter.add.f32 [tilespmem:s11], [sflag:$0x1], $0x1, s20, s10, $0xb8;
	[tilespmem:$0x2D80] =	vst v63  }
0x7a: {  	s20 =	sadd.s32 $0x280, s21  }
0x7b: {  	[spmem:s1] =	stream.indirect.scatter.add.f32 [tilespmem:s11], [sflag:$0x1], $0x1, s20, s10, $0xb8;
	[tilespmem:$0x2D80] =	vst v63  }
0x7c: {  	s20 =	sadd.s32 $0x300, s21  }
0x7d: {  	[spmem:s1] =	stream.indirect.scatter.add.f32 [tilespmem:s11], [sflag:$0x1], $0x1, s20, s10, $0xb8;
	[tilespmem:$0x2D80] =	vst v63  }
0x7e: {  	s20 =	sadd.s32 $0x380, s21  }
0x7f: {  	[spmem:s1] =	stream.indirect.scatter.add.f32 [tilespmem:s11], [sflag:$0x1], $0x1, s20, s10, $0xb8;
	[tilespmem:$0x2D80] =	vst v63  }
0x80: {  	_ =	swait.ge [sflag:s12], $0x80  }
0x81: {  	[sflag:s12] =	ssyncset.done $0x0  }
0x82: {  	[sflag:s12] =	ssyncadd.s32 $0xFFFFFF80  }
0x83: {  	_ =	swait.ge [sflag:s12], $0x80  }
0x84: {  	[sflag:s12] =	ssyncset.done $0x0  }
0x85: {  	[sflag:s12] =	ssyncadd.s32 $0xFFFFFF80  }
0x86: {  	_ =	swait.ge [sflag:s12], $0x80  }
0x87: {  	[sflag:s12] =	ssyncset.done $0x0  }
0x88: {  	[sflag:s12] =	ssyncadd.s32 $0xFFFFFF80  }
0x89: {  	_ =	swait.ge [sflag:s12], $0x80  }
0x8a: {  	[sflag:s12] =	ssyncset.done $0x0  }
0x8b: {  	[sflag:s12] =	ssyncadd.s32 $0xFFFFFF80  }
0x8c: {  	_ =	swait.ge [sflag:s12], $0x80  }
0x8d: {  	[sflag:s12] =	ssyncset.done $0x0  }
0x8e: {  	[sflag:s12] =	ssyncadd.s32 $0xFFFFFF80  }
0x8f: {  	_ =	swait.ge [sflag:s12], $0x80  }
0x90: {  	[sflag:s12] =	ssyncset.done $0x0  }
0x91: {  	[sflag:s12] =	ssyncadd.s32 $0xFFFFFF80  }
.Ltmp0:
0x92: {  	_ =	swait.ge [sflag:s12], $0x80;
	(pc) =	sbr.rel @p0 .LBB2_2-.Ltmp0, $4  }
0x93: {  	[sflag:s12] =	ssyncset.done $0x0  }
0x94: {  	[sflag:s12] =	ssyncadd.s32 $0xFFFFFF80  }
0x95: {  	_ =	swait.ge [sflag:s12], $0x80  }
0x96: {  	s20 =	smov.u32 s19;
	[sflag:s12] =	ssyncset.done $0x0  }
0x97: {  	s18 =	sshra.s32 s18, $0x2;
	[sflag:s12] =	ssyncadd.s32 $0xFFFFFF80  }
0x98: {  	[spmem:s1] =	stream.indirect.scatter.add.f32 [tilespmem:s11], [sflag:$0x1], $0x1, s18, s10, $0xb8;
	[tilespmem:$0x2D80] =	vst v63  }
0x99: {  	s19 =	sadd.s32 $0x80, s18  }
0x9a: {  	[spmem:s1] =	stream.indirect.scatter.add.f32 [tilespmem:s11], [sflag:$0x1], $0x1, s19, s10, $0xb8;
	[tilespmem:$0x2D80] =	vst v63  }
0x9b: {  	s26 =	sadd.s32 $0x100, s18  }
0x9c: {  	[spmem:s1] =	stream.indirect.scatter.add.f32 [tilespmem:s11], [sflag:$0x1], $0x1, s26, s10, $0xb8;
	[tilespmem:$0x2D80] =	vst v63  }
0x9d: {  	s28 =	sadd.s32 $0x180, s18  }
0x9e: {  	[spmem:s1] =	stream.indirect.scatter.add.f32 [tilespmem:s11], [sflag:$0x1], $0x1, s28, s10, $0xb8;
	[tilespmem:$0x2D80] =	vst v63  }
0x9f: {  	s29 =	sadd.s32 $0x200, s18  }
0xa0: {  	[spmem:s1] =	stream.indirect.scatter.add.f32 [tilespmem:s11], [sflag:$0x1], $0x1, s29, s10, $0xb8;
	[tilespmem:$0x2D80] =	vst v63  }
0xa1: {  	s30 =	sadd.s32 $0x280, s18  }
0xa2: {  	[spmem:s1] =	stream.indirect.scatter.add.f32 [tilespmem:s11], [sflag:$0x1], $0x1, s30, s10, $0xb8;
	[tilespmem:$0x2D80] =	vst v63  }
0xa3: {  	s31 =	sadd.s32 $0x300, s18  }
0xa4: {  	[spmem:s1] =	stream.indirect.scatter.add.f32 [tilespmem:s11], [sflag:$0x1], $0x1, s31, s10, $0xb8;
	[tilespmem:$0x2D80] =	vst v63  }
0xa5: {  	s18 =	sadd.s32 $0x380, s18  }
0xa6: {  	[spmem:s1] =	stream.indirect.scatter.add.f32 [tilespmem:s11], [sflag:$0x1], $0x1, s18, s10, $0xb8;
	[tilespmem:$0x2D80] =	vst v63  }
0xa7: {  	_ =	swait.ge [sflag:s12], $0x80  }
0xa8: {  	[sflag:s12] =	ssyncset.done $0x0  }
0xa9: {  	[sflag:s12] =	ssyncadd.s32 $0xFFFFFF80  }
0xaa: {  	_ =	swait.ge [sflag:s12], $0x80  }
0xab: {  	[sflag:s12] =	ssyncset.done $0x0  }
0xac: {  	[sflag:s12] =	ssyncadd.s32 $0xFFFFFF80  }
0xad: {  	_ =	swait.ge [sflag:s12], $0x80  }
0xae: {  	[sflag:s12] =	ssyncset.done $0x0  }
0xaf: {  	[sflag:s12] =	ssyncadd.s32 $0xFFFFFF80  }
0xb0: {  	_ =	swait.ge [sflag:s12], $0x80  }
0xb1: {  	[sflag:s12] =	ssyncset.done $0x0  }
0xb2: {  	[sflag:s12] =	ssyncadd.s32 $0xFFFFFF80  }
0xb3: {  	_ =	swait.ge [sflag:s12], $0x80  }
0xb4: {  	[sflag:s12] =	ssyncset.done $0x0  }
0xb5: {  	[sflag:s12] =	ssyncadd.s32 $0xFFFFFF80  }
0xb6: {  	_ =	swait.ge [sflag:s12], $0x80  }
0xb7: {  	[sflag:s12] =	ssyncset.done $0x0  }
0xb8: {  	[sflag:s12] =	ssyncadd.s32 $0xFFFFFF80  }
0xb9: {  	_ =	swait.ge [sflag:s12], $0x80  }
0xba: {  	[sflag:s12] =	ssyncset.done $0x0  }
0xbb: {  	[sflag:s12] =	ssyncadd.s32 $0xFFFFFF80  }
0xbc: {  	_ =	swait.ge [sflag:s12], $0x80  }
0xbd: {  	s17 =	sadd.s32 $0x1, s17;
	[sflag:s12] =	ssyncset.done $0x0  }
0xbe: {  	p0 =	sne.s32 s17, s7;
	[sflag:s12] =	ssyncadd.s32 $0xFFFFFF80  }
.Ltmp1:
0xbf: {  	[bflag:$0x0] =	sbarrier.arrive $0xFFFF;
	(pc) =	sbr.rel @p0 .LBB2_1-.Ltmp1, $4  }
0xc0: {  	[hbm:s6@s15], [sflag:s13] =	dma.strided [spmem:s14@s16], $0x50, s12, $0x10   }
0xc1: {  	_ =	swait.ge [sflag:s8], $0x50  }
0xc2: {  	[sflag:s8] =	ssyncset.done $0x0  }
0xc3: {  	[sflag:s8] =	ssyncadd.s32 $0xFFFFFFB0  }
0xc4: {  	_ =	sfence.sel $0x180000  }
0xc5: {  	[bflag:$0x0] =	sbarrier.arrive $0xFFFF  }
0xc6: {  	p0 =	sne.s32 s2, $0x0;
	_ =	strace $0x90000047  }
0xc7: {  	s0 =	sadd.s32 @!p0 $0x100000, s0;
	[bflag:$0x2] =	sbarrier.arrive $0xFFFF  }
0xc8: {  	[sflag:s0] =	ssyncadd.tile.s32 @!p0 $0x1;
	_ =	shalt  }
.Lfunc_end2:
_tile_overlayer_lowered:
.L_overlay_start_2:
0xc9: {  	(tag) =	ssettag $0x2  }
0xca: {  	s0 =	rddreg [dreg:$0x0];
	s2 =	stileid.u32  }
0xcb: {  	s1 =	rddreg [dreg:$0x1];
	p0 =	sne.s32 s2, $0x0  }
0xcc: {  	s3 =	rddreg [dreg:$0x2];
	[bflag:$0x3] =	sbarrier.arrive $0xFFFF;
	s2 =	simm.s32 @!p0 $0x1C02  }
0xcd: {  	[timem:s3], [sflag:s2] =	dma.local @!p0 [hbm:s0], s1  }
0xce: {  	s0 =	simm.s32 @!p0 $0x2  }
0xcf: {  	_ =	swait.ge @!p0 [sflag:s0], s1  }
0xd0: {  	s1 =	ssub.s32 @!p0 $0x0, s1;
	[sflag:s0] =	ssyncset.done @!p0 $0x0  }
0xd1: {  	[sflag:s0] =	ssyncadd.s32 @!p0 s1  }
0xd2: {  	[bflag:$0x3] =	sbarrier.arrive $0xFFFF  }
0xd3: {  	_ =	shalt  }

</sc_bundles>
